<compile_context>
chip_gen: v7x
topology: tpu7x:2x2x1
jax: 0.10.2.dev20260603
libtpu: 0.0.44.dev20260713+nightly
codegen_flags: <defaults>
</compile_context>

<pallas_src>
import jax
import jax.numpy as jnp
from jax import lax
from jax.experimental import pallas as pl
from jax.experimental.pallas import tpu as pltpu
from jax.experimental.pallas import tpu_sc as plsc

NUM_BINS = 15
NUM_CLASSES = 19
LANES = 16

B, H, W = 4, 512, 512
NW = 32
WORKERS_PER_BATCH = NW // B
ROWS_PER_WORKER = H // WORKERS_PER_BATCH
TILE_R, TILE_C = 8, 256
NCHUNKS = (ROWS_PER_WORKER // TILE_R) * (W // TILE_C)
GROUPS = TILE_R * TILE_C // LANES
NBUF = 3


def _compute_tile(buf, tab_v):
    @plsc.parallel_loop(0, GROUPS, unroll=1)
    def _(g):
        r = lax.shift_right_logical(g, 4)
        off = lax.shift_left(g & (TILE_C // LANES - 1), 4)
        sl = pl.ds(off, LANES)
        v = [buf[c, r, sl] for c in range(NUM_CLASSES)]
        m = v[0]
        for c in range(1, NUM_CLASSES):
            m = jnp.maximum(m, v[c])
        e = [jnp.exp(v[c] - m) for c in range(NUM_CLASSES)]
        s = e[0]
        for c in range(1, NUM_CLASSES):
            s = s + e[c]
        r15 = jnp.float32(NUM_BINS) / s
        g_vals = []
        for c in range(NUM_CLASSES):
            bin_c = (e[c] * r15).astype(jnp.int32)
            g_vals.append(plsc.load_gather(tab_v, [bin_c + c * LANES]))
        t = g_vals[0]
        for c in range(1, NUM_CLASSES):
            t = t + g_vals[c]
        rn = jnp.float32(1.0) / t
        for c in range(NUM_CLASSES):
            buf[c, r, sl] = g_vals[c] * rn


def _sc_body(x_hbm, tab_hbm, out_hbm, b0, b1, b2, tab_v, si0, si1, si2,
             so0, so1, so2):
    info = plsc.get_sparse_core_info()
    nc = info.num_cores
    wid = lax.axis_index("s") * nc + lax.axis_index("c")
    batch = wid // WORKERS_PER_BATCH
    row_base = (wid % WORKERS_PER_BATCH) * ROWS_PER_WORKER

    pltpu.sync_copy(tab_hbm, tab_v)

    bufs = (b0, b1, b2)
    sis = (si0, si1, si2)
    sos = (so0, so1, so2)

    def _tile_ref(hbm, ch):
        r0 = row_base + lax.shift_right_logical(ch, 1) * TILE_R
        c0 = (ch & 1) * TILE_C
        return hbm.at[batch, :, pl.ds(r0, TILE_R), pl.ds(c0, TILE_C)]

    def src(ch):
        return _tile_ref(x_hbm, ch)

    def dst(ch):
        return _tile_ref(out_hbm, ch)

    pltpu.async_copy(src(0), b0, si0)
    pltpu.async_copy(src(1), b1, si1)

    def ring_body(k, _):
        for j in range(NBUF):
            ch = NBUF * k + j
            pltpu.make_async_copy(src(ch), bufs[j], sis[j]).wait()
            _compute_tile(bufs[j], tab_v)
            pltpu.async_copy(bufs[j], dst(ch), sos[j])
            nb = (j + 2) % NBUF

            def _drain_and_prefetch():
                pltpu.make_async_copy(bufs[nb], dst(ch - 1), sos[nb]).wait()
                pltpu.async_copy(src(ch + 2), bufs[nb], sis[nb])

            if j == 0:
                @pl.when(k >= 1)
                def _():
                    _drain_and_prefetch()

                @pl.when(k < 1)
                def _():
                    pltpu.async_copy(src(ch + 2), bufs[nb], sis[nb])
            elif j == NBUF - 1:
                @pl.when(k < (NCHUNKS - 1) // NBUF - 1)
                def _():
                    _drain_and_prefetch()
            else:
                _drain_and_prefetch()
        return 0

    lax.fori_loop(0, (NCHUNKS - 1) // NBUF, ring_body, 0)

    last = NCHUNKS - 1
    pltpu.make_async_copy(src(last), b0, si0).wait()
    _compute_tile(b0, tab_v)
    pltpu.async_copy(b0, dst(last), so0)
    pltpu.make_async_copy(b1, dst(last - 2), so1).wait()
    pltpu.make_async_copy(b2, dst(last - 1), so2).wait()
    pltpu.make_async_copy(b0, dst(last), so0).wait()


@jax.jit
def kernel(logits, val_freqs):
    tab = jnp.concatenate(
        [val_freqs, val_freqs[:, NUM_BINS - 1:]], axis=1).reshape(-1)
    run = pl.kernel(
        _sc_body,
        out_type=jax.ShapeDtypeStruct((B, NUM_CLASSES, H, W), jnp.float32),
        mesh=plsc.VectorSubcoreMesh(core_axis_name="c", subcore_axis_name="s"),
        compiler_params=pltpu.CompilerParams(needs_layout_passes=False),
        scratch_types=[
            pltpu.VMEM((NUM_CLASSES, TILE_R, TILE_C), jnp.float32),
            pltpu.VMEM((NUM_CLASSES, TILE_R, TILE_C), jnp.float32),
            pltpu.VMEM((NUM_CLASSES, TILE_R, TILE_C), jnp.float32),
            pltpu.VMEM((NUM_CLASSES * LANES,), jnp.float32),
            pltpu.SemaphoreType.DMA,
            pltpu.SemaphoreType.DMA,
            pltpu.SemaphoreType.DMA,
            pltpu.SemaphoreType.DMA,
            pltpu.SemaphoreType.DMA,
            pltpu.SemaphoreType.DMA,
        ],
    )
    return run(logits, tab)

# --- scband reference (transcript-rebuilt; emitter-appended) ---
"""Pipeline reference for scband-histogram-binning-79070347919528 (READ-ONLY COPY).

The authoritative reference and input builder live on the scoring server;
editing this copy changes nothing except your own understanding.
"""

import jax, jax.numpy as jnp
import numpy as np

NUM_BINS = 15
NUM_CLASSES = 19
NORMALIZE = True


def get_bins(num_bins, start=0.0, end=1.0):
    edges = jnp.linspace(start, end, num_bins + 1, dtype=jnp.float32)
    bin_starts = edges[:-1]
    bin_widths = edges[1:] - edges[:-1]
    return bin_starts, bin_widths


def find_bins(confidences, bin_starts, bin_widths):
    # uniform bins on [0, 1]: ownership = floor((c - start0) / width), clipped in-range
    idx = jnp.floor((confidences - bin_starts[0]) / bin_widths[0])
    idx = jnp.clip(idx, 0, bin_starts.shape[0] - 1)
    return idx.astype(jnp.int32)


def setup_inputs(seed: int = 0) -> dict:
    key = jax.random.key(seed)
    k1, k2 = jax.random.split(key)
    logits = jax.random.normal(k1, (4, NUM_CLASSES, 512, 512), dtype=jnp.float32)
    # learned/estimated calibration table from val-set stats: [num_classes, num_conf_bins]
    val_freqs = jax.random.uniform(k2, (NUM_CLASSES, NUM_BINS), dtype=jnp.float32, minval=0.01, maxval=1.0)
    return {"logits": logits, "val_freqs": val_freqs}


def reference(logits, val_freqs):
    conf_bins, conf_bin_widths = get_bins(NUM_BINS, 0.0, 1.0)
    probs = jax.nn.softmax(logits, axis=1)
    # per-class: bin each pixel's confidence, then gather calibrated frequency
    bin_ownership = find_bins(probs, conf_bins, conf_bin_widths)  # [B, C, H, W] int32
    class_idx = jnp.arange(NUM_CLASSES, dtype=jnp.int32).reshape(1, NUM_CLASSES, 1, 1)
    calibrated = val_freqs[class_idx, bin_ownership]  # gather [B, C, H, W]
    if NORMALIZE:
        calibrated = calibrated / jnp.sum(calibrated, axis=1, keepdims=True)
    return calibrated

if __name__ == "__main__":
    import jax
    _d = setup_inputs()
    print(jax.jit(kernel)(*tuple(_d.values())))

</pallas_src>

<mosaic_0001>
#map = affine_map<(d0, d1) -> (0, 0, 0, 0)>
#map1 = affine_map<(d0, d1) -> (0)>
module attributes {stable_mosaic.version = 14 : i64} {
  func.func @_sc_body(%arg0: i32, %arg1: i32, %arg2: memref<4x19x512x512xf32, #tpu.memory_space<hbm>>, %arg3: memref<304xf32, #tpu.memory_space<hbm>>, %arg4: memref<4x19x512x512xf32, #tpu.memory_space<hbm>>, %arg5: memref<19x8x256xf32, #tpu.memory_space<vmem>>, %arg6: memref<19x8x256xf32, #tpu.memory_space<vmem>>, %arg7: memref<19x8x256xf32, #tpu.memory_space<vmem>>, %arg8: memref<304xf32, #tpu.memory_space<vmem>>, %arg9: memref<!tpu.dma_semaphore, #tpu.memory_space<semaphore_mem>>, %arg10: memref<!tpu.dma_semaphore, #tpu.memory_space<semaphore_mem>>, %arg11: memref<!tpu.dma_semaphore, #tpu.memory_space<semaphore_mem>>, %arg12: memref<!tpu.dma_semaphore, #tpu.memory_space<semaphore_mem>>, %arg13: memref<!tpu.dma_semaphore, #tpu.memory_space<semaphore_mem>>, %arg14: memref<!tpu.dma_semaphore, #tpu.memory_space<semaphore_mem>>) attributes {dimension_semantics = [#tpu.dimension_semantics<core_parallel>, #tpu.dimension_semantics<subcore_parallel>], iteration_bounds = array<i64: 2, 16>, scalar_prefetch = 0 : i64, scratch_operands = 10 : i64, tpu.core_type = #tpu.core_type<sc_vector_subcore>, window_params = [{transform_indices = #map}, {transform_indices = #map1}, {transform_indices = #map}]} {
    %mul3A = arith.constant 2 : i32
    %mul3A_0 = arith.muli %arg1, %mul3A : i32
    %add3A = arith.addi %mul3A_0, %arg0 : i32
    %jit3A = arith.constant 8 : i32
    %div3A = arith.divsi %add3A, %jit3A : i32
    %sign3A = arith.constant 0 : i32
    %sign3A_1 = arith.cmpi sgt, %add3A, %sign3A : i32
    %sign3A_2 = arith.extui %sign3A_1 : i1 to i32
    %sign3A_3 = arith.constant 0 : i32
    %sign3A_4 = arith.cmpi slt, %add3A, %sign3A_3 : i32
    %sign3A_5 = arith.extui %sign3A_4 : i1 to i32
    %sign3A_6 = arith.subi %sign3A_2, %sign3A_5 : i32
    %sign3A_7 = arith.constant 0 : i32
    %sign3A_8 = arith.cmpi sgt, %jit3A, %sign3A_7 : i32
    %sign3A_9 = arith.extui %sign3A_8 : i1 to i32
    %sign3A_10 = arith.constant 0 : i32
    %sign3A_11 = arith.cmpi slt, %jit3A, %sign3A_10 : i32
    %sign3A_12 = arith.extui %sign3A_11 : i1 to i32
    %sign3A_13 = arith.subi %sign3A_9, %sign3A_12 : i32
    %ne3A = arith.cmpi ne, %sign3A_6, %sign3A_13 : i32
    %rem3A = arith.remsi %add3A, %jit3A : i32
    %ne3A_14 = arith.constant 0 : i32
    %ne3A_15 = arith.cmpi ne, %rem3A, %ne3A_14 : i32
    %and3A = arith.andi %ne3A, %ne3A_15 : i1
    %sub3A = arith.constant 1 : i32
    %sub3A_16 = arith.subi %div3A, %sub3A : i32
    %select_n3A = arith.select %and3A, %sub3A_16, %div3A : i32
    %jit3A_17 = arith.constant 8 : i32
    %eq3A = arith.constant 0 : i32
    %eq3A_18 = arith.cmpi eq, %jit3A_17, %eq3A : i32
    %jit3A_19 = arith.constant 1 : i32
    %select_n3A_20 = arith.select %eq3A_18, %jit3A_19, %jit3A_17 : i32
    %rem3A_21 = arith.remsi %add3A, %select_n3A_20 : i32
    %ne3A_22 = arith.constant 0 : i32
    %ne3A_23 = arith.cmpi ne, %rem3A_21, %ne3A_22 : i32
    %lt3A = arith.constant 0 : i32
    %lt3A_24 = arith.cmpi slt, %rem3A_21, %lt3A : i32
    %lt3A_25 = arith.constant 0 : i32
    %lt3A_26 = arith.cmpi slt, %select_n3A_20, %lt3A_25 : i32
    %ne3A_27 = arith.xori %lt3A_24, %lt3A_26 : i1
    %and3A_28 = arith.andi %ne3A_27, %ne3A_23 : i1
    %add3A_29 = arith.addi %rem3A_21, %select_n3A_20 : i32
    %select_n3A_30 = arith.select %and3A_28, %add3A_29, %rem3A_21 : i32
    %mul3A_31 = arith.constant 64 : i32
    %mul3A_32 = arith.muli %select_n3A_30, %mul3A_31 : i32
    "tpu.region"() ({
      %run_scoped3A = tpu.sem_alloc : memref<!tpu.dma_semaphore, #tpu.memory_space<semaphore_mem>>
      tpu.enqueue_dma source(%arg3 : memref<304xf32, #tpu.memory_space<hbm>>) target(%arg8 : memref<304xf32, #tpu.memory_space<vmem>>) target_semaphore(%run_scoped3A : memref<!tpu.dma_semaphore, #tpu.memory_space<semaphore_mem>>)
      tpu.wait_dma2 semaphore(%run_scoped3A : memref<!tpu.dma_semaphore, #tpu.memory_space<semaphore_mem>>) src(%arg3 : memref<304xf32, #tpu.memory_space<hbm>>) dst(%arg8 : memref<304xf32, #tpu.memory_space<vmem>>)
      tpu.yield
    }) : () -> ()
    %shift_right_logical3A = arith.constant 0 : i32
    %shift_right_logical3A_33 = arith.constant 1 : i32
    %shift_right_logical3A_34 = arith.shrui %shift_right_logical3A, %shift_right_logical3A_33 : i32
    %mul3A_35 = arith.constant 8 : i32
    %mul3A_36 = arith.muli %shift_right_logical3A_34, %mul3A_35 : i32
    %add3A_37 = arith.addi %mul3A_32, %mul3A_36 : i32
    %dma_start3A = arith.constant 0 : i32
    %dma_start3A_38 = arith.constant 0 : i32
    %dma_start3A_39 = tpu.memref_slice %arg2[%select_n3A, %dma_start3A, %add3A_37, %dma_start3A_38] : memref<4x19x512x512xf32, #tpu.memory_space<hbm>> -> memref<1x19x8x256xf32, #tpu.memory_space<hbm>>
    %dma_start3A_40 = tpu.memref_squeeze %dma_start3A_39 : memref<1x19x8x256xf32, #tpu.memory_space<hbm>> -> memref<19x8x256xf32, #tpu.memory_space<hbm>>
    %dma_start3A_41 = arith.constant 0 : i32
    %dma_start3A_42 = arith.constant 0 : i32
    %dma_start3A_43 = tpu.memref_slice %arg2[%select_n3A, %dma_start3A_41, %add3A_37, %dma_start3A_42] : memref<4x19x512x512xf32, #tpu.memory_space<hbm>> -> memref<1x19x8x256xf32, #tpu.memory_space<hbm>>
    %dma_start3A_44 = tpu.memref_squeeze %dma_start3A_43 : memref<1x19x8x256xf32, #tpu.memory_space<hbm>> -> memref<19x8x256xf32, #tpu.memory_space<hbm>>
    tpu.enqueue_dma source(%dma_start3A_44 : memref<19x8x256xf32, #tpu.memory_space<hbm>>) target(%arg5 : memref<19x8x256xf32, #tpu.memory_space<vmem>>) target_semaphore(%arg9 : memref<!tpu.dma_semaphore, #tpu.memory_space<semaphore_mem>>)
    %shift_right_logical3A_45 = arith.constant 1 : i32
    %shift_right_logical3A_46 = arith.constant 1 : i32
    %shift_right_logical3A_47 = arith.shrui %shift_right_logical3A_45, %shift_right_logical3A_46 : i32
    %mul3A_48 = arith.constant 8 : i32
    %mul3A_49 = arith.muli %shift_right_logical3A_47, %mul3A_48 : i32
    %add3A_50 = arith.addi %mul3A_32, %mul3A_49 : i32
    %dma_start3A_51 = arith.constant 0 : i32
    %dma_start3A_52 = arith.constant 256 : i32
    %dma_start3A_53 = tpu.memref_slice %arg2[%select_n3A, %dma_start3A_51, %add3A_50, %dma_start3A_52] : memref<4x19x512x512xf32, #tpu.memory_space<hbm>> -> memref<1x19x8x256xf32, #tpu.memory_space<hbm>>
    %dma_start3A_54 = tpu.memref_squeeze %dma_start3A_53 : memref<1x19x8x256xf32, #tpu.memory_space<hbm>> -> memref<19x8x256xf32, #tpu.memory_space<hbm>>
    %dma_start3A_55 = arith.constant 0 : i32
    %dma_start3A_56 = arith.constant 256 : i32
    %dma_start3A_57 = tpu.memref_slice %arg2[%select_n3A, %dma_start3A_55, %add3A_50, %dma_start3A_56] : memref<4x19x512x512xf32, #tpu.memory_space<hbm>> -> memref<1x19x8x256xf32, #tpu.memory_space<hbm>>
    %dma_start3A_58 = tpu.memref_squeeze %dma_start3A_57 : memref<1x19x8x256xf32, #tpu.memory_space<hbm>> -> memref<19x8x256xf32, #tpu.memory_space<hbm>>
    tpu.enqueue_dma source(%dma_start3A_58 : memref<19x8x256xf32, #tpu.memory_space<hbm>>) target(%arg6 : memref<19x8x256xf32, #tpu.memory_space<vmem>>) target_semaphore(%arg10 : memref<!tpu.dma_semaphore, #tpu.memory_space<semaphore_mem>>)
    %scan3A = arith.constant 0 : i32
    %scan3A_59 = arith.constant 0 : i32
    %scan3A_60 = arith.constant 5 : i32
    %scan3A_61 = arith.addi %scan3A_59, %scan3A_60 : i32
    %scan3A_62 = arith.constant 1 : i32
    %scan3A_63 = scf.for %scan3A_136 = %scan3A_59 to %scan3A_61 step %scan3A_62 iter_args(%scan3A_137 = %scan3A) -> (i32)  : i32 {
      %mul3A_138 = arith.constant 3 : i32
      %mul3A_139 = arith.muli %mul3A_138, %scan3A_136 : i32
      %add3A_140 = arith.constant 0 : i32
      %add3A_141 = arith.addi %mul3A_139, %add3A_140 : i32
      %shift_right_logical3A_142 = arith.constant 1 : i32
      %shift_right_logical3A_143 = arith.shrui %add3A_141, %shift_right_logical3A_142 : i32
      %mul3A_144 = arith.constant 8 : i32
      %mul3A_145 = arith.muli %shift_right_logical3A_143, %mul3A_144 : i32
      %add3A_146 = arith.addi %mul3A_32, %mul3A_145 : i32
      %and3A_147 = arith.constant 1 : i32
      %and3A_148 = arith.andi %add3A_141, %and3A_147 : i32
      %mul3A_149 = arith.constant 256 : i32
      %mul3A_150 = arith.muli %and3A_148, %mul3A_149 : i32
      %dma_wait3A_151 = arith.constant 0 : i32
      %dma_wait3A_152 = tpu.memref_slice %arg2[%select_n3A, %dma_wait3A_151, %add3A_146, %mul3A_150] : memref<4x19x512x512xf32, #tpu.memory_space<hbm>> -> memref<1x19x8x256xf32, #tpu.memory_space<hbm>>
      %dma_wait3A_153 = tpu.memref_squeeze %dma_wait3A_152 : memref<1x19x8x256xf32, #tpu.memory_space<hbm>> -> memref<19x8x256xf32, #tpu.memory_space<hbm>>
      %dma_wait3A_154 = arith.constant 0 : i32
      %dma_wait3A_155 = tpu.memref_slice %arg2[%select_n3A, %dma_wait3A_154, %add3A_146, %mul3A_150] : memref<4x19x512x512xf32, #tpu.memory_space<hbm>> -> memref<1x19x8x256xf32, #tpu.memory_space<hbm>>
      %dma_wait3A_156 = tpu.memref_squeeze %dma_wait3A_155 : memref<1x19x8x256xf32, #tpu.memory_space<hbm>> -> memref<19x8x256xf32, #tpu.memory_space<hbm>>
      tpu.wait_dma2 semaphore(%arg9 : memref<!tpu.dma_semaphore, #tpu.memory_space<semaphore_mem>>) src(%dma_wait3A_156 : memref<19x8x256xf32, #tpu.memory_space<hbm>>) dst(%arg5 : memref<19x8x256xf32, #tpu.memory_space<vmem>>)
      %parallel_loop3A_157 = arith.constant 0 : i32
      %parallel_loop3A_158 = arith.constant 128 : i32
      %parallel_loop3A_159 = arith.constant 1 : i32
      scf.for %parallel_loop3A_296 = %parallel_loop3A_157 to %parallel_loop3A_158 step %parallel_loop3A_159  : i32 {
        %parallel_loop3A_297 = arith.constant 4 : i32
        %parallel_loop3A_298 = arith.shrui %parallel_loop3A_296, %parallel_loop3A_297 : i32
        %parallel_loop3A_299 = arith.constant 15 : i32
        %parallel_loop3A_300 = arith.andi %parallel_loop3A_296, %parallel_loop3A_299 : i32
        %parallel_loop3A_301 = arith.constant 4 : i32
        %parallel_loop3A_302 = arith.shli %parallel_loop3A_300, %parallel_loop3A_301 : i32
        %parallel_loop3A_303 = arith.constant 0 : i32
        %parallel_loop3A_304 = arith.index_cast %parallel_loop3A_303 : i32 to index
        %parallel_loop3A_305 = arith.index_cast %parallel_loop3A_298 : i32 to index
        %parallel_loop3A_306 = arith.index_cast %parallel_loop3A_302 : i32 to index
        %parallel_loop3A_307 = tpu.vector_load %arg5[%parallel_loop3A_304, %parallel_loop3A_305, %parallel_loop3A_306] {strides = array<i32>} : memref<19x8x256xf32, #tpu.memory_space<vmem>>, vector<16xf32>,
        %parallel_loop3A_308 = arith.constant 1 : i32
        %parallel_loop3A_309 = arith.index_cast %parallel_loop3A_308 : i32 to index
        %parallel_loop3A_310 = arith.index_cast %parallel_loop3A_298 : i32 to index
        %parallel_loop3A_311 = arith.index_cast %parallel_loop3A_302 : i32 to index
        %parallel_loop3A_312 = tpu.vector_load %arg5[%parallel_loop3A_309, %parallel_loop3A_310, %parallel_loop3A_311] {strides = array<i32>} : memref<19x8x256xf32, #tpu.memory_space<vmem>>, vector<16xf32>,
        %parallel_loop3A_313 = arith.constant 2 : i32
        %parallel_loop3A_314 = arith.index_cast %parallel_loop3A_313 : i32 to index
        %parallel_loop3A_315 = arith.index_cast %parallel_loop3A_298 : i32 to index
        %parallel_loop3A_316 = arith.index_cast %parallel_loop3A_302 : i32 to index
        %parallel_loop3A_317 = tpu.vector_load %arg5[%parallel_loop3A_314, %parallel_loop3A_315, %parallel_loop3A_316] {strides = array<i32>} : memref<19x8x256xf32, #tpu.memory_space<vmem>>, vector<16xf32>,
        %parallel_loop3A_318 = arith.constant 3 : i32
        %parallel_loop3A_319 = arith.index_cast %parallel_loop3A_318 : i32 to index
        %parallel_loop3A_320 = arith.index_cast %parallel_loop3A_298 : i32 to index
        %parallel_loop3A_321 = arith.index_cast %parallel_loop3A_302 : i32 to index
        %parallel_loop3A_322 = tpu.vector_load %arg5[%parallel_loop3A_319, %parallel_loop3A_320, %parallel_loop3A_321] {strides = array<i32>} : memref<19x8x256xf32, #tpu.memory_space<vmem>>, vector<16xf32>,
        %parallel_loop3A_323 = arith.constant 4 : i32
        %parallel_loop3A_324 = arith.index_cast %parallel_loop3A_323 : i32 to index
        %parallel_loop3A_325 = arith.index_cast %parallel_loop3A_298 : i32 to index
        %parallel_loop3A_326 = arith.index_cast %parallel_loop3A_302 : i32 to index
        %parallel_loop3A_327 = tpu.vector_load %arg5[%parallel_loop3A_324, %parallel_loop3A_325, %parallel_loop3A_326] {strides = array<i32>} : memref<19x8x256xf32, #tpu.memory_space<vmem>>, vector<16xf32>,
        %parallel_loop3A_328 = arith.constant 5 : i32
        %parallel_loop3A_329 = arith.index_cast %parallel_loop3A_328 : i32 to index
        %parallel_loop3A_330 = arith.index_cast %parallel_loop3A_298 : i32 to index
        %parallel_loop3A_331 = arith.index_cast %parallel_loop3A_302 : i32 to index
        %parallel_loop3A_332 = tpu.vector_load %arg5[%parallel_loop3A_329, %parallel_loop3A_330, %parallel_loop3A_331] {strides = array<i32>} : memref<19x8x256xf32, #tpu.memory_space<vmem>>, vector<16xf32>,
        %parallel_loop3A_333 = arith.constant 6 : i32
        %parallel_loop3A_334 = arith.index_cast %parallel_loop3A_333 : i32 to index
        %parallel_loop3A_335 = arith.index_cast %parallel_loop3A_298 : i32 to index
        %parallel_loop3A_336 = arith.index_cast %parallel_loop3A_302 : i32 to index
        %parallel_loop3A_337 = tpu.vector_load %arg5[%parallel_loop3A_334, %parallel_loop3A_335, %parallel_loop3A_336] {strides = array<i32>} : memref<19x8x256xf32, #tpu.memory_space<vmem>>, vector<16xf32>,
        %parallel_loop3A_338 = arith.constant 7 : i32
        %parallel_loop3A_339 = arith.index_cast %parallel_loop3A_338 : i32 to index
        %parallel_loop3A_340 = arith.index_cast %parallel_loop3A_298 : i32 to index
        %parallel_loop3A_341 = arith.index_cast %parallel_loop3A_302 : i32 to index
        %parallel_loop3A_342 = tpu.vector_load %arg5[%parallel_loop3A_339, %parallel_loop3A_340, %parallel_loop3A_341] {strides = array<i32>} : memref<19x8x256xf32, #tpu.memory_space<vmem>>, vector<16xf32>,
        %parallel_loop3A_343 = arith.constant 8 : i32
        %parallel_loop3A_344 = arith.index_cast %parallel_loop3A_343 : i32 to index
        %parallel_loop3A_345 = arith.index_cast %parallel_loop3A_298 : i32 to index
        %parallel_loop3A_346 = arith.index_cast %parallel_loop3A_302 : i32 to index
        %parallel_loop3A_347 = tpu.vector_load %arg5[%parallel_loop3A_344, %parallel_loop3A_345, %parallel_loop3A_346] {strides = array<i32>} : memref<19x8x256xf32, #tpu.memory_space<vmem>>, vector<16xf32>,
        %parallel_loop3A_348 = arith.constant 9 : i32
        %parallel_loop3A_349 = arith.index_cast %parallel_loop3A_348 : i32 to index
        %parallel_loop3A_350 = arith.index_cast %parallel_loop3A_298 : i32 to index
        %parallel_loop3A_351 = arith.index_cast %parallel_loop3A_302 : i32 to index
        %parallel_loop3A_352 = tpu.vector_load %arg5[%parallel_loop3A_349, %parallel_loop3A_350, %parallel_loop3A_351] {strides = array<i32>} : memref<19x8x256xf32, #tpu.memory_space<vmem>>, vector<16xf32>,
        %parallel_loop3A_353 = arith.constant 10 : i32
        %parallel_loop3A_354 = arith.index_cast %parallel_loop3A_353 : i32 to index
        %parallel_loop3A_355 = arith.index_cast %parallel_loop3A_298 : i32 to index
        %parallel_loop3A_356 = arith.index_cast %parallel_loop3A_302 : i32 to index
        %parallel_loop3A_357 = tpu.vector_load %arg5[%parallel_loop3A_354, %parallel_loop3A_355, %parallel_loop3A_356] {strides = array<i32>} : memref<19x8x256xf32, #tpu.memory_space<vmem>>, vector<16xf32>,
        %parallel_loop3A_358 = arith.constant 11 : i32
        %parallel_loop3A_359 = arith.index_cast %parallel_loop3A_358 : i32 to index
        %parallel_loop3A_360 = arith.index_cast %parallel_loop3A_298 : i32 to index
        %parallel_loop3A_361 = arith.index_cast %parallel_loop3A_302 : i32 to index
        %parallel_loop3A_362 = tpu.vector_load %arg5[%parallel_loop3A_359, %parallel_loop3A_360, %parallel_loop3A_361] {strides = array<i32>} : memref<19x8x256xf32, #tpu.memory_space<vmem>>, vector<16xf32>,
        %parallel_loop3A_363 = arith.constant 12 : i32
        %parallel_loop3A_364 = arith.index_cast %parallel_loop3A_363 : i32 to index
        %parallel_loop3A_365 = arith.index_cast %parallel_loop3A_298 : i32 to index
        %parallel_loop3A_366 = arith.index_cast %parallel_loop3A_302 : i32 to index
        %parallel_loop3A_367 = tpu.vector_load %arg5[%parallel_loop3A_364, %parallel_loop3A_365, %parallel_loop3A_366] {strides = array<i32>} : memref<19x8x256xf32, #tpu.memory_space<vmem>>, vector<16xf32>,
        %parallel_loop3A_368 = arith.constant 13 : i32
        %parallel_loop3A_369 = arith.index_cast %parallel_loop3A_368 : i32 to index
        %parallel_loop3A_370 = arith.index_cast %parallel_loop3A_298 : i32 to index
        %parallel_loop3A_371 = arith.index_cast %parallel_loop3A_302 : i32 to index
        %parallel_loop3A_372 = tpu.vector_load %arg5[%parallel_loop3A_369, %parallel_loop3A_370, %parallel_loop3A_371] {strides = array<i32>} : memref<19x8x256xf32, #tpu.memory_space<vmem>>, vector<16xf32>,
        %parallel_loop3A_373 = arith.constant 14 : i32
        %parallel_loop3A_374 = arith.index_cast %parallel_loop3A_373 : i32 to index
        %parallel_loop3A_375 = arith.index_cast %parallel_loop3A_298 : i32 to index
        %parallel_loop3A_376 = arith.index_cast %parallel_loop3A_302 : i32 to index
        %parallel_loop3A_377 = tpu.vector_load %arg5[%parallel_loop3A_374, %parallel_loop3A_375, %parallel_loop3A_376] {strides = array<i32>} : memref<19x8x256xf32, #tpu.memory_space<vmem>>, vector<16xf32>,
        %parallel_loop3A_378 = arith.constant 15 : i32
        %parallel_loop3A_379 = arith.index_cast %parallel_loop3A_378 : i32 to index
        %parallel_loop3A_380 = arith.index_cast %parallel_loop3A_298 : i32 to index
        %parallel_loop3A_381 = arith.index_cast %parallel_loop3A_302 : i32 to index
        %parallel_loop3A_382 = tpu.vector_load %arg5[%parallel_loop3A_379, %parallel_loop3A_380, %parallel_loop3A_381] {strides = array<i32>} : memref<19x8x256xf32, #tpu.memory_space<vmem>>, vector<16xf32>,
        %parallel_loop3A_383 = arith.constant 16 : i32
        %parallel_loop3A_384 = arith.index_cast %parallel_loop3A_383 : i32 to index
        %parallel_loop3A_385 = arith.index_cast %parallel_loop3A_298 : i32 to index
        %parallel_loop3A_386 = arith.index_cast %parallel_loop3A_302 : i32 to index
        %parallel_loop3A_387 = tpu.vector_load %arg5[%parallel_loop3A_384, %parallel_loop3A_385, %parallel_loop3A_386] {strides = array<i32>} : memref<19x8x256xf32, #tpu.memory_space<vmem>>, vector<16xf32>,
        %parallel_loop3A_388 = arith.constant 17 : i32
        %parallel_loop3A_389 = arith.index_cast %parallel_loop3A_388 : i32 to index
        %parallel_loop3A_390 = arith.index_cast %parallel_loop3A_298 : i32 to index
        %parallel_loop3A_391 = arith.index_cast %parallel_loop3A_302 : i32 to index
        %parallel_loop3A_392 = tpu.vector_load %arg5[%parallel_loop3A_389, %parallel_loop3A_390, %parallel_loop3A_391] {strides = array<i32>} : memref<19x8x256xf32, #tpu.memory_space<vmem>>, vector<16xf32>,
        %parallel_loop3A_393 = arith.constant 18 : i32
        %parallel_loop3A_394 = arith.index_cast %parallel_loop3A_393 : i32 to index
        %parallel_loop3A_395 = arith.index_cast %parallel_loop3A_298 : i32 to index
        %parallel_loop3A_396 = arith.index_cast %parallel_loop3A_302 : i32 to index
        %parallel_loop3A_397 = tpu.vector_load %arg5[%parallel_loop3A_394, %parallel_loop3A_395, %parallel_loop3A_396] {strides = array<i32>} : memref<19x8x256xf32, #tpu.memory_space<vmem>>, vector<16xf32>,
        %parallel_loop3A_398 = arith.maximumf %parallel_loop3A_307, %parallel_loop3A_312 : vector<16xf32>
        %parallel_loop3A_399 = arith.maximumf %parallel_loop3A_398, %parallel_loop3A_317 : vector<16xf32>
        %parallel_loop3A_400 = arith.maximumf %parallel_loop3A_399, %parallel_loop3A_322 : vector<16xf32>
        %parallel_loop3A_401 = arith.maximumf %parallel_loop3A_400, %parallel_loop3A_327 : vector<16xf32>
        %parallel_loop3A_402 = arith.maximumf %parallel_loop3A_401, %parallel_loop3A_332 : vector<16xf32>
        %parallel_loop3A_403 = arith.maximumf %parallel_loop3A_402, %parallel_loop3A_337 : vector<16xf32>
        %parallel_loop3A_404 = arith.maximumf %parallel_loop3A_403, %parallel_loop3A_342 : vector<16xf32>
        %parallel_loop3A_405 = arith.maximumf %parallel_loop3A_404, %parallel_loop3A_347 : vector<16xf32>
        %parallel_loop3A_406 = arith.maximumf %parallel_loop3A_405, %parallel_loop3A_352 : vector<16xf32>
        %parallel_loop3A_407 = arith.maximumf %parallel_loop3A_406, %parallel_loop3A_357 : vector<16xf32>
        %parallel_loop3A_408 = arith.maximumf %parallel_loop3A_407, %parallel_loop3A_362 : vector<16xf32>
        %parallel_loop3A_409 = arith.maximumf %parallel_loop3A_408, %parallel_loop3A_367 : vector<16xf32>
        %parallel_loop3A_410 = arith.maximumf %parallel_loop3A_409, %parallel_loop3A_372 : vector<16xf32>
        %parallel_loop3A_411 = arith.maximumf %parallel_loop3A_410, %parallel_loop3A_377 : vector<16xf32>
        %parallel_loop3A_412 = arith.maximumf %parallel_loop3A_411, %parallel_loop3A_382 : vector<16xf32>
        %parallel_loop3A_413 = arith.maximumf %parallel_loop3A_412, %parallel_loop3A_387 : vector<16xf32>
        %parallel_loop3A_414 = arith.maximumf %parallel_loop3A_413, %parallel_loop3A_392 : vector<16xf32>
        %parallel_loop3A_415 = arith.maximumf %parallel_loop3A_414, %parallel_loop3A_397 : vector<16xf32>
        %parallel_loop3A_416 = arith.subf %parallel_loop3A_307, %parallel_loop3A_415 : vector<16xf32>
        %parallel_loop3A_417 = math.exp %parallel_loop3A_416 : vector<16xf32>
        %parallel_loop3A_418 = arith.subf %parallel_loop3A_312, %parallel_loop3A_415 : vector<16xf32>
        %parallel_loop3A_419 = math.exp %parallel_loop3A_418 : vector<16xf32>
        %parallel_loop3A_420 = arith.subf %parallel_loop3A_317, %parallel_loop3A_415 : vector<16xf32>
        %parallel_loop3A_421 = math.exp %parallel_loop3A_420 : vector<16xf32>
        %parallel_loop3A_422 = arith.subf %parallel_loop3A_322, %parallel_loop3A_415 : vector<16xf32>
        %parallel_loop3A_423 = math.exp %parallel_loop3A_422 : vector<16xf32>
        %parallel_loop3A_424 = arith.subf %parallel_loop3A_327, %parallel_loop3A_415 : vector<16xf32>
        %parallel_loop3A_425 = math.exp %parallel_loop3A_424 : vector<16xf32>
        %parallel_loop3A_426 = arith.subf %parallel_loop3A_332, %parallel_loop3A_415 : vector<16xf32>
        %parallel_loop3A_427 = math.exp %parallel_loop3A_426 : vector<16xf32>
        %parallel_loop3A_428 = arith.subf %parallel_loop3A_337, %parallel_loop3A_415 : vector<16xf32>
        %parallel_loop3A_429 = math.exp %parallel_loop3A_428 : vector<16xf32>
        %parallel_loop3A_430 = arith.subf %parallel_loop3A_342, %parallel_loop3A_415 : vector<16xf32>
        %parallel_loop3A_431 = math.exp %parallel_loop3A_430 : vector<16xf32>
        %parallel_loop3A_432 = arith.subf %parallel_loop3A_347, %parallel_loop3A_415 : vector<16xf32>
        %parallel_loop3A_433 = math.exp %parallel_loop3A_432 : vector<16xf32>
        %parallel_loop3A_434 = arith.subf %parallel_loop3A_352, %parallel_loop3A_415 : vector<16xf32>
        %parallel_loop3A_435 = math.exp %parallel_loop3A_434 : vector<16xf32>
        %parallel_loop3A_436 = arith.subf %parallel_loop3A_357, %parallel_loop3A_415 : vector<16xf32>
        %parallel_loop3A_437 = math.exp %parallel_loop3A_436 : vector<16xf32>
        %parallel_loop3A_438 = arith.subf %parallel_loop3A_362, %parallel_loop3A_415 : vector<16xf32>
        %parallel_loop3A_439 = math.exp %parallel_loop3A_438 : vector<16xf32>
        %parallel_loop3A_440 = arith.subf %parallel_loop3A_367, %parallel_loop3A_415 : vector<16xf32>
        %parallel_loop3A_441 = math.exp %parallel_loop3A_440 : vector<16xf32>
        %parallel_loop3A_442 = arith.subf %parallel_loop3A_372, %parallel_loop3A_415 : vector<16xf32>
        %parallel_loop3A_443 = math.exp %parallel_loop3A_442 : vector<16xf32>
        %parallel_loop3A_444 = arith.subf %parallel_loop3A_377, %parallel_loop3A_415 : vector<16xf32>
        %parallel_loop3A_445 = math.exp %parallel_loop3A_444 : vector<16xf32>
        %parallel_loop3A_446 = arith.subf %parallel_loop3A_382, %parallel_loop3A_415 : vector<16xf32>
        %parallel_loop3A_447 = math.exp %parallel_loop3A_446 : vector<16xf32>
        %parallel_loop3A_448 = arith.subf %parallel_loop3A_387, %parallel_loop3A_415 : vector<16xf32>
        %parallel_loop3A_449 = math.exp %parallel_loop3A_448 : vector<16xf32>
        %parallel_loop3A_450 = arith.subf %parallel_loop3A_392, %parallel_loop3A_415 : vector<16xf32>
        %parallel_loop3A_451 = math.exp %parallel_loop3A_450 : vector<16xf32>
        %parallel_loop3A_452 = arith.subf %parallel_loop3A_397, %parallel_loop3A_415 : vector<16xf32>
        %parallel_loop3A_453 = math.exp %parallel_loop3A_452 : vector<16xf32>
        %parallel_loop3A_454 = arith.addf %parallel_loop3A_417, %parallel_loop3A_419 : vector<16xf32>
        %parallel_loop3A_455 = arith.addf %parallel_loop3A_454, %parallel_loop3A_421 : vector<16xf32>
        %parallel_loop3A_456 = arith.addf %parallel_loop3A_455, %parallel_loop3A_423 : vector<16xf32>
        %parallel_loop3A_457 = arith.addf %parallel_loop3A_456, %parallel_loop3A_425 : vector<16xf32>
        %parallel_loop3A_458 = arith.addf %parallel_loop3A_457, %parallel_loop3A_427 : vector<16xf32>
        %parallel_loop3A_459 = arith.addf %parallel_loop3A_458, %parallel_loop3A_429 : vector<16xf32>
        %parallel_loop3A_460 = arith.addf %parallel_loop3A_459, %parallel_loop3A_431 : vector<16xf32>
        %parallel_loop3A_461 = arith.addf %parallel_loop3A_460, %parallel_loop3A_433 : vector<16xf32>
        %parallel_loop3A_462 = arith.addf %parallel_loop3A_461, %parallel_loop3A_435 : vector<16xf32>
        %parallel_loop3A_463 = arith.addf %parallel_loop3A_462, %parallel_loop3A_437 : vector<16xf32>
        %parallel_loop3A_464 = arith.addf %parallel_loop3A_463, %parallel_loop3A_439 : vector<16xf32>
        %parallel_loop3A_465 = arith.addf %parallel_loop3A_464, %parallel_loop3A_441 : vector<16xf32>
        %parallel_loop3A_466 = arith.addf %parallel_loop3A_465, %parallel_loop3A_443 : vector<16xf32>
        %parallel_loop3A_467 = arith.addf %parallel_loop3A_466, %parallel_loop3A_445 : vector<16xf32>
        %parallel_loop3A_468 = arith.addf %parallel_loop3A_467, %parallel_loop3A_447 : vector<16xf32>
        %parallel_loop3A_469 = arith.addf %parallel_loop3A_468, %parallel_loop3A_449 : vector<16xf32>
        %parallel_loop3A_470 = arith.addf %parallel_loop3A_469, %parallel_loop3A_451 : vector<16xf32>
        %parallel_loop3A_471 = arith.addf %parallel_loop3A_470, %parallel_loop3A_453 : vector<16xf32>
        %parallel_loop3A_472 = arith.constant 1.500000e+01 : f32
        %parallel_loop3A_473 = vector.broadcast %parallel_loop3A_472 : f32 to vector<16xf32>
        %parallel_loop3A_474 = arith.divf %parallel_loop3A_473, %parallel_loop3A_471 : vector<16xf32>
        %parallel_loop3A_475 = arith.mulf %parallel_loop3A_417, %parallel_loop3A_474 : vector<16xf32>
        %parallel_loop3A_476 = arith.fptosi %parallel_loop3A_475 : vector<16xf32> to vector<16xi32>
        %parallel_loop3A_477 = arith.constant 0 : i32
        %parallel_loop3A_478 = vector.broadcast %parallel_loop3A_477 : i32 to vector<16xi32>
        %parallel_loop3A_479 = arith.addi %parallel_loop3A_476, %parallel_loop3A_478 : vector<16xi32>
        %parallel_loop3A_480 = tpu.vector_load_idx %arg8[%parallel_loop3A_479] : memref<304xf32, #tpu.memory_space<vmem>>[vector<16xi32>], vector<16xf32>,
        %parallel_loop3A_481 = arith.mulf %parallel_loop3A_419, %parallel_loop3A_474 : vector<16xf32>
        %parallel_loop3A_482 = arith.fptosi %parallel_loop3A_481 : vector<16xf32> to vector<16xi32>
        %parallel_loop3A_483 = arith.constant 16 : i32
        %parallel_loop3A_484 = vector.broadcast %parallel_loop3A_483 : i32 to vector<16xi32>
        %parallel_loop3A_485 = arith.addi %parallel_loop3A_482, %parallel_loop3A_484 : vector<16xi32>
        %parallel_loop3A_486 = tpu.vector_load_idx %arg8[%parallel_loop3A_485] : memref<304xf32, #tpu.memory_space<vmem>>[vector<16xi32>], vector<16xf32>,
        %parallel_loop3A_487 = arith.mulf %parallel_loop3A_421, %parallel_loop3A_474 : vector<16xf32>
        %parallel_loop3A_488 = arith.fptosi %parallel_loop3A_487 : vector<16xf32> to vector<16xi32>
        %parallel_loop3A_489 = arith.constant 32 : i32
        %parallel_loop3A_490 = vector.broadcast %parallel_loop3A_489 : i32 to vector<16xi32>
        %parallel_loop3A_491 = arith.addi %parallel_loop3A_488, %parallel_loop3A_490 : vector<16xi32>
        %parallel_loop3A_492 = tpu.vector_load_idx %arg8[%parallel_loop3A_491] : memref<304xf32, #tpu.memory_space<vmem>>[vector<16xi32>], vector<16xf32>,
        %parallel_loop3A_493 = arith.mulf %parallel_loop3A_423, %parallel_loop3A_474 : vector<16xf32>
        %parallel_loop3A_494 = arith.fptosi %parallel_loop3A_493 : vector<16xf32> to vector<16xi32>
        %parallel_loop3A_495 = arith.constant 48 : i32
        %parallel_loop3A_496 = vector.broadcast %parallel_loop3A_495 : i32 to vector<16xi32>
        %parallel_loop3A_497 = arith.addi %parallel_loop3A_494, %parallel_loop3A_496 : vector<16xi32>
        %parallel_loop3A_498 = tpu.vector_load_idx %arg8[%parallel_loop3A_497] : memref<304xf32, #tpu.memory_space<vmem>>[vector<16xi32>], vector<16xf32>,
        %parallel_loop3A_499 = arith.mulf %parallel_loop3A_425, %parallel_loop3A_474 : vector<16xf32>
        %parallel_loop3A_500 = arith.fptosi %parallel_loop3A_499 : vector<16xf32> to vector<16xi32>
        %parallel_loop3A_501 = arith.constant 64 : i32
        %parallel_loop3A_502 = vector.broadcast %parallel_loop3A_501 : i32 to vector<16xi32>
        %parallel_loop3A_503 = arith.addi %parallel_loop3A_500, %parallel_loop3A_502 : vector<16xi32>
        %parallel_loop3A_504 = tpu.vector_load_idx %arg8[%parallel_loop3A_503] : memref<304xf32, #tpu.memory_space<vmem>>[vector<16xi32>], vector<16xf32>,
        %parallel_loop3A_505 = arith.mulf %parallel_loop3A_427, %parallel_loop3A_474 : vector<16xf32>
        %parallel_loop3A_506 = arith.fptosi %parallel_loop3A_505 : vector<16xf32> to vector<16xi32>
        %parallel_loop3A_507 = arith.constant 80 : i32
        %parallel_loop3A_508 = vector.broadcast %parallel_loop3A_507 : i32 to vector<16xi32>
        %parallel_loop3A_509 = arith.addi %parallel_loop3A_506, %parallel_loop3A_508 : vector<16xi32>
        %parallel_loop3A_510 = tpu.vector_load_idx %arg8[%parallel_loop3A_509] : memref<304xf32, #tpu.memory_space<vmem>>[vector<16xi32>], vector<16xf32>,
        %parallel_loop3A_511 = arith.mulf %parallel_loop3A_429, %parallel_loop3A_474 : vector<16xf32>
        %parallel_loop3A_512 = arith.fptosi %parallel_loop3A_511 : vector<16xf32> to vector<16xi32>
        %parallel_loop3A_513 = arith.constant 96 : i32
        %parallel_loop3A_514 = vector.broadcast %parallel_loop3A_513 : i32 to vector<16xi32>
        %parallel_loop3A_515 = arith.addi %parallel_loop3A_512, %parallel_loop3A_514 : vector<16xi32>
        %parallel_loop3A_516 = tpu.vector_load_idx %arg8[%parallel_loop3A_515] : memref<304xf32, #tpu.memory_space<vmem>>[vector<16xi32>], vector<16xf32>,
        %parallel_loop3A_517 = arith.mulf %parallel_loop3A_431, %parallel_loop3A_474 : vector<16xf32>
        %parallel_loop3A_518 = arith.fptosi %parallel_loop3A_517 : vector<16xf32> to vector<16xi32>
        %parallel_loop3A_519 = arith.constant 112 : i32
        %parallel_loop3A_520 = vector.broadcast %parallel_loop3A_519 : i32 to vector<16xi32>
        %parallel_loop3A_521 = arith.addi %parallel_loop3A_518, %parallel_loop3A_520 : vector<16xi32>
        %parallel_loop3A_522 = tpu.vector_load_idx %arg8[%parallel_loop3A_521] : memref<304xf32, #tpu.memory_space<vmem>>[vector<16xi32>], vector<16xf32>,
        %parallel_loop3A_523 = arith.mulf %parallel_loop3A_433, %parallel_loop3A_474 : vector<16xf32>
        %parallel_loop3A_524 = arith.fptosi %parallel_loop3A_523 : vector<16xf32> to vector<16xi32>
        %parallel_loop3A_525 = arith.constant 128 : i32
        %parallel_loop3A_526 = vector.broadcast %parallel_loop3A_525 : i32 to vector<16xi32>
        %parallel_loop3A_527 = arith.addi %parallel_loop3A_524, %parallel_loop3A_526 : vector<16xi32>
        %parallel_loop3A_528 = tpu.vector_load_idx %arg8[%parallel_loop3A_527] : memref<304xf32, #tpu.memory_space<vmem>>[vector<16xi32>], vector<16xf32>,
        %parallel_loop3A_529 = arith.mulf %parallel_loop3A_435, %parallel_loop3A_474 : vector<16xf32>
        %parallel_loop3A_530 = arith.fptosi %parallel_loop3A_529 : vector<16xf32> to vector<16xi32>
        %parallel_loop3A_531 = arith.constant 144 : i32
        %parallel_loop3A_532 = vector.broadcast %parallel_loop3A_531 : i32 to vector<16xi32>
        %parallel_loop3A_533 = arith.addi %parallel_loop3A_530, %parallel_loop3A_532 : vector<16xi32>
        %parallel_loop3A_534 = tpu.vector_load_idx %arg8[%parallel_loop3A_533] : memref<304xf32, #tpu.memory_space<vmem>>[vector<16xi32>], vector<16xf32>,
        %parallel_loop3A_535 = arith.mulf %parallel_loop3A_437, %parallel_loop3A_474 : vector<16xf32>
        %parallel_loop3A_536 = arith.fptosi %parallel_loop3A_535 : vector<16xf32> to vector<16xi32>
        %parallel_loop3A_537 = arith.constant 160 : i32
        %parallel_loop3A_538 = vector.broadcast %parallel_loop3A_537 : i32 to vector<16xi32>
        %parallel_loop3A_539 = arith.addi %parallel_loop3A_536, %parallel_loop3A_538 : vector<16xi32>
        %parallel_loop3A_540 = tpu.vector_load_idx %arg8[%parallel_loop3A_539] : memref<304xf32, #tpu.memory_space<vmem>>[vector<16xi32>], vector<16xf32>,
        %parallel_loop3A_541 = arith.mulf %parallel_loop3A_439, %parallel_loop3A_474 : vector<16xf32>
        %parallel_loop3A_542 = arith.fptosi %parallel_loop3A_541 : vector<16xf32> to vector<16xi32>
        %parallel_loop3A_543 = arith.constant 176 : i32
        %parallel_loop3A_544 = vector.broadcast %parallel_loop3A_543 : i32 to vector<16xi32>
        %parallel_loop3A_545 = arith.addi %parallel_loop3A_542, %parallel_loop3A_544 : vector<16xi32>
        %parallel_loop3A_546 = tpu.vector_load_idx %arg8[%parallel_loop3A_545] : memref<304xf32, #tpu.memory_space<vmem>>[vector<16xi32>], vector<16xf32>,
        %parallel_loop3A_547 = arith.mulf %parallel_loop3A_441, %parallel_loop3A_474 : vector<16xf32>
        %parallel_loop3A_548 = arith.fptosi %parallel_loop3A_547 : vector<16xf32> to vector<16xi32>
        %parallel_loop3A_549 = arith.constant 192 : i32
        %parallel_loop3A_550 = vector.broadcast %parallel_loop3A_549 : i32 to vector<16xi32>
        %parallel_loop3A_551 = arith.addi %parallel_loop3A_548, %parallel_loop3A_550 : vector<16xi32>
        %parallel_loop3A_552 = tpu.vector_load_idx %arg8[%parallel_loop3A_551] : memref<304xf32, #tpu.memory_space<vmem>>[vector<16xi32>], vector<16xf32>,
        %parallel_loop3A_553 = arith.mulf %parallel_loop3A_443, %parallel_loop3A_474 : vector<16xf32>
        %parallel_loop3A_554 = arith.fptosi %parallel_loop3A_553 : vector<16xf32> to vector<16xi32>
        %parallel_loop3A_555 = arith.constant 208 : i32
        %parallel_loop3A_556 = vector.broadcast %parallel_loop3A_555 : i32 to vector<16xi32>
        %parallel_loop3A_557 = arith.addi %parallel_loop3A_554, %parallel_loop3A_556 : vector<16xi32>
        %parallel_loop3A_558 = tpu.vector_load_idx %arg8[%parallel_loop3A_557] : memref<304xf32, #tpu.memory_space<vmem>>[vector<16xi32>], vector<16xf32>,
        %parallel_loop3A_559 = arith.mulf %parallel_loop3A_445, %parallel_loop3A_474 : vector<16xf32>
        %parallel_loop3A_560 = arith.fptosi %parallel_loop3A_559 : vector<16xf32> to vector<16xi32>
        %parallel_loop3A_561 = arith.constant 224 : i32
        %parallel_loop3A_562 = vector.broadcast %parallel_loop3A_561 : i32 to vector<16xi32>
        %parallel_loop3A_563 = arith.addi %parallel_loop3A_560, %parallel_loop3A_562 : vector<16xi32>
        %parallel_loop3A_564 = tpu.vector_load_idx %arg8[%parallel_loop3A_563] : memref<304xf32, #tpu.memory_space<vmem>>[vector<16xi32>], vector<16xf32>,
        %parallel_loop3A_565 = arith.mulf %parallel_loop3A_447, %parallel_loop3A_474 : vector<16xf32>
        %parallel_loop3A_566 = arith.fptosi %parallel_loop3A_565 : vector<16xf32> to vector<16xi32>
        %parallel_loop3A_567 = arith.constant 240 : i32
        %parallel_loop3A_568 = vector.broadcast %parallel_loop3A_567 : i32 to vector<16xi32>
        %parallel_loop3A_569 = arith.addi %parallel_loop3A_566, %parallel_loop3A_568 : vector<16xi32>
        %parallel_loop3A_570 = tpu.vector_load_idx %arg8[%parallel_loop3A_569] : memref<304xf32, #tpu.memory_space<vmem>>[vector<16xi32>], vector<16xf32>,
        %parallel_loop3A_571 = arith.mulf %parallel_loop3A_449, %parallel_loop3A_474 : vector<16xf32>
        %parallel_loop3A_572 = arith.fptosi %parallel_loop3A_571 : vector<16xf32> to vector<16xi32>
        %parallel_loop3A_573 = arith.constant 256 : i32
        %parallel_loop3A_574 = vector.broadcast %parallel_loop3A_573 : i32 to vector<16xi32>
        %parallel_loop3A_575 = arith.addi %parallel_loop3A_572, %parallel_loop3A_574 : vector<16xi32>
        %parallel_loop3A_576 = tpu.vector_load_idx %arg8[%parallel_loop3A_575] : memref<304xf32, #tpu.memory_space<vmem>>[vector<16xi32>], vector<16xf32>,
        %parallel_loop3A_577 = arith.mulf %parallel_loop3A_451, %parallel_loop3A_474 : vector<16xf32>
        %parallel_loop3A_578 = arith.fptosi %parallel_loop3A_577 : vector<16xf32> to vector<16xi32>
        %parallel_loop3A_579 = arith.constant 272 : i32
        %parallel_loop3A_580 = vector.broadcast %parallel_loop3A_579 : i32 to vector<16xi32>
        %parallel_loop3A_581 = arith.addi %parallel_loop3A_578, %parallel_loop3A_580 : vector<16xi32>
        %parallel_loop3A_582 = tpu.vector_load_idx %arg8[%parallel_loop3A_581] : memref<304xf32, #tpu.memory_space<vmem>>[vector<16xi32>], vector<16xf32>,
        %parallel_loop3A_583 = arith.mulf %parallel_loop3A_453, %parallel_loop3A_474 : vector<16xf32>
        %parallel_loop3A_584 = arith.fptosi %parallel_loop3A_583 : vector<16xf32> to vector<16xi32>
        %parallel_loop3A_585 = arith.constant 288 : i32
        %parallel_loop3A_586 = vector.broadcast %parallel_loop3A_585 : i32 to vector<16xi32>
        %parallel_loop3A_587 = arith.addi %parallel_loop3A_584, %parallel_loop3A_586 : vector<16xi32>
        %parallel_loop3A_588 = tpu.vector_load_idx %arg8[%parallel_loop3A_587] : memref<304xf32, #tpu.memory_space<vmem>>[vector<16xi32>], vector<16xf32>,
        %parallel_loop3A_589 = arith.addf %parallel_loop3A_480, %parallel_loop3A_486 : vector<16xf32>
        %parallel_loop3A_590 = arith.addf %parallel_loop3A_589, %parallel_loop3A_492 : vector<16xf32>
        %parallel_loop3A_591 = arith.addf %parallel_loop3A_590, %parallel_loop3A_498 : vector<16xf32>
        %parallel_loop3A_592 = arith.addf %parallel_loop3A_591, %parallel_loop3A_504 : vector<16xf32>
        %parallel_loop3A_593 = arith.addf %parallel_loop3A_592, %parallel_loop3A_510 : vector<16xf32>
        %parallel_loop3A_594 = arith.addf %parallel_loop3A_593, %parallel_loop3A_516 : vector<16xf32>
        %parallel_loop3A_595 = arith.addf %parallel_loop3A_594, %parallel_loop3A_522 : vector<16xf32>
        %parallel_loop3A_596 = arith.addf %parallel_loop3A_595, %parallel_loop3A_528 : vector<16xf32>
        %parallel_loop3A_597 = arith.addf %parallel_loop3A_596, %parallel_loop3A_534 : vector<16xf32>
        %parallel_loop3A_598 = arith.addf %parallel_loop3A_597, %parallel_loop3A_540 : vector<16xf32>
        %parallel_loop3A_599 = arith.addf %parallel_loop3A_598, %parallel_loop3A_546 : vector<16xf32>
        %parallel_loop3A_600 = arith.addf %parallel_loop3A_599, %parallel_loop3A_552 : vector<16xf32>
        %parallel_loop3A_601 = arith.addf %parallel_loop3A_600, %parallel_loop3A_558 : vector<16xf32>
        %parallel_loop3A_602 = arith.addf %parallel_loop3A_601, %parallel_loop3A_564 : vector<16xf32>
        %parallel_loop3A_603 = arith.addf %parallel_loop3A_602, %parallel_loop3A_570 : vector<16xf32>
        %parallel_loop3A_604 = arith.addf %parallel_loop3A_603, %parallel_loop3A_576 : vector<16xf32>
        %parallel_loop3A_605 = arith.addf %parallel_loop3A_604, %parallel_loop3A_582 : vector<16xf32>
        %parallel_loop3A_606 = arith.addf %parallel_loop3A_605, %parallel_loop3A_588 : vector<16xf32>
        %parallel_loop3A_607 = arith.constant 1.000000e+00 : f32
        %parallel_loop3A_608 = vector.broadcast %parallel_loop3A_607 : f32 to vector<16xf32>
        %parallel_loop3A_609 = arith.divf %parallel_loop3A_608, %parallel_loop3A_606 : vector<16xf32>
        %parallel_loop3A_610 = arith.mulf %parallel_loop3A_480, %parallel_loop3A_609 : vector<16xf32>
        %parallel_loop3A_611 = arith.constant 0 : i32
        %parallel_loop3A_612 = arith.index_cast %parallel_loop3A_611 : i32 to index
        %parallel_loop3A_613 = arith.index_cast %parallel_loop3A_298 : i32 to index
        %parallel_loop3A_614 = arith.index_cast %parallel_loop3A_302 : i32 to index
        %parallel_loop3A_615 = tpu.vector_load %arg5[%parallel_loop3A_612, %parallel_loop3A_613, %parallel_loop3A_614] {strides = array<i32>} : memref<19x8x256xf32, #tpu.memory_space<vmem>>, vector<16xf32>,
        tpu.vector_store %arg5[%parallel_loop3A_612, %parallel_loop3A_613, %parallel_loop3A_614], %parallel_loop3A_610 {strides = array<i32>} : memref<19x8x256xf32, #tpu.memory_space<vmem>>, vector<16xf32>,
        %parallel_loop3A_616 = arith.mulf %parallel_loop3A_486, %parallel_loop3A_609 : vector<16xf32>
        %parallel_loop3A_617 = arith.constant 1 : i32
        %parallel_loop3A_618 = arith.index_cast %parallel_loop3A_617 : i32 to index
        %parallel_loop3A_619 = arith.index_cast %parallel_loop3A_298 : i32 to index
        %parallel_loop3A_620 = arith.index_cast %parallel_loop3A_302 : i32 to index
        %parallel_loop3A_621 = tpu.vector_load %arg5[%parallel_loop3A_618, %parallel_loop3A_619, %parallel_loop3A_620] {strides = array<i32>} : memref<19x8x256xf32, #tpu.memory_space<vmem>>, vector<16xf32>,
        tpu.vector_store %arg5[%parallel_loop3A_618, %parallel_loop3A_619, %parallel_loop3A_620], %parallel_loop3A_616 {strides = array<i32>} : memref<19x8x256xf32, #tpu.memory_space<vmem>>, vector<16xf32>,
        %parallel_loop3A_622 = arith.mulf %parallel_loop3A_492, %parallel_loop3A_609 : vector<16xf32>
        %parallel_loop3A_623 = arith.constant 2 : i32
        %parallel_loop3A_624 = arith.index_cast %parallel_loop3A_623 : i32 to index
        %parallel_loop3A_625 = arith.index_cast %parallel_loop3A_298 : i32 to index
        %parallel_loop3A_626 = arith.index_cast %parallel_loop3A_302 : i32 to index
        %parallel_loop3A_627 = tpu.vector_load %arg5[%parallel_loop3A_624, %parallel_loop3A_625, %parallel_loop3A_626] {strides = array<i32>} : memref<19x8x256xf32, #tpu.memory_space<vmem>>, vector<16xf32>,
        tpu.vector_store %arg5[%parallel_loop3A_624, %parallel_loop3A_625, %parallel_loop3A_626], %parallel_loop3A_622 {strides = array<i32>} : memref<19x8x256xf32, #tpu.memory_space<vmem>>, vector<16xf32>,
        %parallel_loop3A_628 = arith.mulf %parallel_loop3A_498, %parallel_loop3A_609 : vector<16xf32>
        %parallel_loop3A_629 = arith.constant 3 : i32
        %parallel_loop3A_630 = arith.index_cast %parallel_loop3A_629 : i32 to index
        %parallel_loop3A_631 = arith.index_cast %parallel_loop3A_298 : i32 to index
        %parallel_loop3A_632 = arith.index_cast %parallel_loop3A_302 : i32 to index
        %parallel_loop3A_633 = tpu.vector_load %arg5[%parallel_loop3A_630, %parallel_loop3A_631, %parallel_loop3A_632] {strides = array<i32>} : memref<19x8x256xf32, #tpu.memory_space<vmem>>, vector<16xf32>,
        tpu.vector_store %arg5[%parallel_loop3A_630, %parallel_loop3A_631, %parallel_loop3A_632], %parallel_loop3A_628 {strides = array<i32>} : memref<19x8x256xf32, #tpu.memory_space<vmem>>, vector<16xf32>,
        %parallel_loop3A_634 = arith.mulf %parallel_loop3A_504, %parallel_loop3A_609 : vector<16xf32>
        %parallel_loop3A_635 = arith.constant 4 : i32
        %parallel_loop3A_636 = arith.index_cast %parallel_loop3A_635 : i32 to index
        %parallel_loop3A_637 = arith.index_cast %parallel_loop3A_298 : i32 to index
        %parallel_loop3A_638 = arith.index_cast %parallel_loop3A_302 : i32 to index
        %parallel_loop3A_639 = tpu.vector_load %arg5[%parallel_loop3A_636, %parallel_loop3A_637, %parallel_loop3A_638] {strides = array<i32>} : memref<19x8x256xf32, #tpu.memory_space<vmem>>, vector<16xf32>,
        tpu.vector_store %arg5[%parallel_loop3A_636, %parallel_loop3A_637, %parallel_loop3A_638], %parallel_loop3A_634 {strides = array<i32>} : memref<19x8x256xf32, #tpu.memory_space<vmem>>, vector<16xf32>,
        %parallel_loop3A_640 = arith.mulf %parallel_loop3A_510, %parallel_loop3A_609 : vector<16xf32>
        %parallel_loop3A_641 = arith.constant 5 : i32
        %parallel_loop3A_642 = arith.index_cast %parallel_loop3A_641 : i32 to index
        %parallel_loop3A_643 = arith.index_cast %parallel_loop3A_298 : i32 to index
        %parallel_loop3A_644 = arith.index_cast %parallel_loop3A_302 : i32 to index
        %parallel_loop3A_645 = tpu.vector_load %arg5[%parallel_loop3A_642, %parallel_loop3A_643, %parallel_loop3A_644] {strides = array<i32>} : memref<19x8x256xf32, #tpu.memory_space<vmem>>, vector<16xf32>,
        tpu.vector_store %arg5[%parallel_loop3A_642, %parallel_loop3A_643, %parallel_loop3A_644], %parallel_loop3A_640 {strides = array<i32>} : memref<19x8x256xf32, #tpu.memory_space<vmem>>, vector<16xf32>,
        %parallel_loop3A_646 = arith.mulf %parallel_loop3A_516, %parallel_loop3A_609 : vector<16xf32>
        %parallel_loop3A_647 = arith.constant 6 : i32
        %parallel_loop3A_648 = arith.index_cast %parallel_loop3A_647 : i32 to index
        %parallel_loop3A_649 = arith.index_cast %parallel_loop3A_298 : i32 to index
        %parallel_loop3A_650 = arith.index_cast %parallel_loop3A_302 : i32 to index
        %parallel_loop3A_651 = tpu.vector_load %arg5[%parallel_loop3A_648, %parallel_loop3A_649, %parallel_loop3A_650] {strides = array<i32>} : memref<19x8x256xf32, #tpu.memory_space<vmem>>, vector<16xf32>,
        tpu.vector_store %arg5[%parallel_loop3A_648, %parallel_loop3A_649, %parallel_loop3A_650], %parallel_loop3A_646 {strides = array<i32>} : memref<19x8x256xf32, #tpu.memory_space<vmem>>, vector<16xf32>,
        %parallel_loop3A_652 = arith.mulf %parallel_loop3A_522, %parallel_loop3A_609 : vector<16xf32>
        %parallel_loop3A_653 = arith.constant 7 : i32
        %parallel_loop3A_654 = arith.index_cast %parallel_loop3A_653 : i32 to index
        %parallel_loop3A_655 = arith.index_cast %parallel_loop3A_298 : i32 to index
        %parallel_loop3A_656 = arith.index_cast %parallel_loop3A_302 : i32 to index
        %parallel_loop3A_657 = tpu.vector_load %arg5[%parallel_loop3A_654, %parallel_loop3A_655, %parallel_loop3A_656] {strides = array<i32>} : memref<19x8x256xf32, #tpu.memory_space<vmem>>, vector<16xf32>,
        tpu.vector_store %arg5[%parallel_loop3A_654, %parallel_loop3A_655, %parallel_loop3A_656], %parallel_loop3A_652 {strides = array<i32>} : memref<19x8x256xf32, #tpu.memory_space<vmem>>, vector<16xf32>,
        %parallel_loop3A_658 = arith.mulf %parallel_loop3A_528, %parallel_loop3A_609 : vector<16xf32>
        %parallel_loop3A_659 = arith.constant 8 : i32
        %parallel_loop3A_660 = arith.index_cast %parallel_loop3A_659 : i32 to index
        %parallel_loop3A_661 = arith.index_cast %parallel_loop3A_298 : i32 to index
        %parallel_loop3A_662 = arith.index_cast %parallel_loop3A_302 : i32 to index
        %parallel_loop3A_663 = tpu.vector_load %arg5[%parallel_loop3A_660, %parallel_loop3A_661, %parallel_loop3A_662] {strides = array<i32>} : memref<19x8x256xf32, #tpu.memory_space<vmem>>, vector<16xf32>,
        tpu.vector_store %arg5[%parallel_loop3A_660, %parallel_loop3A_661, %parallel_loop3A_662], %parallel_loop3A_658 {strides = array<i32>} : memref<19x8x256xf32, #tpu.memory_space<vmem>>, vector<16xf32>,
        %parallel_loop3A_664 = arith.mulf %parallel_loop3A_534, %parallel_loop3A_609 : vector<16xf32>
        %parallel_loop3A_665 = arith.constant 9 : i32
        %parallel_loop3A_666 = arith.index_cast %parallel_loop3A_665 : i32 to index
        %parallel_loop3A_667 = arith.index_cast %parallel_loop3A_298 : i32 to index
        %parallel_loop3A_668 = arith.index_cast %parallel_loop3A_302 : i32 to index
        %parallel_loop3A_669 = tpu.vector_load %arg5[%parallel_loop3A_666, %parallel_loop3A_667, %parallel_loop3A_668] {strides = array<i32>} : memref<19x8x256xf32, #tpu.memory_space<vmem>>, vector<16xf32>,
        tpu.vector_store %arg5[%parallel_loop3A_666, %parallel_loop3A_667, %parallel_loop3A_668], %parallel_loop3A_664 {strides = array<i32>} : memref<19x8x256xf32, #tpu.memory_space<vmem>>, vector<16xf32>,
        %parallel_loop3A_670 = arith.mulf %parallel_loop3A_540, %parallel_loop3A_609 : vector<16xf32>
        %parallel_loop3A_671 = arith.constant 10 : i32
        %parallel_loop3A_672 = arith.index_cast %parallel_loop3A_671 : i32 to index
        %parallel_loop3A_673 = arith.index_cast %parallel_loop3A_298 : i32 to index
        %parallel_loop3A_674 = arith.index_cast %parallel_loop3A_302 : i32 to index
        %parallel_loop3A_675 = tpu.vector_load %arg5[%parallel_loop3A_672, %parallel_loop3A_673, %parallel_loop3A_674] {strides = array<i32>} : memref<19x8x256xf32, #tpu.memory_space<vmem>>, vector<16xf32>,
        tpu.vector_store %arg5[%parallel_loop3A_672, %parallel_loop3A_673, %parallel_loop3A_674], %parallel_loop3A_670 {strides = array<i32>} : memref<19x8x256xf32, #tpu.memory_space<vmem>>, vector<16xf32>,
        %parallel_loop3A_676 = arith.mulf %parallel_loop3A_546, %parallel_loop3A_609 : vector<16xf32>
        %parallel_loop3A_677 = arith.constant 11 : i32
        %parallel_loop3A_678 = arith.index_cast %parallel_loop3A_677 : i32 to index
        %parallel_loop3A_679 = arith.index_cast %parallel_loop3A_298 : i32 to index
        %parallel_loop3A_680 = arith.index_cast %parallel_loop3A_302 : i32 to index
        %parallel_loop3A_681 = tpu.vector_load %arg5[%parallel_loop3A_678, %parallel_loop3A_679, %parallel_loop3A_680] {strides = array<i32>} : memref<19x8x256xf32, #tpu.memory_space<vmem>>, vector<16xf32>,
        tpu.vector_store %arg5[%parallel_loop3A_678, %parallel_loop3A_679, %parallel_loop3A_680], %parallel_loop3A_676 {strides = array<i32>} : memref<19x8x256xf32, #tpu.memory_space<vmem>>, vector<16xf32>,
        %parallel_loop3A_682 = arith.mulf %parallel_loop3A_552, %parallel_loop3A_609 : vector<16xf32>
        %parallel_loop3A_683 = arith.constant 12 : i32
        %parallel_loop3A_684 = arith.index_cast %parallel_loop3A_683 : i32 to index
        %parallel_loop3A_685 = arith.index_cast %parallel_loop3A_298 : i32 to index
        %parallel_loop3A_686 = arith.index_cast %parallel_loop3A_302 : i32 to index
        %parallel_loop3A_687 = tpu.vector_load %arg5[%parallel_loop3A_684, %parallel_loop3A_685, %parallel_loop3A_686] {strides = array<i32>} : memref<19x8x256xf32, #tpu.memory_space<vmem>>, vector<16xf32>,
        tpu.vector_store %arg5[%parallel_loop3A_684, %parallel_loop3A_685, %parallel_loop3A_686], %parallel_loop3A_682 {strides = array<i32>} : memref<19x8x256xf32, #tpu.memory_space<vmem>>, vector<16xf32>,
        %parallel_loop3A_688 = arith.mulf %parallel_loop3A_558, %parallel_loop3A_609 : vector<16xf32>
        %parallel_loop3A_689 = arith.constant 13 : i32
        %parallel_loop3A_690 = arith.index_cast %parallel_loop3A_689 : i32 to index
        %parallel_loop3A_691 = arith.index_cast %parallel_loop3A_298 : i32 to index
        %parallel_loop3A_692 = arith.index_cast %parallel_loop3A_302 : i32 to index
        %parallel_loop3A_693 = tpu.vector_load %arg5[%parallel_loop3A_690, %parallel_loop3A_691, %parallel_loop3A_692] {strides = array<i32>} : memref<19x8x256xf32, #tpu.memory_space<vmem>>, vector<16xf32>,
        tpu.vector_store %arg5[%parallel_loop3A_690, %parallel_loop3A_691, %parallel_loop3A_692], %parallel_loop3A_688 {strides = array<i32>} : memref<19x8x256xf32, #tpu.memory_space<vmem>>, vector<16xf32>,
        %parallel_loop3A_694 = arith.mulf %parallel_loop3A_564, %parallel_loop3A_609 : vector<16xf32>
        %parallel_loop3A_695 = arith.constant 14 : i32
        %parallel_loop3A_696 = arith.index_cast %parallel_loop3A_695 : i32 to index
        %parallel_loop3A_697 = arith.index_cast %parallel_loop3A_298 : i32 to index
        %parallel_loop3A_698 = arith.index_cast %parallel_loop3A_302 : i32 to index
        %parallel_loop3A_699 = tpu.vector_load %arg5[%parallel_loop3A_696, %parallel_loop3A_697, %parallel_loop3A_698] {strides = array<i32>} : memref<19x8x256xf32, #tpu.memory_space<vmem>>, vector<16xf32>,
        tpu.vector_store %arg5[%parallel_loop3A_696, %parallel_loop3A_697, %parallel_loop3A_698], %parallel_loop3A_694 {strides = array<i32>} : memref<19x8x256xf32, #tpu.memory_space<vmem>>, vector<16xf32>,
        %parallel_loop3A_700 = arith.mulf %parallel_loop3A_570, %parallel_loop3A_609 : vector<16xf32>
        %parallel_loop3A_701 = arith.constant 15 : i32
        %parallel_loop3A_702 = arith.index_cast %parallel_loop3A_701 : i32 to index
        %parallel_loop3A_703 = arith.index_cast %parallel_loop3A_298 : i32 to index
        %parallel_loop3A_704 = arith.index_cast %parallel_loop3A_302 : i32 to index
        %parallel_loop3A_705 = tpu.vector_load %arg5[%parallel_loop3A_702, %parallel_loop3A_703, %parallel_loop3A_704] {strides = array<i32>} : memref<19x8x256xf32, #tpu.memory_space<vmem>>, vector<16xf32>,
        tpu.vector_store %arg5[%parallel_loop3A_702, %parallel_loop3A_703, %parallel_loop3A_704], %parallel_loop3A_700 {strides = array<i32>} : memref<19x8x256xf32, #tpu.memory_space<vmem>>, vector<16xf32>,
        %parallel_loop3A_706 = arith.mulf %parallel_loop3A_576, %parallel_loop3A_609 : vector<16xf32>
        %parallel_loop3A_707 = arith.constant 16 : i32
        %parallel_loop3A_708 = arith.index_cast %parallel_loop3A_707 : i32 to index
        %parallel_loop3A_709 = arith.index_cast %parallel_loop3A_298 : i32 to index
        %parallel_loop3A_710 = arith.index_cast %parallel_loop3A_302 : i32 to index
        %parallel_loop3A_711 = tpu.vector_load %arg5[%parallel_loop3A_708, %parallel_loop3A_709, %parallel_loop3A_710] {strides = array<i32>} : memref<19x8x256xf32, #tpu.memory_space<vmem>>, vector<16xf32>,
        tpu.vector_store %arg5[%parallel_loop3A_708, %parallel_loop3A_709, %parallel_loop3A_710], %parallel_loop3A_706 {strides = array<i32>} : memref<19x8x256xf32, #tpu.memory_space<vmem>>, vector<16xf32>,
        %parallel_loop3A_712 = arith.mulf %parallel_loop3A_582, %parallel_loop3A_609 : vector<16xf32>
        %parallel_loop3A_713 = arith.constant 17 : i32
        %parallel_loop3A_714 = arith.index_cast %parallel_loop3A_713 : i32 to index
        %parallel_loop3A_715 = arith.index_cast %parallel_loop3A_298 : i32 to index
        %parallel_loop3A_716 = arith.index_cast %parallel_loop3A_302 : i32 to index
        %parallel_loop3A_717 = tpu.vector_load %arg5[%parallel_loop3A_714, %parallel_loop3A_715, %parallel_loop3A_716] {strides = array<i32>} : memref<19x8x256xf32, #tpu.memory_space<vmem>>, vector<16xf32>,
        tpu.vector_store %arg5[%parallel_loop3A_714, %parallel_loop3A_715, %parallel_loop3A_716], %parallel_loop3A_712 {strides = array<i32>} : memref<19x8x256xf32, #tpu.memory_space<vmem>>, vector<16xf32>,
        %parallel_loop3A_718 = arith.mulf %parallel_loop3A_588, %parallel_loop3A_609 : vector<16xf32>
        %parallel_loop3A_719 = arith.constant 18 : i32
        %parallel_loop3A_720 = arith.index_cast %parallel_loop3A_719 : i32 to index
        %parallel_loop3A_721 = arith.index_cast %parallel_loop3A_298 : i32 to index
        %parallel_loop3A_722 = arith.index_cast %parallel_loop3A_302 : i32 to index
        %parallel_loop3A_723 = tpu.vector_load %arg5[%parallel_loop3A_720, %parallel_loop3A_721, %parallel_loop3A_722] {strides = array<i32>} : memref<19x8x256xf32, #tpu.memory_space<vmem>>, vector<16xf32>,
        tpu.vector_store %arg5[%parallel_loop3A_720, %parallel_loop3A_721, %parallel_loop3A_722], %parallel_loop3A_718 {strides = array<i32>} : memref<19x8x256xf32, #tpu.memory_space<vmem>>, vector<16xf32>,
      } {sc.loop_unroll_factor = 1 : i64, sc.parallel_access}
      %shift_right_logical3A_160 = arith.constant 1 : i32
      %shift_right_logical3A_161 = arith.shrui %add3A_141, %shift_right_logical3A_160 : i32
      %mul3A_162 = arith.constant 8 : i32
      %mul3A_163 = arith.muli %shift_right_logical3A_161, %mul3A_162 : i32
      %add3A_164 = arith.addi %mul3A_32, %mul3A_163 : i32
      %and3A_165 = arith.constant 1 : i32
      %and3A_166 = arith.andi %add3A_141, %and3A_165 : i32
      %mul3A_167 = arith.constant 256 : i32
      %mul3A_168 = arith.muli %and3A_166, %mul3A_167 : i32
      %dma_start3A_169 = arith.constant 0 : i32
      %dma_start3A_170 = tpu.memref_slice %arg4[%select_n3A, %dma_start3A_169, %add3A_164, %mul3A_168] : memref<4x19x512x512xf32, #tpu.memory_space<hbm>> -> memref<1x19x8x256xf32, #tpu.memory_space<hbm>>
      %dma_start3A_171 = tpu.memref_squeeze %dma_start3A_170 : memref<1x19x8x256xf32, #tpu.memory_space<hbm>> -> memref<19x8x256xf32, #tpu.memory_space<hbm>>
      %dma_start3A_172 = arith.constant 0 : i32
      %dma_start3A_173 = tpu.memref_slice %arg4[%select_n3A, %dma_start3A_172, %add3A_164, %mul3A_168] : memref<4x19x512x512xf32, #tpu.memory_space<hbm>> -> memref<1x19x8x256xf32, #tpu.memory_space<hbm>>
      %dma_start3A_174 = tpu.memref_squeeze %dma_start3A_173 : memref<1x19x8x256xf32, #tpu.memory_space<hbm>> -> memref<19x8x256xf32, #tpu.memory_space<hbm>>
      tpu.enqueue_dma source(%arg5 : memref<19x8x256xf32, #tpu.memory_space<vmem>>) target(%dma_start3A_174 : memref<19x8x256xf32, #tpu.memory_space<hbm>>) target_semaphore(%arg12 : memref<!tpu.dma_semaphore, #tpu.memory_space<semaphore_mem>>)
      %ge3A = arith.constant 1 : i32
      %ge3A_175 = arith.cmpi sge, %scan3A_136, %ge3A : i32
      %convert_element_type3A = arith.extui %ge3A_175 : i1 to i32
      %cond3A = arith.constant 0 : i32
      %cond3A_176 = arith.cmpi ne, %convert_element_type3A, %cond3A : i32
      scf.if %cond3A_176 {
        %sub3A_296 = arith.constant 1 : i32
        %sub3A_297 = arith.subi %add3A_141, %sub3A_296 : i32
        %shift_right_logical3A_298 = arith.constant 1 : i32
        %shift_right_logical3A_299 = arith.shrui %sub3A_297, %shift_right_logical3A_298 : i32
        %mul3A_300 = arith.constant 8 : i32
        %mul3A_301 = arith.muli %shift_right_logical3A_299, %mul3A_300 : i32
        %add3A_302 = arith.addi %mul3A_32, %mul3A_301 : i32
        %and3A_303 = arith.constant 1 : i32
        %and3A_304 = arith.andi %sub3A_297, %and3A_303 : i32
        %mul3A_305 = arith.constant 256 : i32
        %mul3A_306 = arith.muli %and3A_304, %mul3A_305 : i32
        %dma_wait3A_307 = arith.constant 0 : i32
        %dma_wait3A_308 = tpu.memref_slice %arg4[%select_n3A, %dma_wait3A_307, %add3A_302, %mul3A_306] : memref<4x19x512x512xf32, #tpu.memory_space<hbm>> -> memref<1x19x8x256xf32, #tpu.memory_space<hbm>>
        %dma_wait3A_309 = tpu.memref_squeeze %dma_wait3A_308 : memref<1x19x8x256xf32, #tpu.memory_space<hbm>> -> memref<19x8x256xf32, #tpu.memory_space<hbm>>
        %dma_wait3A_310 = arith.constant 0 : i32
        %dma_wait3A_311 = tpu.memref_slice %arg4[%select_n3A, %dma_wait3A_310, %add3A_302, %mul3A_306] : memref<4x19x512x512xf32, #tpu.memory_space<hbm>> -> memref<1x19x8x256xf32, #tpu.memory_space<hbm>>
        %dma_wait3A_312 = tpu.memref_squeeze %dma_wait3A_311 : memref<1x19x8x256xf32, #tpu.memory_space<hbm>> -> memref<19x8x256xf32, #tpu.memory_space<hbm>>
        tpu.wait_dma2 semaphore(%arg14 : memref<!tpu.dma_semaphore, #tpu.memory_space<semaphore_mem>>) src(%arg7 : memref<19x8x256xf32, #tpu.memory_space<vmem>>) dst(%dma_wait3A_312 : memref<19x8x256xf32, #tpu.memory_space<hbm>>)
        %add3A_313 = arith.constant 2 : i32
        %add3A_314 = arith.addi %add3A_141, %add3A_313 : i32
        %shift_right_logical3A_315 = arith.constant 1 : i32
        %shift_right_logical3A_316 = arith.shrui %add3A_314, %shift_right_logical3A_315 : i32
        %mul3A_317 = arith.constant 8 : i32
        %mul3A_318 = arith.muli %shift_right_logical3A_316, %mul3A_317 : i32
        %add3A_319 = arith.addi %mul3A_32, %mul3A_318 : i32
        %and3A_320 = arith.constant 1 : i32
        %and3A_321 = arith.andi %add3A_314, %and3A_320 : i32
        %mul3A_322 = arith.constant 256 : i32
        %mul3A_323 = arith.muli %and3A_321, %mul3A_322 : i32
        %dma_start3A_324 = arith.constant 0 : i32
        %dma_start3A_325 = tpu.memref_slice %arg2[%select_n3A, %dma_start3A_324, %add3A_319, %mul3A_323] : memref<4x19x512x512xf32, #tpu.memory_space<hbm>> -> memref<1x19x8x256xf32, #tpu.memory_space<hbm>>
        %dma_start3A_326 = tpu.memref_squeeze %dma_start3A_325 : memref<1x19x8x256xf32, #tpu.memory_space<hbm>> -> memref<19x8x256xf32, #tpu.memory_space<hbm>>
        %dma_start3A_327 = arith.constant 0 : i32
        %dma_start3A_328 = tpu.memref_slice %arg2[%select_n3A, %dma_start3A_327, %add3A_319, %mul3A_323] : memref<4x19x512x512xf32, #tpu.memory_space<hbm>> -> memref<1x19x8x256xf32, #tpu.memory_space<hbm>>
        %dma_start3A_329 = tpu.memref_squeeze %dma_start3A_328 : memref<1x19x8x256xf32, #tpu.memory_space<hbm>> -> memref<19x8x256xf32, #tpu.memory_space<hbm>>
        tpu.enqueue_dma source(%dma_start3A_329 : memref<19x8x256xf32, #tpu.memory_space<hbm>>) target(%arg7 : memref<19x8x256xf32, #tpu.memory_space<vmem>>) target_semaphore(%arg11 : memref<!tpu.dma_semaphore, #tpu.memory_space<semaphore_mem>>)
      } else {
      }
      %lt3A_177 = arith.constant 1 : i32
      %lt3A_178 = arith.cmpi slt, %scan3A_136, %lt3A_177 : i32
      %convert_element_type3A_179 = arith.extui %lt3A_178 : i1 to i32
      %cond3A_180 = arith.constant 0 : i32
      %cond3A_181 = arith.cmpi ne, %convert_element_type3A_179, %cond3A_180 : i32
      scf.if %cond3A_181 {
        %add3A_296 = arith.constant 2 : i32
        %add3A_297 = arith.addi %add3A_141, %add3A_296 : i32
        %shift_right_logical3A_298 = arith.constant 1 : i32
        %shift_right_logical3A_299 = arith.shrui %add3A_297, %shift_right_logical3A_298 : i32
        %mul3A_300 = arith.constant 8 : i32
        %mul3A_301 = arith.muli %shift_right_logical3A_299, %mul3A_300 : i32
        %add3A_302 = arith.addi %mul3A_32, %mul3A_301 : i32
        %and3A_303 = arith.constant 1 : i32
        %and3A_304 = arith.andi %add3A_297, %and3A_303 : i32
        %mul3A_305 = arith.constant 256 : i32
        %mul3A_306 = arith.muli %and3A_304, %mul3A_305 : i32
        %dma_start3A_307 = arith.constant 0 : i32
        %dma_start3A_308 = tpu.memref_slice %arg2[%select_n3A, %dma_start3A_307, %add3A_302, %mul3A_306] : memref<4x19x512x512xf32, #tpu.memory_space<hbm>> -> memref<1x19x8x256xf32, #tpu.memory_space<hbm>>
        %dma_start3A_309 = tpu.memref_squeeze %dma_start3A_308 : memref<1x19x8x256xf32, #tpu.memory_space<hbm>> -> memref<19x8x256xf32, #tpu.memory_space<hbm>>
        %dma_start3A_310 = arith.constant 0 : i32
        %dma_start3A_311 = tpu.memref_slice %arg2[%select_n3A, %dma_start3A_310, %add3A_302, %mul3A_306] : memref<4x19x512x512xf32, #tpu.memory_space<hbm>> -> memref<1x19x8x256xf32, #tpu.memory_space<hbm>>
        %dma_start3A_312 = tpu.memref_squeeze %dma_start3A_311 : memref<1x19x8x256xf32, #tpu.memory_space<hbm>> -> memref<19x8x256xf32, #tpu.memory_space<hbm>>
        tpu.enqueue_dma source(%dma_start3A_312 : memref<19x8x256xf32, #tpu.memory_space<hbm>>) target(%arg7 : memref<19x8x256xf32, #tpu.memory_space<vmem>>) target_semaphore(%arg11 : memref<!tpu.dma_semaphore, #tpu.memory_space<semaphore_mem>>)
      } else {
      }
      %mul3A_182 = arith.constant 3 : i32
      %mul3A_183 = arith.muli %mul3A_182, %scan3A_136 : i32
      %add3A_184 = arith.constant 1 : i32
      %add3A_185 = arith.addi %mul3A_183, %add3A_184 : i32
      %shift_right_logical3A_186 = arith.constant 1 : i32
      %shift_right_logical3A_187 = arith.shrui %add3A_185, %shift_right_logical3A_186 : i32
      %mul3A_188 = arith.constant 8 : i32
      %mul3A_189 = arith.muli %shift_right_logical3A_187, %mul3A_188 : i32
      %add3A_190 = arith.addi %mul3A_32, %mul3A_189 : i32
      %and3A_191 = arith.constant 1 : i32
      %and3A_192 = arith.andi %add3A_185, %and3A_191 : i32
      %mul3A_193 = arith.constant 256 : i32
      %mul3A_194 = arith.muli %and3A_192, %mul3A_193 : i32
      %dma_wait3A_195 = arith.constant 0 : i32
      %dma_wait3A_196 = tpu.memref_slice %arg2[%select_n3A, %dma_wait3A_195, %add3A_190, %mul3A_194] : memref<4x19x512x512xf32, #tpu.memory_space<hbm>> -> memref<1x19x8x256xf32, #tpu.memory_space<hbm>>
      %dma_wait3A_197 = tpu.memref_squeeze %dma_wait3A_196 : memref<1x19x8x256xf32, #tpu.memory_space<hbm>> -> memref<19x8x256xf32, #tpu.memory_space<hbm>>
      %dma_wait3A_198 = arith.constant 0 : i32
      %dma_wait3A_199 = tpu.memref_slice %arg2[%select_n3A, %dma_wait3A_198, %add3A_190, %mul3A_194] : memref<4x19x512x512xf32, #tpu.memory_space<hbm>> -> memref<1x19x8x256xf32, #tpu.memory_space<hbm>>
      %dma_wait3A_200 = tpu.memref_squeeze %dma_wait3A_199 : memref<1x19x8x256xf32, #tpu.memory_space<hbm>> -> memref<19x8x256xf32, #tpu.memory_space<hbm>>
      tpu.wait_dma2 semaphore(%arg10 : memref<!tpu.dma_semaphore, #tpu.memory_space<semaphore_mem>>) src(%dma_wait3A_200 : memref<19x8x256xf32, #tpu.memory_space<hbm>>) dst(%arg6 : memref<19x8x256xf32, #tpu.memory_space<vmem>>)
      %parallel_loop3A_201 = arith.constant 0 : i32
      %parallel_loop3A_202 = arith.constant 128 : i32
      %parallel_loop3A_203 = arith.constant 1 : i32
      scf.for %parallel_loop3A_296 = %parallel_loop3A_201 to %parallel_loop3A_202 step %parallel_loop3A_203  : i32 {
        %parallel_loop3A_297 = arith.constant 4 : i32
        %parallel_loop3A_298 = arith.shrui %parallel_loop3A_296, %parallel_loop3A_297 : i32
        %parallel_loop3A_299 = arith.constant 15 : i32
        %parallel_loop3A_300 = arith.andi %parallel_loop3A_296, %parallel_loop3A_299 : i32
        %parallel_loop3A_301 = arith.constant 4 : i32
        %parallel_loop3A_302 = arith.shli %parallel_loop3A_300, %parallel_loop3A_301 : i32
        %parallel_loop3A_303 = arith.constant 0 : i32
        %parallel_loop3A_304 = arith.index_cast %parallel_loop3A_303 : i32 to index
        %parallel_loop3A_305 = arith.index_cast %parallel_loop3A_298 : i32 to index
        %parallel_loop3A_306 = arith.index_cast %parallel_loop3A_302 : i32 to index
        %parallel_loop3A_307 = tpu.vector_load %arg6[%parallel_loop3A_304, %parallel_loop3A_305, %parallel_loop3A_306] {strides = array<i32>} : memref<19x8x256xf32, #tpu.memory_space<vmem>>, vector<16xf32>,
        %parallel_loop3A_308 = arith.constant 1 : i32
        %parallel_loop3A_309 = arith.index_cast %parallel_loop3A_308 : i32 to index
        %parallel_loop3A_310 = arith.index_cast %parallel_loop3A_298 : i32 to index
        %parallel_loop3A_311 = arith.index_cast %parallel_loop3A_302 : i32 to index
        %parallel_loop3A_312 = tpu.vector_load %arg6[%parallel_loop3A_309, %parallel_loop3A_310, %parallel_loop3A_311] {strides = array<i32>} : memref<19x8x256xf32, #tpu.memory_space<vmem>>, vector<16xf32>,
        %parallel_loop3A_313 = arith.constant 2 : i32
        %parallel_loop3A_314 = arith.index_cast %parallel_loop3A_313 : i32 to index
        %parallel_loop3A_315 = arith.index_cast %parallel_loop3A_298 : i32 to index
        %parallel_loop3A_316 = arith.index_cast %parallel_loop3A_302 : i32 to index
        %parallel_loop3A_317 = tpu.vector_load %arg6[%parallel_loop3A_314, %parallel_loop3A_315, %parallel_loop3A_316] {strides = array<i32>} : memref<19x8x256xf32, #tpu.memory_space<vmem>>, vector<16xf32>,
        %parallel_loop3A_318 = arith.constant 3 : i32
        %parallel_loop3A_319 = arith.index_cast %parallel_loop3A_318 : i32 to index
        %parallel_loop3A_320 = arith.index_cast %parallel_loop3A_298 : i32 to index
        %parallel_loop3A_321 = arith.index_cast %parallel_loop3A_302 : i32 to index
        %parallel_loop3A_322 = tpu.vector_load %arg6[%parallel_loop3A_319, %parallel_loop3A_320, %parallel_loop3A_321] {strides = array<i32>} : memref<19x8x256xf32, #tpu.memory_space<vmem>>, vector<16xf32>,
        %parallel_loop3A_323 = arith.constant 4 : i32
        %parallel_loop3A_324 = arith.index_cast %parallel_loop3A_323 : i32 to index
        %parallel_loop3A_325 = arith.index_cast %parallel_loop3A_298 : i32 to index
        %parallel_loop3A_326 = arith.index_cast %parallel_loop3A_302 : i32 to index
        %parallel_loop3A_327 = tpu.vector_load %arg6[%parallel_loop3A_324, %parallel_loop3A_325, %parallel_loop3A_326] {strides = array<i32>} : memref<19x8x256xf32, #tpu.memory_space<vmem>>, vector<16xf32>,
        %parallel_loop3A_328 = arith.constant 5 : i32
        %parallel_loop3A_329 = arith.index_cast %parallel_loop3A_328 : i32 to index
        %parallel_loop3A_330 = arith.index_cast %parallel_loop3A_298 : i32 to index
        %parallel_loop3A_331 = arith.index_cast %parallel_loop3A_302 : i32 to index
        %parallel_loop3A_332 = tpu.vector_load %arg6[%parallel_loop3A_329, %parallel_loop3A_330, %parallel_loop3A_331] {strides = array<i32>} : memref<19x8x256xf32, #tpu.memory_space<vmem>>, vector<16xf32>,
        %parallel_loop3A_333 = arith.constant 6 : i32
        %parallel_loop3A_334 = arith.index_cast %parallel_loop3A_333 : i32 to index
        %parallel_loop3A_335 = arith.index_cast %parallel_loop3A_298 : i32 to index
        %parallel_loop3A_336 = arith.index_cast %parallel_loop3A_302 : i32 to index
        %parallel_loop3A_337 = tpu.vector_load %arg6[%parallel_loop3A_334, %parallel_loop3A_335, %parallel_loop3A_336] {strides = array<i32>} : memref<19x8x256xf32, #tpu.memory_space<vmem>>, vector<16xf32>,
        %parallel_loop3A_338 = arith.constant 7 : i32
        %parallel_loop3A_339 = arith.index_cast %parallel_loop3A_338 : i32 to index
        %parallel_loop3A_340 = arith.index_cast %parallel_loop3A_298 : i32 to index
        %parallel_loop3A_341 = arith.index_cast %parallel_loop3A_302 : i32 to index
        %parallel_loop3A_342 = tpu.vector_load %arg6[%parallel_loop3A_339, %parallel_loop3A_340, %parallel_loop3A_341] {strides = array<i32>} : memref<19x8x256xf32, #tpu.memory_space<vmem>>, vector<16xf32>,
        %parallel_loop3A_343 = arith.constant 8 : i32
        %parallel_loop3A_344 = arith.index_cast %parallel_loop3A_343 : i32 to index
        %parallel_loop3A_345 = arith.index_cast %parallel_loop3A_298 : i32 to index
        %parallel_loop3A_346 = arith.index_cast %parallel_loop3A_302 : i32 to index
        %parallel_loop3A_347 = tpu.vector_load %arg6[%parallel_loop3A_344, %parallel_loop3A_345, %parallel_loop3A_346] {strides = array<i32>} : memref<19x8x256xf32, #tpu.memory_space<vmem>>, vector<16xf32>,
        %parallel_loop3A_348 = arith.constant 9 : i32
        %parallel_loop3A_349 = arith.index_cast %parallel_loop3A_348 : i32 to index
        %parallel_loop3A_350 = arith.index_cast %parallel_loop3A_298 : i32 to index
        %parallel_loop3A_351 = arith.index_cast %parallel_loop3A_302 : i32 to index
        %parallel_loop3A_352 = tpu.vector_load %arg6[%parallel_loop3A_349, %parallel_loop3A_350, %parallel_loop3A_351] {strides = array<i32>} : memref<19x8x256xf32, #tpu.memory_space<vmem>>, vector<16xf32>,
        %parallel_loop3A_353 = arith.constant 10 : i32
        %parallel_loop3A_354 = arith.index_cast %parallel_loop3A_353 : i32 to index
        %parallel_loop3A_355 = arith.index_cast %parallel_loop3A_298 : i32 to index
        %parallel_loop3A_356 = arith.index_cast %parallel_loop3A_302 : i32 to index
        %parallel_loop3A_357 = tpu.vector_load %arg6[%parallel_loop3A_354, %parallel_loop3A_355, %parallel_loop3A_356] {strides = array<i32>} : memref<19x8x256xf32, #tpu.memory_space<vmem>>, vector<16xf32>,
        %parallel_loop3A_358 = arith.constant 11 : i32
        %parallel_loop3A_359 = arith.index_cast %parallel_loop3A_358 : i32 to index
        %parallel_loop3A_360 = arith.index_cast %parallel_loop3A_298 : i32 to index
        %parallel_loop3A_361 = arith.index_cast %parallel_loop3A_302 : i32 to index
        %parallel_loop3A_362 = tpu.vector_load %arg6[%parallel_loop3A_359, %parallel_loop3A_360, %parallel_loop3A_361] {strides = array<i32>} : memref<19x8x256xf32, #tpu.memory_space<vmem>>, vector<16xf32>,
        %parallel_loop3A_363 = arith.constant 12 : i32
        %parallel_loop3A_364 = arith.index_cast %parallel_loop3A_363 : i32 to index
        %parallel_loop3A_365 = arith.index_cast %parallel_loop3A_298 : i32 to index
        %parallel_loop3A_366 = arith.index_cast %parallel_loop3A_302 : i32 to index
        %parallel_loop3A_367 = tpu.vector_load %arg6[%parallel_loop3A_364, %parallel_loop3A_365, %parallel_loop3A_366] {strides = array<i32>} : memref<19x8x256xf32, #tpu.memory_space<vmem>>, vector<16xf32>,
        %parallel_loop3A_368 = arith.constant 13 : i32
        %parallel_loop3A_369 = arith.index_cast %parallel_loop3A_368 : i32 to index
        %parallel_loop3A_370 = arith.index_cast %parallel_loop3A_298 : i32 to index
        %parallel_loop3A_371 = arith.index_cast %parallel_loop3A_302 : i32 to index
        %parallel_loop3A_372 = tpu.vector_load %arg6[%parallel_loop3A_369, %parallel_loop3A_370, %parallel_loop3A_371] {strides = array<i32>} : memref<19x8x256xf32, #tpu.memory_space<vmem>>, vector<16xf32>,
        %parallel_loop3A_373 = arith.constant 14 : i32
        %parallel_loop3A_374 = arith.index_cast %parallel_loop3A_373 : i32 to index
        %parallel_loop3A_375 = arith.index_cast %parallel_loop3A_298 : i32 to index
        %parallel_loop3A_376 = arith.index_cast %parallel_loop3A_302 : i32 to index
        %parallel_loop3A_377 = tpu.vector_load %arg6[%parallel_loop3A_374, %parallel_loop3A_375, %parallel_loop3A_376] {strides = array<i32>} : memref<19x8x256xf32, #tpu.memory_space<vmem>>, vector<16xf32>,
        %parallel_loop3A_378 = arith.constant 15 : i32
        %parallel_loop3A_379 = arith.index_cast %parallel_loop3A_378 : i32 to index
        %parallel_loop3A_380 = arith.index_cast %parallel_loop3A_298 : i32 to index
        %parallel_loop3A_381 = arith.index_cast %parallel_loop3A_302 : i32 to index
        %parallel_loop3A_382 = tpu.vector_load %arg6[%parallel_loop3A_379, %parallel_loop3A_380, %parallel_loop3A_381] {strides = array<i32>} : memref<19x8x256xf32, #tpu.memory_space<vmem>>, vector<16xf32>,
        %parallel_loop3A_383 = arith.constant 16 : i32
        %parallel_loop3A_384 = arith.index_cast %parallel_loop3A_383 : i32 to index
        %parallel_loop3A_385 = arith.index_cast %parallel_loop3A_298 : i32 to index
        %parallel_loop3A_386 = arith.index_cast %parallel_loop3A_302 : i32 to index
        %parallel_loop3A_387 = tpu.vector_load %arg6[%parallel_loop3A_384, %parallel_loop3A_385, %parallel_loop3A_386] {strides = array<i32>} : memref<19x8x256xf32, #tpu.memory_space<vmem>>, vector<16xf32>,
        %parallel_loop3A_388 = arith.constant 17 : i32
        %parallel_loop3A_389 = arith.index_cast %parallel_loop3A_388 : i32 to index
        %parallel_loop3A_390 = arith.index_cast %parallel_loop3A_298 : i32 to index
        %parallel_loop3A_391 = arith.index_cast %parallel_loop3A_302 : i32 to index
        %parallel_loop3A_392 = tpu.vector_load %arg6[%parallel_loop3A_389, %parallel_loop3A_390, %parallel_loop3A_391] {strides = array<i32>} : memref<19x8x256xf32, #tpu.memory_space<vmem>>, vector<16xf32>,
        %parallel_loop3A_393 = arith.constant 18 : i32
        %parallel_loop3A_394 = arith.index_cast %parallel_loop3A_393 : i32 to index
        %parallel_loop3A_395 = arith.index_cast %parallel_loop3A_298 : i32 to index
        %parallel_loop3A_396 = arith.index_cast %parallel_loop3A_302 : i32 to index
        %parallel_loop3A_397 = tpu.vector_load %arg6[%parallel_loop3A_394, %parallel_loop3A_395, %parallel_loop3A_396] {strides = array<i32>} : memref<19x8x256xf32, #tpu.memory_space<vmem>>, vector<16xf32>,
        %parallel_loop3A_398 = arith.maximumf %parallel_loop3A_307, %parallel_loop3A_312 : vector<16xf32>
        %parallel_loop3A_399 = arith.maximumf %parallel_loop3A_398, %parallel_loop3A_317 : vector<16xf32>
        %parallel_loop3A_400 = arith.maximumf %parallel_loop3A_399, %parallel_loop3A_322 : vector<16xf32>
        %parallel_loop3A_401 = arith.maximumf %parallel_loop3A_400, %parallel_loop3A_327 : vector<16xf32>
        %parallel_loop3A_402 = arith.maximumf %parallel_loop3A_401, %parallel_loop3A_332 : vector<16xf32>
        %parallel_loop3A_403 = arith.maximumf %parallel_loop3A_402, %parallel_loop3A_337 : vector<16xf32>
        %parallel_loop3A_404 = arith.maximumf %parallel_loop3A_403, %parallel_loop3A_342 : vector<16xf32>
        %parallel_loop3A_405 = arith.maximumf %parallel_loop3A_404, %parallel_loop3A_347 : vector<16xf32>
        %parallel_loop3A_406 = arith.maximumf %parallel_loop3A_405, %parallel_loop3A_352 : vector<16xf32>
        %parallel_loop3A_407 = arith.maximumf %parallel_loop3A_406, %parallel_loop3A_357 : vector<16xf32>
        %parallel_loop3A_408 = arith.maximumf %parallel_loop3A_407, %parallel_loop3A_362 : vector<16xf32>
        %parallel_loop3A_409 = arith.maximumf %parallel_loop3A_408, %parallel_loop3A_367 : vector<16xf32>
        %parallel_loop3A_410 = arith.maximumf %parallel_loop3A_409, %parallel_loop3A_372 : vector<16xf32>
        %parallel_loop3A_411 = arith.maximumf %parallel_loop3A_410, %parallel_loop3A_377 : vector<16xf32>
        %parallel_loop3A_412 = arith.maximumf %parallel_loop3A_411, %parallel_loop3A_382 : vector<16xf32>
        %parallel_loop3A_413 = arith.maximumf %parallel_loop3A_412, %parallel_loop3A_387 : vector<16xf32>
        %parallel_loop3A_414 = arith.maximumf %parallel_loop3A_413, %parallel_loop3A_392 : vector<16xf32>
        %parallel_loop3A_415 = arith.maximumf %parallel_loop3A_414, %parallel_loop3A_397 : vector<16xf32>
        %parallel_loop3A_416 = arith.subf %parallel_loop3A_307, %parallel_loop3A_415 : vector<16xf32>
        %parallel_loop3A_417 = math.exp %parallel_loop3A_416 : vector<16xf32>
        %parallel_loop3A_418 = arith.subf %parallel_loop3A_312, %parallel_loop3A_415 : vector<16xf32>
        %parallel_loop3A_419 = math.exp %parallel_loop3A_418 : vector<16xf32>
        %parallel_loop3A_420 = arith.subf %parallel_loop3A_317, %parallel_loop3A_415 : vector<16xf32>
        %parallel_loop3A_421 = math.exp %parallel_loop3A_420 : vector<16xf32>
        %parallel_loop3A_422 = arith.subf %parallel_loop3A_322, %parallel_loop3A_415 : vector<16xf32>
        %parallel_loop3A_423 = math.exp %parallel_loop3A_422 : vector<16xf32>
        %parallel_loop3A_424 = arith.subf %parallel_loop3A_327, %parallel_loop3A_415 : vector<16xf32>
        %parallel_loop3A_425 = math.exp %parallel_loop3A_424 : vector<16xf32>
        %parallel_loop3A_426 = arith.subf %parallel_loop3A_332, %parallel_loop3A_415 : vector<16xf32>
        %parallel_loop3A_427 = math.exp %parallel_loop3A_426 : vector<16xf32>
        %parallel_loop3A_428 = arith.subf %parallel_loop3A_337, %parallel_loop3A_415 : vector<16xf32>
        %parallel_loop3A_429 = math.exp %parallel_loop3A_428 : vector<16xf32>
        %parallel_loop3A_430 = arith.subf %parallel_loop3A_342, %parallel_loop3A_415 : vector<16xf32>
        %parallel_loop3A_431 = math.exp %parallel_loop3A_430 : vector<16xf32>
        %parallel_loop3A_432 = arith.subf %parallel_loop3A_347, %parallel_loop3A_415 : vector<16xf32>
        %parallel_loop3A_433 = math.exp %parallel_loop3A_432 : vector<16xf32>
        %parallel_loop3A_434 = arith.subf %parallel_loop3A_352, %parallel_loop3A_415 : vector<16xf32>
        %parallel_loop3A_435 = math.exp %parallel_loop3A_434 : vector<16xf32>
        %parallel_loop3A_436 = arith.subf %parallel_loop3A_357, %parallel_loop3A_415 : vector<16xf32>
        %parallel_loop3A_437 = math.exp %parallel_loop3A_436 : vector<16xf32>
        %parallel_loop3A_438 = arith.subf %parallel_loop3A_362, %parallel_loop3A_415 : vector<16xf32>
        %parallel_loop3A_439 = math.exp %parallel_loop3A_438 : vector<16xf32>
        %parallel_loop3A_440 = arith.subf %parallel_loop3A_367, %parallel_loop3A_415 : vector<16xf32>
        %parallel_loop3A_441 = math.exp %parallel_loop3A_440 : vector<16xf32>
        %parallel_loop3A_442 = arith.subf %parallel_loop3A_372, %parallel_loop3A_415 : vector<16xf32>
        %parallel_loop3A_443 = math.exp %parallel_loop3A_442 : vector<16xf32>
        %parallel_loop3A_444 = arith.subf %parallel_loop3A_377, %parallel_loop3A_415 : vector<16xf32>
        %parallel_loop3A_445 = math.exp %parallel_loop3A_444 : vector<16xf32>
        %parallel_loop3A_446 = arith.subf %parallel_loop3A_382, %parallel_loop3A_415 : vector<16xf32>
        %parallel_loop3A_447 = math.exp %parallel_loop3A_446 : vector<16xf32>
        %parallel_loop3A_448 = arith.subf %parallel_loop3A_387, %parallel_loop3A_415 : vector<16xf32>
        %parallel_loop3A_449 = math.exp %parallel_loop3A_448 : vector<16xf32>
        %parallel_loop3A_450 = arith.subf %parallel_loop3A_392, %parallel_loop3A_415 : vector<16xf32>
        %parallel_loop3A_451 = math.exp %parallel_loop3A_450 : vector<16xf32>
        %parallel_loop3A_452 = arith.subf %parallel_loop3A_397, %parallel_loop3A_415 : vector<16xf32>
        %parallel_loop3A_453 = math.exp %parallel_loop3A_452 : vector<16xf32>
        %parallel_loop3A_454 = arith.addf %parallel_loop3A_417, %parallel_loop3A_419 : vector<16xf32>
        %parallel_loop3A_455 = arith.addf %parallel_loop3A_454, %parallel_loop3A_421 : vector<16xf32>
        %parallel_loop3A_456 = arith.addf %parallel_loop3A_455, %parallel_loop3A_423 : vector<16xf32>
        %parallel_loop3A_457 = arith.addf %parallel_loop3A_456, %parallel_loop3A_425 : vector<16xf32>
        %parallel_loop3A_458 = arith.addf %parallel_loop3A_457, %parallel_loop3A_427 : vector<16xf32>
        %parallel_loop3A_459 = arith.addf %parallel_loop3A_458, %parallel_loop3A_429 : vector<16xf32>
        %parallel_loop3A_460 = arith.addf %parallel_loop3A_459, %parallel_loop3A_431 : vector<16xf32>
        %parallel_loop3A_461 = arith.addf %parallel_loop3A_460, %parallel_loop3A_433 : vector<16xf32>
        %parallel_loop3A_462 = arith.addf %parallel_loop3A_461, %parallel_loop3A_435 : vector<16xf32>
        %parallel_loop3A_463 = arith.addf %parallel_loop3A_462, %parallel_loop3A_437 : vector<16xf32>
        %parallel_loop3A_464 = arith.addf %parallel_loop3A_463, %parallel_loop3A_439 : vector<16xf32>
        %parallel_loop3A_465 = arith.addf %parallel_loop3A_464, %parallel_loop3A_441 : vector<16xf32>
        %parallel_loop3A_466 = arith.addf %parallel_loop3A_465, %parallel_loop3A_443 : vector<16xf32>
        %parallel_loop3A_467 = arith.addf %parallel_loop3A_466, %parallel_loop3A_445 : vector<16xf32>
        %parallel_loop3A_468 = arith.addf %parallel_loop3A_467, %parallel_loop3A_447 : vector<16xf32>
        %parallel_loop3A_469 = arith.addf %parallel_loop3A_468, %parallel_loop3A_449 : vector<16xf32>
        %parallel_loop3A_470 = arith.addf %parallel_loop3A_469, %parallel_loop3A_451 : vector<16xf32>
        %parallel_loop3A_471 = arith.addf %parallel_loop3A_470, %parallel_loop3A_453 : vector<16xf32>
        %parallel_loop3A_472 = arith.constant 1.500000e+01 : f32
        %parallel_loop3A_473 = vector.broadcast %parallel_loop3A_472 : f32 to vector<16xf32>
        %parallel_loop3A_474 = arith.divf %parallel_loop3A_473, %parallel_loop3A_471 : vector<16xf32>
        %parallel_loop3A_475 = arith.mulf %parallel_loop3A_417, %parallel_loop3A_474 : vector<16xf32>
        %parallel_loop3A_476 = arith.fptosi %parallel_loop3A_475 : vector<16xf32> to vector<16xi32>
        %parallel_loop3A_477 = arith.constant 0 : i32
        %parallel_loop3A_478 = vector.broadcast %parallel_loop3A_477 : i32 to vector<16xi32>
        %parallel_loop3A_479 = arith.addi %parallel_loop3A_476, %parallel_loop3A_478 : vector<16xi32>
        %parallel_loop3A_480 = tpu.vector_load_idx %arg8[%parallel_loop3A_479] : memref<304xf32, #tpu.memory_space<vmem>>[vector<16xi32>], vector<16xf32>,
        %parallel_loop3A_481 = arith.mulf %parallel_loop3A_419, %parallel_loop3A_474 : vector<16xf32>
        %parallel_loop3A_482 = arith.fptosi %parallel_loop3A_481 : vector<16xf32> to vector<16xi32>
        %parallel_loop3A_483 = arith.constant 16 : i32
        %parallel_loop3A_484 = vector.broadcast %parallel_loop3A_483 : i32 to vector<16xi32>
        %parallel_loop3A_485 = arith.addi %parallel_loop3A_482, %parallel_loop3A_484 : vector<16xi32>
        %parallel_loop3A_486 = tpu.vector_load_idx %arg8[%parallel_loop3A_485] : memref<304xf32, #tpu.memory_space<vmem>>[vector<16xi32>], vector<16xf32>,
        %parallel_loop3A_487 = arith.mulf %parallel_loop3A_421, %parallel_loop3A_474 : vector<16xf32>
        %parallel_loop3A_488 = arith.fptosi %parallel_loop3A_487 : vector<16xf32> to vector<16xi32>
        %parallel_loop3A_489 = arith.constant 32 : i32
        %parallel_loop3A_490 = vector.broadcast %parallel_loop3A_489 : i32 to vector<16xi32>
        %parallel_loop3A_491 = arith.addi %parallel_loop3A_488, %parallel_loop3A_490 : vector<16xi32>
        %parallel_loop3A_492 = tpu.vector_load_idx %arg8[%parallel_loop3A_491] : memref<304xf32, #tpu.memory_space<vmem>>[vector<16xi32>], vector<16xf32>,
        %parallel_loop3A_493 = arith.mulf %parallel_loop3A_423, %parallel_loop3A_474 : vector<16xf32>
        %parallel_loop3A_494 = arith.fptosi %parallel_loop3A_493 : vector<16xf32> to vector<16xi32>
        %parallel_loop3A_495 = arith.constant 48 : i32
        %parallel_loop3A_496 = vector.broadcast %parallel_loop3A_495 : i32 to vector<16xi32>
        %parallel_loop3A_497 = arith.addi %parallel_loop3A_494, %parallel_loop3A_496 : vector<16xi32>
        %parallel_loop3A_498 = tpu.vector_load_idx %arg8[%parallel_loop3A_497] : memref<304xf32, #tpu.memory_space<vmem>>[vector<16xi32>], vector<16xf32>,
        %parallel_loop3A_499 = arith.mulf %parallel_loop3A_425, %parallel_loop3A_474 : vector<16xf32>
        %parallel_loop3A_500 = arith.fptosi %parallel_loop3A_499 : vector<16xf32> to vector<16xi32>
        %parallel_loop3A_501 = arith.constant 64 : i32
        %parallel_loop3A_502 = vector.broadcast %parallel_loop3A_501 : i32 to vector<16xi32>
        %parallel_loop3A_503 = arith.addi %parallel_loop3A_500, %parallel_loop3A_502 : vector<16xi32>
        %parallel_loop3A_504 = tpu.vector_load_idx %arg8[%parallel_loop3A_503] : memref<304xf32, #tpu.memory_space<vmem>>[vector<16xi32>], vector<16xf32>,
        %parallel_loop3A_505 = arith.mulf %parallel_loop3A_427, %parallel_loop3A_474 : vector<16xf32>
        %parallel_loop3A_506 = arith.fptosi %parallel_loop3A_505 : vector<16xf32> to vector<16xi32>
        %parallel_loop3A_507 = arith.constant 80 : i32
        %parallel_loop3A_508 = vector.broadcast %parallel_loop3A_507 : i32 to vector<16xi32>
        %parallel_loop3A_509 = arith.addi %parallel_loop3A_506, %parallel_loop3A_508 : vector<16xi32>
        %parallel_loop3A_510 = tpu.vector_load_idx %arg8[%parallel_loop3A_509] : memref<304xf32, #tpu.memory_space<vmem>>[vector<16xi32>], vector<16xf32>,
        %parallel_loop3A_511 = arith.mulf %parallel_loop3A_429, %parallel_loop3A_474 : vector<16xf32>
        %parallel_loop3A_512 = arith.fptosi %parallel_loop3A_511 : vector<16xf32> to vector<16xi32>
        %parallel_loop3A_513 = arith.constant 96 : i32
        %parallel_loop3A_514 = vector.broadcast %parallel_loop3A_513 : i32 to vector<16xi32>
        %parallel_loop3A_515 = arith.addi %parallel_loop3A_512, %parallel_loop3A_514 : vector<16xi32>
        %parallel_loop3A_516 = tpu.vector_load_idx %arg8[%parallel_loop3A_515] : memref<304xf32, #tpu.memory_space<vmem>>[vector<16xi32>], vector<16xf32>,
        %parallel_loop3A_517 = arith.mulf %parallel_loop3A_431, %parallel_loop3A_474 : vector<16xf32>
        %parallel_loop3A_518 = arith.fptosi %parallel_loop3A_517 : vector<16xf32> to vector<16xi32>
        %parallel_loop3A_519 = arith.constant 112 : i32
        %parallel_loop3A_520 = vector.broadcast %parallel_loop3A_519 : i32 to vector<16xi32>
        %parallel_loop3A_521 = arith.addi %parallel_loop3A_518, %parallel_loop3A_520 : vector<16xi32>
        %parallel_loop3A_522 = tpu.vector_load_idx %arg8[%parallel_loop3A_521] : memref<304xf32, #tpu.memory_space<vmem>>[vector<16xi32>], vector<16xf32>,
        %parallel_loop3A_523 = arith.mulf %parallel_loop3A_433, %parallel_loop3A_474 : vector<16xf32>
        %parallel_loop3A_524 = arith.fptosi %parallel_loop3A_523 : vector<16xf32> to vector<16xi32>
        %parallel_loop3A_525 = arith.constant 128 : i32
        %parallel_loop3A_526 = vector.broadcast %parallel_loop3A_525 : i32 to vector<16xi32>
        %parallel_loop3A_527 = arith.addi %parallel_loop3A_524, %parallel_loop3A_526 : vector<16xi32>
        %parallel_loop3A_528 = tpu.vector_load_idx %arg8[%parallel_loop3A_527] : memref<304xf32, #tpu.memory_space<vmem>>[vector<16xi32>], vector<16xf32>,
        %parallel_loop3A_529 = arith.mulf %parallel_loop3A_435, %parallel_loop3A_474 : vector<16xf32>
        %parallel_loop3A_530 = arith.fptosi %parallel_loop3A_529 : vector<16xf32> to vector<16xi32>
        %parallel_loop3A_531 = arith.constant 144 : i32
        %parallel_loop3A_532 = vector.broadcast %parallel_loop3A_531 : i32 to vector<16xi32>
        %parallel_loop3A_533 = arith.addi %parallel_loop3A_530, %parallel_loop3A_532 : vector<16xi32>
        %parallel_loop3A_534 = tpu.vector_load_idx %arg8[%parallel_loop3A_533] : memref<304xf32, #tpu.memory_space<vmem>>[vector<16xi32>], vector<16xf32>,
        %parallel_loop3A_535 = arith.mulf %parallel_loop3A_437, %parallel_loop3A_474 : vector<16xf32>
        %parallel_loop3A_536 = arith.fptosi %parallel_loop3A_535 : vector<16xf32> to vector<16xi32>
        %parallel_loop3A_537 = arith.constant 160 : i32
        %parallel_loop3A_538 = vector.broadcast %parallel_loop3A_537 : i32 to vector<16xi32>
        %parallel_loop3A_539 = arith.addi %parallel_loop3A_536, %parallel_loop3A_538 : vector<16xi32>
        %parallel_loop3A_540 = tpu.vector_load_idx %arg8[%parallel_loop3A_539] : memref<304xf32, #tpu.memory_space<vmem>>[vector<16xi32>], vector<16xf32>,
        %parallel_loop3A_541 = arith.mulf %parallel_loop3A_439, %parallel_loop3A_474 : vector<16xf32>
        %parallel_loop3A_542 = arith.fptosi %parallel_loop3A_541 : vector<16xf32> to vector<16xi32>
        %parallel_loop3A_543 = arith.constant 176 : i32
        %parallel_loop3A_544 = vector.broadcast %parallel_loop3A_543 : i32 to vector<16xi32>
        %parallel_loop3A_545 = arith.addi %parallel_loop3A_542, %parallel_loop3A_544 : vector<16xi32>
        %parallel_loop3A_546 = tpu.vector_load_idx %arg8[%parallel_loop3A_545] : memref<304xf32, #tpu.memory_space<vmem>>[vector<16xi32>], vector<16xf32>,
        %parallel_loop3A_547 = arith.mulf %parallel_loop3A_441, %parallel_loop3A_474 : vector<16xf32>
        %parallel_loop3A_548 = arith.fptosi %parallel_loop3A_547 : vector<16xf32> to vector<16xi32>
        %parallel_loop3A_549 = arith.constant 192 : i32
        %parallel_loop3A_550 = vector.broadcast %parallel_loop3A_549 : i32 to vector<16xi32>
        %parallel_loop3A_551 = arith.addi %parallel_loop3A_548, %parallel_loop3A_550 : vector<16xi32>
        %parallel_loop3A_552 = tpu.vector_load_idx %arg8[%parallel_loop3A_551] : memref<304xf32, #tpu.memory_space<vmem>>[vector<16xi32>], vector<16xf32>,
        %parallel_loop3A_553 = arith.mulf %parallel_loop3A_443, %parallel_loop3A_474 : vector<16xf32>
        %parallel_loop3A_554 = arith.fptosi %parallel_loop3A_553 : vector<16xf32> to vector<16xi32>
        %parallel_loop3A_555 = arith.constant 208 : i32
        %parallel_loop3A_556 = vector.broadcast %parallel_loop3A_555 : i32 to vector<16xi32>
        %parallel_loop3A_557 = arith.addi %parallel_loop3A_554, %parallel_loop3A_556 : vector<16xi32>
        %parallel_loop3A_558 = tpu.vector_load_idx %arg8[%parallel_loop3A_557] : memref<304xf32, #tpu.memory_space<vmem>>[vector<16xi32>], vector<16xf32>,
        %parallel_loop3A_559 = arith.mulf %parallel_loop3A_445, %parallel_loop3A_474 : vector<16xf32>
        %parallel_loop3A_560 = arith.fptosi %parallel_loop3A_559 : vector<16xf32> to vector<16xi32>
        %parallel_loop3A_561 = arith.constant 224 : i32
        %parallel_loop3A_562 = vector.broadcast %parallel_loop3A_561 : i32 to vector<16xi32>
        %parallel_loop3A_563 = arith.addi %parallel_loop3A_560, %parallel_loop3A_562 : vector<16xi32>
        %parallel_loop3A_564 = tpu.vector_load_idx %arg8[%parallel_loop3A_563] : memref<304xf32, #tpu.memory_space<vmem>>[vector<16xi32>], vector<16xf32>,
        %parallel_loop3A_565 = arith.mulf %parallel_loop3A_447, %parallel_loop3A_474 : vector<16xf32>
        %parallel_loop3A_566 = arith.fptosi %parallel_loop3A_565 : vector<16xf32> to vector<16xi32>
        %parallel_loop3A_567 = arith.constant 240 : i32
        %parallel_loop3A_568 = vector.broadcast %parallel_loop3A_567 : i32 to vector<16xi32>
        %parallel_loop3A_569 = arith.addi %parallel_loop3A_566, %parallel_loop3A_568 : vector<16xi32>
        %parallel_loop3A_570 = tpu.vector_load_idx %arg8[%parallel_loop3A_569] : memref<304xf32, #tpu.memory_space<vmem>>[vector<16xi32>], vector<16xf32>,
        %parallel_loop3A_571 = arith.mulf %parallel_loop3A_449, %parallel_loop3A_474 : vector<16xf32>
        %parallel_loop3A_572 = arith.fptosi %parallel_loop3A_571 : vector<16xf32> to vector<16xi32>
        %parallel_loop3A_573 = arith.constant 256 : i32
        %parallel_loop3A_574 = vector.broadcast %parallel_loop3A_573 : i32 to vector<16xi32>
        %parallel_loop3A_575 = arith.addi %parallel_loop3A_572, %parallel_loop3A_574 : vector<16xi32>
        %parallel_loop3A_576 = tpu.vector_load_idx %arg8[%parallel_loop3A_575] : memref<304xf32, #tpu.memory_space<vmem>>[vector<16xi32>], vector<16xf32>,
        %parallel_loop3A_577 = arith.mulf %parallel_loop3A_451, %parallel_loop3A_474 : vector<16xf32>
        %parallel_loop3A_578 = arith.fptosi %parallel_loop3A_577 : vector<16xf32> to vector<16xi32>
        %parallel_loop3A_579 = arith.constant 272 : i32
        %parallel_loop3A_580 = vector.broadcast %parallel_loop3A_579 : i32 to vector<16xi32>
        %parallel_loop3A_581 = arith.addi %parallel_loop3A_578, %parallel_loop3A_580 : vector<16xi32>
        %parallel_loop3A_582 = tpu.vector_load_idx %arg8[%parallel_loop3A_581] : memref<304xf32, #tpu.memory_space<vmem>>[vector<16xi32>], vector<16xf32>,
        %parallel_loop3A_583 = arith.mulf %parallel_loop3A_453, %parallel_loop3A_474 : vector<16xf32>
        %parallel_loop3A_584 = arith.fptosi %parallel_loop3A_583 : vector<16xf32> to vector<16xi32>
        %parallel_loop3A_585 = arith.constant 288 : i32
        %parallel_loop3A_586 = vector.broadcast %parallel_loop3A_585 : i32 to vector<16xi32>
        %parallel_loop3A_587 = arith.addi %parallel_loop3A_584, %parallel_loop3A_586 : vector<16xi32>
        %parallel_loop3A_588 = tpu.vector_load_idx %arg8[%parallel_loop3A_587] : memref<304xf32, #tpu.memory_space<vmem>>[vector<16xi32>], vector<16xf32>,
        %parallel_loop3A_589 = arith.addf %parallel_loop3A_480, %parallel_loop3A_486 : vector<16xf32>
        %parallel_loop3A_590 = arith.addf %parallel_loop3A_589, %parallel_loop3A_492 : vector<16xf32>
        %parallel_loop3A_591 = arith.addf %parallel_loop3A_590, %parallel_loop3A_498 : vector<16xf32>
        %parallel_loop3A_592 = arith.addf %parallel_loop3A_591, %parallel_loop3A_504 : vector<16xf32>
        %parallel_loop3A_593 = arith.addf %parallel_loop3A_592, %parallel_loop3A_510 : vector<16xf32>
        %parallel_loop3A_594 = arith.addf %parallel_loop3A_593, %parallel_loop3A_516 : vector<16xf32>
        %parallel_loop3A_595 = arith.addf %parallel_loop3A_594, %parallel_loop3A_522 : vector<16xf32>
        %parallel_loop3A_596 = arith.addf %parallel_loop3A_595, %parallel_loop3A_528 : vector<16xf32>
        %parallel_loop3A_597 = arith.addf %parallel_loop3A_596, %parallel_loop3A_534 : vector<16xf32>
        %parallel_loop3A_598 = arith.addf %parallel_loop3A_597, %parallel_loop3A_540 : vector<16xf32>
        %parallel_loop3A_599 = arith.addf %parallel_loop3A_598, %parallel_loop3A_546 : vector<16xf32>
        %parallel_loop3A_600 = arith.addf %parallel_loop3A_599, %parallel_loop3A_552 : vector<16xf32>
        %parallel_loop3A_601 = arith.addf %parallel_loop3A_600, %parallel_loop3A_558 : vector<16xf32>
        %parallel_loop3A_602 = arith.addf %parallel_loop3A_601, %parallel_loop3A_564 : vector<16xf32>
        %parallel_loop3A_603 = arith.addf %parallel_loop3A_602, %parallel_loop3A_570 : vector<16xf32>
        %parallel_loop3A_604 = arith.addf %parallel_loop3A_603, %parallel_loop3A_576 : vector<16xf32>
        %parallel_loop3A_605 = arith.addf %parallel_loop3A_604, %parallel_loop3A_582 : vector<16xf32>
        %parallel_loop3A_606 = arith.addf %parallel_loop3A_605, %parallel_loop3A_588 : vector<16xf32>
        %parallel_loop3A_607 = arith.constant 1.000000e+00 : f32
        %parallel_loop3A_608 = vector.broadcast %parallel_loop3A_607 : f32 to vector<16xf32>
        %parallel_loop3A_609 = arith.divf %parallel_loop3A_608, %parallel_loop3A_606 : vector<16xf32>
        %parallel_loop3A_610 = arith.mulf %parallel_loop3A_480, %parallel_loop3A_609 : vector<16xf32>
        %parallel_loop3A_611 = arith.constant 0 : i32
        %parallel_loop3A_612 = arith.index_cast %parallel_loop3A_611 : i32 to index
        %parallel_loop3A_613 = arith.index_cast %parallel_loop3A_298 : i32 to index
        %parallel_loop3A_614 = arith.index_cast %parallel_loop3A_302 : i32 to index
        %parallel_loop3A_615 = tpu.vector_load %arg6[%parallel_loop3A_612, %parallel_loop3A_613, %parallel_loop3A_614] {strides = array<i32>} : memref<19x8x256xf32, #tpu.memory_space<vmem>>, vector<16xf32>,
        tpu.vector_store %arg6[%parallel_loop3A_612, %parallel_loop3A_613, %parallel_loop3A_614], %parallel_loop3A_610 {strides = array<i32>} : memref<19x8x256xf32, #tpu.memory_space<vmem>>, vector<16xf32>,
        %parallel_loop3A_616 = arith.mulf %parallel_loop3A_486, %parallel_loop3A_609 : vector<16xf32>
        %parallel_loop3A_617 = arith.constant 1 : i32
        %parallel_loop3A_618 = arith.index_cast %parallel_loop3A_617 : i32 to index
        %parallel_loop3A_619 = arith.index_cast %parallel_loop3A_298 : i32 to index
        %parallel_loop3A_620 = arith.index_cast %parallel_loop3A_302 : i32 to index
        %parallel_loop3A_621 = tpu.vector_load %arg6[%parallel_loop3A_618, %parallel_loop3A_619, %parallel_loop3A_620] {strides = array<i32>} : memref<19x8x256xf32, #tpu.memory_space<vmem>>, vector<16xf32>,
        tpu.vector_store %arg6[%parallel_loop3A_618, %parallel_loop3A_619, %parallel_loop3A_620], %parallel_loop3A_616 {strides = array<i32>} : memref<19x8x256xf32, #tpu.memory_space<vmem>>, vector<16xf32>,
        %parallel_loop3A_622 = arith.mulf %parallel_loop3A_492, %parallel_loop3A_609 : vector<16xf32>
        %parallel_loop3A_623 = arith.constant 2 : i32
        %parallel_loop3A_624 = arith.index_cast %parallel_loop3A_623 : i32 to index
        %parallel_loop3A_625 = arith.index_cast %parallel_loop3A_298 : i32 to index
        %parallel_loop3A_626 = arith.index_cast %parallel_loop3A_302 : i32 to index
        %parallel_loop3A_627 = tpu.vector_load %arg6[%parallel_loop3A_624, %parallel_loop3A_625, %parallel_loop3A_626] {strides = array<i32>} : memref<19x8x256xf32, #tpu.memory_space<vmem>>, vector<16xf32>,
        tpu.vector_store %arg6[%parallel_loop3A_624, %parallel_loop3A_625, %parallel_loop3A_626], %parallel_loop3A_622 {strides = array<i32>} : memref<19x8x256xf32, #tpu.memory_space<vmem>>, vector<16xf32>,
        %parallel_loop3A_628 = arith.mulf %parallel_loop3A_498, %parallel_loop3A_609 : vector<16xf32>
        %parallel_loop3A_629 = arith.constant 3 : i32
        %parallel_loop3A_630 = arith.index_cast %parallel_loop3A_629 : i32 to index
        %parallel_loop3A_631 = arith.index_cast %parallel_loop3A_298 : i32 to index
        %parallel_loop3A_632 = arith.index_cast %parallel_loop3A_302 : i32 to index
        %parallel_loop3A_633 = tpu.vector_load %arg6[%parallel_loop3A_630, %parallel_loop3A_631, %parallel_loop3A_632] {strides = array<i32>} : memref<19x8x256xf32, #tpu.memory_space<vmem>>, vector<16xf32>,
        tpu.vector_store %arg6[%parallel_loop3A_630, %parallel_loop3A_631, %parallel_loop3A_632], %parallel_loop3A_628 {strides = array<i32>} : memref<19x8x256xf32, #tpu.memory_space<vmem>>, vector<16xf32>,
        %parallel_loop3A_634 = arith.mulf %parallel_loop3A_504, %parallel_loop3A_609 : vector<16xf32>
        %parallel_loop3A_635 = arith.constant 4 : i32
        %parallel_loop3A_636 = arith.index_cast %parallel_loop3A_635 : i32 to index
        %parallel_loop3A_637 = arith.index_cast %parallel_loop3A_298 : i32 to index
        %parallel_loop3A_638 = arith.index_cast %parallel_loop3A_302 : i32 to index
        %parallel_loop3A_639 = tpu.vector_load %arg6[%parallel_loop3A_636, %parallel_loop3A_637, %parallel_loop3A_638] {strides = array<i32>} : memref<19x8x256xf32, #tpu.memory_space<vmem>>, vector<16xf32>,
        tpu.vector_store %arg6[%parallel_loop3A_636, %parallel_loop3A_637, %parallel_loop3A_638], %parallel_loop3A_634 {strides = array<i32>} : memref<19x8x256xf32, #tpu.memory_space<vmem>>, vector<16xf32>,
        %parallel_loop3A_640 = arith.mulf %parallel_loop3A_510, %parallel_loop3A_609 : vector<16xf32>
        %parallel_loop3A_641 = arith.constant 5 : i32
        %parallel_loop3A_642 = arith.index_cast %parallel_loop3A_641 : i32 to index
        %parallel_loop3A_643 = arith.index_cast %parallel_loop3A_298 : i32 to index
        %parallel_loop3A_644 = arith.index_cast %parallel_loop3A_302 : i32 to index
        %parallel_loop3A_645 = tpu.vector_load %arg6[%parallel_loop3A_642, %parallel_loop3A_643, %parallel_loop3A_644] {strides = array<i32>} : memref<19x8x256xf32, #tpu.memory_space<vmem>>, vector<16xf32>,
        tpu.vector_store %arg6[%parallel_loop3A_642, %parallel_loop3A_643, %parallel_loop3A_644], %parallel_loop3A_640 {strides = array<i32>} : memref<19x8x256xf32, #tpu.memory_space<vmem>>, vector<16xf32>,
        %parallel_loop3A_646 = arith.mulf %parallel_loop3A_516, %parallel_loop3A_609 : vector<16xf32>
        %parallel_loop3A_647 = arith.constant 6 : i32
        %parallel_loop3A_648 = arith.index_cast %parallel_loop3A_647 : i32 to index
        %parallel_loop3A_649 = arith.index_cast %parallel_loop3A_298 : i32 to index
        %parallel_loop3A_650 = arith.index_cast %parallel_loop3A_302 : i32 to index
        %parallel_loop3A_651 = tpu.vector_load %arg6[%parallel_loop3A_648, %parallel_loop3A_649, %parallel_loop3A_650] {strides = array<i32>} : memref<19x8x256xf32, #tpu.memory_space<vmem>>, vector<16xf32>,
        tpu.vector_store %arg6[%parallel_loop3A_648, %parallel_loop3A_649, %parallel_loop3A_650], %parallel_loop3A_646 {strides = array<i32>} : memref<19x8x256xf32, #tpu.memory_space<vmem>>, vector<16xf32>,
        %parallel_loop3A_652 = arith.mulf %parallel_loop3A_522, %parallel_loop3A_609 : vector<16xf32>
        %parallel_loop3A_653 = arith.constant 7 : i32
        %parallel_loop3A_654 = arith.index_cast %parallel_loop3A_653 : i32 to index
        %parallel_loop3A_655 = arith.index_cast %parallel_loop3A_298 : i32 to index
        %parallel_loop3A_656 = arith.index_cast %parallel_loop3A_302 : i32 to index
        %parallel_loop3A_657 = tpu.vector_load %arg6[%parallel_loop3A_654, %parallel_loop3A_655, %parallel_loop3A_656] {strides = array<i32>} : memref<19x8x256xf32, #tpu.memory_space<vmem>>, vector<16xf32>,
        tpu.vector_store %arg6[%parallel_loop3A_654, %parallel_loop3A_655, %parallel_loop3A_656], %parallel_loop3A_652 {strides = array<i32>} : memref<19x8x256xf32, #tpu.memory_space<vmem>>, vector<16xf32>,
        %parallel_loop3A_658 = arith.mulf %parallel_loop3A_528, %parallel_loop3A_609 : vector<16xf32>
        %parallel_loop3A_659 = arith.constant 8 : i32
        %parallel_loop3A_660 = arith.index_cast %parallel_loop3A_659 : i32 to index
        %parallel_loop3A_661 = arith.index_cast %parallel_loop3A_298 : i32 to index
        %parallel_loop3A_662 = arith.index_cast %parallel_loop3A_302 : i32 to index
        %parallel_loop3A_663 = tpu.vector_load %arg6[%parallel_loop3A_660, %parallel_loop3A_661, %parallel_loop3A_662] {strides = array<i32>} : memref<19x8x256xf32, #tpu.memory_space<vmem>>, vector<16xf32>,
        tpu.vector_store %arg6[%parallel_loop3A_660, %parallel_loop3A_661, %parallel_loop3A_662], %parallel_loop3A_658 {strides = array<i32>} : memref<19x8x256xf32, #tpu.memory_space<vmem>>, vector<16xf32>,
        %parallel_loop3A_664 = arith.mulf %parallel_loop3A_534, %parallel_loop3A_609 : vector<16xf32>
        %parallel_loop3A_665 = arith.constant 9 : i32
        %parallel_loop3A_666 = arith.index_cast %parallel_loop3A_665 : i32 to index
        %parallel_loop3A_667 = arith.index_cast %parallel_loop3A_298 : i32 to index
        %parallel_loop3A_668 = arith.index_cast %parallel_loop3A_302 : i32 to index
        %parallel_loop3A_669 = tpu.vector_load %arg6[%parallel_loop3A_666, %parallel_loop3A_667, %parallel_loop3A_668] {strides = array<i32>} : memref<19x8x256xf32, #tpu.memory_space<vmem>>, vector<16xf32>,
        tpu.vector_store %arg6[%parallel_loop3A_666, %parallel_loop3A_667, %parallel_loop3A_668], %parallel_loop3A_664 {strides = array<i32>} : memref<19x8x256xf32, #tpu.memory_space<vmem>>, vector<16xf32>,
        %parallel_loop3A_670 = arith.mulf %parallel_loop3A_540, %parallel_loop3A_609 : vector<16xf32>
        %parallel_loop3A_671 = arith.constant 10 : i32
        %parallel_loop3A_672 = arith.index_cast %parallel_loop3A_671 : i32 to index
        %parallel_loop3A_673 = arith.index_cast %parallel_loop3A_298 : i32 to index
        %parallel_loop3A_674 = arith.index_cast %parallel_loop3A_302 : i32 to index
        %parallel_loop3A_675 = tpu.vector_load %arg6[%parallel_loop3A_672, %parallel_loop3A_673, %parallel_loop3A_674] {strides = array<i32>} : memref<19x8x256xf32, #tpu.memory_space<vmem>>, vector<16xf32>,
        tpu.vector_store %arg6[%parallel_loop3A_672, %parallel_loop3A_673, %parallel_loop3A_674], %parallel_loop3A_670 {strides = array<i32>} : memref<19x8x256xf32, #tpu.memory_space<vmem>>, vector<16xf32>,
        %parallel_loop3A_676 = arith.mulf %parallel_loop3A_546, %parallel_loop3A_609 : vector<16xf32>
        %parallel_loop3A_677 = arith.constant 11 : i32
        %parallel_loop3A_678 = arith.index_cast %parallel_loop3A_677 : i32 to index
        %parallel_loop3A_679 = arith.index_cast %parallel_loop3A_298 : i32 to index
        %parallel_loop3A_680 = arith.index_cast %parallel_loop3A_302 : i32 to index
        %parallel_loop3A_681 = tpu.vector_load %arg6[%parallel_loop3A_678, %parallel_loop3A_679, %parallel_loop3A_680] {strides = array<i32>} : memref<19x8x256xf32, #tpu.memory_space<vmem>>, vector<16xf32>,
        tpu.vector_store %arg6[%parallel_loop3A_678, %parallel_loop3A_679, %parallel_loop3A_680], %parallel_loop3A_676 {strides = array<i32>} : memref<19x8x256xf32, #tpu.memory_space<vmem>>, vector<16xf32>,
        %parallel_loop3A_682 = arith.mulf %parallel_loop3A_552, %parallel_loop3A_609 : vector<16xf32>
        %parallel_loop3A_683 = arith.constant 12 : i32
        %parallel_loop3A_684 = arith.index_cast %parallel_loop3A_683 : i32 to index
        %parallel_loop3A_685 = arith.index_cast %parallel_loop3A_298 : i32 to index
        %parallel_loop3A_686 = arith.index_cast %parallel_loop3A_302 : i32 to index
        %parallel_loop3A_687 = tpu.vector_load %arg6[%parallel_loop3A_684, %parallel_loop3A_685, %parallel_loop3A_686] {strides = array<i32>} : memref<19x8x256xf32, #tpu.memory_space<vmem>>, vector<16xf32>,
        tpu.vector_store %arg6[%parallel_loop3A_684, %parallel_loop3A_685, %parallel_loop3A_686], %parallel_loop3A_682 {strides = array<i32>} : memref<19x8x256xf32, #tpu.memory_space<vmem>>, vector<16xf32>,
        %parallel_loop3A_688 = arith.mulf %parallel_loop3A_558, %parallel_loop3A_609 : vector<16xf32>
        %parallel_loop3A_689 = arith.constant 13 : i32
        %parallel_loop3A_690 = arith.index_cast %parallel_loop3A_689 : i32 to index
        %parallel_loop3A_691 = arith.index_cast %parallel_loop3A_298 : i32 to index
        %parallel_loop3A_692 = arith.index_cast %parallel_loop3A_302 : i32 to index
        %parallel_loop3A_693 = tpu.vector_load %arg6[%parallel_loop3A_690, %parallel_loop3A_691, %parallel_loop3A_692] {strides = array<i32>} : memref<19x8x256xf32, #tpu.memory_space<vmem>>, vector<16xf32>,
        tpu.vector_store %arg6[%parallel_loop3A_690, %parallel_loop3A_691, %parallel_loop3A_692], %parallel_loop3A_688 {strides = array<i32>} : memref<19x8x256xf32, #tpu.memory_space<vmem>>, vector<16xf32>,
        %parallel_loop3A_694 = arith.mulf %parallel_loop3A_564, %parallel_loop3A_609 : vector<16xf32>
        %parallel_loop3A_695 = arith.constant 14 : i32
        %parallel_loop3A_696 = arith.index_cast %parallel_loop3A_695 : i32 to index
        %parallel_loop3A_697 = arith.index_cast %parallel_loop3A_298 : i32 to index
        %parallel_loop3A_698 = arith.index_cast %parallel_loop3A_302 : i32 to index
        %parallel_loop3A_699 = tpu.vector_load %arg6[%parallel_loop3A_696, %parallel_loop3A_697, %parallel_loop3A_698] {strides = array<i32>} : memref<19x8x256xf32, #tpu.memory_space<vmem>>, vector<16xf32>,
        tpu.vector_store %arg6[%parallel_loop3A_696, %parallel_loop3A_697, %parallel_loop3A_698], %parallel_loop3A_694 {strides = array<i32>} : memref<19x8x256xf32, #tpu.memory_space<vmem>>, vector<16xf32>,
        %parallel_loop3A_700 = arith.mulf %parallel_loop3A_570, %parallel_loop3A_609 : vector<16xf32>
        %parallel_loop3A_701 = arith.constant 15 : i32
        %parallel_loop3A_702 = arith.index_cast %parallel_loop3A_701 : i32 to index
        %parallel_loop3A_703 = arith.index_cast %parallel_loop3A_298 : i32 to index
        %parallel_loop3A_704 = arith.index_cast %parallel_loop3A_302 : i32 to index
        %parallel_loop3A_705 = tpu.vector_load %arg6[%parallel_loop3A_702, %parallel_loop3A_703, %parallel_loop3A_704] {strides = array<i32>} : memref<19x8x256xf32, #tpu.memory_space<vmem>>, vector<16xf32>,
        tpu.vector_store %arg6[%parallel_loop3A_702, %parallel_loop3A_703, %parallel_loop3A_704], %parallel_loop3A_700 {strides = array<i32>} : memref<19x8x256xf32, #tpu.memory_space<vmem>>, vector<16xf32>,
        %parallel_loop3A_706 = arith.mulf %parallel_loop3A_576, %parallel_loop3A_609 : vector<16xf32>
        %parallel_loop3A_707 = arith.constant 16 : i32
        %parallel_loop3A_708 = arith.index_cast %parallel_loop3A_707 : i32 to index
        %parallel_loop3A_709 = arith.index_cast %parallel_loop3A_298 : i32 to index
        %parallel_loop3A_710 = arith.index_cast %parallel_loop3A_302 : i32 to index
        %parallel_loop3A_711 = tpu.vector_load %arg6[%parallel_loop3A_708, %parallel_loop3A_709, %parallel_loop3A_710] {strides = array<i32>} : memref<19x8x256xf32, #tpu.memory_space<vmem>>, vector<16xf32>,
        tpu.vector_store %arg6[%parallel_loop3A_708, %parallel_loop3A_709, %parallel_loop3A_710], %parallel_loop3A_706 {strides = array<i32>} : memref<19x8x256xf32, #tpu.memory_space<vmem>>, vector<16xf32>,
        %parallel_loop3A_712 = arith.mulf %parallel_loop3A_582, %parallel_loop3A_609 : vector<16xf32>
        %parallel_loop3A_713 = arith.constant 17 : i32
        %parallel_loop3A_714 = arith.index_cast %parallel_loop3A_713 : i32 to index
        %parallel_loop3A_715 = arith.index_cast %parallel_loop3A_298 : i32 to index
        %parallel_loop3A_716 = arith.index_cast %parallel_loop3A_302 : i32 to index
        %parallel_loop3A_717 = tpu.vector_load %arg6[%parallel_loop3A_714, %parallel_loop3A_715, %parallel_loop3A_716] {strides = array<i32>} : memref<19x8x256xf32, #tpu.memory_space<vmem>>, vector<16xf32>,
        tpu.vector_store %arg6[%parallel_loop3A_714, %parallel_loop3A_715, %parallel_loop3A_716], %parallel_loop3A_712 {strides = array<i32>} : memref<19x8x256xf32, #tpu.memory_space<vmem>>, vector<16xf32>,
        %parallel_loop3A_718 = arith.mulf %parallel_loop3A_588, %parallel_loop3A_609 : vector<16xf32>
        %parallel_loop3A_719 = arith.constant 18 : i32
        %parallel_loop3A_720 = arith.index_cast %parallel_loop3A_719 : i32 to index
        %parallel_loop3A_721 = arith.index_cast %parallel_loop3A_298 : i32 to index
        %parallel_loop3A_722 = arith.index_cast %parallel_loop3A_302 : i32 to index
        %parallel_loop3A_723 = tpu.vector_load %arg6[%parallel_loop3A_720, %parallel_loop3A_721, %parallel_loop3A_722] {strides = array<i32>} : memref<19x8x256xf32, #tpu.memory_space<vmem>>, vector<16xf32>,
        tpu.vector_store %arg6[%parallel_loop3A_720, %parallel_loop3A_721, %parallel_loop3A_722], %parallel_loop3A_718 {strides = array<i32>} : memref<19x8x256xf32, #tpu.memory_space<vmem>>, vector<16xf32>,
      } {sc.loop_unroll_factor = 1 : i64, sc.parallel_access}
      %shift_right_logical3A_204 = arith.constant 1 : i32
      %shift_right_logical3A_205 = arith.shrui %add3A_185, %shift_right_logical3A_204 : i32
      %mul3A_206 = arith.constant 8 : i32
      %mul3A_207 = arith.muli %shift_right_logical3A_205, %mul3A_206 : i32
      %add3A_208 = arith.addi %mul3A_32, %mul3A_207 : i32
      %and3A_209 = arith.constant 1 : i32
      %and3A_210 = arith.andi %add3A_185, %and3A_209 : i32
      %mul3A_211 = arith.constant 256 : i32
      %mul3A_212 = arith.muli %and3A_210, %mul3A_211 : i32
      %dma_start3A_213 = arith.constant 0 : i32
      %dma_start3A_214 = tpu.memref_slice %arg4[%select_n3A, %dma_start3A_213, %add3A_208, %mul3A_212] : memref<4x19x512x512xf32, #tpu.memory_space<hbm>> -> memref<1x19x8x256xf32, #tpu.memory_space<hbm>>
      %dma_start3A_215 = tpu.memref_squeeze %dma_start3A_214 : memref<1x19x8x256xf32, #tpu.memory_space<hbm>> -> memref<19x8x256xf32, #tpu.memory_space<hbm>>
      %dma_start3A_216 = arith.constant 0 : i32
      %dma_start3A_217 = tpu.memref_slice %arg4[%select_n3A, %dma_start3A_216, %add3A_208, %mul3A_212] : memref<4x19x512x512xf32, #tpu.memory_space<hbm>> -> memref<1x19x8x256xf32, #tpu.memory_space<hbm>>
      %dma_start3A_218 = tpu.memref_squeeze %dma_start3A_217 : memref<1x19x8x256xf32, #tpu.memory_space<hbm>> -> memref<19x8x256xf32, #tpu.memory_space<hbm>>
      tpu.enqueue_dma source(%arg6 : memref<19x8x256xf32, #tpu.memory_space<vmem>>) target(%dma_start3A_218 : memref<19x8x256xf32, #tpu.memory_space<hbm>>) target_semaphore(%arg13 : memref<!tpu.dma_semaphore, #tpu.memory_space<semaphore_mem>>)
      %sub3A_219 = arith.constant 1 : i32
      %sub3A_220 = arith.subi %add3A_185, %sub3A_219 : i32
      %shift_right_logical3A_221 = arith.constant 1 : i32
      %shift_right_logical3A_222 = arith.shrui %sub3A_220, %shift_right_logical3A_221 : i32
      %mul3A_223 = arith.constant 8 : i32
      %mul3A_224 = arith.muli %shift_right_logical3A_222, %mul3A_223 : i32
      %add3A_225 = arith.addi %mul3A_32, %mul3A_224 : i32
      %and3A_226 = arith.constant 1 : i32
      %and3A_227 = arith.andi %sub3A_220, %and3A_226 : i32
      %mul3A_228 = arith.constant 256 : i32
      %mul3A_229 = arith.muli %and3A_227, %mul3A_228 : i32
      %dma_wait3A_230 = arith.constant 0 : i32
      %dma_wait3A_231 = tpu.memref_slice %arg4[%select_n3A, %dma_wait3A_230, %add3A_225, %mul3A_229] : memref<4x19x512x512xf32, #tpu.memory_space<hbm>> -> memref<1x19x8x256xf32, #tpu.memory_space<hbm>>
      %dma_wait3A_232 = tpu.memref_squeeze %dma_wait3A_231 : memref<1x19x8x256xf32, #tpu.memory_space<hbm>> -> memref<19x8x256xf32, #tpu.memory_space<hbm>>
      %dma_wait3A_233 = arith.constant 0 : i32
      %dma_wait3A_234 = tpu.memref_slice %arg4[%select_n3A, %dma_wait3A_233, %add3A_225, %mul3A_229] : memref<4x19x512x512xf32, #tpu.memory_space<hbm>> -> memref<1x19x8x256xf32, #tpu.memory_space<hbm>>
      %dma_wait3A_235 = tpu.memref_squeeze %dma_wait3A_234 : memref<1x19x8x256xf32, #tpu.memory_space<hbm>> -> memref<19x8x256xf32, #tpu.memory_space<hbm>>
      tpu.wait_dma2 semaphore(%arg12 : memref<!tpu.dma_semaphore, #tpu.memory_space<semaphore_mem>>) src(%arg5 : memref<19x8x256xf32, #tpu.memory_space<vmem>>) dst(%dma_wait3A_235 : memref<19x8x256xf32, #tpu.memory_space<hbm>>)
      %add3A_236 = arith.constant 2 : i32
      %add3A_237 = arith.addi %add3A_185, %add3A_236 : i32
      %shift_right_logical3A_238 = arith.constant 1 : i32
      %shift_right_logical3A_239 = arith.shrui %add3A_237, %shift_right_logical3A_238 : i32
      %mul3A_240 = arith.constant 8 : i32
      %mul3A_241 = arith.muli %shift_right_logical3A_239, %mul3A_240 : i32
      %add3A_242 = arith.addi %mul3A_32, %mul3A_241 : i32
      %and3A_243 = arith.constant 1 : i32
      %and3A_244 = arith.andi %add3A_237, %and3A_243 : i32
      %mul3A_245 = arith.constant 256 : i32
      %mul3A_246 = arith.muli %and3A_244, %mul3A_245 : i32
      %dma_start3A_247 = arith.constant 0 : i32
      %dma_start3A_248 = tpu.memref_slice %arg2[%select_n3A, %dma_start3A_247, %add3A_242, %mul3A_246] : memref<4x19x512x512xf32, #tpu.memory_space<hbm>> -> memref<1x19x8x256xf32, #tpu.memory_space<hbm>>
      %dma_start3A_249 = tpu.memref_squeeze %dma_start3A_248 : memref<1x19x8x256xf32, #tpu.memory_space<hbm>> -> memref<19x8x256xf32, #tpu.memory_space<hbm>>
      %dma_start3A_250 = arith.constant 0 : i32
      %dma_start3A_251 = tpu.memref_slice %arg2[%select_n3A, %dma_start3A_250, %add3A_242, %mul3A_246] : memref<4x19x512x512xf32, #tpu.memory_space<hbm>> -> memref<1x19x8x256xf32, #tpu.memory_space<hbm>>
      %dma_start3A_252 = tpu.memref_squeeze %dma_start3A_251 : memref<1x19x8x256xf32, #tpu.memory_space<hbm>> -> memref<19x8x256xf32, #tpu.memory_space<hbm>>
      tpu.enqueue_dma source(%dma_start3A_252 : memref<19x8x256xf32, #tpu.memory_space<hbm>>) target(%arg5 : memref<19x8x256xf32, #tpu.memory_space<vmem>>) target_semaphore(%arg9 : memref<!tpu.dma_semaphore, #tpu.memory_space<semaphore_mem>>)
      %mul3A_253 = arith.constant 3 : i32
      %mul3A_254 = arith.muli %mul3A_253, %scan3A_136 : i32
      %add3A_255 = arith.constant 2 : i32
      %add3A_256 = arith.addi %mul3A_254, %add3A_255 : i32
      %shift_right_logical3A_257 = arith.constant 1 : i32
      %shift_right_logical3A_258 = arith.shrui %add3A_256, %shift_right_logical3A_257 : i32
      %mul3A_259 = arith.constant 8 : i32
      %mul3A_260 = arith.muli %shift_right_logical3A_258, %mul3A_259 : i32
      %add3A_261 = arith.addi %mul3A_32, %mul3A_260 : i32
      %and3A_262 = arith.constant 1 : i32
      %and3A_263 = arith.andi %add3A_256, %and3A_262 : i32
      %mul3A_264 = arith.constant 256 : i32
      %mul3A_265 = arith.muli %and3A_263, %mul3A_264 : i32
      %dma_wait3A_266 = arith.constant 0 : i32
      %dma_wait3A_267 = tpu.memref_slice %arg2[%select_n3A, %dma_wait3A_266, %add3A_261, %mul3A_265] : memref<4x19x512x512xf32, #tpu.memory_space<hbm>> -> memref<1x19x8x256xf32, #tpu.memory_space<hbm>>
      %dma_wait3A_268 = tpu.memref_squeeze %dma_wait3A_267 : memref<1x19x8x256xf32, #tpu.memory_space<hbm>> -> memref<19x8x256xf32, #tpu.memory_space<hbm>>
      %dma_wait3A_269 = arith.constant 0 : i32
      %dma_wait3A_270 = tpu.memref_slice %arg2[%select_n3A, %dma_wait3A_269, %add3A_261, %mul3A_265] : memref<4x19x512x512xf32, #tpu.memory_space<hbm>> -> memref<1x19x8x256xf32, #tpu.memory_space<hbm>>
      %dma_wait3A_271 = tpu.memref_squeeze %dma_wait3A_270 : memref<1x19x8x256xf32, #tpu.memory_space<hbm>> -> memref<19x8x256xf32, #tpu.memory_space<hbm>>
      tpu.wait_dma2 semaphore(%arg11 : memref<!tpu.dma_semaphore, #tpu.memory_space<semaphore_mem>>) src(%dma_wait3A_271 : memref<19x8x256xf32, #tpu.memory_space<hbm>>) dst(%arg7 : memref<19x8x256xf32, #tpu.memory_space<vmem>>)
      %parallel_loop3A_272 = arith.constant 0 : i32
      %parallel_loop3A_273 = arith.constant 128 : i32
      %parallel_loop3A_274 = arith.constant 1 : i32
      scf.for %parallel_loop3A_296 = %parallel_loop3A_272 to %parallel_loop3A_273 step %parallel_loop3A_274  : i32 {
        %parallel_loop3A_297 = arith.constant 4 : i32
        %parallel_loop3A_298 = arith.shrui %parallel_loop3A_296, %parallel_loop3A_297 : i32
        %parallel_loop3A_299 = arith.constant 15 : i32
        %parallel_loop3A_300 = arith.andi %parallel_loop3A_296, %parallel_loop3A_299 : i32
        %parallel_loop3A_301 = arith.constant 4 : i32
        %parallel_loop3A_302 = arith.shli %parallel_loop3A_300, %parallel_loop3A_301 : i32
        %parallel_loop3A_303 = arith.constant 0 : i32
        %parallel_loop3A_304 = arith.index_cast %parallel_loop3A_303 : i32 to index
        %parallel_loop3A_305 = arith.index_cast %parallel_loop3A_298 : i32 to index
        %parallel_loop3A_306 = arith.index_cast %parallel_loop3A_302 : i32 to index
        %parallel_loop3A_307 = tpu.vector_load %arg7[%parallel_loop3A_304, %parallel_loop3A_305, %parallel_loop3A_306] {strides = array<i32>} : memref<19x8x256xf32, #tpu.memory_space<vmem>>, vector<16xf32>,
        %parallel_loop3A_308 = arith.constant 1 : i32
        %parallel_loop3A_309 = arith.index_cast %parallel_loop3A_308 : i32 to index
        %parallel_loop3A_310 = arith.index_cast %parallel_loop3A_298 : i32 to index
        %parallel_loop3A_311 = arith.index_cast %parallel_loop3A_302 : i32 to index
        %parallel_loop3A_312 = tpu.vector_load %arg7[%parallel_loop3A_309, %parallel_loop3A_310, %parallel_loop3A_311] {strides = array<i32>} : memref<19x8x256xf32, #tpu.memory_space<vmem>>, vector<16xf32>,
        %parallel_loop3A_313 = arith.constant 2 : i32
        %parallel_loop3A_314 = arith.index_cast %parallel_loop3A_313 : i32 to index
        %parallel_loop3A_315 = arith.index_cast %parallel_loop3A_298 : i32 to index
        %parallel_loop3A_316 = arith.index_cast %parallel_loop3A_302 : i32 to index
        %parallel_loop3A_317 = tpu.vector_load %arg7[%parallel_loop3A_314, %parallel_loop3A_315, %parallel_loop3A_316] {strides = array<i32>} : memref<19x8x256xf32, #tpu.memory_space<vmem>>, vector<16xf32>,
        %parallel_loop3A_318 = arith.constant 3 : i32
        %parallel_loop3A_319 = arith.index_cast %parallel_loop3A_318 : i32 to index
        %parallel_loop3A_320 = arith.index_cast %parallel_loop3A_298 : i32 to index
        %parallel_loop3A_321 = arith.index_cast %parallel_loop3A_302 : i32 to index
        %parallel_loop3A_322 = tpu.vector_load %arg7[%parallel_loop3A_319, %parallel_loop3A_320, %parallel_loop3A_321] {strides = array<i32>} : memref<19x8x256xf32, #tpu.memory_space<vmem>>, vector<16xf32>,
        %parallel_loop3A_323 = arith.constant 4 : i32
        %parallel_loop3A_324 = arith.index_cast %parallel_loop3A_323 : i32 to index
        %parallel_loop3A_325 = arith.index_cast %parallel_loop3A_298 : i32 to index
        %parallel_loop3A_326 = arith.index_cast %parallel_loop3A_302 : i32 to index
        %parallel_loop3A_327 = tpu.vector_load %arg7[%parallel_loop3A_324, %parallel_loop3A_325, %parallel_loop3A_326] {strides = array<i32>} : memref<19x8x256xf32, #tpu.memory_space<vmem>>, vector<16xf32>,
        %parallel_loop3A_328 = arith.constant 5 : i32
        %parallel_loop3A_329 = arith.index_cast %parallel_loop3A_328 : i32 to index
        %parallel_loop3A_330 = arith.index_cast %parallel_loop3A_298 : i32 to index
        %parallel_loop3A_331 = arith.index_cast %parallel_loop3A_302 : i32 to index
        %parallel_loop3A_332 = tpu.vector_load %arg7[%parallel_loop3A_329, %parallel_loop3A_330, %parallel_loop3A_331] {strides = array<i32>} : memref<19x8x256xf32, #tpu.memory_space<vmem>>, vector<16xf32>,
        %parallel_loop3A_333 = arith.constant 6 : i32
        %parallel_loop3A_334 = arith.index_cast %parallel_loop3A_333 : i32 to index
        %parallel_loop3A_335 = arith.index_cast %parallel_loop3A_298 : i32 to index
        %parallel_loop3A_336 = arith.index_cast %parallel_loop3A_302 : i32 to index
        %parallel_loop3A_337 = tpu.vector_load %arg7[%parallel_loop3A_334, %parallel_loop3A_335, %parallel_loop3A_336] {strides = array<i32>} : memref<19x8x256xf32, #tpu.memory_space<vmem>>, vector<16xf32>,
        %parallel_loop3A_338 = arith.constant 7 : i32
        %parallel_loop3A_339 = arith.index_cast %parallel_loop3A_338 : i32 to index
        %parallel_loop3A_340 = arith.index_cast %parallel_loop3A_298 : i32 to index
        %parallel_loop3A_341 = arith.index_cast %parallel_loop3A_302 : i32 to index
        %parallel_loop3A_342 = tpu.vector_load %arg7[%parallel_loop3A_339, %parallel_loop3A_340, %parallel_loop3A_341] {strides = array<i32>} : memref<19x8x256xf32, #tpu.memory_space<vmem>>, vector<16xf32>,
        %parallel_loop3A_343 = arith.constant 8 : i32
        %parallel_loop3A_344 = arith.index_cast %parallel_loop3A_343 : i32 to index
        %parallel_loop3A_345 = arith.index_cast %parallel_loop3A_298 : i32 to index
        %parallel_loop3A_346 = arith.index_cast %parallel_loop3A_302 : i32 to index
        %parallel_loop3A_347 = tpu.vector_load %arg7[%parallel_loop3A_344, %parallel_loop3A_345, %parallel_loop3A_346] {strides = array<i32>} : memref<19x8x256xf32, #tpu.memory_space<vmem>>, vector<16xf32>,
        %parallel_loop3A_348 = arith.constant 9 : i32
        %parallel_loop3A_349 = arith.index_cast %parallel_loop3A_348 : i32 to index
        %parallel_loop3A_350 = arith.index_cast %parallel_loop3A_298 : i32 to index
        %parallel_loop3A_351 = arith.index_cast %parallel_loop3A_302 : i32 to index
        %parallel_loop3A_352 = tpu.vector_load %arg7[%parallel_loop3A_349, %parallel_loop3A_350, %parallel_loop3A_351] {strides = array<i32>} : memref<19x8x256xf32, #tpu.memory_space<vmem>>, vector<16xf32>,
        %parallel_loop3A_353 = arith.constant 10 : i32
        %parallel_loop3A_354 = arith.index_cast %parallel_loop3A_353 : i32 to index
        %parallel_loop3A_355 = arith.index_cast %parallel_loop3A_298 : i32 to index
        %parallel_loop3A_356 = arith.index_cast %parallel_loop3A_302 : i32 to index
        %parallel_loop3A_357 = tpu.vector_load %arg7[%parallel_loop3A_354, %parallel_loop3A_355, %parallel_loop3A_356] {strides = array<i32>} : memref<19x8x256xf32, #tpu.memory_space<vmem>>, vector<16xf32>,
        %parallel_loop3A_358 = arith.constant 11 : i32
        %parallel_loop3A_359 = arith.index_cast %parallel_loop3A_358 : i32 to index
        %parallel_loop3A_360 = arith.index_cast %parallel_loop3A_298 : i32 to index
        %parallel_loop3A_361 = arith.index_cast %parallel_loop3A_302 : i32 to index
        %parallel_loop3A_362 = tpu.vector_load %arg7[%parallel_loop3A_359, %parallel_loop3A_360, %parallel_loop3A_361] {strides = array<i32>} : memref<19x8x256xf32, #tpu.memory_space<vmem>>, vector<16xf32>,
        %parallel_loop3A_363 = arith.constant 12 : i32
        %parallel_loop3A_364 = arith.index_cast %parallel_loop3A_363 : i32 to index
        %parallel_loop3A_365 = arith.index_cast %parallel_loop3A_298 : i32 to index
        %parallel_loop3A_366 = arith.index_cast %parallel_loop3A_302 : i32 to index
        %parallel_loop3A_367 = tpu.vector_load %arg7[%parallel_loop3A_364, %parallel_loop3A_365, %parallel_loop3A_366] {strides = array<i32>} : memref<19x8x256xf32, #tpu.memory_space<vmem>>, vector<16xf32>,
        %parallel_loop3A_368 = arith.constant 13 : i32
        %parallel_loop3A_369 = arith.index_cast %parallel_loop3A_368 : i32 to index
        %parallel_loop3A_370 = arith.index_cast %parallel_loop3A_298 : i32 to index
        %parallel_loop3A_371 = arith.index_cast %parallel_loop3A_302 : i32 to index
        %parallel_loop3A_372 = tpu.vector_load %arg7[%parallel_loop3A_369, %parallel_loop3A_370, %parallel_loop3A_371] {strides = array<i32>} : memref<19x8x256xf32, #tpu.memory_space<vmem>>, vector<16xf32>,
        %parallel_loop3A_373 = arith.constant 14 : i32
        %parallel_loop3A_374 = arith.index_cast %parallel_loop3A_373 : i32 to index
        %parallel_loop3A_375 = arith.index_cast %parallel_loop3A_298 : i32 to index
        %parallel_loop3A_376 = arith.index_cast %parallel_loop3A_302 : i32 to index
        %parallel_loop3A_377 = tpu.vector_load %arg7[%parallel_loop3A_374, %parallel_loop3A_375, %parallel_loop3A_376] {strides = array<i32>} : memref<19x8x256xf32, #tpu.memory_space<vmem>>, vector<16xf32>,
        %parallel_loop3A_378 = arith.constant 15 : i32
        %parallel_loop3A_379 = arith.index_cast %parallel_loop3A_378 : i32 to index
        %parallel_loop3A_380 = arith.index_cast %parallel_loop3A_298 : i32 to index
        %parallel_loop3A_381 = arith.index_cast %parallel_loop3A_302 : i32 to index
        %parallel_loop3A_382 = tpu.vector_load %arg7[%parallel_loop3A_379, %parallel_loop3A_380, %parallel_loop3A_381] {strides = array<i32>} : memref<19x8x256xf32, #tpu.memory_space<vmem>>, vector<16xf32>,
        %parallel_loop3A_383 = arith.constant 16 : i32
        %parallel_loop3A_384 = arith.index_cast %parallel_loop3A_383 : i32 to index
        %parallel_loop3A_385 = arith.index_cast %parallel_loop3A_298 : i32 to index
        %parallel_loop3A_386 = arith.index_cast %parallel_loop3A_302 : i32 to index
        %parallel_loop3A_387 = tpu.vector_load %arg7[%parallel_loop3A_384, %parallel_loop3A_385, %parallel_loop3A_386] {strides = array<i32>} : memref<19x8x256xf32, #tpu.memory_space<vmem>>, vector<16xf32>,
        %parallel_loop3A_388 = arith.constant 17 : i32
        %parallel_loop3A_389 = arith.index_cast %parallel_loop3A_388 : i32 to index
        %parallel_loop3A_390 = arith.index_cast %parallel_loop3A_298 : i32 to index
        %parallel_loop3A_391 = arith.index_cast %parallel_loop3A_302 : i32 to index
        %parallel_loop3A_392 = tpu.vector_load %arg7[%parallel_loop3A_389, %parallel_loop3A_390, %parallel_loop3A_391] {strides = array<i32>} : memref<19x8x256xf32, #tpu.memory_space<vmem>>, vector<16xf32>,
        %parallel_loop3A_393 = arith.constant 18 : i32
        %parallel_loop3A_394 = arith.index_cast %parallel_loop3A_393 : i32 to index
        %parallel_loop3A_395 = arith.index_cast %parallel_loop3A_298 : i32 to index
        %parallel_loop3A_396 = arith.index_cast %parallel_loop3A_302 : i32 to index
        %parallel_loop3A_397 = tpu.vector_load %arg7[%parallel_loop3A_394, %parallel_loop3A_395, %parallel_loop3A_396] {strides = array<i32>} : memref<19x8x256xf32, #tpu.memory_space<vmem>>, vector<16xf32>,
        %parallel_loop3A_398 = arith.maximumf %parallel_loop3A_307, %parallel_loop3A_312 : vector<16xf32>
        %parallel_loop3A_399 = arith.maximumf %parallel_loop3A_398, %parallel_loop3A_317 : vector<16xf32>
        %parallel_loop3A_400 = arith.maximumf %parallel_loop3A_399, %parallel_loop3A_322 : vector<16xf32>
        %parallel_loop3A_401 = arith.maximumf %parallel_loop3A_400, %parallel_loop3A_327 : vector<16xf32>
        %parallel_loop3A_402 = arith.maximumf %parallel_loop3A_401, %parallel_loop3A_332 : vector<16xf32>
        %parallel_loop3A_403 = arith.maximumf %parallel_loop3A_402, %parallel_loop3A_337 : vector<16xf32>
        %parallel_loop3A_404 = arith.maximumf %parallel_loop3A_403, %parallel_loop3A_342 : vector<16xf32>
        %parallel_loop3A_405 = arith.maximumf %parallel_loop3A_404, %parallel_loop3A_347 : vector<16xf32>
        %parallel_loop3A_406 = arith.maximumf %parallel_loop3A_405, %parallel_loop3A_352 : vector<16xf32>
        %parallel_loop3A_407 = arith.maximumf %parallel_loop3A_406, %parallel_loop3A_357 : vector<16xf32>
        %parallel_loop3A_408 = arith.maximumf %parallel_loop3A_407, %parallel_loop3A_362 : vector<16xf32>
        %parallel_loop3A_409 = arith.maximumf %parallel_loop3A_408, %parallel_loop3A_367 : vector<16xf32>
        %parallel_loop3A_410 = arith.maximumf %parallel_loop3A_409, %parallel_loop3A_372 : vector<16xf32>
        %parallel_loop3A_411 = arith.maximumf %parallel_loop3A_410, %parallel_loop3A_377 : vector<16xf32>
        %parallel_loop3A_412 = arith.maximumf %parallel_loop3A_411, %parallel_loop3A_382 : vector<16xf32>
        %parallel_loop3A_413 = arith.maximumf %parallel_loop3A_412, %parallel_loop3A_387 : vector<16xf32>
        %parallel_loop3A_414 = arith.maximumf %parallel_loop3A_413, %parallel_loop3A_392 : vector<16xf32>
        %parallel_loop3A_415 = arith.maximumf %parallel_loop3A_414, %parallel_loop3A_397 : vector<16xf32>
        %parallel_loop3A_416 = arith.subf %parallel_loop3A_307, %parallel_loop3A_415 : vector<16xf32>
        %parallel_loop3A_417 = math.exp %parallel_loop3A_416 : vector<16xf32>
        %parallel_loop3A_418 = arith.subf %parallel_loop3A_312, %parallel_loop3A_415 : vector<16xf32>
        %parallel_loop3A_419 = math.exp %parallel_loop3A_418 : vector<16xf32>
        %parallel_loop3A_420 = arith.subf %parallel_loop3A_317, %parallel_loop3A_415 : vector<16xf32>
        %parallel_loop3A_421 = math.exp %parallel_loop3A_420 : vector<16xf32>
        %parallel_loop3A_422 = arith.subf %parallel_loop3A_322, %parallel_loop3A_415 : vector<16xf32>
        %parallel_loop3A_423 = math.exp %parallel_loop3A_422 : vector<16xf32>
        %parallel_loop3A_424 = arith.subf %parallel_loop3A_327, %parallel_loop3A_415 : vector<16xf32>
        %parallel_loop3A_425 = math.exp %parallel_loop3A_424 : vector<16xf32>
        %parallel_loop3A_426 = arith.subf %parallel_loop3A_332, %parallel_loop3A_415 : vector<16xf32>
        %parallel_loop3A_427 = math.exp %parallel_loop3A_426 : vector<16xf32>
        %parallel_loop3A_428 = arith.subf %parallel_loop3A_337, %parallel_loop3A_415 : vector<16xf32>
        %parallel_loop3A_429 = math.exp %parallel_loop3A_428 : vector<16xf32>
        %parallel_loop3A_430 = arith.subf %parallel_loop3A_342, %parallel_loop3A_415 : vector<16xf32>
        %parallel_loop3A_431 = math.exp %parallel_loop3A_430 : vector<16xf32>
        %parallel_loop3A_432 = arith.subf %parallel_loop3A_347, %parallel_loop3A_415 : vector<16xf32>
        %parallel_loop3A_433 = math.exp %parallel_loop3A_432 : vector<16xf32>
        %parallel_loop3A_434 = arith.subf %parallel_loop3A_352, %parallel_loop3A_415 : vector<16xf32>
        %parallel_loop3A_435 = math.exp %parallel_loop3A_434 : vector<16xf32>
        %parallel_loop3A_436 = arith.subf %parallel_loop3A_357, %parallel_loop3A_415 : vector<16xf32>
        %parallel_loop3A_437 = math.exp %parallel_loop3A_436 : vector<16xf32>
        %parallel_loop3A_438 = arith.subf %parallel_loop3A_362, %parallel_loop3A_415 : vector<16xf32>
        %parallel_loop3A_439 = math.exp %parallel_loop3A_438 : vector<16xf32>
        %parallel_loop3A_440 = arith.subf %parallel_loop3A_367, %parallel_loop3A_415 : vector<16xf32>
        %parallel_loop3A_441 = math.exp %parallel_loop3A_440 : vector<16xf32>
        %parallel_loop3A_442 = arith.subf %parallel_loop3A_372, %parallel_loop3A_415 : vector<16xf32>
        %parallel_loop3A_443 = math.exp %parallel_loop3A_442 : vector<16xf32>
        %parallel_loop3A_444 = arith.subf %parallel_loop3A_377, %parallel_loop3A_415 : vector<16xf32>
        %parallel_loop3A_445 = math.exp %parallel_loop3A_444 : vector<16xf32>
        %parallel_loop3A_446 = arith.subf %parallel_loop3A_382, %parallel_loop3A_415 : vector<16xf32>
        %parallel_loop3A_447 = math.exp %parallel_loop3A_446 : vector<16xf32>
        %parallel_loop3A_448 = arith.subf %parallel_loop3A_387, %parallel_loop3A_415 : vector<16xf32>
        %parallel_loop3A_449 = math.exp %parallel_loop3A_448 : vector<16xf32>
        %parallel_loop3A_450 = arith.subf %parallel_loop3A_392, %parallel_loop3A_415 : vector<16xf32>
        %parallel_loop3A_451 = math.exp %parallel_loop3A_450 : vector<16xf32>
        %parallel_loop3A_452 = arith.subf %parallel_loop3A_397, %parallel_loop3A_415 : vector<16xf32>
        %parallel_loop3A_453 = math.exp %parallel_loop3A_452 : vector<16xf32>
        %parallel_loop3A_454 = arith.addf %parallel_loop3A_417, %parallel_loop3A_419 : vector<16xf32>
        %parallel_loop3A_455 = arith.addf %parallel_loop3A_454, %parallel_loop3A_421 : vector<16xf32>
        %parallel_loop3A_456 = arith.addf %parallel_loop3A_455, %parallel_loop3A_423 : vector<16xf32>
        %parallel_loop3A_457 = arith.addf %parallel_loop3A_456, %parallel_loop3A_425 : vector<16xf32>
        %parallel_loop3A_458 = arith.addf %parallel_loop3A_457, %parallel_loop3A_427 : vector<16xf32>
        %parallel_loop3A_459 = arith.addf %parallel_loop3A_458, %parallel_loop3A_429 : vector<16xf32>
        %parallel_loop3A_460 = arith.addf %parallel_loop3A_459, %parallel_loop3A_431 : vector<16xf32>
        %parallel_loop3A_461 = arith.addf %parallel_loop3A_460, %parallel_loop3A_433 : vector<16xf32>
        %parallel_loop3A_462 = arith.addf %parallel_loop3A_461, %parallel_loop3A_435 : vector<16xf32>
        %parallel_loop3A_463 = arith.addf %parallel_loop3A_462, %parallel_loop3A_437 : vector<16xf32>
        %parallel_loop3A_464 = arith.addf %parallel_loop3A_463, %parallel_loop3A_439 : vector<16xf32>
        %parallel_loop3A_465 = arith.addf %parallel_loop3A_464, %parallel_loop3A_441 : vector<16xf32>
        %parallel_loop3A_466 = arith.addf %parallel_loop3A_465, %parallel_loop3A_443 : vector<16xf32>
        %parallel_loop3A_467 = arith.addf %parallel_loop3A_466, %parallel_loop3A_445 : vector<16xf32>
        %parallel_loop3A_468 = arith.addf %parallel_loop3A_467, %parallel_loop3A_447 : vector<16xf32>
        %parallel_loop3A_469 = arith.addf %parallel_loop3A_468, %parallel_loop3A_449 : vector<16xf32>
        %parallel_loop3A_470 = arith.addf %parallel_loop3A_469, %parallel_loop3A_451 : vector<16xf32>
        %parallel_loop3A_471 = arith.addf %parallel_loop3A_470, %parallel_loop3A_453 : vector<16xf32>
        %parallel_loop3A_472 = arith.constant 1.500000e+01 : f32
        %parallel_loop3A_473 = vector.broadcast %parallel_loop3A_472 : f32 to vector<16xf32>
        %parallel_loop3A_474 = arith.divf %parallel_loop3A_473, %parallel_loop3A_471 : vector<16xf32>
        %parallel_loop3A_475 = arith.mulf %parallel_loop3A_417, %parallel_loop3A_474 : vector<16xf32>
        %parallel_loop3A_476 = arith.fptosi %parallel_loop3A_475 : vector<16xf32> to vector<16xi32>
        %parallel_loop3A_477 = arith.constant 0 : i32
        %parallel_loop3A_478 = vector.broadcast %parallel_loop3A_477 : i32 to vector<16xi32>
        %parallel_loop3A_479 = arith.addi %parallel_loop3A_476, %parallel_loop3A_478 : vector<16xi32>
        %parallel_loop3A_480 = tpu.vector_load_idx %arg8[%parallel_loop3A_479] : memref<304xf32, #tpu.memory_space<vmem>>[vector<16xi32>], vector<16xf32>,
        %parallel_loop3A_481 = arith.mulf %parallel_loop3A_419, %parallel_loop3A_474 : vector<16xf32>
        %parallel_loop3A_482 = arith.fptosi %parallel_loop3A_481 : vector<16xf32> to vector<16xi32>
        %parallel_loop3A_483 = arith.constant 16 : i32
        %parallel_loop3A_484 = vector.broadcast %parallel_loop3A_483 : i32 to vector<16xi32>
        %parallel_loop3A_485 = arith.addi %parallel_loop3A_482, %parallel_loop3A_484 : vector<16xi32>
        %parallel_loop3A_486 = tpu.vector_load_idx %arg8[%parallel_loop3A_485] : memref<304xf32, #tpu.memory_space<vmem>>[vector<16xi32>], vector<16xf32>,
        %parallel_loop3A_487 = arith.mulf %parallel_loop3A_421, %parallel_loop3A_474 : vector<16xf32>
        %parallel_loop3A_488 = arith.fptosi %parallel_loop3A_487 : vector<16xf32> to vector<16xi32>
        %parallel_loop3A_489 = arith.constant 32 : i32
        %parallel_loop3A_490 = vector.broadcast %parallel_loop3A_489 : i32 to vector<16xi32>
        %parallel_loop3A_491 = arith.addi %parallel_loop3A_488, %parallel_loop3A_490 : vector<16xi32>
        %parallel_loop3A_492 = tpu.vector_load_idx %arg8[%parallel_loop3A_491] : memref<304xf32, #tpu.memory_space<vmem>>[vector<16xi32>], vector<16xf32>,
        %parallel_loop3A_493 = arith.mulf %parallel_loop3A_423, %parallel_loop3A_474 : vector<16xf32>
        %parallel_loop3A_494 = arith.fptosi %parallel_loop3A_493 : vector<16xf32> to vector<16xi32>
        %parallel_loop3A_495 = arith.constant 48 : i32
        %parallel_loop3A_496 = vector.broadcast %parallel_loop3A_495 : i32 to vector<16xi32>
        %parallel_loop3A_497 = arith.addi %parallel_loop3A_494, %parallel_loop3A_496 : vector<16xi32>
        %parallel_loop3A_498 = tpu.vector_load_idx %arg8[%parallel_loop3A_497] : memref<304xf32, #tpu.memory_space<vmem>>[vector<16xi32>], vector<16xf32>,
        %parallel_loop3A_499 = arith.mulf %parallel_loop3A_425, %parallel_loop3A_474 : vector<16xf32>
        %parallel_loop3A_500 = arith.fptosi %parallel_loop3A_499 : vector<16xf32> to vector<16xi32>
        %parallel_loop3A_501 = arith.constant 64 : i32
        %parallel_loop3A_502 = vector.broadcast %parallel_loop3A_501 : i32 to vector<16xi32>
        %parallel_loop3A_503 = arith.addi %parallel_loop3A_500, %parallel_loop3A_502 : vector<16xi32>
        %parallel_loop3A_504 = tpu.vector_load_idx %arg8[%parallel_loop3A_503] : memref<304xf32, #tpu.memory_space<vmem>>[vector<16xi32>], vector<16xf32>,
        %parallel_loop3A_505 = arith.mulf %parallel_loop3A_427, %parallel_loop3A_474 : vector<16xf32>
        %parallel_loop3A_506 = arith.fptosi %parallel_loop3A_505 : vector<16xf32> to vector<16xi32>
        %parallel_loop3A_507 = arith.constant 80 : i32
        %parallel_loop3A_508 = vector.broadcast %parallel_loop3A_507 : i32 to vector<16xi32>
        %parallel_loop3A_509 = arith.addi %parallel_loop3A_506, %parallel_loop3A_508 : vector<16xi32>
        %parallel_loop3A_510 = tpu.vector_load_idx %arg8[%parallel_loop3A_509] : memref<304xf32, #tpu.memory_space<vmem>>[vector<16xi32>], vector<16xf32>,
        %parallel_loop3A_511 = arith.mulf %parallel_loop3A_429, %parallel_loop3A_474 : vector<16xf32>
        %parallel_loop3A_512 = arith.fptosi %parallel_loop3A_511 : vector<16xf32> to vector<16xi32>
        %parallel_loop3A_513 = arith.constant 96 : i32
        %parallel_loop3A_514 = vector.broadcast %parallel_loop3A_513 : i32 to vector<16xi32>
        %parallel_loop3A_515 = arith.addi %parallel_loop3A_512, %parallel_loop3A_514 : vector<16xi32>
        %parallel_loop3A_516 = tpu.vector_load_idx %arg8[%parallel_loop3A_515] : memref<304xf32, #tpu.memory_space<vmem>>[vector<16xi32>], vector<16xf32>,
        %parallel_loop3A_517 = arith.mulf %parallel_loop3A_431, %parallel_loop3A_474 : vector<16xf32>
        %parallel_loop3A_518 = arith.fptosi %parallel_loop3A_517 : vector<16xf32> to vector<16xi32>
        %parallel_loop3A_519 = arith.constant 112 : i32
        %parallel_loop3A_520 = vector.broadcast %parallel_loop3A_519 : i32 to vector<16xi32>
        %parallel_loop3A_521 = arith.addi %parallel_loop3A_518, %parallel_loop3A_520 : vector<16xi32>
        %parallel_loop3A_522 = tpu.vector_load_idx %arg8[%parallel_loop3A_521] : memref<304xf32, #tpu.memory_space<vmem>>[vector<16xi32>], vector<16xf32>,
        %parallel_loop3A_523 = arith.mulf %parallel_loop3A_433, %parallel_loop3A_474 : vector<16xf32>
        %parallel_loop3A_524 = arith.fptosi %parallel_loop3A_523 : vector<16xf32> to vector<16xi32>
        %parallel_loop3A_525 = arith.constant 128 : i32
        %parallel_loop3A_526 = vector.broadcast %parallel_loop3A_525 : i32 to vector<16xi32>
        %parallel_loop3A_527 = arith.addi %parallel_loop3A_524, %parallel_loop3A_526 : vector<16xi32>
        %parallel_loop3A_528 = tpu.vector_load_idx %arg8[%parallel_loop3A_527] : memref<304xf32, #tpu.memory_space<vmem>>[vector<16xi32>], vector<16xf32>,
        %parallel_loop3A_529 = arith.mulf %parallel_loop3A_435, %parallel_loop3A_474 : vector<16xf32>
        %parallel_loop3A_530 = arith.fptosi %parallel_loop3A_529 : vector<16xf32> to vector<16xi32>
        %parallel_loop3A_531 = arith.constant 144 : i32
        %parallel_loop3A_532 = vector.broadcast %parallel_loop3A_531 : i32 to vector<16xi32>
        %parallel_loop3A_533 = arith.addi %parallel_loop3A_530, %parallel_loop3A_532 : vector<16xi32>
        %parallel_loop3A_534 = tpu.vector_load_idx %arg8[%parallel_loop3A_533] : memref<304xf32, #tpu.memory_space<vmem>>[vector<16xi32>], vector<16xf32>,
        %parallel_loop3A_535 = arith.mulf %parallel_loop3A_437, %parallel_loop3A_474 : vector<16xf32>
        %parallel_loop3A_536 = arith.fptosi %parallel_loop3A_535 : vector<16xf32> to vector<16xi32>
        %parallel_loop3A_537 = arith.constant 160 : i32
        %parallel_loop3A_538 = vector.broadcast %parallel_loop3A_537 : i32 to vector<16xi32>
        %parallel_loop3A_539 = arith.addi %parallel_loop3A_536, %parallel_loop3A_538 : vector<16xi32>
        %parallel_loop3A_540 = tpu.vector_load_idx %arg8[%parallel_loop3A_539] : memref<304xf32, #tpu.memory_space<vmem>>[vector<16xi32>], vector<16xf32>,
        %parallel_loop3A_541 = arith.mulf %parallel_loop3A_439, %parallel_loop3A_474 : vector<16xf32>
        %parallel_loop3A_542 = arith.fptosi %parallel_loop3A_541 : vector<16xf32> to vector<16xi32>
        %parallel_loop3A_543 = arith.constant 176 : i32
        %parallel_loop3A_544 = vector.broadcast %parallel_loop3A_543 : i32 to vector<16xi32>
        %parallel_loop3A_545 = arith.addi %parallel_loop3A_542, %parallel_loop3A_544 : vector<16xi32>
        %parallel_loop3A_546 = tpu.vector_load_idx %arg8[%parallel_loop3A_545] : memref<304xf32, #tpu.memory_space<vmem>>[vector<16xi32>], vector<16xf32>,
        %parallel_loop3A_547 = arith.mulf %parallel_loop3A_441, %parallel_loop3A_474 : vector<16xf32>
        %parallel_loop3A_548 = arith.fptosi %parallel_loop3A_547 : vector<16xf32> to vector<16xi32>
        %parallel_loop3A_549 = arith.constant 192 : i32
        %parallel_loop3A_550 = vector.broadcast %parallel_loop3A_549 : i32 to vector<16xi32>
        %parallel_loop3A_551 = arith.addi %parallel_loop3A_548, %parallel_loop3A_550 : vector<16xi32>
        %parallel_loop3A_552 = tpu.vector_load_idx %arg8[%parallel_loop3A_551] : memref<304xf32, #tpu.memory_space<vmem>>[vector<16xi32>], vector<16xf32>,
        %parallel_loop3A_553 = arith.mulf %parallel_loop3A_443, %parallel_loop3A_474 : vector<16xf32>
        %parallel_loop3A_554 = arith.fptosi %parallel_loop3A_553 : vector<16xf32> to vector<16xi32>
        %parallel_loop3A_555 = arith.constant 208 : i32
        %parallel_loop3A_556 = vector.broadcast %parallel_loop3A_555 : i32 to vector<16xi32>
        %parallel_loop3A_557 = arith.addi %parallel_loop3A_554, %parallel_loop3A_556 : vector<16xi32>
        %parallel_loop3A_558 = tpu.vector_load_idx %arg8[%parallel_loop3A_557] : memref<304xf32, #tpu.memory_space<vmem>>[vector<16xi32>], vector<16xf32>,
        %parallel_loop3A_559 = arith.mulf %parallel_loop3A_445, %parallel_loop3A_474 : vector<16xf32>
        %parallel_loop3A_560 = arith.fptosi %parallel_loop3A_559 : vector<16xf32> to vector<16xi32>
        %parallel_loop3A_561 = arith.constant 224 : i32
        %parallel_loop3A_562 = vector.broadcast %parallel_loop3A_561 : i32 to vector<16xi32>
        %parallel_loop3A_563 = arith.addi %parallel_loop3A_560, %parallel_loop3A_562 : vector<16xi32>
        %parallel_loop3A_564 = tpu.vector_load_idx %arg8[%parallel_loop3A_563] : memref<304xf32, #tpu.memory_space<vmem>>[vector<16xi32>], vector<16xf32>,
        %parallel_loop3A_565 = arith.mulf %parallel_loop3A_447, %parallel_loop3A_474 : vector<16xf32>
        %parallel_loop3A_566 = arith.fptosi %parallel_loop3A_565 : vector<16xf32> to vector<16xi32>
        %parallel_loop3A_567 = arith.constant 240 : i32
        %parallel_loop3A_568 = vector.broadcast %parallel_loop3A_567 : i32 to vector<16xi32>
        %parallel_loop3A_569 = arith.addi %parallel_loop3A_566, %parallel_loop3A_568 : vector<16xi32>
        %parallel_loop3A_570 = tpu.vector_load_idx %arg8[%parallel_loop3A_569] : memref<304xf32, #tpu.memory_space<vmem>>[vector<16xi32>], vector<16xf32>,
        %parallel_loop3A_571 = arith.mulf %parallel_loop3A_449, %parallel_loop3A_474 : vector<16xf32>
        %parallel_loop3A_572 = arith.fptosi %parallel_loop3A_571 : vector<16xf32> to vector<16xi32>
        %parallel_loop3A_573 = arith.constant 256 : i32
        %parallel_loop3A_574 = vector.broadcast %parallel_loop3A_573 : i32 to vector<16xi32>
        %parallel_loop3A_575 = arith.addi %parallel_loop3A_572, %parallel_loop3A_574 : vector<16xi32>
        %parallel_loop3A_576 = tpu.vector_load_idx %arg8[%parallel_loop3A_575] : memref<304xf32, #tpu.memory_space<vmem>>[vector<16xi32>], vector<16xf32>,
        %parallel_loop3A_577 = arith.mulf %parallel_loop3A_451, %parallel_loop3A_474 : vector<16xf32>
        %parallel_loop3A_578 = arith.fptosi %parallel_loop3A_577 : vector<16xf32> to vector<16xi32>
        %parallel_loop3A_579 = arith.constant 272 : i32
        %parallel_loop3A_580 = vector.broadcast %parallel_loop3A_579 : i32 to vector<16xi32>
        %parallel_loop3A_581 = arith.addi %parallel_loop3A_578, %parallel_loop3A_580 : vector<16xi32>
        %parallel_loop3A_582 = tpu.vector_load_idx %arg8[%parallel_loop3A_581] : memref<304xf32, #tpu.memory_space<vmem>>[vector<16xi32>], vector<16xf32>,
        %parallel_loop3A_583 = arith.mulf %parallel_loop3A_453, %parallel_loop3A_474 : vector<16xf32>
        %parallel_loop3A_584 = arith.fptosi %parallel_loop3A_583 : vector<16xf32> to vector<16xi32>
        %parallel_loop3A_585 = arith.constant 288 : i32
        %parallel_loop3A_586 = vector.broadcast %parallel_loop3A_585 : i32 to vector<16xi32>
        %parallel_loop3A_587 = arith.addi %parallel_loop3A_584, %parallel_loop3A_586 : vector<16xi32>
        %parallel_loop3A_588 = tpu.vector_load_idx %arg8[%parallel_loop3A_587] : memref<304xf32, #tpu.memory_space<vmem>>[vector<16xi32>], vector<16xf32>,
        %parallel_loop3A_589 = arith.addf %parallel_loop3A_480, %parallel_loop3A_486 : vector<16xf32>
        %parallel_loop3A_590 = arith.addf %parallel_loop3A_589, %parallel_loop3A_492 : vector<16xf32>
        %parallel_loop3A_591 = arith.addf %parallel_loop3A_590, %parallel_loop3A_498 : vector<16xf32>
        %parallel_loop3A_592 = arith.addf %parallel_loop3A_591, %parallel_loop3A_504 : vector<16xf32>
        %parallel_loop3A_593 = arith.addf %parallel_loop3A_592, %parallel_loop3A_510 : vector<16xf32>
        %parallel_loop3A_594 = arith.addf %parallel_loop3A_593, %parallel_loop3A_516 : vector<16xf32>
        %parallel_loop3A_595 = arith.addf %parallel_loop3A_594, %parallel_loop3A_522 : vector<16xf32>
        %parallel_loop3A_596 = arith.addf %parallel_loop3A_595, %parallel_loop3A_528 : vector<16xf32>
        %parallel_loop3A_597 = arith.addf %parallel_loop3A_596, %parallel_loop3A_534 : vector<16xf32>
        %parallel_loop3A_598 = arith.addf %parallel_loop3A_597, %parallel_loop3A_540 : vector<16xf32>
        %parallel_loop3A_599 = arith.addf %parallel_loop3A_598, %parallel_loop3A_546 : vector<16xf32>
        %parallel_loop3A_600 = arith.addf %parallel_loop3A_599, %parallel_loop3A_552 : vector<16xf32>
        %parallel_loop3A_601 = arith.addf %parallel_loop3A_600, %parallel_loop3A_558 : vector<16xf32>
        %parallel_loop3A_602 = arith.addf %parallel_loop3A_601, %parallel_loop3A_564 : vector<16xf32>
        %parallel_loop3A_603 = arith.addf %parallel_loop3A_602, %parallel_loop3A_570 : vector<16xf32>
        %parallel_loop3A_604 = arith.addf %parallel_loop3A_603, %parallel_loop3A_576 : vector<16xf32>
        %parallel_loop3A_605 = arith.addf %parallel_loop3A_604, %parallel_loop3A_582 : vector<16xf32>
        %parallel_loop3A_606 = arith.addf %parallel_loop3A_605, %parallel_loop3A_588 : vector<16xf32>
        %parallel_loop3A_607 = arith.constant 1.000000e+00 : f32
        %parallel_loop3A_608 = vector.broadcast %parallel_loop3A_607 : f32 to vector<16xf32>
        %parallel_loop3A_609 = arith.divf %parallel_loop3A_608, %parallel_loop3A_606 : vector<16xf32>
        %parallel_loop3A_610 = arith.mulf %parallel_loop3A_480, %parallel_loop3A_609 : vector<16xf32>
        %parallel_loop3A_611 = arith.constant 0 : i32
        %parallel_loop3A_612 = arith.index_cast %parallel_loop3A_611 : i32 to index
        %parallel_loop3A_613 = arith.index_cast %parallel_loop3A_298 : i32 to index
        %parallel_loop3A_614 = arith.index_cast %parallel_loop3A_302 : i32 to index
        %parallel_loop3A_615 = tpu.vector_load %arg7[%parallel_loop3A_612, %parallel_loop3A_613, %parallel_loop3A_614] {strides = array<i32>} : memref<19x8x256xf32, #tpu.memory_space<vmem>>, vector<16xf32>,
        tpu.vector_store %arg7[%parallel_loop3A_612, %parallel_loop3A_613, %parallel_loop3A_614], %parallel_loop3A_610 {strides = array<i32>} : memref<19x8x256xf32, #tpu.memory_space<vmem>>, vector<16xf32>,
        %parallel_loop3A_616 = arith.mulf %parallel_loop3A_486, %parallel_loop3A_609 : vector<16xf32>
        %parallel_loop3A_617 = arith.constant 1 : i32
        %parallel_loop3A_618 = arith.index_cast %parallel_loop3A_617 : i32 to index
        %parallel_loop3A_619 = arith.index_cast %parallel_loop3A_298 : i32 to index
        %parallel_loop3A_620 = arith.index_cast %parallel_loop3A_302 : i32 to index
        %parallel_loop3A_621 = tpu.vector_load %arg7[%parallel_loop3A_618, %parallel_loop3A_619, %parallel_loop3A_620] {strides = array<i32>} : memref<19x8x256xf32, #tpu.memory_space<vmem>>, vector<16xf32>,
        tpu.vector_store %arg7[%parallel_loop3A_618, %parallel_loop3A_619, %parallel_loop3A_620], %parallel_loop3A_616 {strides = array<i32>} : memref<19x8x256xf32, #tpu.memory_space<vmem>>, vector<16xf32>,
        %parallel_loop3A_622 = arith.mulf %parallel_loop3A_492, %parallel_loop3A_609 : vector<16xf32>
        %parallel_loop3A_623 = arith.constant 2 : i32
        %parallel_loop3A_624 = arith.index_cast %parallel_loop3A_623 : i32 to index
        %parallel_loop3A_625 = arith.index_cast %parallel_loop3A_298 : i32 to index
        %parallel_loop3A_626 = arith.index_cast %parallel_loop3A_302 : i32 to index
        %parallel_loop3A_627 = tpu.vector_load %arg7[%parallel_loop3A_624, %parallel_loop3A_625, %parallel_loop3A_626] {strides = array<i32>} : memref<19x8x256xf32, #tpu.memory_space<vmem>>, vector<16xf32>,
        tpu.vector_store %arg7[%parallel_loop3A_624, %parallel_loop3A_625, %parallel_loop3A_626], %parallel_loop3A_622 {strides = array<i32>} : memref<19x8x256xf32, #tpu.memory_space<vmem>>, vector<16xf32>,
        %parallel_loop3A_628 = arith.mulf %parallel_loop3A_498, %parallel_loop3A_609 : vector<16xf32>
        %parallel_loop3A_629 = arith.constant 3 : i32
        %parallel_loop3A_630 = arith.index_cast %parallel_loop3A_629 : i32 to index
        %parallel_loop3A_631 = arith.index_cast %parallel_loop3A_298 : i32 to index
        %parallel_loop3A_632 = arith.index_cast %parallel_loop3A_302 : i32 to index
        %parallel_loop3A_633 = tpu.vector_load %arg7[%parallel_loop3A_630, %parallel_loop3A_631, %parallel_loop3A_632] {strides = array<i32>} : memref<19x8x256xf32, #tpu.memory_space<vmem>>, vector<16xf32>,
        tpu.vector_store %arg7[%parallel_loop3A_630, %parallel_loop3A_631, %parallel_loop3A_632], %parallel_loop3A_628 {strides = array<i32>} : memref<19x8x256xf32, #tpu.memory_space<vmem>>, vector<16xf32>,
        %parallel_loop3A_634 = arith.mulf %parallel_loop3A_504, %parallel_loop3A_609 : vector<16xf32>
        %parallel_loop3A_635 = arith.constant 4 : i32
        %parallel_loop3A_636 = arith.index_cast %parallel_loop3A_635 : i32 to index
        %parallel_loop3A_637 = arith.index_cast %parallel_loop3A_298 : i32 to index
        %parallel_loop3A_638 = arith.index_cast %parallel_loop3A_302 : i32 to index
        %parallel_loop3A_639 = tpu.vector_load %arg7[%parallel_loop3A_636, %parallel_loop3A_637, %parallel_loop3A_638] {strides = array<i32>} : memref<19x8x256xf32, #tpu.memory_space<vmem>>, vector<16xf32>,
        tpu.vector_store %arg7[%parallel_loop3A_636, %parallel_loop3A_637, %parallel_loop3A_638], %parallel_loop3A_634 {strides = array<i32>} : memref<19x8x256xf32, #tpu.memory_space<vmem>>, vector<16xf32>,
        %parallel_loop3A_640 = arith.mulf %parallel_loop3A_510, %parallel_loop3A_609 : vector<16xf32>
        %parallel_loop3A_641 = arith.constant 5 : i32
        %parallel_loop3A_642 = arith.index_cast %parallel_loop3A_641 : i32 to index
        %parallel_loop3A_643 = arith.index_cast %parallel_loop3A_298 : i32 to index
        %parallel_loop3A_644 = arith.index_cast %parallel_loop3A_302 : i32 to index
        %parallel_loop3A_645 = tpu.vector_load %arg7[%parallel_loop3A_642, %parallel_loop3A_643, %parallel_loop3A_644] {strides = array<i32>} : memref<19x8x256xf32, #tpu.memory_space<vmem>>, vector<16xf32>,
        tpu.vector_store %arg7[%parallel_loop3A_642, %parallel_loop3A_643, %parallel_loop3A_644], %parallel_loop3A_640 {strides = array<i32>} : memref<19x8x256xf32, #tpu.memory_space<vmem>>, vector<16xf32>,
        %parallel_loop3A_646 = arith.mulf %parallel_loop3A_516, %parallel_loop3A_609 : vector<16xf32>
        %parallel_loop3A_647 = arith.constant 6 : i32
        %parallel_loop3A_648 = arith.index_cast %parallel_loop3A_647 : i32 to index
        %parallel_loop3A_649 = arith.index_cast %parallel_loop3A_298 : i32 to index
        %parallel_loop3A_650 = arith.index_cast %parallel_loop3A_302 : i32 to index
        %parallel_loop3A_651 = tpu.vector_load %arg7[%parallel_loop3A_648, %parallel_loop3A_649, %parallel_loop3A_650] {strides = array<i32>} : memref<19x8x256xf32, #tpu.memory_space<vmem>>, vector<16xf32>,
        tpu.vector_store %arg7[%parallel_loop3A_648, %parallel_loop3A_649, %parallel_loop3A_650], %parallel_loop3A_646 {strides = array<i32>} : memref<19x8x256xf32, #tpu.memory_space<vmem>>, vector<16xf32>,
        %parallel_loop3A_652 = arith.mulf %parallel_loop3A_522, %parallel_loop3A_609 : vector<16xf32>
        %parallel_loop3A_653 = arith.constant 7 : i32
        %parallel_loop3A_654 = arith.index_cast %parallel_loop3A_653 : i32 to index
        %parallel_loop3A_655 = arith.index_cast %parallel_loop3A_298 : i32 to index
        %parallel_loop3A_656 = arith.index_cast %parallel_loop3A_302 : i32 to index
        %parallel_loop3A_657 = tpu.vector_load %arg7[%parallel_loop3A_654, %parallel_loop3A_655, %parallel_loop3A_656] {strides = array<i32>} : memref<19x8x256xf32, #tpu.memory_space<vmem>>, vector<16xf32>,
        tpu.vector_store %arg7[%parallel_loop3A_654, %parallel_loop3A_655, %parallel_loop3A_656], %parallel_loop3A_652 {strides = array<i32>} : memref<19x8x256xf32, #tpu.memory_space<vmem>>, vector<16xf32>,
        %parallel_loop3A_658 = arith.mulf %parallel_loop3A_528, %parallel_loop3A_609 : vector<16xf32>
        %parallel_loop3A_659 = arith.constant 8 : i32
        %parallel_loop3A_660 = arith.index_cast %parallel_loop3A_659 : i32 to index
        %parallel_loop3A_661 = arith.index_cast %parallel_loop3A_298 : i32 to index
        %parallel_loop3A_662 = arith.index_cast %parallel_loop3A_302 : i32 to index
        %parallel_loop3A_663 = tpu.vector_load %arg7[%parallel_loop3A_660, %parallel_loop3A_661, %parallel_loop3A_662] {strides = array<i32>} : memref<19x8x256xf32, #tpu.memory_space<vmem>>, vector<16xf32>,
        tpu.vector_store %arg7[%parallel_loop3A_660, %parallel_loop3A_661, %parallel_loop3A_662], %parallel_loop3A_658 {strides = array<i32>} : memref<19x8x256xf32, #tpu.memory_space<vmem>>, vector<16xf32>,
        %parallel_loop3A_664 = arith.mulf %parallel_loop3A_534, %parallel_loop3A_609 : vector<16xf32>
        %parallel_loop3A_665 = arith.constant 9 : i32
        %parallel_loop3A_666 = arith.index_cast %parallel_loop3A_665 : i32 to index
        %parallel_loop3A_667 = arith.index_cast %parallel_loop3A_298 : i32 to index
        %parallel_loop3A_668 = arith.index_cast %parallel_loop3A_302 : i32 to index
        %parallel_loop3A_669 = tpu.vector_load %arg7[%parallel_loop3A_666, %parallel_loop3A_667, %parallel_loop3A_668] {strides = array<i32>} : memref<19x8x256xf32, #tpu.memory_space<vmem>>, vector<16xf32>,
        tpu.vector_store %arg7[%parallel_loop3A_666, %parallel_loop3A_667, %parallel_loop3A_668], %parallel_loop3A_664 {strides = array<i32>} : memref<19x8x256xf32, #tpu.memory_space<vmem>>, vector<16xf32>,
        %parallel_loop3A_670 = arith.mulf %parallel_loop3A_540, %parallel_loop3A_609 : vector<16xf32>
        %parallel_loop3A_671 = arith.constant 10 : i32
        %parallel_loop3A_672 = arith.index_cast %parallel_loop3A_671 : i32 to index
        %parallel_loop3A_673 = arith.index_cast %parallel_loop3A_298 : i32 to index
        %parallel_loop3A_674 = arith.index_cast %parallel_loop3A_302 : i32 to index
        %parallel_loop3A_675 = tpu.vector_load %arg7[%parallel_loop3A_672, %parallel_loop3A_673, %parallel_loop3A_674] {strides = array<i32>} : memref<19x8x256xf32, #tpu.memory_space<vmem>>, vector<16xf32>,
        tpu.vector_store %arg7[%parallel_loop3A_672, %parallel_loop3A_673, %parallel_loop3A_674], %parallel_loop3A_670 {strides = array<i32>} : memref<19x8x256xf32, #tpu.memory_space<vmem>>, vector<16xf32>,
        %parallel_loop3A_676 = arith.mulf %parallel_loop3A_546, %parallel_loop3A_609 : vector<16xf32>
        %parallel_loop3A_677 = arith.constant 11 : i32
        %parallel_loop3A_678 = arith.index_cast %parallel_loop3A_677 : i32 to index
        %parallel_loop3A_679 = arith.index_cast %parallel_loop3A_298 : i32 to index
        %parallel_loop3A_680 = arith.index_cast %parallel_loop3A_302 : i32 to index
        %parallel_loop3A_681 = tpu.vector_load %arg7[%parallel_loop3A_678, %parallel_loop3A_679, %parallel_loop3A_680] {strides = array<i32>} : memref<19x8x256xf32, #tpu.memory_space<vmem>>, vector<16xf32>,
        tpu.vector_store %arg7[%parallel_loop3A_678, %parallel_loop3A_679, %parallel_loop3A_680], %parallel_loop3A_676 {strides = array<i32>} : memref<19x8x256xf32, #tpu.memory_space<vmem>>, vector<16xf32>,
        %parallel_loop3A_682 = arith.mulf %parallel_loop3A_552, %parallel_loop3A_609 : vector<16xf32>
        %parallel_loop3A_683 = arith.constant 12 : i32
        %parallel_loop3A_684 = arith.index_cast %parallel_loop3A_683 : i32 to index
        %parallel_loop3A_685 = arith.index_cast %parallel_loop3A_298 : i32 to index
        %parallel_loop3A_686 = arith.index_cast %parallel_loop3A_302 : i32 to index
        %parallel_loop3A_687 = tpu.vector_load %arg7[%parallel_loop3A_684, %parallel_loop3A_685, %parallel_loop3A_686] {strides = array<i32>} : memref<19x8x256xf32, #tpu.memory_space<vmem>>, vector<16xf32>,
        tpu.vector_store %arg7[%parallel_loop3A_684, %parallel_loop3A_685, %parallel_loop3A_686], %parallel_loop3A_682 {strides = array<i32>} : memref<19x8x256xf32, #tpu.memory_space<vmem>>, vector<16xf32>,
        %parallel_loop3A_688 = arith.mulf %parallel_loop3A_558, %parallel_loop3A_609 : vector<16xf32>
        %parallel_loop3A_689 = arith.constant 13 : i32
        %parallel_loop3A_690 = arith.index_cast %parallel_loop3A_689 : i32 to index
        %parallel_loop3A_691 = arith.index_cast %parallel_loop3A_298 : i32 to index
        %parallel_loop3A_692 = arith.index_cast %parallel_loop3A_302 : i32 to index
        %parallel_loop3A_693 = tpu.vector_load %arg7[%parallel_loop3A_690, %parallel_loop3A_691, %parallel_loop3A_692] {strides = array<i32>} : memref<19x8x256xf32, #tpu.memory_space<vmem>>, vector<16xf32>,
        tpu.vector_store %arg7[%parallel_loop3A_690, %parallel_loop3A_691, %parallel_loop3A_692], %parallel_loop3A_688 {strides = array<i32>} : memref<19x8x256xf32, #tpu.memory_space<vmem>>, vector<16xf32>,
        %parallel_loop3A_694 = arith.mulf %parallel_loop3A_564, %parallel_loop3A_609 : vector<16xf32>
        %parallel_loop3A_695 = arith.constant 14 : i32
        %parallel_loop3A_696 = arith.index_cast %parallel_loop3A_695 : i32 to index
        %parallel_loop3A_697 = arith.index_cast %parallel_loop3A_298 : i32 to index
        %parallel_loop3A_698 = arith.index_cast %parallel_loop3A_302 : i32 to index
        %parallel_loop3A_699 = tpu.vector_load %arg7[%parallel_loop3A_696, %parallel_loop3A_697, %parallel_loop3A_698] {strides = array<i32>} : memref<19x8x256xf32, #tpu.memory_space<vmem>>, vector<16xf32>,
        tpu.vector_store %arg7[%parallel_loop3A_696, %parallel_loop3A_697, %parallel_loop3A_698], %parallel_loop3A_694 {strides = array<i32>} : memref<19x8x256xf32, #tpu.memory_space<vmem>>, vector<16xf32>,
        %parallel_loop3A_700 = arith.mulf %parallel_loop3A_570, %parallel_loop3A_609 : vector<16xf32>
        %parallel_loop3A_701 = arith.constant 15 : i32
        %parallel_loop3A_702 = arith.index_cast %parallel_loop3A_701 : i32 to index
        %parallel_loop3A_703 = arith.index_cast %parallel_loop3A_298 : i32 to index
        %parallel_loop3A_704 = arith.index_cast %parallel_loop3A_302 : i32 to index
        %parallel_loop3A_705 = tpu.vector_load %arg7[%parallel_loop3A_702, %parallel_loop3A_703, %parallel_loop3A_704] {strides = array<i32>} : memref<19x8x256xf32, #tpu.memory_space<vmem>>, vector<16xf32>,
        tpu.vector_store %arg7[%parallel_loop3A_702, %parallel_loop3A_703, %parallel_loop3A_704], %parallel_loop3A_700 {strides = array<i32>} : memref<19x8x256xf32, #tpu.memory_space<vmem>>, vector<16xf32>,
        %parallel_loop3A_706 = arith.mulf %parallel_loop3A_576, %parallel_loop3A_609 : vector<16xf32>
        %parallel_loop3A_707 = arith.constant 16 : i32
        %parallel_loop3A_708 = arith.index_cast %parallel_loop3A_707 : i32 to index
        %parallel_loop3A_709 = arith.index_cast %parallel_loop3A_298 : i32 to index
        %parallel_loop3A_710 = arith.index_cast %parallel_loop3A_302 : i32 to index
        %parallel_loop3A_711 = tpu.vector_load %arg7[%parallel_loop3A_708, %parallel_loop3A_709, %parallel_loop3A_710] {strides = array<i32>} : memref<19x8x256xf32, #tpu.memory_space<vmem>>, vector<16xf32>,
        tpu.vector_store %arg7[%parallel_loop3A_708, %parallel_loop3A_709, %parallel_loop3A_710], %parallel_loop3A_706 {strides = array<i32>} : memref<19x8x256xf32, #tpu.memory_space<vmem>>, vector<16xf32>,
        %parallel_loop3A_712 = arith.mulf %parallel_loop3A_582, %parallel_loop3A_609 : vector<16xf32>
        %parallel_loop3A_713 = arith.constant 17 : i32
        %parallel_loop3A_714 = arith.index_cast %parallel_loop3A_713 : i32 to index
        %parallel_loop3A_715 = arith.index_cast %parallel_loop3A_298 : i32 to index
        %parallel_loop3A_716 = arith.index_cast %parallel_loop3A_302 : i32 to index
        %parallel_loop3A_717 = tpu.vector_load %arg7[%parallel_loop3A_714, %parallel_loop3A_715, %parallel_loop3A_716] {strides = array<i32>} : memref<19x8x256xf32, #tpu.memory_space<vmem>>, vector<16xf32>,
        tpu.vector_store %arg7[%parallel_loop3A_714, %parallel_loop3A_715, %parallel_loop3A_716], %parallel_loop3A_712 {strides = array<i32>} : memref<19x8x256xf32, #tpu.memory_space<vmem>>, vector<16xf32>,
        %parallel_loop3A_718 = arith.mulf %parallel_loop3A_588, %parallel_loop3A_609 : vector<16xf32>
        %parallel_loop3A_719 = arith.constant 18 : i32
        %parallel_loop3A_720 = arith.index_cast %parallel_loop3A_719 : i32 to index
        %parallel_loop3A_721 = arith.index_cast %parallel_loop3A_298 : i32 to index
        %parallel_loop3A_722 = arith.index_cast %parallel_loop3A_302 : i32 to index
        %parallel_loop3A_723 = tpu.vector_load %arg7[%parallel_loop3A_720, %parallel_loop3A_721, %parallel_loop3A_722] {strides = array<i32>} : memref<19x8x256xf32, #tpu.memory_space<vmem>>, vector<16xf32>,
        tpu.vector_store %arg7[%parallel_loop3A_720, %parallel_loop3A_721, %parallel_loop3A_722], %parallel_loop3A_718 {strides = array<i32>} : memref<19x8x256xf32, #tpu.memory_space<vmem>>, vector<16xf32>,
      } {sc.loop_unroll_factor = 1 : i64, sc.parallel_access}
      %shift_right_logical3A_275 = arith.constant 1 : i32
      %shift_right_logical3A_276 = arith.shrui %add3A_256, %shift_right_logical3A_275 : i32
      %mul3A_277 = arith.constant 8 : i32
      %mul3A_278 = arith.muli %shift_right_logical3A_276, %mul3A_277 : i32
      %add3A_279 = arith.addi %mul3A_32, %mul3A_278 : i32
      %and3A_280 = arith.constant 1 : i32
      %and3A_281 = arith.andi %add3A_256, %and3A_280 : i32
      %mul3A_282 = arith.constant 256 : i32
      %mul3A_283 = arith.muli %and3A_281, %mul3A_282 : i32
      %dma_start3A_284 = arith.constant 0 : i32
      %dma_start3A_285 = tpu.memref_slice %arg4[%select_n3A, %dma_start3A_284, %add3A_279, %mul3A_283] : memref<4x19x512x512xf32, #tpu.memory_space<hbm>> -> memref<1x19x8x256xf32, #tpu.memory_space<hbm>>
      %dma_start3A_286 = tpu.memref_squeeze %dma_start3A_285 : memref<1x19x8x256xf32, #tpu.memory_space<hbm>> -> memref<19x8x256xf32, #tpu.memory_space<hbm>>
      %dma_start3A_287 = arith.constant 0 : i32
      %dma_start3A_288 = tpu.memref_slice %arg4[%select_n3A, %dma_start3A_287, %add3A_279, %mul3A_283] : memref<4x19x512x512xf32, #tpu.memory_space<hbm>> -> memref<1x19x8x256xf32, #tpu.memory_space<hbm>>
      %dma_start3A_289 = tpu.memref_squeeze %dma_start3A_288 : memref<1x19x8x256xf32, #tpu.memory_space<hbm>> -> memref<19x8x256xf32, #tpu.memory_space<hbm>>
      tpu.enqueue_dma source(%arg7 : memref<19x8x256xf32, #tpu.memory_space<vmem>>) target(%dma_start3A_289 : memref<19x8x256xf32, #tpu.memory_space<hbm>>) target_semaphore(%arg14 : memref<!tpu.dma_semaphore, #tpu.memory_space<semaphore_mem>>)
      %lt3A_290 = arith.constant 4 : i32
      %lt3A_291 = arith.cmpi slt, %scan3A_136, %lt3A_290 : i32
      %convert_element_type3A_292 = arith.extui %lt3A_291 : i1 to i32
      %cond3A_293 = arith.constant 0 : i32
      %cond3A_294 = arith.cmpi ne, %convert_element_type3A_292, %cond3A_293 : i32
      scf.if %cond3A_294 {
        %sub3A_296 = arith.constant 1 : i32
        %sub3A_297 = arith.subi %add3A_256, %sub3A_296 : i32
        %shift_right_logical3A_298 = arith.constant 1 : i32
        %shift_right_logical3A_299 = arith.shrui %sub3A_297, %shift_right_logical3A_298 : i32
        %mul3A_300 = arith.constant 8 : i32
        %mul3A_301 = arith.muli %shift_right_logical3A_299, %mul3A_300 : i32
        %add3A_302 = arith.addi %mul3A_32, %mul3A_301 : i32
        %and3A_303 = arith.constant 1 : i32
        %and3A_304 = arith.andi %sub3A_297, %and3A_303 : i32
        %mul3A_305 = arith.constant 256 : i32
        %mul3A_306 = arith.muli %and3A_304, %mul3A_305 : i32
        %dma_wait3A_307 = arith.constant 0 : i32
        %dma_wait3A_308 = tpu.memref_slice %arg4[%select_n3A, %dma_wait3A_307, %add3A_302, %mul3A_306] : memref<4x19x512x512xf32, #tpu.memory_space<hbm>> -> memref<1x19x8x256xf32, #tpu.memory_space<hbm>>
        %dma_wait3A_309 = tpu.memref_squeeze %dma_wait3A_308 : memref<1x19x8x256xf32, #tpu.memory_space<hbm>> -> memref<19x8x256xf32, #tpu.memory_space<hbm>>
        %dma_wait3A_310 = arith.constant 0 : i32
        %dma_wait3A_311 = tpu.memref_slice %arg4[%select_n3A, %dma_wait3A_310, %add3A_302, %mul3A_306] : memref<4x19x512x512xf32, #tpu.memory_space<hbm>> -> memref<1x19x8x256xf32, #tpu.memory_space<hbm>>
        %dma_wait3A_312 = tpu.memref_squeeze %dma_wait3A_311 : memref<1x19x8x256xf32, #tpu.memory_space<hbm>> -> memref<19x8x256xf32, #tpu.memory_space<hbm>>
        tpu.wait_dma2 semaphore(%arg13 : memref<!tpu.dma_semaphore, #tpu.memory_space<semaphore_mem>>) src(%arg6 : memref<19x8x256xf32, #tpu.memory_space<vmem>>) dst(%dma_wait3A_312 : memref<19x8x256xf32, #tpu.memory_space<hbm>>)
        %add3A_313 = arith.constant 2 : i32
        %add3A_314 = arith.addi %add3A_256, %add3A_313 : i32
        %shift_right_logical3A_315 = arith.constant 1 : i32
        %shift_right_logical3A_316 = arith.shrui %add3A_314, %shift_right_logical3A_315 : i32
        %mul3A_317 = arith.constant 8 : i32
        %mul3A_318 = arith.muli %shift_right_logical3A_316, %mul3A_317 : i32
        %add3A_319 = arith.addi %mul3A_32, %mul3A_318 : i32
        %and3A_320 = arith.constant 1 : i32
        %and3A_321 = arith.andi %add3A_314, %and3A_320 : i32
        %mul3A_322 = arith.constant 256 : i32
        %mul3A_323 = arith.muli %and3A_321, %mul3A_322 : i32
        %dma_start3A_324 = arith.constant 0 : i32
        %dma_start3A_325 = tpu.memref_slice %arg2[%select_n3A, %dma_start3A_324, %add3A_319, %mul3A_323] : memref<4x19x512x512xf32, #tpu.memory_space<hbm>> -> memref<1x19x8x256xf32, #tpu.memory_space<hbm>>
        %dma_start3A_326 = tpu.memref_squeeze %dma_start3A_325 : memref<1x19x8x256xf32, #tpu.memory_space<hbm>> -> memref<19x8x256xf32, #tpu.memory_space<hbm>>
        %dma_start3A_327 = arith.constant 0 : i32
        %dma_start3A_328 = tpu.memref_slice %arg2[%select_n3A, %dma_start3A_327, %add3A_319, %mul3A_323] : memref<4x19x512x512xf32, #tpu.memory_space<hbm>> -> memref<1x19x8x256xf32, #tpu.memory_space<hbm>>
        %dma_start3A_329 = tpu.memref_squeeze %dma_start3A_328 : memref<1x19x8x256xf32, #tpu.memory_space<hbm>> -> memref<19x8x256xf32, #tpu.memory_space<hbm>>
        tpu.enqueue_dma source(%dma_start3A_329 : memref<19x8x256xf32, #tpu.memory_space<hbm>>) target(%arg6 : memref<19x8x256xf32, #tpu.memory_space<vmem>>) target_semaphore(%arg10 : memref<!tpu.dma_semaphore, #tpu.memory_space<semaphore_mem>>)
      } else {
      }
      %scan3A_295 = arith.constant 0 : i32
      scf.yield %scan3A_295 : i32
    }
    %scan3A_64 = arith.constant 5 : i32
    %shift_right_logical3A_65 = arith.constant 15 : i32
    %shift_right_logical3A_66 = arith.constant 1 : i32
    %shift_right_logical3A_67 = arith.shrui %shift_right_logical3A_65, %shift_right_logical3A_66 : i32
    %mul3A_68 = arith.constant 8 : i32
    %mul3A_69 = arith.muli %shift_right_logical3A_67, %mul3A_68 : i32
    %add3A_70 = arith.addi %mul3A_32, %mul3A_69 : i32
    %dma_wait3A = arith.constant 0 : i32
    %dma_wait3A_71 = arith.constant 256 : i32
    %dma_wait3A_72 = tpu.memref_slice %arg2[%select_n3A, %dma_wait3A, %add3A_70, %dma_wait3A_71] : memref<4x19x512x512xf32, #tpu.memory_space<hbm>> -> memref<1x19x8x256xf32, #tpu.memory_space<hbm>>
    %dma_wait3A_73 = tpu.memref_squeeze %dma_wait3A_72 : memref<1x19x8x256xf32, #tpu.memory_space<hbm>> -> memref<19x8x256xf32, #tpu.memory_space<hbm>>
    %dma_wait3A_74 = arith.constant 0 : i32
    %dma_wait3A_75 = arith.constant 256 : i32
    %dma_wait3A_76 = tpu.memref_slice %arg2[%select_n3A, %dma_wait3A_74, %add3A_70, %dma_wait3A_75] : memref<4x19x512x512xf32, #tpu.memory_space<hbm>> -> memref<1x19x8x256xf32, #tpu.memory_space<hbm>>
    %dma_wait3A_77 = tpu.memref_squeeze %dma_wait3A_76 : memref<1x19x8x256xf32, #tpu.memory_space<hbm>> -> memref<19x8x256xf32, #tpu.memory_space<hbm>>
    tpu.wait_dma2 semaphore(%arg9 : memref<!tpu.dma_semaphore, #tpu.memory_space<semaphore_mem>>) src(%dma_wait3A_77 : memref<19x8x256xf32, #tpu.memory_space<hbm>>) dst(%arg5 : memref<19x8x256xf32, #tpu.memory_space<vmem>>)
    %parallel_loop3A = arith.constant 0 : i32
    %parallel_loop3A_78 = arith.constant 128 : i32
    %parallel_loop3A_79 = arith.constant 1 : i32
    scf.for %parallel_loop3A_136 = %parallel_loop3A to %parallel_loop3A_78 step %parallel_loop3A_79  : i32 {
      %parallel_loop3A_137 = arith.constant 4 : i32
      %parallel_loop3A_138 = arith.shrui %parallel_loop3A_136, %parallel_loop3A_137 : i32
      %parallel_loop3A_139 = arith.constant 15 : i32
      %parallel_loop3A_140 = arith.andi %parallel_loop3A_136, %parallel_loop3A_139 : i32
      %parallel_loop3A_141 = arith.constant 4 : i32
      %parallel_loop3A_142 = arith.shli %parallel_loop3A_140, %parallel_loop3A_141 : i32
      %parallel_loop3A_143 = arith.constant 0 : i32
      %parallel_loop3A_144 = arith.index_cast %parallel_loop3A_143 : i32 to index
      %parallel_loop3A_145 = arith.index_cast %parallel_loop3A_138 : i32 to index
      %parallel_loop3A_146 = arith.index_cast %parallel_loop3A_142 : i32 to index
      %parallel_loop3A_147 = tpu.vector_load %arg5[%parallel_loop3A_144, %parallel_loop3A_145, %parallel_loop3A_146] {strides = array<i32>} : memref<19x8x256xf32, #tpu.memory_space<vmem>>, vector<16xf32>,
      %parallel_loop3A_148 = arith.constant 1 : i32
      %parallel_loop3A_149 = arith.index_cast %parallel_loop3A_148 : i32 to index
      %parallel_loop3A_150 = arith.index_cast %parallel_loop3A_138 : i32 to index
      %parallel_loop3A_151 = arith.index_cast %parallel_loop3A_142 : i32 to index
      %parallel_loop3A_152 = tpu.vector_load %arg5[%parallel_loop3A_149, %parallel_loop3A_150, %parallel_loop3A_151] {strides = array<i32>} : memref<19x8x256xf32, #tpu.memory_space<vmem>>, vector<16xf32>,
      %parallel_loop3A_153 = arith.constant 2 : i32
      %parallel_loop3A_154 = arith.index_cast %parallel_loop3A_153 : i32 to index
      %parallel_loop3A_155 = arith.index_cast %parallel_loop3A_138 : i32 to index
      %parallel_loop3A_156 = arith.index_cast %parallel_loop3A_142 : i32 to index
      %parallel_loop3A_157 = tpu.vector_load %arg5[%parallel_loop3A_154, %parallel_loop3A_155, %parallel_loop3A_156] {strides = array<i32>} : memref<19x8x256xf32, #tpu.memory_space<vmem>>, vector<16xf32>,
      %parallel_loop3A_158 = arith.constant 3 : i32
      %parallel_loop3A_159 = arith.index_cast %parallel_loop3A_158 : i32 to index
      %parallel_loop3A_160 = arith.index_cast %parallel_loop3A_138 : i32 to index
      %parallel_loop3A_161 = arith.index_cast %parallel_loop3A_142 : i32 to index
      %parallel_loop3A_162 = tpu.vector_load %arg5[%parallel_loop3A_159, %parallel_loop3A_160, %parallel_loop3A_161] {strides = array<i32>} : memref<19x8x256xf32, #tpu.memory_space<vmem>>, vector<16xf32>,
      %parallel_loop3A_163 = arith.constant 4 : i32
      %parallel_loop3A_164 = arith.index_cast %parallel_loop3A_163 : i32 to index
      %parallel_loop3A_165 = arith.index_cast %parallel_loop3A_138 : i32 to index
      %parallel_loop3A_166 = arith.index_cast %parallel_loop3A_142 : i32 to index
      %parallel_loop3A_167 = tpu.vector_load %arg5[%parallel_loop3A_164, %parallel_loop3A_165, %parallel_loop3A_166] {strides = array<i32>} : memref<19x8x256xf32, #tpu.memory_space<vmem>>, vector<16xf32>,
      %parallel_loop3A_168 = arith.constant 5 : i32
      %parallel_loop3A_169 = arith.index_cast %parallel_loop3A_168 : i32 to index
      %parallel_loop3A_170 = arith.index_cast %parallel_loop3A_138 : i32 to index
      %parallel_loop3A_171 = arith.index_cast %parallel_loop3A_142 : i32 to index
      %parallel_loop3A_172 = tpu.vector_load %arg5[%parallel_loop3A_169, %parallel_loop3A_170, %parallel_loop3A_171] {strides = array<i32>} : memref<19x8x256xf32, #tpu.memory_space<vmem>>, vector<16xf32>,
      %parallel_loop3A_173 = arith.constant 6 : i32
      %parallel_loop3A_174 = arith.index_cast %parallel_loop3A_173 : i32 to index
      %parallel_loop3A_175 = arith.index_cast %parallel_loop3A_138 : i32 to index
      %parallel_loop3A_176 = arith.index_cast %parallel_loop3A_142 : i32 to index
      %parallel_loop3A_177 = tpu.vector_load %arg5[%parallel_loop3A_174, %parallel_loop3A_175, %parallel_loop3A_176] {strides = array<i32>} : memref<19x8x256xf32, #tpu.memory_space<vmem>>, vector<16xf32>,
      %parallel_loop3A_178 = arith.constant 7 : i32
      %parallel_loop3A_179 = arith.index_cast %parallel_loop3A_178 : i32 to index
      %parallel_loop3A_180 = arith.index_cast %parallel_loop3A_138 : i32 to index
      %parallel_loop3A_181 = arith.index_cast %parallel_loop3A_142 : i32 to index
      %parallel_loop3A_182 = tpu.vector_load %arg5[%parallel_loop3A_179, %parallel_loop3A_180, %parallel_loop3A_181] {strides = array<i32>} : memref<19x8x256xf32, #tpu.memory_space<vmem>>, vector<16xf32>,
      %parallel_loop3A_183 = arith.constant 8 : i32
      %parallel_loop3A_184 = arith.index_cast %parallel_loop3A_183 : i32 to index
      %parallel_loop3A_185 = arith.index_cast %parallel_loop3A_138 : i32 to index
      %parallel_loop3A_186 = arith.index_cast %parallel_loop3A_142 : i32 to index
      %parallel_loop3A_187 = tpu.vector_load %arg5[%parallel_loop3A_184, %parallel_loop3A_185, %parallel_loop3A_186] {strides = array<i32>} : memref<19x8x256xf32, #tpu.memory_space<vmem>>, vector<16xf32>,
      %parallel_loop3A_188 = arith.constant 9 : i32
      %parallel_loop3A_189 = arith.index_cast %parallel_loop3A_188 : i32 to index
      %parallel_loop3A_190 = arith.index_cast %parallel_loop3A_138 : i32 to index
      %parallel_loop3A_191 = arith.index_cast %parallel_loop3A_142 : i32 to index
      %parallel_loop3A_192 = tpu.vector_load %arg5[%parallel_loop3A_189, %parallel_loop3A_190, %parallel_loop3A_191] {strides = array<i32>} : memref<19x8x256xf32, #tpu.memory_space<vmem>>, vector<16xf32>,
      %parallel_loop3A_193 = arith.constant 10 : i32
      %parallel_loop3A_194 = arith.index_cast %parallel_loop3A_193 : i32 to index
      %parallel_loop3A_195 = arith.index_cast %parallel_loop3A_138 : i32 to index
      %parallel_loop3A_196 = arith.index_cast %parallel_loop3A_142 : i32 to index
      %parallel_loop3A_197 = tpu.vector_load %arg5[%parallel_loop3A_194, %parallel_loop3A_195, %parallel_loop3A_196] {strides = array<i32>} : memref<19x8x256xf32, #tpu.memory_space<vmem>>, vector<16xf32>,
      %parallel_loop3A_198 = arith.constant 11 : i32
      %parallel_loop3A_199 = arith.index_cast %parallel_loop3A_198 : i32 to index
      %parallel_loop3A_200 = arith.index_cast %parallel_loop3A_138 : i32 to index
      %parallel_loop3A_201 = arith.index_cast %parallel_loop3A_142 : i32 to index
      %parallel_loop3A_202 = tpu.vector_load %arg5[%parallel_loop3A_199, %parallel_loop3A_200, %parallel_loop3A_201] {strides = array<i32>} : memref<19x8x256xf32, #tpu.memory_space<vmem>>, vector<16xf32>,
      %parallel_loop3A_203 = arith.constant 12 : i32
      %parallel_loop3A_204 = arith.index_cast %parallel_loop3A_203 : i32 to index
      %parallel_loop3A_205 = arith.index_cast %parallel_loop3A_138 : i32 to index
      %parallel_loop3A_206 = arith.index_cast %parallel_loop3A_142 : i32 to index
      %parallel_loop3A_207 = tpu.vector_load %arg5[%parallel_loop3A_204, %parallel_loop3A_205, %parallel_loop3A_206] {strides = array<i32>} : memref<19x8x256xf32, #tpu.memory_space<vmem>>, vector<16xf32>,
      %parallel_loop3A_208 = arith.constant 13 : i32
      %parallel_loop3A_209 = arith.index_cast %parallel_loop3A_208 : i32 to index
      %parallel_loop3A_210 = arith.index_cast %parallel_loop3A_138 : i32 to index
      %parallel_loop3A_211 = arith.index_cast %parallel_loop3A_142 : i32 to index
      %parallel_loop3A_212 = tpu.vector_load %arg5[%parallel_loop3A_209, %parallel_loop3A_210, %parallel_loop3A_211] {strides = array<i32>} : memref<19x8x256xf32, #tpu.memory_space<vmem>>, vector<16xf32>,
      %parallel_loop3A_213 = arith.constant 14 : i32
      %parallel_loop3A_214 = arith.index_cast %parallel_loop3A_213 : i32 to index
      %parallel_loop3A_215 = arith.index_cast %parallel_loop3A_138 : i32 to index
      %parallel_loop3A_216 = arith.index_cast %parallel_loop3A_142 : i32 to index
      %parallel_loop3A_217 = tpu.vector_load %arg5[%parallel_loop3A_214, %parallel_loop3A_215, %parallel_loop3A_216] {strides = array<i32>} : memref<19x8x256xf32, #tpu.memory_space<vmem>>, vector<16xf32>,
      %parallel_loop3A_218 = arith.constant 15 : i32
      %parallel_loop3A_219 = arith.index_cast %parallel_loop3A_218 : i32 to index
      %parallel_loop3A_220 = arith.index_cast %parallel_loop3A_138 : i32 to index
      %parallel_loop3A_221 = arith.index_cast %parallel_loop3A_142 : i32 to index
      %parallel_loop3A_222 = tpu.vector_load %arg5[%parallel_loop3A_219, %parallel_loop3A_220, %parallel_loop3A_221] {strides = array<i32>} : memref<19x8x256xf32, #tpu.memory_space<vmem>>, vector<16xf32>,
      %parallel_loop3A_223 = arith.constant 16 : i32
      %parallel_loop3A_224 = arith.index_cast %parallel_loop3A_223 : i32 to index
      %parallel_loop3A_225 = arith.index_cast %parallel_loop3A_138 : i32 to index
      %parallel_loop3A_226 = arith.index_cast %parallel_loop3A_142 : i32 to index
      %parallel_loop3A_227 = tpu.vector_load %arg5[%parallel_loop3A_224, %parallel_loop3A_225, %parallel_loop3A_226] {strides = array<i32>} : memref<19x8x256xf32, #tpu.memory_space<vmem>>, vector<16xf32>,
      %parallel_loop3A_228 = arith.constant 17 : i32
      %parallel_loop3A_229 = arith.index_cast %parallel_loop3A_228 : i32 to index
      %parallel_loop3A_230 = arith.index_cast %parallel_loop3A_138 : i32 to index
      %parallel_loop3A_231 = arith.index_cast %parallel_loop3A_142 : i32 to index
      %parallel_loop3A_232 = tpu.vector_load %arg5[%parallel_loop3A_229, %parallel_loop3A_230, %parallel_loop3A_231] {strides = array<i32>} : memref<19x8x256xf32, #tpu.memory_space<vmem>>, vector<16xf32>,
      %parallel_loop3A_233 = arith.constant 18 : i32
      %parallel_loop3A_234 = arith.index_cast %parallel_loop3A_233 : i32 to index
      %parallel_loop3A_235 = arith.index_cast %parallel_loop3A_138 : i32 to index
      %parallel_loop3A_236 = arith.index_cast %parallel_loop3A_142 : i32 to index
      %parallel_loop3A_237 = tpu.vector_load %arg5[%parallel_loop3A_234, %parallel_loop3A_235, %parallel_loop3A_236] {strides = array<i32>} : memref<19x8x256xf32, #tpu.memory_space<vmem>>, vector<16xf32>,
      %parallel_loop3A_238 = arith.maximumf %parallel_loop3A_147, %parallel_loop3A_152 : vector<16xf32>
      %parallel_loop3A_239 = arith.maximumf %parallel_loop3A_238, %parallel_loop3A_157 : vector<16xf32>
      %parallel_loop3A_240 = arith.maximumf %parallel_loop3A_239, %parallel_loop3A_162 : vector<16xf32>
      %parallel_loop3A_241 = arith.maximumf %parallel_loop3A_240, %parallel_loop3A_167 : vector<16xf32>
      %parallel_loop3A_242 = arith.maximumf %parallel_loop3A_241, %parallel_loop3A_172 : vector<16xf32>
      %parallel_loop3A_243 = arith.maximumf %parallel_loop3A_242, %parallel_loop3A_177 : vector<16xf32>
      %parallel_loop3A_244 = arith.maximumf %parallel_loop3A_243, %parallel_loop3A_182 : vector<16xf32>
      %parallel_loop3A_245 = arith.maximumf %parallel_loop3A_244, %parallel_loop3A_187 : vector<16xf32>
      %parallel_loop3A_246 = arith.maximumf %parallel_loop3A_245, %parallel_loop3A_192 : vector<16xf32>
      %parallel_loop3A_247 = arith.maximumf %parallel_loop3A_246, %parallel_loop3A_197 : vector<16xf32>
      %parallel_loop3A_248 = arith.maximumf %parallel_loop3A_247, %parallel_loop3A_202 : vector<16xf32>
      %parallel_loop3A_249 = arith.maximumf %parallel_loop3A_248, %parallel_loop3A_207 : vector<16xf32>
      %parallel_loop3A_250 = arith.maximumf %parallel_loop3A_249, %parallel_loop3A_212 : vector<16xf32>
      %parallel_loop3A_251 = arith.maximumf %parallel_loop3A_250, %parallel_loop3A_217 : vector<16xf32>
      %parallel_loop3A_252 = arith.maximumf %parallel_loop3A_251, %parallel_loop3A_222 : vector<16xf32>
      %parallel_loop3A_253 = arith.maximumf %parallel_loop3A_252, %parallel_loop3A_227 : vector<16xf32>
      %parallel_loop3A_254 = arith.maximumf %parallel_loop3A_253, %parallel_loop3A_232 : vector<16xf32>
      %parallel_loop3A_255 = arith.maximumf %parallel_loop3A_254, %parallel_loop3A_237 : vector<16xf32>
      %parallel_loop3A_256 = arith.subf %parallel_loop3A_147, %parallel_loop3A_255 : vector<16xf32>
      %parallel_loop3A_257 = math.exp %parallel_loop3A_256 : vector<16xf32>
      %parallel_loop3A_258 = arith.subf %parallel_loop3A_152, %parallel_loop3A_255 : vector<16xf32>
      %parallel_loop3A_259 = math.exp %parallel_loop3A_258 : vector<16xf32>
      %parallel_loop3A_260 = arith.subf %parallel_loop3A_157, %parallel_loop3A_255 : vector<16xf32>
      %parallel_loop3A_261 = math.exp %parallel_loop3A_260 : vector<16xf32>
      %parallel_loop3A_262 = arith.subf %parallel_loop3A_162, %parallel_loop3A_255 : vector<16xf32>
      %parallel_loop3A_263 = math.exp %parallel_loop3A_262 : vector<16xf32>
      %parallel_loop3A_264 = arith.subf %parallel_loop3A_167, %parallel_loop3A_255 : vector<16xf32>
      %parallel_loop3A_265 = math.exp %parallel_loop3A_264 : vector<16xf32>
      %parallel_loop3A_266 = arith.subf %parallel_loop3A_172, %parallel_loop3A_255 : vector<16xf32>
      %parallel_loop3A_267 = math.exp %parallel_loop3A_266 : vector<16xf32>
      %parallel_loop3A_268 = arith.subf %parallel_loop3A_177, %parallel_loop3A_255 : vector<16xf32>
      %parallel_loop3A_269 = math.exp %parallel_loop3A_268 : vector<16xf32>
      %parallel_loop3A_270 = arith.subf %parallel_loop3A_182, %parallel_loop3A_255 : vector<16xf32>
      %parallel_loop3A_271 = math.exp %parallel_loop3A_270 : vector<16xf32>
      %parallel_loop3A_272 = arith.subf %parallel_loop3A_187, %parallel_loop3A_255 : vector<16xf32>
      %parallel_loop3A_273 = math.exp %parallel_loop3A_272 : vector<16xf32>
      %parallel_loop3A_274 = arith.subf %parallel_loop3A_192, %parallel_loop3A_255 : vector<16xf32>
      %parallel_loop3A_275 = math.exp %parallel_loop3A_274 : vector<16xf32>
      %parallel_loop3A_276 = arith.subf %parallel_loop3A_197, %parallel_loop3A_255 : vector<16xf32>
      %parallel_loop3A_277 = math.exp %parallel_loop3A_276 : vector<16xf32>
      %parallel_loop3A_278 = arith.subf %parallel_loop3A_202, %parallel_loop3A_255 : vector<16xf32>
      %parallel_loop3A_279 = math.exp %parallel_loop3A_278 : vector<16xf32>
      %parallel_loop3A_280 = arith.subf %parallel_loop3A_207, %parallel_loop3A_255 : vector<16xf32>
      %parallel_loop3A_281 = math.exp %parallel_loop3A_280 : vector<16xf32>
      %parallel_loop3A_282 = arith.subf %parallel_loop3A_212, %parallel_loop3A_255 : vector<16xf32>
      %parallel_loop3A_283 = math.exp %parallel_loop3A_282 : vector<16xf32>
      %parallel_loop3A_284 = arith.subf %parallel_loop3A_217, %parallel_loop3A_255 : vector<16xf32>
      %parallel_loop3A_285 = math.exp %parallel_loop3A_284 : vector<16xf32>
      %parallel_loop3A_286 = arith.subf %parallel_loop3A_222, %parallel_loop3A_255 : vector<16xf32>
      %parallel_loop3A_287 = math.exp %parallel_loop3A_286 : vector<16xf32>
      %parallel_loop3A_288 = arith.subf %parallel_loop3A_227, %parallel_loop3A_255 : vector<16xf32>
      %parallel_loop3A_289 = math.exp %parallel_loop3A_288 : vector<16xf32>
      %parallel_loop3A_290 = arith.subf %parallel_loop3A_232, %parallel_loop3A_255 : vector<16xf32>
      %parallel_loop3A_291 = math.exp %parallel_loop3A_290 : vector<16xf32>
      %parallel_loop3A_292 = arith.subf %parallel_loop3A_237, %parallel_loop3A_255 : vector<16xf32>
      %parallel_loop3A_293 = math.exp %parallel_loop3A_292 : vector<16xf32>
      %parallel_loop3A_294 = arith.addf %parallel_loop3A_257, %parallel_loop3A_259 : vector<16xf32>
      %parallel_loop3A_295 = arith.addf %parallel_loop3A_294, %parallel_loop3A_261 : vector<16xf32>
      %parallel_loop3A_296 = arith.addf %parallel_loop3A_295, %parallel_loop3A_263 : vector<16xf32>
      %parallel_loop3A_297 = arith.addf %parallel_loop3A_296, %parallel_loop3A_265 : vector<16xf32>
      %parallel_loop3A_298 = arith.addf %parallel_loop3A_297, %parallel_loop3A_267 : vector<16xf32>
      %parallel_loop3A_299 = arith.addf %parallel_loop3A_298, %parallel_loop3A_269 : vector<16xf32>
      %parallel_loop3A_300 = arith.addf %parallel_loop3A_299, %parallel_loop3A_271 : vector<16xf32>
      %parallel_loop3A_301 = arith.addf %parallel_loop3A_300, %parallel_loop3A_273 : vector<16xf32>
      %parallel_loop3A_302 = arith.addf %parallel_loop3A_301, %parallel_loop3A_275 : vector<16xf32>
      %parallel_loop3A_303 = arith.addf %parallel_loop3A_302, %parallel_loop3A_277 : vector<16xf32>
      %parallel_loop3A_304 = arith.addf %parallel_loop3A_303, %parallel_loop3A_279 : vector<16xf32>
      %parallel_loop3A_305 = arith.addf %parallel_loop3A_304, %parallel_loop3A_281 : vector<16xf32>
      %parallel_loop3A_306 = arith.addf %parallel_loop3A_305, %parallel_loop3A_283 : vector<16xf32>
      %parallel_loop3A_307 = arith.addf %parallel_loop3A_306, %parallel_loop3A_285 : vector<16xf32>
      %parallel_loop3A_308 = arith.addf %parallel_loop3A_307, %parallel_loop3A_287 : vector<16xf32>
      %parallel_loop3A_309 = arith.addf %parallel_loop3A_308, %parallel_loop3A_289 : vector<16xf32>
      %parallel_loop3A_310 = arith.addf %parallel_loop3A_309, %parallel_loop3A_291 : vector<16xf32>
      %parallel_loop3A_311 = arith.addf %parallel_loop3A_310, %parallel_loop3A_293 : vector<16xf32>
      %parallel_loop3A_312 = arith.constant 1.500000e+01 : f32
      %parallel_loop3A_313 = vector.broadcast %parallel_loop3A_312 : f32 to vector<16xf32>
      %parallel_loop3A_314 = arith.divf %parallel_loop3A_313, %parallel_loop3A_311 : vector<16xf32>
      %parallel_loop3A_315 = arith.mulf %parallel_loop3A_257, %parallel_loop3A_314 : vector<16xf32>
      %parallel_loop3A_316 = arith.fptosi %parallel_loop3A_315 : vector<16xf32> to vector<16xi32>
      %parallel_loop3A_317 = arith.constant 0 : i32
      %parallel_loop3A_318 = vector.broadcast %parallel_loop3A_317 : i32 to vector<16xi32>
      %parallel_loop3A_319 = arith.addi %parallel_loop3A_316, %parallel_loop3A_318 : vector<16xi32>
      %parallel_loop3A_320 = tpu.vector_load_idx %arg8[%parallel_loop3A_319] : memref<304xf32, #tpu.memory_space<vmem>>[vector<16xi32>], vector<16xf32>,
      %parallel_loop3A_321 = arith.mulf %parallel_loop3A_259, %parallel_loop3A_314 : vector<16xf32>
      %parallel_loop3A_322 = arith.fptosi %parallel_loop3A_321 : vector<16xf32> to vector<16xi32>
      %parallel_loop3A_323 = arith.constant 16 : i32
      %parallel_loop3A_324 = vector.broadcast %parallel_loop3A_323 : i32 to vector<16xi32>
      %parallel_loop3A_325 = arith.addi %parallel_loop3A_322, %parallel_loop3A_324 : vector<16xi32>
      %parallel_loop3A_326 = tpu.vector_load_idx %arg8[%parallel_loop3A_325] : memref<304xf32, #tpu.memory_space<vmem>>[vector<16xi32>], vector<16xf32>,
      %parallel_loop3A_327 = arith.mulf %parallel_loop3A_261, %parallel_loop3A_314 : vector<16xf32>
      %parallel_loop3A_328 = arith.fptosi %parallel_loop3A_327 : vector<16xf32> to vector<16xi32>
      %parallel_loop3A_329 = arith.constant 32 : i32
      %parallel_loop3A_330 = vector.broadcast %parallel_loop3A_329 : i32 to vector<16xi32>
      %parallel_loop3A_331 = arith.addi %parallel_loop3A_328, %parallel_loop3A_330 : vector<16xi32>
      %parallel_loop3A_332 = tpu.vector_load_idx %arg8[%parallel_loop3A_331] : memref<304xf32, #tpu.memory_space<vmem>>[vector<16xi32>], vector<16xf32>,
      %parallel_loop3A_333 = arith.mulf %parallel_loop3A_263, %parallel_loop3A_314 : vector<16xf32>
      %parallel_loop3A_334 = arith.fptosi %parallel_loop3A_333 : vector<16xf32> to vector<16xi32>
      %parallel_loop3A_335 = arith.constant 48 : i32
      %parallel_loop3A_336 = vector.broadcast %parallel_loop3A_335 : i32 to vector<16xi32>
      %parallel_loop3A_337 = arith.addi %parallel_loop3A_334, %parallel_loop3A_336 : vector<16xi32>
      %parallel_loop3A_338 = tpu.vector_load_idx %arg8[%parallel_loop3A_337] : memref<304xf32, #tpu.memory_space<vmem>>[vector<16xi32>], vector<16xf32>,
      %parallel_loop3A_339 = arith.mulf %parallel_loop3A_265, %parallel_loop3A_314 : vector<16xf32>
      %parallel_loop3A_340 = arith.fptosi %parallel_loop3A_339 : vector<16xf32> to vector<16xi32>
      %parallel_loop3A_341 = arith.constant 64 : i32
      %parallel_loop3A_342 = vector.broadcast %parallel_loop3A_341 : i32 to vector<16xi32>
      %parallel_loop3A_343 = arith.addi %parallel_loop3A_340, %parallel_loop3A_342 : vector<16xi32>
      %parallel_loop3A_344 = tpu.vector_load_idx %arg8[%parallel_loop3A_343] : memref<304xf32, #tpu.memory_space<vmem>>[vector<16xi32>], vector<16xf32>,
      %parallel_loop3A_345 = arith.mulf %parallel_loop3A_267, %parallel_loop3A_314 : vector<16xf32>
      %parallel_loop3A_346 = arith.fptosi %parallel_loop3A_345 : vector<16xf32> to vector<16xi32>
      %parallel_loop3A_347 = arith.constant 80 : i32
      %parallel_loop3A_348 = vector.broadcast %parallel_loop3A_347 : i32 to vector<16xi32>
      %parallel_loop3A_349 = arith.addi %parallel_loop3A_346, %parallel_loop3A_348 : vector<16xi32>
      %parallel_loop3A_350 = tpu.vector_load_idx %arg8[%parallel_loop3A_349] : memref<304xf32, #tpu.memory_space<vmem>>[vector<16xi32>], vector<16xf32>,
      %parallel_loop3A_351 = arith.mulf %parallel_loop3A_269, %parallel_loop3A_314 : vector<16xf32>
      %parallel_loop3A_352 = arith.fptosi %parallel_loop3A_351 : vector<16xf32> to vector<16xi32>
      %parallel_loop3A_353 = arith.constant 96 : i32
      %parallel_loop3A_354 = vector.broadcast %parallel_loop3A_353 : i32 to vector<16xi32>
      %parallel_loop3A_355 = arith.addi %parallel_loop3A_352, %parallel_loop3A_354 : vector<16xi32>
      %parallel_loop3A_356 = tpu.vector_load_idx %arg8[%parallel_loop3A_355] : memref<304xf32, #tpu.memory_space<vmem>>[vector<16xi32>], vector<16xf32>,
      %parallel_loop3A_357 = arith.mulf %parallel_loop3A_271, %parallel_loop3A_314 : vector<16xf32>
      %parallel_loop3A_358 = arith.fptosi %parallel_loop3A_357 : vector<16xf32> to vector<16xi32>
      %parallel_loop3A_359 = arith.constant 112 : i32
      %parallel_loop3A_360 = vector.broadcast %parallel_loop3A_359 : i32 to vector<16xi32>
      %parallel_loop3A_361 = arith.addi %parallel_loop3A_358, %parallel_loop3A_360 : vector<16xi32>
      %parallel_loop3A_362 = tpu.vector_load_idx %arg8[%parallel_loop3A_361] : memref<304xf32, #tpu.memory_space<vmem>>[vector<16xi32>], vector<16xf32>,
      %parallel_loop3A_363 = arith.mulf %parallel_loop3A_273, %parallel_loop3A_314 : vector<16xf32>
      %parallel_loop3A_364 = arith.fptosi %parallel_loop3A_363 : vector<16xf32> to vector<16xi32>
      %parallel_loop3A_365 = arith.constant 128 : i32
      %parallel_loop3A_366 = vector.broadcast %parallel_loop3A_365 : i32 to vector<16xi32>
      %parallel_loop3A_367 = arith.addi %parallel_loop3A_364, %parallel_loop3A_366 : vector<16xi32>
      %parallel_loop3A_368 = tpu.vector_load_idx %arg8[%parallel_loop3A_367] : memref<304xf32, #tpu.memory_space<vmem>>[vector<16xi32>], vector<16xf32>,
      %parallel_loop3A_369 = arith.mulf %parallel_loop3A_275, %parallel_loop3A_314 : vector<16xf32>
      %parallel_loop3A_370 = arith.fptosi %parallel_loop3A_369 : vector<16xf32> to vector<16xi32>
      %parallel_loop3A_371 = arith.constant 144 : i32
      %parallel_loop3A_372 = vector.broadcast %parallel_loop3A_371 : i32 to vector<16xi32>
      %parallel_loop3A_373 = arith.addi %parallel_loop3A_370, %parallel_loop3A_372 : vector<16xi32>
      %parallel_loop3A_374 = tpu.vector_load_idx %arg8[%parallel_loop3A_373] : memref<304xf32, #tpu.memory_space<vmem>>[vector<16xi32>], vector<16xf32>,
      %parallel_loop3A_375 = arith.mulf %parallel_loop3A_277, %parallel_loop3A_314 : vector<16xf32>
      %parallel_loop3A_376 = arith.fptosi %parallel_loop3A_375 : vector<16xf32> to vector<16xi32>
      %parallel_loop3A_377 = arith.constant 160 : i32
      %parallel_loop3A_378 = vector.broadcast %parallel_loop3A_377 : i32 to vector<16xi32>
      %parallel_loop3A_379 = arith.addi %parallel_loop3A_376, %parallel_loop3A_378 : vector<16xi32>
      %parallel_loop3A_380 = tpu.vector_load_idx %arg8[%parallel_loop3A_379] : memref<304xf32, #tpu.memory_space<vmem>>[vector<16xi32>], vector<16xf32>,
      %parallel_loop3A_381 = arith.mulf %parallel_loop3A_279, %parallel_loop3A_314 : vector<16xf32>
      %parallel_loop3A_382 = arith.fptosi %parallel_loop3A_381 : vector<16xf32> to vector<16xi32>
      %parallel_loop3A_383 = arith.constant 176 : i32
      %parallel_loop3A_384 = vector.broadcast %parallel_loop3A_383 : i32 to vector<16xi32>
      %parallel_loop3A_385 = arith.addi %parallel_loop3A_382, %parallel_loop3A_384 : vector<16xi32>
      %parallel_loop3A_386 = tpu.vector_load_idx %arg8[%parallel_loop3A_385] : memref<304xf32, #tpu.memory_space<vmem>>[vector<16xi32>], vector<16xf32>,
      %parallel_loop3A_387 = arith.mulf %parallel_loop3A_281, %parallel_loop3A_314 : vector<16xf32>
      %parallel_loop3A_388 = arith.fptosi %parallel_loop3A_387 : vector<16xf32> to vector<16xi32>
      %parallel_loop3A_389 = arith.constant 192 : i32
      %parallel_loop3A_390 = vector.broadcast %parallel_loop3A_389 : i32 to vector<16xi32>
      %parallel_loop3A_391 = arith.addi %parallel_loop3A_388, %parallel_loop3A_390 : vector<16xi32>
      %parallel_loop3A_392 = tpu.vector_load_idx %arg8[%parallel_loop3A_391] : memref<304xf32, #tpu.memory_space<vmem>>[vector<16xi32>], vector<16xf32>,
      %parallel_loop3A_393 = arith.mulf %parallel_loop3A_283, %parallel_loop3A_314 : vector<16xf32>
      %parallel_loop3A_394 = arith.fptosi %parallel_loop3A_393 : vector<16xf32> to vector<16xi32>
      %parallel_loop3A_395 = arith.constant 208 : i32
      %parallel_loop3A_396 = vector.broadcast %parallel_loop3A_395 : i32 to vector<16xi32>
      %parallel_loop3A_397 = arith.addi %parallel_loop3A_394, %parallel_loop3A_396 : vector<16xi32>
      %parallel_loop3A_398 = tpu.vector_load_idx %arg8[%parallel_loop3A_397] : memref<304xf32, #tpu.memory_space<vmem>>[vector<16xi32>], vector<16xf32>,
      %parallel_loop3A_399 = arith.mulf %parallel_loop3A_285, %parallel_loop3A_314 : vector<16xf32>
      %parallel_loop3A_400 = arith.fptosi %parallel_loop3A_399 : vector<16xf32> to vector<16xi32>
      %parallel_loop3A_401 = arith.constant 224 : i32
      %parallel_loop3A_402 = vector.broadcast %parallel_loop3A_401 : i32 to vector<16xi32>
      %parallel_loop3A_403 = arith.addi %parallel_loop3A_400, %parallel_loop3A_402 : vector<16xi32>
      %parallel_loop3A_404 = tpu.vector_load_idx %arg8[%parallel_loop3A_403] : memref<304xf32, #tpu.memory_space<vmem>>[vector<16xi32>], vector<16xf32>,
      %parallel_loop3A_405 = arith.mulf %parallel_loop3A_287, %parallel_loop3A_314 : vector<16xf32>
      %parallel_loop3A_406 = arith.fptosi %parallel_loop3A_405 : vector<16xf32> to vector<16xi32>
      %parallel_loop3A_407 = arith.constant 240 : i32
      %parallel_loop3A_408 = vector.broadcast %parallel_loop3A_407 : i32 to vector<16xi32>
      %parallel_loop3A_409 = arith.addi %parallel_loop3A_406, %parallel_loop3A_408 : vector<16xi32>
      %parallel_loop3A_410 = tpu.vector_load_idx %arg8[%parallel_loop3A_409] : memref<304xf32, #tpu.memory_space<vmem>>[vector<16xi32>], vector<16xf32>,
      %parallel_loop3A_411 = arith.mulf %parallel_loop3A_289, %parallel_loop3A_314 : vector<16xf32>
      %parallel_loop3A_412 = arith.fptosi %parallel_loop3A_411 : vector<16xf32> to vector<16xi32>
      %parallel_loop3A_413 = arith.constant 256 : i32
      %parallel_loop3A_414 = vector.broadcast %parallel_loop3A_413 : i32 to vector<16xi32>
      %parallel_loop3A_415 = arith.addi %parallel_loop3A_412, %parallel_loop3A_414 : vector<16xi32>
      %parallel_loop3A_416 = tpu.vector_load_idx %arg8[%parallel_loop3A_415] : memref<304xf32, #tpu.memory_space<vmem>>[vector<16xi32>], vector<16xf32>,
      %parallel_loop3A_417 = arith.mulf %parallel_loop3A_291, %parallel_loop3A_314 : vector<16xf32>
      %parallel_loop3A_418 = arith.fptosi %parallel_loop3A_417 : vector<16xf32> to vector<16xi32>
      %parallel_loop3A_419 = arith.constant 272 : i32
      %parallel_loop3A_420 = vector.broadcast %parallel_loop3A_419 : i32 to vector<16xi32>
      %parallel_loop3A_421 = arith.addi %parallel_loop3A_418, %parallel_loop3A_420 : vector<16xi32>
      %parallel_loop3A_422 = tpu.vector_load_idx %arg8[%parallel_loop3A_421] : memref<304xf32, #tpu.memory_space<vmem>>[vector<16xi32>], vector<16xf32>,
      %parallel_loop3A_423 = arith.mulf %parallel_loop3A_293, %parallel_loop3A_314 : vector<16xf32>
      %parallel_loop3A_424 = arith.fptosi %parallel_loop3A_423 : vector<16xf32> to vector<16xi32>
      %parallel_loop3A_425 = arith.constant 288 : i32
      %parallel_loop3A_426 = vector.broadcast %parallel_loop3A_425 : i32 to vector<16xi32>
      %parallel_loop3A_427 = arith.addi %parallel_loop3A_424, %parallel_loop3A_426 : vector<16xi32>
      %parallel_loop3A_428 = tpu.vector_load_idx %arg8[%parallel_loop3A_427] : memref<304xf32, #tpu.memory_space<vmem>>[vector<16xi32>], vector<16xf32>,
      %parallel_loop3A_429 = arith.addf %parallel_loop3A_320, %parallel_loop3A_326 : vector<16xf32>
      %parallel_loop3A_430 = arith.addf %parallel_loop3A_429, %parallel_loop3A_332 : vector<16xf32>
      %parallel_loop3A_431 = arith.addf %parallel_loop3A_430, %parallel_loop3A_338 : vector<16xf32>
      %parallel_loop3A_432 = arith.addf %parallel_loop3A_431, %parallel_loop3A_344 : vector<16xf32>
      %parallel_loop3A_433 = arith.addf %parallel_loop3A_432, %parallel_loop3A_350 : vector<16xf32>
      %parallel_loop3A_434 = arith.addf %parallel_loop3A_433, %parallel_loop3A_356 : vector<16xf32>
      %parallel_loop3A_435 = arith.addf %parallel_loop3A_434, %parallel_loop3A_362 : vector<16xf32>
      %parallel_loop3A_436 = arith.addf %parallel_loop3A_435, %parallel_loop3A_368 : vector<16xf32>
      %parallel_loop3A_437 = arith.addf %parallel_loop3A_436, %parallel_loop3A_374 : vector<16xf32>
      %parallel_loop3A_438 = arith.addf %parallel_loop3A_437, %parallel_loop3A_380 : vector<16xf32>
      %parallel_loop3A_439 = arith.addf %parallel_loop3A_438, %parallel_loop3A_386 : vector<16xf32>
      %parallel_loop3A_440 = arith.addf %parallel_loop3A_439, %parallel_loop3A_392 : vector<16xf32>
      %parallel_loop3A_441 = arith.addf %parallel_loop3A_440, %parallel_loop3A_398 : vector<16xf32>
      %parallel_loop3A_442 = arith.addf %parallel_loop3A_441, %parallel_loop3A_404 : vector<16xf32>
      %parallel_loop3A_443 = arith.addf %parallel_loop3A_442, %parallel_loop3A_410 : vector<16xf32>
      %parallel_loop3A_444 = arith.addf %parallel_loop3A_443, %parallel_loop3A_416 : vector<16xf32>
      %parallel_loop3A_445 = arith.addf %parallel_loop3A_444, %parallel_loop3A_422 : vector<16xf32>
      %parallel_loop3A_446 = arith.addf %parallel_loop3A_445, %parallel_loop3A_428 : vector<16xf32>
      %parallel_loop3A_447 = arith.constant 1.000000e+00 : f32
      %parallel_loop3A_448 = vector.broadcast %parallel_loop3A_447 : f32 to vector<16xf32>
      %parallel_loop3A_449 = arith.divf %parallel_loop3A_448, %parallel_loop3A_446 : vector<16xf32>
      %parallel_loop3A_450 = arith.mulf %parallel_loop3A_320, %parallel_loop3A_449 : vector<16xf32>
      %parallel_loop3A_451 = arith.constant 0 : i32
      %parallel_loop3A_452 = arith.index_cast %parallel_loop3A_451 : i32 to index
      %parallel_loop3A_453 = arith.index_cast %parallel_loop3A_138 : i32 to index
      %parallel_loop3A_454 = arith.index_cast %parallel_loop3A_142 : i32 to index
      %parallel_loop3A_455 = tpu.vector_load %arg5[%parallel_loop3A_452, %parallel_loop3A_453, %parallel_loop3A_454] {strides = array<i32>} : memref<19x8x256xf32, #tpu.memory_space<vmem>>, vector<16xf32>,
      tpu.vector_store %arg5[%parallel_loop3A_452, %parallel_loop3A_453, %parallel_loop3A_454], %parallel_loop3A_450 {strides = array<i32>} : memref<19x8x256xf32, #tpu.memory_space<vmem>>, vector<16xf32>,
      %parallel_loop3A_456 = arith.mulf %parallel_loop3A_326, %parallel_loop3A_449 : vector<16xf32>
      %parallel_loop3A_457 = arith.constant 1 : i32
      %parallel_loop3A_458 = arith.index_cast %parallel_loop3A_457 : i32 to index
      %parallel_loop3A_459 = arith.index_cast %parallel_loop3A_138 : i32 to index
      %parallel_loop3A_460 = arith.index_cast %parallel_loop3A_142 : i32 to index
      %parallel_loop3A_461 = tpu.vector_load %arg5[%parallel_loop3A_458, %parallel_loop3A_459, %parallel_loop3A_460] {strides = array<i32>} : memref<19x8x256xf32, #tpu.memory_space<vmem>>, vector<16xf32>,
      tpu.vector_store %arg5[%parallel_loop3A_458, %parallel_loop3A_459, %parallel_loop3A_460], %parallel_loop3A_456 {strides = array<i32>} : memref<19x8x256xf32, #tpu.memory_space<vmem>>, vector<16xf32>,
      %parallel_loop3A_462 = arith.mulf %parallel_loop3A_332, %parallel_loop3A_449 : vector<16xf32>
      %parallel_loop3A_463 = arith.constant 2 : i32
      %parallel_loop3A_464 = arith.index_cast %parallel_loop3A_463 : i32 to index
      %parallel_loop3A_465 = arith.index_cast %parallel_loop3A_138 : i32 to index
      %parallel_loop3A_466 = arith.index_cast %parallel_loop3A_142 : i32 to index
      %parallel_loop3A_467 = tpu.vector_load %arg5[%parallel_loop3A_464, %parallel_loop3A_465, %parallel_loop3A_466] {strides = array<i32>} : memref<19x8x256xf32, #tpu.memory_space<vmem>>, vector<16xf32>,
      tpu.vector_store %arg5[%parallel_loop3A_464, %parallel_loop3A_465, %parallel_loop3A_466], %parallel_loop3A_462 {strides = array<i32>} : memref<19x8x256xf32, #tpu.memory_space<vmem>>, vector<16xf32>,
      %parallel_loop3A_468 = arith.mulf %parallel_loop3A_338, %parallel_loop3A_449 : vector<16xf32>
      %parallel_loop3A_469 = arith.constant 3 : i32
      %parallel_loop3A_470 = arith.index_cast %parallel_loop3A_469 : i32 to index
      %parallel_loop3A_471 = arith.index_cast %parallel_loop3A_138 : i32 to index
      %parallel_loop3A_472 = arith.index_cast %parallel_loop3A_142 : i32 to index
      %parallel_loop3A_473 = tpu.vector_load %arg5[%parallel_loop3A_470, %parallel_loop3A_471, %parallel_loop3A_472] {strides = array<i32>} : memref<19x8x256xf32, #tpu.memory_space<vmem>>, vector<16xf32>,
      tpu.vector_store %arg5[%parallel_loop3A_470, %parallel_loop3A_471, %parallel_loop3A_472], %parallel_loop3A_468 {strides = array<i32>} : memref<19x8x256xf32, #tpu.memory_space<vmem>>, vector<16xf32>,
      %parallel_loop3A_474 = arith.mulf %parallel_loop3A_344, %parallel_loop3A_449 : vector<16xf32>
      %parallel_loop3A_475 = arith.constant 4 : i32
      %parallel_loop3A_476 = arith.index_cast %parallel_loop3A_475 : i32 to index
      %parallel_loop3A_477 = arith.index_cast %parallel_loop3A_138 : i32 to index
      %parallel_loop3A_478 = arith.index_cast %parallel_loop3A_142 : i32 to index
      %parallel_loop3A_479 = tpu.vector_load %arg5[%parallel_loop3A_476, %parallel_loop3A_477, %parallel_loop3A_478] {strides = array<i32>} : memref<19x8x256xf32, #tpu.memory_space<vmem>>, vector<16xf32>,
      tpu.vector_store %arg5[%parallel_loop3A_476, %parallel_loop3A_477, %parallel_loop3A_478], %parallel_loop3A_474 {strides = array<i32>} : memref<19x8x256xf32, #tpu.memory_space<vmem>>, vector<16xf32>,
      %parallel_loop3A_480 = arith.mulf %parallel_loop3A_350, %parallel_loop3A_449 : vector<16xf32>
      %parallel_loop3A_481 = arith.constant 5 : i32
      %parallel_loop3A_482 = arith.index_cast %parallel_loop3A_481 : i32 to index
      %parallel_loop3A_483 = arith.index_cast %parallel_loop3A_138 : i32 to index
      %parallel_loop3A_484 = arith.index_cast %parallel_loop3A_142 : i32 to index
      %parallel_loop3A_485 = tpu.vector_load %arg5[%parallel_loop3A_482, %parallel_loop3A_483, %parallel_loop3A_484] {strides = array<i32>} : memref<19x8x256xf32, #tpu.memory_space<vmem>>, vector<16xf32>,
      tpu.vector_store %arg5[%parallel_loop3A_482, %parallel_loop3A_483, %parallel_loop3A_484], %parallel_loop3A_480 {strides = array<i32>} : memref<19x8x256xf32, #tpu.memory_space<vmem>>, vector<16xf32>,
      %parallel_loop3A_486 = arith.mulf %parallel_loop3A_356, %parallel_loop3A_449 : vector<16xf32>
      %parallel_loop3A_487 = arith.constant 6 : i32
      %parallel_loop3A_488 = arith.index_cast %parallel_loop3A_487 : i32 to index
      %parallel_loop3A_489 = arith.index_cast %parallel_loop3A_138 : i32 to index
      %parallel_loop3A_490 = arith.index_cast %parallel_loop3A_142 : i32 to index
      %parallel_loop3A_491 = tpu.vector_load %arg5[%parallel_loop3A_488, %parallel_loop3A_489, %parallel_loop3A_490] {strides = array<i32>} : memref<19x8x256xf32, #tpu.memory_space<vmem>>, vector<16xf32>,
      tpu.vector_store %arg5[%parallel_loop3A_488, %parallel_loop3A_489, %parallel_loop3A_490], %parallel_loop3A_486 {strides = array<i32>} : memref<19x8x256xf32, #tpu.memory_space<vmem>>, vector<16xf32>,
      %parallel_loop3A_492 = arith.mulf %parallel_loop3A_362, %parallel_loop3A_449 : vector<16xf32>
      %parallel_loop3A_493 = arith.constant 7 : i32
      %parallel_loop3A_494 = arith.index_cast %parallel_loop3A_493 : i32 to index
      %parallel_loop3A_495 = arith.index_cast %parallel_loop3A_138 : i32 to index
      %parallel_loop3A_496 = arith.index_cast %parallel_loop3A_142 : i32 to index
      %parallel_loop3A_497 = tpu.vector_load %arg5[%parallel_loop3A_494, %parallel_loop3A_495, %parallel_loop3A_496] {strides = array<i32>} : memref<19x8x256xf32, #tpu.memory_space<vmem>>, vector<16xf32>,
      tpu.vector_store %arg5[%parallel_loop3A_494, %parallel_loop3A_495, %parallel_loop3A_496], %parallel_loop3A_492 {strides = array<i32>} : memref<19x8x256xf32, #tpu.memory_space<vmem>>, vector<16xf32>,
      %parallel_loop3A_498 = arith.mulf %parallel_loop3A_368, %parallel_loop3A_449 : vector<16xf32>
      %parallel_loop3A_499 = arith.constant 8 : i32
      %parallel_loop3A_500 = arith.index_cast %parallel_loop3A_499 : i32 to index
      %parallel_loop3A_501 = arith.index_cast %parallel_loop3A_138 : i32 to index
      %parallel_loop3A_502 = arith.index_cast %parallel_loop3A_142 : i32 to index
      %parallel_loop3A_503 = tpu.vector_load %arg5[%parallel_loop3A_500, %parallel_loop3A_501, %parallel_loop3A_502] {strides = array<i32>} : memref<19x8x256xf32, #tpu.memory_space<vmem>>, vector<16xf32>,
      tpu.vector_store %arg5[%parallel_loop3A_500, %parallel_loop3A_501, %parallel_loop3A_502], %parallel_loop3A_498 {strides = array<i32>} : memref<19x8x256xf32, #tpu.memory_space<vmem>>, vector<16xf32>,
      %parallel_loop3A_504 = arith.mulf %parallel_loop3A_374, %parallel_loop3A_449 : vector<16xf32>
      %parallel_loop3A_505 = arith.constant 9 : i32
      %parallel_loop3A_506 = arith.index_cast %parallel_loop3A_505 : i32 to index
      %parallel_loop3A_507 = arith.index_cast %parallel_loop3A_138 : i32 to index
      %parallel_loop3A_508 = arith.index_cast %parallel_loop3A_142 : i32 to index
      %parallel_loop3A_509 = tpu.vector_load %arg5[%parallel_loop3A_506, %parallel_loop3A_507, %parallel_loop3A_508] {strides = array<i32>} : memref<19x8x256xf32, #tpu.memory_space<vmem>>, vector<16xf32>,
      tpu.vector_store %arg5[%parallel_loop3A_506, %parallel_loop3A_507, %parallel_loop3A_508], %parallel_loop3A_504 {strides = array<i32>} : memref<19x8x256xf32, #tpu.memory_space<vmem>>, vector<16xf32>,
      %parallel_loop3A_510 = arith.mulf %parallel_loop3A_380, %parallel_loop3A_449 : vector<16xf32>
      %parallel_loop3A_511 = arith.constant 10 : i32
      %parallel_loop3A_512 = arith.index_cast %parallel_loop3A_511 : i32 to index
      %parallel_loop3A_513 = arith.index_cast %parallel_loop3A_138 : i32 to index
      %parallel_loop3A_514 = arith.index_cast %parallel_loop3A_142 : i32 to index
      %parallel_loop3A_515 = tpu.vector_load %arg5[%parallel_loop3A_512, %parallel_loop3A_513, %parallel_loop3A_514] {strides = array<i32>} : memref<19x8x256xf32, #tpu.memory_space<vmem>>, vector<16xf32>,
      tpu.vector_store %arg5[%parallel_loop3A_512, %parallel_loop3A_513, %parallel_loop3A_514], %parallel_loop3A_510 {strides = array<i32>} : memref<19x8x256xf32, #tpu.memory_space<vmem>>, vector<16xf32>,
      %parallel_loop3A_516 = arith.mulf %parallel_loop3A_386, %parallel_loop3A_449 : vector<16xf32>
      %parallel_loop3A_517 = arith.constant 11 : i32
      %parallel_loop3A_518 = arith.index_cast %parallel_loop3A_517 : i32 to index
      %parallel_loop3A_519 = arith.index_cast %parallel_loop3A_138 : i32 to index
      %parallel_loop3A_520 = arith.index_cast %parallel_loop3A_142 : i32 to index
      %parallel_loop3A_521 = tpu.vector_load %arg5[%parallel_loop3A_518, %parallel_loop3A_519, %parallel_loop3A_520] {strides = array<i32>} : memref<19x8x256xf32, #tpu.memory_space<vmem>>, vector<16xf32>,
      tpu.vector_store %arg5[%parallel_loop3A_518, %parallel_loop3A_519, %parallel_loop3A_520], %parallel_loop3A_516 {strides = array<i32>} : memref<19x8x256xf32, #tpu.memory_space<vmem>>, vector<16xf32>,
      %parallel_loop3A_522 = arith.mulf %parallel_loop3A_392, %parallel_loop3A_449 : vector<16xf32>
      %parallel_loop3A_523 = arith.constant 12 : i32
      %parallel_loop3A_524 = arith.index_cast %parallel_loop3A_523 : i32 to index
      %parallel_loop3A_525 = arith.index_cast %parallel_loop3A_138 : i32 to index
      %parallel_loop3A_526 = arith.index_cast %parallel_loop3A_142 : i32 to index
      %parallel_loop3A_527 = tpu.vector_load %arg5[%parallel_loop3A_524, %parallel_loop3A_525, %parallel_loop3A_526] {strides = array<i32>} : memref<19x8x256xf32, #tpu.memory_space<vmem>>, vector<16xf32>,
      tpu.vector_store %arg5[%parallel_loop3A_524, %parallel_loop3A_525, %parallel_loop3A_526], %parallel_loop3A_522 {strides = array<i32>} : memref<19x8x256xf32, #tpu.memory_space<vmem>>, vector<16xf32>,
      %parallel_loop3A_528 = arith.mulf %parallel_loop3A_398, %parallel_loop3A_449 : vector<16xf32>
      %parallel_loop3A_529 = arith.constant 13 : i32
      %parallel_loop3A_530 = arith.index_cast %parallel_loop3A_529 : i32 to index
      %parallel_loop3A_531 = arith.index_cast %parallel_loop3A_138 : i32 to index
      %parallel_loop3A_532 = arith.index_cast %parallel_loop3A_142 : i32 to index
      %parallel_loop3A_533 = tpu.vector_load %arg5[%parallel_loop3A_530, %parallel_loop3A_531, %parallel_loop3A_532] {strides = array<i32>} : memref<19x8x256xf32, #tpu.memory_space<vmem>>, vector<16xf32>,
      tpu.vector_store %arg5[%parallel_loop3A_530, %parallel_loop3A_531, %parallel_loop3A_532], %parallel_loop3A_528 {strides = array<i32>} : memref<19x8x256xf32, #tpu.memory_space<vmem>>, vector<16xf32>,
      %parallel_loop3A_534 = arith.mulf %parallel_loop3A_404, %parallel_loop3A_449 : vector<16xf32>
      %parallel_loop3A_535 = arith.constant 14 : i32
      %parallel_loop3A_536 = arith.index_cast %parallel_loop3A_535 : i32 to index
      %parallel_loop3A_537 = arith.index_cast %parallel_loop3A_138 : i32 to index
      %parallel_loop3A_538 = arith.index_cast %parallel_loop3A_142 : i32 to index
      %parallel_loop3A_539 = tpu.vector_load %arg5[%parallel_loop3A_536, %parallel_loop3A_537, %parallel_loop3A_538] {strides = array<i32>} : memref<19x8x256xf32, #tpu.memory_space<vmem>>, vector<16xf32>,
      tpu.vector_store %arg5[%parallel_loop3A_536, %parallel_loop3A_537, %parallel_loop3A_538], %parallel_loop3A_534 {strides = array<i32>} : memref<19x8x256xf32, #tpu.memory_space<vmem>>, vector<16xf32>,
      %parallel_loop3A_540 = arith.mulf %parallel_loop3A_410, %parallel_loop3A_449 : vector<16xf32>
      %parallel_loop3A_541 = arith.constant 15 : i32
      %parallel_loop3A_542 = arith.index_cast %parallel_loop3A_541 : i32 to index
      %parallel_loop3A_543 = arith.index_cast %parallel_loop3A_138 : i32 to index
      %parallel_loop3A_544 = arith.index_cast %parallel_loop3A_142 : i32 to index
      %parallel_loop3A_545 = tpu.vector_load %arg5[%parallel_loop3A_542, %parallel_loop3A_543, %parallel_loop3A_544] {strides = array<i32>} : memref<19x8x256xf32, #tpu.memory_space<vmem>>, vector<16xf32>,
      tpu.vector_store %arg5[%parallel_loop3A_542, %parallel_loop3A_543, %parallel_loop3A_544], %parallel_loop3A_540 {strides = array<i32>} : memref<19x8x256xf32, #tpu.memory_space<vmem>>, vector<16xf32>,
      %parallel_loop3A_546 = arith.mulf %parallel_loop3A_416, %parallel_loop3A_449 : vector<16xf32>
      %parallel_loop3A_547 = arith.constant 16 : i32
      %parallel_loop3A_548 = arith.index_cast %parallel_loop3A_547 : i32 to index
      %parallel_loop3A_549 = arith.index_cast %parallel_loop3A_138 : i32 to index
      %parallel_loop3A_550 = arith.index_cast %parallel_loop3A_142 : i32 to index
      %parallel_loop3A_551 = tpu.vector_load %arg5[%parallel_loop3A_548, %parallel_loop3A_549, %parallel_loop3A_550] {strides = array<i32>} : memref<19x8x256xf32, #tpu.memory_space<vmem>>, vector<16xf32>,
      tpu.vector_store %arg5[%parallel_loop3A_548, %parallel_loop3A_549, %parallel_loop3A_550], %parallel_loop3A_546 {strides = array<i32>} : memref<19x8x256xf32, #tpu.memory_space<vmem>>, vector<16xf32>,
      %parallel_loop3A_552 = arith.mulf %parallel_loop3A_422, %parallel_loop3A_449 : vector<16xf32>
      %parallel_loop3A_553 = arith.constant 17 : i32
      %parallel_loop3A_554 = arith.index_cast %parallel_loop3A_553 : i32 to index
      %parallel_loop3A_555 = arith.index_cast %parallel_loop3A_138 : i32 to index
      %parallel_loop3A_556 = arith.index_cast %parallel_loop3A_142 : i32 to index
      %parallel_loop3A_557 = tpu.vector_load %arg5[%parallel_loop3A_554, %parallel_loop3A_555, %parallel_loop3A_556] {strides = array<i32>} : memref<19x8x256xf32, #tpu.memory_space<vmem>>, vector<16xf32>,
      tpu.vector_store %arg5[%parallel_loop3A_554, %parallel_loop3A_555, %parallel_loop3A_556], %parallel_loop3A_552 {strides = array<i32>} : memref<19x8x256xf32, #tpu.memory_space<vmem>>, vector<16xf32>,
      %parallel_loop3A_558 = arith.mulf %parallel_loop3A_428, %parallel_loop3A_449 : vector<16xf32>
      %parallel_loop3A_559 = arith.constant 18 : i32
      %parallel_loop3A_560 = arith.index_cast %parallel_loop3A_559 : i32 to index
      %parallel_loop3A_561 = arith.index_cast %parallel_loop3A_138 : i32 to index
      %parallel_loop3A_562 = arith.index_cast %parallel_loop3A_142 : i32 to index
      %parallel_loop3A_563 = tpu.vector_load %arg5[%parallel_loop3A_560, %parallel_loop3A_561, %parallel_loop3A_562] {strides = array<i32>} : memref<19x8x256xf32, #tpu.memory_space<vmem>>, vector<16xf32>,
      tpu.vector_store %arg5[%parallel_loop3A_560, %parallel_loop3A_561, %parallel_loop3A_562], %parallel_loop3A_558 {strides = array<i32>} : memref<19x8x256xf32, #tpu.memory_space<vmem>>, vector<16xf32>,
    } {sc.loop_unroll_factor = 1 : i64, sc.parallel_access}
    %shift_right_logical3A_80 = arith.constant 15 : i32
    %shift_right_logical3A_81 = arith.constant 1 : i32
    %shift_right_logical3A_82 = arith.shrui %shift_right_logical3A_80, %shift_right_logical3A_81 : i32
    %mul3A_83 = arith.constant 8 : i32
    %mul3A_84 = arith.muli %shift_right_logical3A_82, %mul3A_83 : i32
    %add3A_85 = arith.addi %mul3A_32, %mul3A_84 : i32
    %dma_start3A_86 = arith.constant 0 : i32
    %dma_start3A_87 = arith.constant 256 : i32
    %dma_start3A_88 = tpu.memref_slice %arg4[%select_n3A, %dma_start3A_86, %add3A_85, %dma_start3A_87] : memref<4x19x512x512xf32, #tpu.memory_space<hbm>> -> memref<1x19x8x256xf32, #tpu.memory_space<hbm>>
    %dma_start3A_89 = tpu.memref_squeeze %dma_start3A_88 : memref<1x19x8x256xf32, #tpu.memory_space<hbm>> -> memref<19x8x256xf32, #tpu.memory_space<hbm>>
    %dma_start3A_90 = arith.constant 0 : i32
    %dma_start3A_91 = arith.constant 256 : i32
    %dma_start3A_92 = tpu.memref_slice %arg4[%select_n3A, %dma_start3A_90, %add3A_85, %dma_start3A_91] : memref<4x19x512x512xf32, #tpu.memory_space<hbm>> -> memref<1x19x8x256xf32, #tpu.memory_space<hbm>>
    %dma_start3A_93 = tpu.memref_squeeze %dma_start3A_92 : memref<1x19x8x256xf32, #tpu.memory_space<hbm>> -> memref<19x8x256xf32, #tpu.memory_space<hbm>>
    tpu.enqueue_dma source(%arg5 : memref<19x8x256xf32, #tpu.memory_space<vmem>>) target(%dma_start3A_93 : memref<19x8x256xf32, #tpu.memory_space<hbm>>) target_semaphore(%arg12 : memref<!tpu.dma_semaphore, #tpu.memory_space<semaphore_mem>>)
    %shift_right_logical3A_94 = arith.constant 13 : i32
    %shift_right_logical3A_95 = arith.constant 1 : i32
    %shift_right_logical3A_96 = arith.shrui %shift_right_logical3A_94, %shift_right_logical3A_95 : i32
    %mul3A_97 = arith.constant 8 : i32
    %mul3A_98 = arith.muli %shift_right_logical3A_96, %mul3A_97 : i32
    %add3A_99 = arith.addi %mul3A_32, %mul3A_98 : i32
    %dma_wait3A_100 = arith.constant 0 : i32
    %dma_wait3A_101 = arith.constant 256 : i32
    %dma_wait3A_102 = tpu.memref_slice %arg4[%select_n3A, %dma_wait3A_100, %add3A_99, %dma_wait3A_101] : memref<4x19x512x512xf32, #tpu.memory_space<hbm>> -> memref<1x19x8x256xf32, #tpu.memory_space<hbm>>
    %dma_wait3A_103 = tpu.memref_squeeze %dma_wait3A_102 : memref<1x19x8x256xf32, #tpu.memory_space<hbm>> -> memref<19x8x256xf32, #tpu.memory_space<hbm>>
    %dma_wait3A_104 = arith.constant 0 : i32
    %dma_wait3A_105 = arith.constant 256 : i32
    %dma_wait3A_106 = tpu.memref_slice %arg4[%select_n3A, %dma_wait3A_104, %add3A_99, %dma_wait3A_105] : memref<4x19x512x512xf32, #tpu.memory_space<hbm>> -> memref<1x19x8x256xf32, #tpu.memory_space<hbm>>
    %dma_wait3A_107 = tpu.memref_squeeze %dma_wait3A_106 : memref<1x19x8x256xf32, #tpu.memory_space<hbm>> -> memref<19x8x256xf32, #tpu.memory_space<hbm>>
    tpu.wait_dma2 semaphore(%arg13 : memref<!tpu.dma_semaphore, #tpu.memory_space<semaphore_mem>>) src(%arg6 : memref<19x8x256xf32, #tpu.memory_space<vmem>>) dst(%dma_wait3A_107 : memref<19x8x256xf32, #tpu.memory_space<hbm>>)
    %shift_right_logical3A_108 = arith.constant 14 : i32
    %shift_right_logical3A_109 = arith.constant 1 : i32
    %shift_right_logical3A_110 = arith.shrui %shift_right_logical3A_108, %shift_right_logical3A_109 : i32
    %mul3A_111 = arith.constant 8 : i32
    %mul3A_112 = arith.muli %shift_right_logical3A_110, %mul3A_111 : i32
    %add3A_113 = arith.addi %mul3A_32, %mul3A_112 : i32
    %dma_wait3A_114 = arith.constant 0 : i32
    %dma_wait3A_115 = arith.constant 0 : i32
    %dma_wait3A_116 = tpu.memref_slice %arg4[%select_n3A, %dma_wait3A_114, %add3A_113, %dma_wait3A_115] : memref<4x19x512x512xf32, #tpu.memory_space<hbm>> -> memref<1x19x8x256xf32, #tpu.memory_space<hbm>>
    %dma_wait3A_117 = tpu.memref_squeeze %dma_wait3A_116 : memref<1x19x8x256xf32, #tpu.memory_space<hbm>> -> memref<19x8x256xf32, #tpu.memory_space<hbm>>
    %dma_wait3A_118 = arith.constant 0 : i32
    %dma_wait3A_119 = arith.constant 0 : i32
    %dma_wait3A_120 = tpu.memref_slice %arg4[%select_n3A, %dma_wait3A_118, %add3A_113, %dma_wait3A_119] : memref<4x19x512x512xf32, #tpu.memory_space<hbm>> -> memref<1x19x8x256xf32, #tpu.memory_space<hbm>>
    %dma_wait3A_121 = tpu.memref_squeeze %dma_wait3A_120 : memref<1x19x8x256xf32, #tpu.memory_space<hbm>> -> memref<19x8x256xf32, #tpu.memory_space<hbm>>
    tpu.wait_dma2 semaphore(%arg14 : memref<!tpu.dma_semaphore, #tpu.memory_space<semaphore_mem>>) src(%arg7 : memref<19x8x256xf32, #tpu.memory_space<vmem>>) dst(%dma_wait3A_121 : memref<19x8x256xf32, #tpu.memory_space<hbm>>)
    %shift_right_logical3A_122 = arith.constant 15 : i32
    %shift_right_logical3A_123 = arith.constant 1 : i32
    %shift_right_logical3A_124 = arith.shrui %shift_right_logical3A_122, %shift_right_logical3A_123 : i32
    %mul3A_125 = arith.constant 8 : i32
    %mul3A_126 = arith.muli %shift_right_logical3A_124, %mul3A_125 : i32
    %add3A_127 = arith.addi %mul3A_32, %mul3A_126 : i32
    %dma_wait3A_128 = arith.constant 0 : i32
    %dma_wait3A_129 = arith.constant 256 : i32
    %dma_wait3A_130 = tpu.memref_slice %arg4[%select_n3A, %dma_wait3A_128, %add3A_127, %dma_wait3A_129] : memref<4x19x512x512xf32, #tpu.memory_space<hbm>> -> memref<1x19x8x256xf32, #tpu.memory_space<hbm>>
    %dma_wait3A_131 = tpu.memref_squeeze %dma_wait3A_130 : memref<1x19x8x256xf32, #tpu.memory_space<hbm>> -> memref<19x8x256xf32, #tpu.memory_space<hbm>>
    %dma_wait3A_132 = arith.constant 0 : i32
    %dma_wait3A_133 = arith.constant 256 : i32
    %dma_wait3A_134 = tpu.memref_slice %arg4[%select_n3A, %dma_wait3A_132, %add3A_127, %dma_wait3A_133] : memref<4x19x512x512xf32, #tpu.memory_space<hbm>> -> memref<1x19x8x256xf32, #tpu.memory_space<hbm>>
    %dma_wait3A_135 = tpu.memref_squeeze %dma_wait3A_134 : memref<1x19x8x256xf32, #tpu.memory_space<hbm>> -> memref<19x8x256xf32, #tpu.memory_space<hbm>>
    tpu.wait_dma2 semaphore(%arg12 : memref<!tpu.dma_semaphore, #tpu.memory_space<semaphore_mem>>) src(%arg5 : memref<19x8x256xf32, #tpu.memory_space<vmem>>) dst(%dma_wait3A_135 : memref<19x8x256xf32, #tpu.memory_space<hbm>>)
    return
  }
}

</mosaic_0001>

<sc_bundles>
// kernel: kernel.3.cloned.1.call-start
scs
__scs_entry_jumppad:
0x0: {  	(pc) =	sbr.rel $0x88, $3  }
0x1: {  	(tag) =	ssettag $0x0;
	lr =	simm.s32 $0x1  }
0x2: {  	[smem:$0x3F9F] =	sst lr;
	_ =	strace $0xD0000000  }
0x3: {  	_ = 	snop  }
0x4: {  	_ = 	snop  }
0x5: {  	_ = 	snop  }
0x6: {  	_ = 	snop  }
0x7: {  	_ = 	snop  }
__scs_overlays_trampoline_lowered:
0x8: {  	[smem:$0x3FAE] =	sst s0  }
0x9: {  	[smem:$0x3FAF] =	sst s1  }
0xa: {  	[smem:$0x3FB0] =	sst s2  }
0xb: {  	[smem:$0x3FB1] =	sst s3  }
0xc: {  	[smem:$0x3FB2] =	sst s4  }
0xd: {  	[smem:$0x3FB3] =	sst s5  }
0xe: {  	[smem:$0x3FB4] =	sst s6  }
0xf: {  	[smem:$0x3FB5] =	sst s7  }
0x10: {  	[smem:$0x3FB6] =	sst s8  }
0x11: {  	[smem:$0x3FB7] =	sst s9;
	s0 =	simm.s32 @!p0 $0x0  }
0x12: {  	s1 =	sld [smem:$0x3F9D];
	s0 =	simm.s32 @p0 $0x1  }
0x13: {  	[smem:$0x3FB8] =	sst s0;
	s0 =	simm.s32 @!p1 $0x0  }
0x14: {  	s2 =	sld [smem:$0x3F9C];
	s0 =	simm.s32 @p1 $0x1  }
0x15: {  	[smem:$0x3FB9] =	sst s0;
	s0 =	simm.s32 @!p2 $0x0  }
0x16: {  	s3 =	sld [smem:$0x3FDB];
	s0 =	simm.s32 @p2 $0x1  }
0x17: {  	s4 =	simm.s32 $0x1BF5;
	[smem:$0x3FBB] =	sst s0  }
0x18: {  	s0 =	sld [smem:$0x3F9E];
	_ =	swait.ge [sflag:s4], $0x0  }
0x19: {  	s7 =	sld [smem:$0x3F9F]  }
0x1a: {  	s8 =	sadd.s32 $0xFFFFE003, lr  }
0x1b: {  	s9 =	sadd.s32 $0xFFFFFEF7, lr;
	s5 =	simm.s32 $0xFFFFFFFF;
	p2 =	slt.u32 s8, $0xFFFFF086  }
0x1c: {  	p1 =	slt.u32 s9, $0xF7A;
	s5 =	simm.s32 @!p2 $0x0  }
0x1d: {  	s5 =	simm.s32 @p1 $0x1;
	p0 =	seq.s32 s7, s2  }
0x1e: {  	s7 =	smul.u32 @!p0 $0xF7A, s2;
	p2 =	seq.s32 @!p0 s5, $0x0  }
0x1f: {  	s9 =	smul.u32 $0xF7A, s1;
	s8 =	simm.s32 @!p0 $0x1BF5;
	p2 =	por !p2, p0  }
0x20: {  	[sflag:s8] =	ssyncset.s32 @!p0 $0xFFFFF086;
	s6 =	sadd.s32 @!p0 s3, s7;
	s7 =	simm.s32 @!p0 $0x108  }
0x21: {  	s3 =	sadd.s32 s3, s9;
	s6 =	sadd.s32 @!p0 $0x88, s6;
	s7 =	simm.s32 @p2 $0x1082  }
0x22: {  	[simem:s7], [sflag:s8] =	dma.local @!p0 [hbm:s6], $0xF7A  }
0x23: {  	s9 =	sor.u32 $0xD0000000, s2;
	s6 =	simm.s32 $0x108;
	_ =	swait.ge @!p0 [sflag:s8], $0x0  }
0x24: {  	s3 =	sadd.s32 $0x88, s3;
	s6 =	simm.s32 @!p1 $0x1082;
	[sflag:s4] =	ssyncset.s32 $0xFFFFF086  }
0x25: {  	[simem:s6], [sflag:s4] =	dma.local [hbm:s3], $0xF7A  }
0x26: {  	[smem:$0x3F9F] =	sst s1;
	(tag) =	ssettag s2;
	_ =	strace s9  }
0x27: {  	s1 =	sld [smem:$0x3FAF]  }
0x28: {  	s2 =	sld [smem:$0x3FB0]  }
0x29: {  	s4 =	sld [smem:$0x3FB2]  }
0x2a: {  	p0 =	seq.s32 s5, $0x0;
	s5 =	sld [smem:$0x3FB3]  }
0x2b: {  	s6 =	sld [smem:$0x3FB4]  }
0x2c: {  	s7 =	sld [smem:$0x3FB5]  }
0x2d: {  	s3 =	simm.s32 $0x108;
	s8 =	sld [smem:$0x3FB6]  }
0x2e: {  	s3 =	simm.s32 @!p0 $0x1082;
	s9 =	sld [smem:$0x3FB7]  }
0x2f: {  	lr =	sadd.s32 s0, s3;
	s0 =	sld [smem:$0x3FAE]  }
0x30: {  	s3 =	sld [smem:$0x3FB1]  }
0x31: {  	[smem:$0x3FBA] =	sst s10  }
0x32: {  	s10 =	sld [smem:$0x3FB8];
	_ =	sdelay $0x3  }
0x33: {  	p0 =	seq.s32 s10, $0x1;
	s10 =	sld [smem:$0x3FBA];
	_ =	sdelay $0x3  }
0x34: {  	[smem:$0x3FBA] =	sst s10  }
0x35: {  	s10 =	sld [smem:$0x3FB9];
	_ =	sdelay $0x3  }
0x36: {  	p1 =	seq.s32 s10, $0x1;
	s10 =	sld [smem:$0x3FBA];
	_ =	sdelay $0x3  }
0x37: {  	[smem:$0x3FBA] =	sst s10  }
0x38: {  	s10 =	sld [smem:$0x3FBB]  }
0x39: {  	_ = 	snop;
	(pc) =	sbr.ind lr, $3  }
0x3a: {  	_ = 	snop  }
0x3b: {  	_ = 	snop  }
0x3c: {  	p2 =	seq.s32 s10, $0x1;
	s10 =	sld [smem:$0x3FBA]  }
0x3d: {  	_ =	shalt  }
0x3e: {  	_ =	shalt  }
0x3f: {  	_ =	shalt  }
0x40: {  	_ =	shalt  }
0x41: {  	_ =	shalt  }
0x42: {  	_ =	shalt  }
0x43: {  	_ =	shalt  }
0x44: {  	_ =	shalt  }
0x45: {  	_ =	shalt  }
0x46: {  	_ =	shalt  }
0x47: {  	_ =	shalt  }
0x48: {  	_ =	shalt  }
0x49: {  	_ =	shalt  }
0x4a: {  	_ =	shalt  }
0x4b: {  	_ =	shalt  }
0x4c: {  	_ =	shalt  }
0x4d: {  	_ =	shalt  }
0x4e: {  	_ =	shalt  }
0x4f: {  	_ =	shalt  }
0x50: {  	_ =	shalt  }
0x51: {  	_ =	shalt  }
0x52: {  	_ =	shalt  }
0x53: {  	_ =	shalt  }
0x54: {  	_ =	shalt  }
0x55: {  	_ =	shalt  }
0x56: {  	_ =	shalt  }
0x57: {  	_ =	shalt  }
0x58: {  	_ =	shalt  }
0x59: {  	_ =	shalt  }
0x5a: {  	_ =	shalt  }
0x5b: {  	_ =	shalt  }
0x5c: {  	_ =	shalt  }
0x5d: {  	_ =	shalt  }
0x5e: {  	_ =	shalt  }
0x5f: {  	_ =	shalt  }
0x60: {  	_ =	shalt  }
0x61: {  	_ =	shalt  }
0x62: {  	_ =	shalt  }
0x63: {  	_ =	shalt  }
0x64: {  	_ =	shalt  }
0x65: {  	_ =	shalt  }
0x66: {  	_ =	shalt  }
0x67: {  	_ =	shalt  }
0x68: {  	_ =	shalt  }
0x69: {  	_ =	shalt  }
0x6a: {  	_ =	shalt  }
0x6b: {  	_ =	shalt  }
0x6c: {  	_ =	shalt  }
0x6d: {  	_ =	shalt  }
0x6e: {  	_ =	shalt  }
0x6f: {  	_ =	shalt  }
0x70: {  	_ =	shalt  }
0x71: {  	_ =	shalt  }
0x72: {  	_ =	shalt  }
0x73: {  	_ =	shalt  }
0x74: {  	_ =	shalt  }
0x75: {  	_ =	shalt  }
0x76: {  	_ =	shalt  }
0x77: {  	_ =	shalt  }
0x78: {  	_ =	shalt  }
0x79: {  	_ =	shalt  }
0x7a: {  	_ =	shalt  }
0x7b: {  	_ =	shalt  }
0x7c: {  	_ =	shalt  }
0x7d: {  	_ =	shalt  }
0x7e: {  	_ =	shalt  }
0x7f: {  	_ =	shalt  }
0x80: {  	_ =	shalt  }
0x81: {  	_ =	shalt  }
0x82: {  	_ =	shalt  }
0x83: {  	_ =	shalt  }
0x84: {  	_ =	shalt  }
0x85: {  	_ =	shalt  }
0x86: {  	_ =	shalt  }
0x87: {  	_ =	shalt  }
.Lfunc_end0:
.L_simem_size_0:
called_computation_lowered:
.L_overlay_start_0:
0x88: {  	s2 =	sld [smem:$0x3FD9]  }
0x89: {  	s3 =	sld [smem:$0x3FFE];
	_ =	sdelay $0x1  }
0x8a: {  	s1 =	srdreg.scid  }
0x8b: {  	s0 =	sand.u32 $0x1, s1  }
0x8c: {  	s17 =	sshll.u32 s0, $0xA;
	s2 =	sadd.s32 s3, s2  }
0x8d: {  	s2 =	sadd.s32 s2, s17  }
0x8e: {  	[smem:$0x3FC6] =	sst s2  }
0x8f: {  	_ = 	snop  }
0x90: {  	s2 =	sld [smem:$0x3FC9]  }
0x91: {  	s18 =	sld [smem:$0x3FD0];
	(tm) =	ssettm $0x1  }
0x92: {  	s4 =	sld [smem:$0x3FFB];
	_ =	sdelay $0x3  }
0x93: {  	_ =	strace s4  }
0x94: {  	s4 =	sld [smem:$0x3FFC];
	_ =	sdelay $0x3  }
0x95: {  	_ =	strace s4  }
0x96: {  	s4 =	sld [smem:$0x3FFD];
	_ =	sdelay $0x3  }
0x97: {  	_ =	strace s4  }
0x98: {  	_ =	strace $0x8FFFFFFF  }
0x99: {  	s19 =	sld [smem:$0x3FDB];
	_ =	sdelay $0x1  }
0x9a: {  	s5 =	simm.s32 $_scs_section_size  }
0x9b: {  	s6 =	simm.s32 $_size__tile_overlayer_lowered;
	s7 =	simm.s32 $_tile_overlayer_lowered  }
0x9c: {  	s22 =	simm.s32 $0x1BFF;
	s21 =	sshll.u32 s7, $0x1;
	s4 =	sadd.s32 s5, s19  }
0x9d: {  	s8 =	simm.s32 $0x0;
	s20 =	sshll.u32 s6, $0x1;
	s6 =	sadd.s32 s21, s4  }
0x9e: {  	[timem:s8], [sflag:s22] =	dma.local [hbm:s6], s20  }
0x9f: {  	_ =	swait.ge [sflag:s22], s20  }
0xa0: {  	s5 =	ssub.s32 $0x0, s20;
	[sflag:s22] =	ssyncset.done $0x0  }
0xa1: {  	[sflag:s22] =	ssyncadd.s32 s5;
	_ =	sdelay $0x1  }
0xa2: {  	s23 =	simm.s32 $0x1B8B  }
0xa3: {  	_ =	swait.ge [sflag:s23], $0x1  }
0xa4: {  	[sflag:s23] =	ssyncset.done $0x0  }
0xa5: {  	s25 =	simm.s32 $0x1B8E;
	s24 =	sld [smem:$0x3FFE];
	[sflag:s23] =	ssyncadd.s32 $0xFFFFFFFF  }
0xa6: {  	s26 =	simm.s32 $execute0_lowered;
	[smem:$0x3FD2] =	sst s25  }
0xa7: {  	s6 =	sshll.u32 s26, $0x1;
	_ =	strace $0x80000046;
	[dreg:$0x1] =	wrdreg $0xFFFFFFFF  }
0xa8: {  	s28 =	simm.s32 $_size_execute0_lowered;
	s4 =	sadd.s32 s4, s6;
	[dreg:$0x0] =	wrdreg $0x0  }
0xa9: {  	s6 =	sshll.u32 s28, $0x1;
	[dreg:$0x2] =	wrdreg s4  }
0xaa: {  	[dreg:$0x3] =	wrdreg s6  }
0xab: {  	[dreg:$0x4] =	wrdreg $0xC0  }
0xac: {  	_ =	task [dreg:s8], $0x5FFFF  }
0xad: {  	[dreg:$0x1] =	wrdreg $0xFFFFFFFF  }
0xae: {  	[dreg:$0x0] =	wrdreg $0x60  }
0xaf: {  	[dreg:$0x2] =	wrdreg s2  }
0xb0: {  	[dreg:$0x3] =	wrdreg s24  }
0xb1: {  	[dreg:$0x4] =	wrdreg s18  }
0xb2: {  	[dreg:$0x5] =	wrdreg $0x9  }
0xb3: {  	_ =	task.clear_ibuf [dreg:s8], $0x6FFFF;
	_ =	strace $0x90000046  }
0xb4: {  	s29 =	simm.s32 $0x9;
	_ =	strace $0x80000048  }
0xb5: {  	_ =	swait.ge [sflag:s29], $0x1  }
0xb6: {  	[sflag:s29] =	ssyncadd.s32 $0xFFFFFFFF  }
0xb7: {  	_ =	strace $0x90000048  }
0xb8: {  	_ =	sfence  }
0xb9: {  	s30 =	sld [smem:$0x0];
	_ =	sdelay $0x2  }
0xba: {  	s31 =	sshll.u32 s1, $0xD;
	s1 =	sshrl.u32 s1, $0x2  }
0xbb: {  	s3 =	sand.u32 $0x4000, s31;
	s1 =	sadd.s32 s1, s30  }
0xbc: {  	s0 =	sor.u32 s3, s0;
	s1 =	sshll.u32 s1, $0x11  }
0xbd: {  	s0 =	sor.u32 s1, s0  }
0xbe: {  	s0 =	sadd.s32 $0x8F2B, s0  }
0xbf: {  	[sflag:s0] =	ssyncadd.remote.s32 $0x1  }
0xc0: {  	_ =	sfence.sel $0xFFFF  }
0xc1: {  	[dreg:$0x0] =	wrdreg $0xFFFFFFFF;
	(pc) =	sbr.abs _section_cstart, $3  }
0xc2: {  	[dreg:$0x1] =	wrdreg $0xFFFFFFFF  }
0xc3: {  	_ =	task.clear_ibuf [dreg:s8], $0x2FFFF;
	_ =	strace $0x9FFFFFFF  }
0xc4: {  	(tm) =	ssettm $0x7FFFFFFF  }
0xc5: {  	_ =	shalt  }
tec
execute0_lowered:
.L_overlay_start_1:
0x0: {  	(tag) =	ssettag $0x1  }
0x1: {  	s2 =	rddreg [dreg:$0x0]  }
0x2: {  	s0 =	rddreg [dreg:$0x1]  }
0x3: {  	s3 =	rddreg [dreg:$0x2];
	s5 =	stileid.u32  }
0x4: {  	s1 =	srdreg.scid;
	s15 =	simm.s32 $0x1C800;
	s17 =	simm.s32 $0x800  }
0x5: {  	s18 =	simm.s32 $0x40000;
	s19 =	simm.s32 $0x9800;
	s20 =	simm.s32 $0x1  }
0x6: {  	s21 =	simm.s32 $0x13000;
	s22 =	simm.s32 $0x2;
	s23 =	simm.s32 $0x4  }
0x7: {  	s24 =	simm.s32 $0x3;
	s25 =	simm.s32 $0x5;
	s4 =	sshll.u32 s5, $0x1  }
0x8: {  	s1 =	sand.u32 $0x1, s1;
	s5 =	sshrl.u32 s5, $0x2;
	s0 =	sadd.s32 $0x400, s0  }
0x9: {  	s6 =	sand.u32 $0x6, s4;
	s4 =	simm.s32 $0x0;
	s5 =	smul.u32 $0x4C0000, s5  }
0xa: {  	s29 =	ssub.s32 $0x2, s1;
	s6 =	sor.u32 s1, s6;
	[smem:$0x7FF] =	sst s4  }
0xb: {  	s8 =	sshrl.u32 s29, $0x1;
	s7 =	sshll.u32 s6, $0xF;
	_ =	strace $0x80000047  }
0xc: {  	[dreg:$0x4] =	wrdreg s0;
	s0 =	ssub.s32 s29, s8;
	s7 =	sor.u32 s5, s7  }
0xd: {  	s0 =	smax.u32 s0, $0x1;
	s30 =	sshrl.u32 s7, $0x3;
	s7 =	sshll.u32 s6, $0x6  }
0xe: {  	[dreg:$0x8] =	wrdreg s0;
	s31 =	sadd.s32 s2, s30;
	s10 =	sor.u32 $0x8, s7  }
0xf: {  	s1 =	sadd.s32 s30, s3;
	[dreg:$0x5] =	wrdreg s31;
	s6 =	sadd.s32 $0x100, s31  }
0x10: {  	s11 =	sor.u32 $0x200, s30;
	s1 =	sadd.s32 $0xF00, s1;
	[dreg:$0x6] =	wrdreg s6  }
0x11: {  	s12 =	sor.u32 $0x10, s7;
	[dreg:$0x7] =	wrdreg s1;
	s1 =	simm.s32 $0x0  }
.LBB2_1:
0x12: {  	[dreg:$0x9] =	wrdreg s1  }
0x13: {  	s0 =	rddreg [dreg:$0x4];
	s28 =	simm.s32 $0x7  }
0x14: {  	[tilespmem:s15], [sflag:$0x7] =	stream.linear.gather [hbm4b:s0+s4], $0x180, $0x38;
	[tilespmem:$0x1C980] =	vst v63  }
0x15: {  	_ =	swait.ge [sflag:s28], $0x180  }
0x16: {  	[sflag:s28] =	ssyncset.done $0x0  }
0x17: {  	s30 =	rddreg [dreg:$0x5];
	[sflag:s28] =	ssyncadd.s32 $0xFFFFFE80  }
0x18: {  	[tilespmem:s4], [sflag:$0x1] =	stream.strided.gather [hbm4b:s30+s17], $0x9800, s18, s17, $0x38;
	[tilespmem:$0x1C980] =	vst v63  }
0x19: {  	s29 =	simm.s32 $0x0;
	s31 =	rddreg [dreg:$0x6]  }
0x1a: {  	[tilespmem:s19], [sflag:$0x2] =	stream.strided.gather [hbm4b:s31+s17], $0x9800, s18, s17, $0x38;
	[tilespmem:$0x1C980] =	vst v63  }
.LBB2_2:
0x1b: {  	s0 =	simm.s32 $0x0  }
0x1c: {  	_ =	swait.ge [sflag:s20], $0x9800;
	s1 =	sand.u32 $0x400, s0;
	s6 =	sand.u32 $0x380, s0  }
0x1d: {  	[sflag:s20] =	ssyncset.done $0x0;
	s0 =	sand.u32 $0x70, s0;
	s1 =	sor.u32 s6, s1  }
0x1e: {  	[sflag:s20] =	ssyncadd.s32 $0xFFFF6800;
	s0 =	sor.u32 s0, s1  }
0x1f: {  	v0 =	vld [tilespmem:s0+$0x0]  }
0x20: {  	v1 =	vld [tilespmem:s0+$0x800]  }
0x21: {  	v2 =	vld [tilespmem:s0+$0x1000]  }
0x22: {  	v3 =	vld [tilespmem:s0+$0x1800]  }
0x23: {  	v4 =	vld [tilespmem:s0+$0x2000]  }
0x24: {  	v5 =	vld [tilespmem:s0+$0x2800]  }
0x25: {  	v7 =	vld [tilespmem:s0+$0x3000];
	v6 =	vmax.f32 v0, v1  }
0x26: {  	v8 =	vld [tilespmem:s0+$0x3800];
	v6 =	vmax.f32 v6, v2  }
0x27: {  	v9 =	vld [tilespmem:s0+$0x4000];
	v6 =	vmax.f32 v6, v3  }
0x28: {  	v10 =	vld [tilespmem:s0+$0x4800];
	v6 =	vmax.f32 v6, v4  }
0x29: {  	v11 =	vld [tilespmem:s0+$0x5000];
	v6 =	vmax.f32 v6, v5  }
0x2a: {  	v12 =	vld [tilespmem:s0+$0x5800];
	v6 =	vmax.f32 v6, v7  }
0x2b: {  	v13 =	vld [tilespmem:s0+$0x6000];
	v6 =	vmax.f32 v6, v8  }
0x2c: {  	v14 =	vld [tilespmem:s0+$0x6800];
	v6 =	vmax.f32 v6, v9  }
0x2d: {  	v16 =	vld [tilespmem:s0+$0x7000];
	v6 =	vmax.f32 v6, v10  }
0x2e: {  	v17 =	vld [tilespmem:s0+$0x7800];
	v6 =	vmax.f32 v6, v11  }
0x2f: {  	v18 =	vld [tilespmem:s0+$0x8000];
	v6 =	vmax.f32 v6, v12  }
0x30: {  	v19 =	vld [tilespmem:s0+$0x8800];
	v6 =	vmax.f32 v6, v13  }
0x31: {  	v20 =	vld [tilespmem:s0+$0x9000];
	v6 =	vmax.f32 v6, v14  }
0x32: {  	v6 =	vmax.f32 v6, v16  }
0x33: {  	v6 =	vmax.f32 v6, v17  }
0x34: {  	v6 =	vmax.f32 v6, v18  }
0x35: {  	v6 =	vmax.f32 v6, v19  }
0x36: {  	v21 =	vmax.f32 v6, v20  }
0x37: {  	v6 =	vsub.f32 v12, v21  }
0x38: {  	v11 =	vsub.f32 v11, v21  }
0x39: {  	v10 =	vsub.f32 v10, v21;
	v6 =	vmul.f32 $1.442695020e+00, v6  }
0x3a: {  	v9 =	vsub.f32 v9, v21;
	v11 =	vmul.f32 $1.442695020e+00, v11  }
0x3b: {  	v8 =	vsub.f32 v8, v21;
	v10 =	vmul.f32 $1.442695020e+00, v10;
	(erf) = vpow2.f32 v6  }
0x3c: {  	v6 =	vsub.f32 v7, v21;
	v7 =	vmul.f32 $1.442695020e+00, v9;
	(erf) = vpow2.f32 v11  }
0x3d: {  	v0 =	vsub.f32 v0, v21;
	v8 =	vmul.f32 $1.442695020e+00, v8;
	(erf) = vpow2.f32 v10  }
0x3e: {  	v1 =	vsub.f32 v1, v21;
	v6 =	vmul.f32 $1.442695020e+00, v6;
	(erf) = vpow2.f32 v7  }
0x3f: {  	v0 =	vmul.f32 $1.442695020e+00, v0;
	(erf) = vpow2.f32 v8  }
0x40: {  	v1 =	vmul.f32 $1.442695020e+00, v1;
	(erf) = vpow2.f32 v6  }
0x41: {  	v2 =	vsub.f32 v2, v21;
	(erf) = vpow2.f32 v0;
	v0 =	vsub.f32 v3, v21  }
0x42: {  	(erf) = vpow2.f32 v1  }
0x43: {  	v2 =	vmul.f32 $1.442695020e+00, v2;
	v0 =	vmul.f32 $1.442695020e+00, v0  }
0x44: {  	v1 =	vsub.f32 v4, v21;
	v3 =	vpop (erf)  }
0x45: {  	(erf) = vpow2.f32 v2;
	v4 =	vpop (erf)  }
0x46: {  	v8 =	vpop (erf)  }
0x47: {  	v2 =	vsub.f32 v5, v21;
	v5 =	vmul.f32 $1.442695020e+00, v1;
	(erf) = vpow2.f32 v0;
	v0 =	vpop (erf)  }
0x48: {  	v1 =	vpop (erf)  }
0x49: {  	v2 =	vmul.f32 $1.442695020e+00, v2;
	(erf) = vpow2.f32 v5;
	v9 =	vpop (erf)  }
0x4a: {  	v15 =	vpop (erf)  }
0x4b: {  	(erf) = vpow2.f32 v2;
	v5 =	vpop (erf)  }
0x4c: {  	v6 =	vadd.f32 v5, v15;
	_ =	sdelay $0x1  }
0x4d: {  	v2 =	vpop (erf)  }
0x4e: {  	v7 =	vadd.f32 v6, v2  }
0x4f: {  	v6 =	vpop (erf)  }
0x50: {  	v7 =	vadd.f32 v7, v6  }
0x51: {  	v12 =	vpop (erf)  }
0x52: {  	v7 =	vadd.f32 v7, v12  }
0x53: {  	s16 =	simm.s32 $0x8;
	s26 =	simm.s32 $0x80;
	v10 =	vpop (erf)  }
0x54: {  	s8 =	simm.s32 $0x10;
	s6 =	sand.u32 $0x400, s26;
	s1 =	sand.u32 $0x380, s16;
	v11 =	vsub.f32 v13, v21;
	v7 =	vadd.f32 v7, v10  }
0x55: {  	s8 =	sand.u32 $0x70, s8;
	s1 =	sor.u32 s1, s6  }
0x56: {  	s1 =	sor.u32 s8, s1;
	v13 =	vsub.f32 v14, v21;
	v11 =	vmul.f32 $1.442695020e+00, v11;
	v7 =	vadd.f32 v7, v9  }
0x57: {  	v26 =	vld [tilespmem:s1+$0x0];
	v14 =	vsub.f32 v16, v21  }
0x58: {  	v27 =	vld [tilespmem:s1+$0x800];
	v13 =	vmul.f32 $1.442695020e+00, v13;
	(erf) = vpow2.f32 v11;
	v7 =	vadd.f32 v7, v1  }
0x59: {  	v28 =	vld [tilespmem:s1+$0x1000];
	v16 =	vsub.f32 v17, v21  }
0x5a: {  	v29 =	vld [tilespmem:s1+$0x1800];
	v14 =	vmul.f32 $1.442695020e+00, v14;
	(erf) = vpow2.f32 v13;
	v7 =	vadd.f32 v7, v0  }
0x5b: {  	v24 =	vld [tilespmem:s1+$0x2000];
	v17 =	vsub.f32 v18, v21  }
0x5c: {  	v13 =	vmul.f32 $1.442695020e+00, v16;
	v16 =	vld [tilespmem:s1+$0x2800];
	(erf) = vpow2.f32 v14;
	v7 =	vadd.f32 v7, v8  }
0x5d: {  	v30 =	vld [tilespmem:s1+$0x3000];
	v17 =	vmul.f32 $1.442695020e+00, v17;
	v11 =	vmax.f32 v26, v27  }
0x5e: {  	v31 =	vld [tilespmem:s1+$0x3800];
	v11 =	vmax.f32 v11, v28;
	(erf) = vpow2.f32 v13;
	v7 =	vadd.f32 v7, v4  }
0x5f: {  	v32 =	vld [tilespmem:s1+$0x4000];
	v11 =	vmax.f32 v11, v29;
	v14 =	vsub.f32 v19, v21  }
0x60: {  	v11 =	vmax.f32 v11, v24;
	(erf) = vpow2.f32 v17;
	v17 =	vld [tilespmem:s1+$0x4800];
	v7 =	vadd.f32 v7, v3  }
0x61: {  	v33 =	vld [tilespmem:s1+$0x5000];
	v13 =	vmul.f32 $1.442695020e+00, v14;
	v14 =	vsub.f32 v20, v21;
	v19 =	vpop (erf);
	v11 =	vmax.f32 v11, v16  }
0x62: {  	v34 =	vld [tilespmem:s1+$0x5800];
	v11 =	vmax.f32 v11, v30;
	v7 =	vadd.f32 v7, v19  }
0x63: {  	v35 =	vld [tilespmem:s1+$0x6000];
	v14 =	vmul.f32 $1.442695020e+00, v14;
	(erf) = vpow2.f32 v13;
	v11 =	vmax.f32 v11, v31;
	v21 =	vpop (erf)  }
0x64: {  	v36 =	vld [tilespmem:s1+$0x6800];
	v11 =	vmax.f32 v11, v32;
	v7 =	vadd.f32 v7, v21  }
0x65: {  	v38 =	vld [tilespmem:s1+$0x7000];
	(erf) = vpow2.f32 v14;
	v11 =	vmax.f32 v11, v17;
	v25 =	vpop (erf)  }
0x66: {  	v37 =	vld [tilespmem:s1+$0x7800];
	v11 =	vmax.f32 v11, v33;
	v7 =	vadd.f32 v7, v25  }
0x67: {  	v13 =	vld [tilespmem:s1+$0x8000];
	v23 =	vpop (erf);
	v14 =	vmax.f32 v11, v34  }
0x68: {  	v11 =	vld [tilespmem:s1+$0x8800];
	v14 =	vmax.f32 v14, v35;
	v18 =	vadd.f32 v7, v23  }
0x69: {  	v22 =	vpop (erf);
	v14 =	vmax.f32 v14, v36;
	v7 =	vld [tilespmem:s1+$0x9000]  }
0x6a: {  	v14 =	vmax.f32 v14, v38;
	v18 =	vadd.f32 v18, v22  }
0x6b: {  	v14 =	vmax.f32 v14, v37  }
0x6c: {  	v20 =	vpop (erf);
	v14 =	vmax.f32 v14, v13  }
0x6d: {  	v14 =	vmax.f32 v14, v11;
	v39 =	vadd.f32 v18, v20  }
0x6e: {  	v14 =	vmax.f32 v14, v7;
	v18 =	vpop (erf)  }
0x6f: {  	v36 =	vsub.f32 v36, v14;
	v39 =	vadd.f32 v39, v18  }
0x70: {  	v34 =	vsub.f32 v34, v14;
	v35 =	vsub.f32 v35, v14  }
0x71: {  	v60 =	vsub.f32 v17, v14;
	v33 =	vsub.f32 v33, v14;
	(erf) = vrcp.f32 v39  }
0x72: {  	v31 =	vsub.f32 v31, v14;
	v32 =	vsub.f32 v32, v14  }
0x73: {  	v16 =	vsub.f32 v16, v14;
	v30 =	vsub.f32 v30, v14;
	v17 =	vmul.f32 $1.442695020e+00, v36  }
0x74: {  	v61 =	vsub.f32 v24, v14;
	v34 =	vmul.f32 $1.442695020e+00, v34;
	v24 =	vmul.f32 $1.442695020e+00, v35  }
0x75: {  	v29 =	vsub.f32 v29, v14;
	v62 =	vmul.f32 $1.442695020e+00, v60;
	v33 =	vmul.f32 $1.442695020e+00, v33  }
0x76: {  	v26 =	vsub.f32 v26, v14;
	v31 =	vmul.f32 $1.442695020e+00, v31;
	v32 =	vmul.f32 $1.442695020e+00, v32  }
0x77: {  	v16 =	vmul.f32 $1.442695020e+00, v16;
	v30 =	vmul.f32 $1.442695020e+00, v30  }
0x78: {  	v28 =	vsub.f32 v28, v14;
	v29 =	vmul.f32 $1.442695020e+00, v29;
	v63 =	vmul.f32 $1.442695020e+00, v61  }
0x79: {  	v48 =	vmul.f32 $1.442695020e+00, v26;
	(erf) = vpow2.f32 v34  }
0x7a: {  	v27 =	vsub.f32 v27, v14;
	v28 =	vmul.f32 $1.442695020e+00, v28;
	v26 =	vpop (erf);
	(erf) = vpow2.f32 v33  }
0x7b: {  	v26 =	vmul.f32 $1.500000000e+01, v26;
	(erf) = vpow2.f32 v62  }
0x7c: {  	v27 =	vmul.f32 $1.442695020e+00, v27;
	(erf) = vpow2.f32 v32  }
0x7d: {  	v15 =	vmul.f32 v26, v15;
	v49 =	vmul.f32 v26, v5  }
0x7e: {  	v50 =	vmul.f32 v26, v2;
	v52 =	vmul.f32 v26, v6  }
0x7f: {  	v54 =	vmul.f32 v26, v12;
	(erf) = vpow2.f32 v31  }
0x80: {  	v10 =	vmul.f32 v26, v10;
	v9 =	vmul.f32 v26, v9  }
0x81: {  	v1 =	vmul.f32 v26, v1;
	v59 =	vmul.f32 v26, v4  }
0x82: {  	v3 =	vmul.f32 v26, v3;
	v62 =	vmul.f32 v26, v19  }
0x83: {  	v25 =	vmul.f32 v26, v25;
	v23 =	vmul.f32 v26, v23  }
0x84: {  	v20 =	vmul.f32 v26, v20;
	v18 =	vmul.f32 v26, v18  }
0x85: {  	v2 =	vtrunc.f32 v15;
	v15 =	vtrunc.f32 v49  }
0x86: {  	v51 =	vcvt.f32.s32 v2;
	v15 =	vcvt.f32.s32 v15  }
0x87: {  	(erf) = vpow2.f32 v30;
	v34 =	vtrunc.f32 v50  }
0x88: {  	v35 =	vtrunc.f32 v52;
	v10 =	vtrunc.f32 v10;
	v15 =	vadd.s32 $0x10, v15  }
0x89: {  	(erf) = vpow2.f32 v48;
	v9 =	vtrunc.f32 v9  }
0x8a: {  	v1 =	vtrunc.f32 v1;
	v53 =	vcvt.f32.s32 v34  }
0x8b: {  	s28 =	simm.s32 $0x10;
	s30 =	simm.s32 $0x100;
	v3 =	vtrunc.f32 v3;
	v34 =	vtrunc.f32 v54  }
0x8c: {  	s9 =	simm.s32 $0x20;
	s6 =	sand.u32 $0x380, s28;
	s8 =	sand.u32 $0x400, s30;
	v31 =	vcvt.f32.s32 v35;
	v56 =	vcvt.f32.s32 v34;
	v30 =	vadd.s32 $0x20, v53;
	v34 =	vld.idx.msk [tilespmem:v51+s15+$0x0], $0xffff  }
0x8d: {  	s9 =	sand.u32 $0x70, s9;
	s6 =	sor.u32 s6, s8;
	v23 =	vtrunc.f32 v23;
	(erf) = vpow2.f32 v27;
	v36 =	vld.idx.msk [tilespmem:v15+s15+$0x0], $0xffff  }
0x8e: {  	s6 =	sor.u32 s9, s6;
	v31 =	vadd.s32 $0x30, v31;
	v15 =	vcvt.f32.s32 v9;
	v9 =	vmul.f32 v26, v0  }
0x8f: {  	v38 =	vsub.f32 v38, v14;
	v5 =	vld [tilespmem:s6+$0x0];
	v18 =	vtrunc.f32 v18;
	v57 =	vcvt.f32.s32 v10;
	v10 =	vpop (erf)  }
0x90: {  	v32 =	vsub.f32 v37, v14;
	v2 =	vld [tilespmem:s6+$0x800];
	v3 =	vcvt.f32.s32 v3;
	(erf) = vpow2.f32 v28;
	v0 =	vpop (erf)  }
0x91: {  	v27 =	vadd.s32 $0x40, v56;
	v37 =	vld.idx.msk [tilespmem:v30+s15+$0x0], $0xffff;
	v30 =	vcvt.f32.s32 v1;
	v1 =	vpop (erf);
	(erf) = vpow2.f32 v29  }
0x92: {  	v6 =	vld [tilespmem:s6+$0x1000];
	v58 =	vtrunc.f32 v9;
	v40 =	vadd.s32 $0x60, v15;
	v9 =	vpop (erf);
	v15 =	vadd.f32 v36, v34  }
0x93: {  	v23 =	vcvt.f32.s32 v23;
	v28 =	vadd.s32 $0x50, v57;
	v46 =	vld.idx.msk [tilespmem:v31+s15+$0x0], $0xffff;
	v31 =	vmul.f32 v26, v8;
	v8 =	vpop (erf)  }
0x94: {  	v18 =	vcvt.f32.s32 v18;
	v3 =	vadd.s32 $0xB0, v3;
	v4 =	vpop (erf);
	(erf) = vpow2.f32 v63  }
0x95: {  	v55 =	vmax.f32 v5, v2;
	v30 =	vadd.s32 $0x70, v30;
	v29 =	vcvt.f32.s32 v58  }
0x96: {  	v48 =	vld.idx.msk [tilespmem:v27+s15+$0x0], $0xffff;
	v31 =	vtrunc.f32 v31;
	v41 =	vadd.f32 v37, v15;
	v15 =	vpop (erf);
	(erf) = vpow2.f32 v16  }
0x97: {  	v12 =	vld [tilespmem:s6+$0x1800];
	v31 =	vcvt.f32.s32 v31;
	v60 =	vadd.s32 $0x80, v29;
	v29 =	vtrunc.f32 v59;
	v16 =	vpop (erf)  }
0x98: {  	v35 =	vmax.f32 v55, v6;
	v49 =	vld.idx.msk [tilespmem:v28+s15+$0x0], $0xffff;
	v42 =	vcvt.f32.s32 v29;
	v43 =	vadd.f32 v16, v15  }
0x99: {  	v55 =	vld [tilespmem:s6+$0x4800];
	v27 =	vadd.s32 $0x90, v31;
	v31 =	vtrunc.f32 v62;
	v61 =	vadd.f32 v46, v41;
	v19 =	vpop (erf)  }
0x9a: {  	v31 =	vcvt.f32.s32 v31;
	v59 =	vld.idx.msk [tilespmem:v40+s15+$0x0], $0xffff;
	v28 =	vadd.s32 $0xA0, v42;
	v43 =	vadd.f32 v43, v19  }
0x9b: {  	v18 =	vadd.s32 $0x120, v18;
	v56 =	vld.idx.msk [tilespmem:v3+s15+$0x0], $0xffff;
	v63 =	vmul.f32 v26, v21;
	v33 =	vadd.f32 v48, v61;
	v21 =	vpop (erf)  }
0x9c: {  	v50 =	vld.idx.msk [tilespmem:v30+s15+$0x0], $0xffff;
	v30 =	vadd.s32 $0xC0, v31;
	v31 =	vtrunc.f32 v25;
	v45 =	vadd.f32 v43, v21  }
0x9d: {  	v23 =	vadd.s32 $0xF0, v23;
	v31 =	vcvt.f32.s32 v31;
	v53 =	vld.idx.msk [tilespmem:v60+s15+$0x0], $0xffff;
	v33 =	vadd.f32 v49, v33;
	v25 =	vpop (erf)  }
0x9e: {  	v51 =	vmul.f32 v26, v22;
	v41 =	vtrunc.f32 v63;
	v52 =	vld.idx.msk [tilespmem:v27+s15+$0x0], $0xffff;
	v27 =	vadd.f32 v45, v25  }
0x9f: {  	v41 =	vcvt.f32.s32 v41;
	v54 =	vld.idx.msk [tilespmem:v28+s15+$0x0], $0xffff;
	v28 =	vadd.s32 $0xE0, v31;
	v31 =	vadd.f32 v59, v33;
	v22 =	vpop (erf)  }
0xa0: {  	v13 =	vsub.f32 v13, v14;
	v44 =	vld.idx.msk [tilespmem:v18+s15+$0x0], $0xffff;
	v3 =	vadd.f32 v27, v22  }
0xa1: {  	v20 =	vtrunc.f32 v20;
	v29 =	vld [tilespmem:s6+$0x2000];
	v47 =	vadd.s32 $0xD0, v41;
	v26 =	vadd.f32 v50, v31  }
0xa2: {  	v11 =	vsub.f32 v11, v14;
	v20 =	vcvt.f32.s32 v20;
	v61 =	vld.idx.msk [tilespmem:v23+s15+$0x0], $0xffff;
	v3 =	vadd.f32 v3, v4  }
0xa3: {  	(erf) = vpow2.f32 v24;
	v23 =	vmul.f32 $1.442695020e+00, v32;
	v32 =	vld [tilespmem:s6+$0x4000];
	v24 =	vadd.f32 v53, v26  }
0xa4: {  	v7 =	vsub.f32 v7, v14;
	v60 =	vld.idx.msk [tilespmem:v30+s15+$0x0], $0xffff;
	v3 =	vadd.f32 v3, v8  }
0xa5: {  	v20 =	vadd.s32 $0x110, v20;
	(erf) = vpow2.f32 v17;
	v30 =	vld [tilespmem:s6+$0x2800];
	v17 =	vadd.f32 v52, v24  }
0xa6: {  	v62 =	vld.idx.msk [tilespmem:v47+s15+$0x0], $0xffff;
	v27 =	vtrunc.f32 v51;
	v26 =	vmul.f32 $1.442695020e+00, v38;
	v3 =	vadd.f32 v3, v9  }
0xa7: {  	v13 =	vmul.f32 $1.442695020e+00, v13;
	v31 =	vld [tilespmem:s6+$0x3000];
	v27 =	vcvt.f32.s32 v27;
	v17 =	vadd.f32 v54, v17  }
0xa8: {  	v11 =	vmul.f32 $1.442695020e+00, v11;
	v24 =	vld [tilespmem:s6+$0x3800];
	(erf) = vpow2.f32 v26;
	v3 =	vadd.f32 v3, v1  }
0xa9: {  	v35 =	vmax.f32 v35, v12;
	v58 =	vld.idx.msk [tilespmem:v28+s15+$0x0], $0xffff;
	v27 =	vadd.s32 $0x100, v27;
	v17 =	vadd.f32 v56, v17  }
0xaa: {  	v51 =	vld.idx.msk [tilespmem:v20+s15+$0x0], $0xffff;
	v26 =	vmax.f32 v35, v29;
	(erf) = vpow2.f32 v23;
	v3 =	vadd.f32 v3, v0  }
0xab: {  	v20 =	vmax.f32 v26, v30;
	(erf) = vpow2.f32 v13;
	v13 =	vadd.f32 v60, v17;
	v17 =	vld [tilespmem:s6+$0x5000]  }
0xac: {  	v7 =	vmul.f32 $1.442695020e+00, v7;
	v18 =	vld [tilespmem:s6+$0x5800];
	v14 =	vmax.f32 v20, v31;
	v3 =	vadd.f32 v3, v10  }
0xad: {  	v28 =	vpop (erf);
	(erf) = vpow2.f32 v11;
	v11 =	vadd.f32 v62, v13;
	v13 =	vmax.f32 v14, v24;
	v14 =	vld [tilespmem:s6+$0x6000]  }
0xae: {  	v63 =	vld.idx.msk [tilespmem:v27+s15+$0x0], $0xffff;
	v13 =	vmax.f32 v13, v32;
	v3 =	vadd.f32 v3, v28  }
0xaf: {  	(erf) = vpow2.f32 v7;
	v27 =	vpop (erf);
	v7 =	vadd.f32 v58, v11;
	v11 =	vmax.f32 v13, v55  }
0xb0: {  	v20 =	vld [tilespmem:s6+$0x6800];
	[tilespmem:$0x1FF80] =	vst v58;
	v11 =	vmax.f32 v11, v17;
	v3 =	vadd.f32 v3, v27  }
0xb1: {  	v38 =	vld [tilespmem:s6+$0x7000];
	v13 =	vpop (erf);
	v33 =	vadd.f32 v61, v7;
	v11 =	vmax.f32 v11, v18  }
0xb2: {  	v40 =	vld [tilespmem:s6+$0x7800];
	[tilespmem:$0x1FF90] =	vst v61;
	v11 =	vmax.f32 v11, v14;
	v26 =	vadd.f32 v3, v13  }
0xb3: {  	v7 =	vpop (erf);
	v33 =	vadd.f32 v63, v33;
	v3 =	vld [tilespmem:s6+$0x8000]  }
0xb4: {  	v23 =	vld [tilespmem:s6+$0x8800];
	[tilespmem:$0x1FFA0] =	vst v63;
	v57 =	vadd.f32 v26, v7  }
0xb5: {  	v58 =	vmax.f32 v11, v20;
	v11 =	vpop (erf);
	v26 =	vld [tilespmem:s6+$0x9000]  }
0xb6: {  	v41 =	vmax.f32 v58, v38;
	v39 =	vadd.f32 v57, v11  }
0xb7: {  	v42 =	vadd.f32 v51, v33;
	v41 =	vmax.f32 v41, v40;
	v33 =	vpop (erf)  }
0xb8: {  	v41 =	vmax.f32 v41, v3;
	v61 =	vadd.f32 v39, v33  }
0xb9: {  	v63 =	vpop (erf);
	v41 =	vmax.f32 v41, v23  }
0xba: {  	v42 =	vadd.f32 v44, v42;
	v45 =	vmax.f32 v41, v26;
	v47 =	vadd.f32 v61, v63  }
0xbb: {  	v20 =	vsub.f32 v20, v45;
	v18 =	vsub.f32 v18, v45  }
0xbc: {  	v14 =	vsub.f32 v14, v45;
	v35 =	vsub.f32 v55, v45  }
0xbd: {  	(erf) = vrcp.f32 v42;
	v17 =	vsub.f32 v17, v45;
	v24 =	vsub.f32 v24, v45  }
0xbe: {  	v32 =	vsub.f32 v32, v45;
	(erf) = vrcp.f32 v47;
	v43 =	vmul.f32 $1.442695020e+00, v20  }
0xbf: {  	v30 =	vsub.f32 v30, v45;
	v18 =	vmul.f32 $1.442695020e+00, v18;
	v47 =	vmul.f32 $1.442695020e+00, v14  }
0xc0: {  	v31 =	vsub.f32 v31, v45;
	v14 =	vmul.f32 $1.442695020e+00, v35;
	v17 =	vmul.f32 $1.442695020e+00, v17  }
0xc1: {  	v20 =	vsub.f32 v29, v45;
	v24 =	vmul.f32 $1.442695020e+00, v24;
	v29 =	vmul.f32 $1.442695020e+00, v32  }
0xc2: {  	v12 =	vsub.f32 v12, v45;
	v30 =	vmul.f32 $1.442695020e+00, v30;
	(erf) = vpow2.f32 v18  }
0xc3: {  	[tilespmem:$0x1FFB0] =	vst v51;
	v51 =	vsub.f32 v5, v45;
	v31 =	vmul.f32 $1.442695020e+00, v31;
	(erf) = vpow2.f32 v17  }
0xc4: {  	v2 =	vsub.f32 v2, v45;
	v55 =	vmul.f32 $1.442695020e+00, v12;
	(erf) = vpow2.f32 v14  }
0xc5: {  	v12 =	vmul.f32 $1.442695020e+00, v51;
	(erf) = vpow2.f32 v29  }
0xc6: {  	v2 =	vmul.f32 $1.442695020e+00, v2;
	v5 =	vpop (erf);
	(erf) = vpow2.f32 v24  }
0xc7: {  	v6 =	vsub.f32 v6, v45;
	v57 =	vmul.f32 $1.442695020e+00, v20;
	(erf) = vpow2.f32 v31;
	v20 =	vpop (erf)  }
0xc8: {  	(erf) = vpow2.f32 v12;
	v58 =	vmul.f32 $1.500000000e+01, v20  }
0xc9: {  	v6 =	vmul.f32 $1.442695020e+00, v6;
	(erf) = vpow2.f32 v2  }
0xca: {  	v15 =	vmul.f32 v58, v15;
	v16 =	vmul.f32 v58, v16  }
0xcb: {  	v14 =	vmul.f32 v58, v19;
	v17 =	vmul.f32 v58, v21  }
0xcc: {  	v18 =	vmul.f32 v58, v25;
	v19 =	vmul.f32 v58, v22  }
0xcd: {  	v15 =	vtrunc.f32 v15;
	v16 =	vtrunc.f32 v16  }
0xce: {  	v15 =	vcvt.f32.s32 v15;
	v16 =	vcvt.f32.s32 v16  }
0xcf: {  	v4 =	vmul.f32 v58, v4;
	v14 =	vtrunc.f32 v14  }
0xd0: {  	v8 =	vmul.f32 v58, v8;
	v14 =	vcvt.f32.s32 v14;
	v16 =	vadd.s32 $0x10, v16  }
0xd1: {  	v9 =	vmul.f32 v58, v9;
	v17 =	vtrunc.f32 v17  }
0xd2: {  	v1 =	vmul.f32 v58, v1;
	v17 =	vcvt.f32.s32 v17;
	v14 =	vadd.s32 $0x20, v14  }
0xd3: {  	v18 =	vtrunc.f32 v18;
	v19 =	vtrunc.f32 v19  }
0xd4: {  	v18 =	vcvt.f32.s32 v18;
	v12 =	vcvt.f32.s32 v19;
	v20 =	vld.idx.msk [tilespmem:v15+s15+$0x0], $0xffff;
	v15 =	vadd.s32 $0x30, v17  }
0xd5: {  	v3 =	vsub.f32 v3, v45;
	v0 =	vmul.f32 v58, v0;
	v7 =	vmul.f32 v58, v7;
	v19 =	vld.idx.msk [tilespmem:v16+s15+$0x0], $0xffff  }
0xd6: {  	v4 =	vtrunc.f32 v4;
	v8 =	vtrunc.f32 v8;
	v16 =	vadd.s32 $0x40, v18  }
0xd7: {  	v21 =	vsub.f32 v40, v45;
	v1 =	vtrunc.f32 v1;
	v2 =	vcvt.f32.s32 v4;
	v18 =	vld.idx.msk [tilespmem:v14+s15+$0x0], $0xffff  }
0xd8: {  	v0 =	vtrunc.f32 v0;
	v4 =	vadd.s32 $0x50, v12;
	v12 =	vpop (erf);
	(erf) = vpow2.f32 v6  }
0xd9: {  	v7 =	vtrunc.f32 v7;
	v2 =	vadd.s32 $0x60, v2;
	v6 =	vcvt.f32.s32 v8;
	v14 =	vpop (erf);
	v22 =	vld.idx.msk [tilespmem:v15+s15+$0x0], $0xffff;
	[tilespmem:$0x1FFC0] =	vst v20  }
0xda: {  	v8 =	vtrunc.f32 v9;
	v17 =	vpop (erf);
	(erf) = vpow2.f32 v55;
	[tilespmem:$0x1FFD0] =	vst v19;
	v9 =	vadd.f32 v19, v20  }
0xdb: {  	v51 =	vsub.f32 v38, v45;
	v21 =	vmul.f32 $1.442695020e+00, v21;
	v8 =	vcvt.f32.s32 v8;
	v20 =	vpop (erf);
	v15 =	vld.idx.msk [tilespmem:v16+s15+$0x0], $0xffff  }
0xdc: {  	v6 =	vadd.s32 $0x70, v6;
	v24 =	vpop (erf);
	[tilespmem:$0x1FFE0] =	vst v18;
	(erf) = vpow2.f32 v57;
	v9 =	vadd.f32 v18, v9  }
0xdd: {  	v1 =	vcvt.f32.s32 v1;
	v29 =	vpop (erf);
	v18 =	vld.idx.msk [tilespmem:v4+s15+$0x0], $0xffff;
	v4 =	vadd.s32 $0x80, v8;
	v8 =	vmul.f32 v58, v10  }
0xde: {  	s13 =	simm.s32 $0x18;
	s8 =	simm.s32 $0x180;
	v0 =	vcvt.f32.s32 v0;
	v32 =	vpop (erf);
	(erf) = vpow2.f32 v30;
	[tilespmem:$0x1FFF0] =	vst v22;
	v9 =	vadd.f32 v22, v9  }
0xdf: {  	s31 =	simm.s32 $0x30;
	s16 =	sand.u32 $0x380, s13;
	s14 =	sand.u32 $0x400, s8;
	v1 =	vadd.s32 $0x90, v1;
	v35 =	vpop (erf);
	v19 =	vld.idx.msk [tilespmem:v2+s15+$0x0], $0xffff;
	v2 =	vtrunc.f32 v8;
	v8 =	vmul.f32 v58, v28  }
0xe0: {  	s9 =	sand.u32 $0x70, s31;
	s14 =	sor.u32 s16, s14;
	v10 =	vadd.f32 v35, v32;
	v9 =	vadd.f32 v15, v9;
	v2 =	vcvt.f32.s32 v2  }
0xe1: {  	s9 =	sor.u32 s9, s14;
	v0 =	vadd.s32 $0xA0, v0;
	v22 =	vld.idx.msk [tilespmem:v6+s15+$0x0], $0xffff;
	v38 =	vpop (erf);
	v6 =	vtrunc.f32 v8;
	v8 =	vmul.f32 v58, v27  }
0xe2: {  	v7 =	vcvt.f32.s32 v7;
	v31 =	vld [tilespmem:s9+$0x0];
	v10 =	vadd.f32 v10, v38;
	v9 =	vadd.f32 v18, v9  }
0xe3: {  	v40 =	vpop (erf);
	v25 =	vld.idx.msk [tilespmem:v4+s15+$0x0], $0xffff;
	v6 =	vcvt.f32.s32 v6;
	v2 =	vadd.s32 $0xB0, v2;
	v4 =	vtrunc.f32 v8  }
0xe4: {  	v30 =	vld [tilespmem:s9+$0x800];
	v8 =	vmul.f32 v58, v13;
	v10 =	vadd.f32 v10, v40;
	v9 =	vadd.f32 v19, v9  }
0xe5: {  	v55 =	vmul.f32 v58, v63;
	v27 =	vld.idx.msk [tilespmem:v1+s15+$0x0], $0xffff;
	v4 =	vcvt.f32.s32 v4;
	v1 =	vadd.s32 $0xC0, v6;
	v41 =	vpop (erf)  }
0xe6: {  	v28 =	vld.idx.msk [tilespmem:v0+s15+$0x0], $0xffff;
	v6 =	vtrunc.f32 v8;
	v8 =	vadd.f32 v22, v9;
	v9 =	vadd.f32 v10, v41  }
0xe7: {  	(erf) = vpow2.f32 v47;
	v39 =	vld [tilespmem:s9+$0x1800];
	v6 =	vcvt.f32.s32 v6;
	v0 =	vadd.s32 $0xD0, v4;
	v42 =	vpop (erf)  }
0xe8: {  	v4 =	vmul.f32 v58, v11;
	v61 =	vld.idx.msk [tilespmem:v2+s15+$0x0], $0xffff;
	v8 =	vadd.f32 v25, v8;
	v2 =	vadd.f32 v9, v42  }
0xe9: {  	(erf) = vpow2.f32 v43;
	v43 =	vld [tilespmem:s9+$0x2000];
	v13 =	vmul.f32 v58, v33;
	v6 =	vadd.s32 $0xE0, v6  }
0xea: {  	v4 =	vtrunc.f32 v4;
	v11 =	vld.idx.msk [tilespmem:v1+s15+$0x0], $0xffff;
	v8 =	vadd.f32 v27, v8;
	v1 =	vadd.f32 v2, v29  }
0xeb: {  	v63 =	vld [tilespmem:s9+$0x2800];
	v2 =	vcvt.f32.s32 v4;
	v4 =	vadd.s32 $0xF0, v7;
	v7 =	vtrunc.f32 v13  }
0xec: {  	v13 =	vld.idx.msk [tilespmem:v0+s15+$0x0], $0xffff;
	v0 =	vcvt.f32.s32 v7;
	v7 =	vmul.f32 $1.442695020e+00, v51;
	v8 =	vadd.f32 v28, v8  }
0xed: {  	v33 =	vld [tilespmem:s9+$0x1000];
	v9 =	vadd.s32 $0x100, v2;
	v1 =	vadd.f32 v1, v24;
	v2 =	vtrunc.f32 v55  }
0xee: {  	v16 =	vld.idx.msk [tilespmem:v6+s15+$0x0], $0xffff;
	(erf) = vpow2.f32 v7;
	v2 =	vcvt.f32.s32 v2;
	v6 =	vadd.f32 v61, v8  }
0xef: {  	v7 =	vsub.f32 v23, v45;
	v8 =	vadd.s32 $0x110, v0;
	v0 =	vld [tilespmem:s9+$0x3000];
	v1 =	vadd.f32 v1, v20  }
0xf0: {  	v3 =	vmul.f32 $1.442695020e+00, v3;
	(erf) = vpow2.f32 v21;
	v21 =	vld.idx.msk [tilespmem:v4+s15+$0x0], $0xffff;
	v6 =	vadd.f32 v11, v6  }
0xf1: {  	v4 =	vadd.s32 $0x120, v2;
	v2 =	vld [tilespmem:s9+$0x3800];
	v7 =	vmul.f32 $1.442695020e+00, v7;
	v1 =	vadd.f32 v1, v17  }
0xf2: {  	v45 =	vsub.f32 v26, v45;
	(erf) = vpow2.f32 v3;
	v23 =	vld.idx.msk [tilespmem:v9+s15+$0x0], $0xffff;
	v6 =	vadd.f32 v13, v6  }
0xf3: {  	v3 =	vmax.f32 v31, v30;
	(erf) = vpow2.f32 v7;
	v7 =	vld [tilespmem:s9+$0x4800];
	v1 =	vadd.f32 v1, v14  }
0xf4: {  	v34 =	vmul.f32 v5, v34;
	v26 =	vld.idx.msk [tilespmem:v8+s15+$0x0], $0xffff;
	v8 =	vmax.f32 v3, v33;
	v6 =	vadd.f32 v16, v6  }
0xf5: {  	v9 =	vmul.f32 $1.442695020e+00, v45;
	v3 =	vld [tilespmem:s9+$0x4000];
	v8 =	vmax.f32 v8, v39;
	v1 =	vadd.f32 v1, v12  }
0xf6: {  	v47 =	vld.idx.msk [tilespmem:v4+s15+$0x0], $0xffff;
	v4 =	vmul.f32 v5, v44;
	v44 =	vpop (erf);
	v8 =	vmax.f32 v8, v43;
	v6 =	vadd.f32 v21, v6  }
0xf7: {  	(erf) = vpow2.f32 v9;
	v9 =	vld [tilespmem:s9+$0x5000];
	v8 =	vmax.f32 v8, v63;
	v1 =	vadd.f32 v1, v44  }
0xf8: {  	v36 =	vmul.f32 v5, v36;
	v51 =	vld [tilespmem:s9+$0x5800];
	v45 =	vpop (erf);
	v8 =	vmax.f32 v8, v0;
	v6 =	vadd.f32 v23, v6  }
0xf9: {  	v59 =	vmul.f32 v5, v59;
	[tilespmem:s0+$0x9000] =	vst v4;
	v4 =	vmax.f32 v8, v2;
	v8 =	vld [tilespmem:s9+$0x6000];
	v1 =	vadd.f32 v1, v45  }
0xfa: {  	[tilespmem:s0+$0x800] =	vst v36;
	v36 =	vmul.f32 v5, v46;
	v55 =	vld [tilespmem:s9+$0x6800];
	v46 =	vpop (erf);
	v4 =	vmax.f32 v4, v3;
	v6 =	vadd.f32 v26, v6  }
0xfb: {  	[tilespmem:s0+$0x0] =	vst v34;
	v34 =	vmul.f32 v5, v37;
	v58 =	vld [tilespmem:s9+$0x7000];
	v4 =	vmax.f32 v4, v7;
	v1 =	vadd.f32 v1, v46  }
0xfc: {  	v37 =	vmul.f32 v5, v48;
	v57 =	vld [tilespmem:s9+$0x7800];
	[tilespmem:s0+$0x3000] =	vst v59;
	v48 =	vpop (erf);
	v4 =	vmax.f32 v4, v9;
	v6 =	vadd.f32 v47, v6  }
0xfd: {  	[tilespmem:s0+$0x1000] =	vst v34;
	v34 =	vld [tilespmem:s9+$0x8000];
	v4 =	vmax.f32 v4, v51;
	v1 =	vadd.f32 v1, v48  }
0xfe: {  	[tilespmem:s0+$0x1800] =	vst v36;
	v4 =	vmax.f32 v4, v8;
	(erf) = vrcp.f32 v6;
	v6 =	vmul.f32 v5, v49  }
0xff: {  	v54 =	vmul.f32 v5, v54;
	[tilespmem:s0+$0x2000] =	vst v37;
	v37 =	vmul.f32 v5, v53;
	v4 =	vmax.f32 v4, v55;
	v49 =	vpop (erf)  }
0x100: {  	v4 =	vmax.f32 v4, v58;
	v53 =	vadd.f32 v1, v49;
	[tilespmem:s0+$0x2800] =	vst v6;
	v6 =	vmul.f32 v5, v50  }
0x101: {  	v59 =	vmul.f32 v5, v52;
	v52 =	vmul.f32 v5, v56;
	v36 =	vld [tilespmem:s9+$0x8800];
	[tilespmem:s0+$0x4000] =	vst v37;
	v1 =	vmax.f32 v4, v57;
	v50 =	vpop (erf)  }
0x102: {  	s14 =	simm.s32 $0x40;
	v37 =	vld [tilespmem:s9+$0x9000];
	v1 =	vmax.f32 v1, v34;
	[tilespmem:s0+$0x3800] =	vst v6;
	v6 =	vadd.f32 v53, v50;
	v53 =	vmul.f32 v5, v60  }
.LBB2_3:
0x103: {  	v10 =	vld [tilespmem:$0x1FF80];
	_ =	sdelay $0x4  }
0x104: {  	v60 =	vmul.f32 v5, v10;
	v10 =	vld [tilespmem:$0x1FFA0];
	_ =	sdelay $0x2  }
0x105: {  	v4 =	vmax.f32 v1, v36;
	v1 =	vpop (erf)  }
0x106: {  	v56 =	vmul.f32 v5, v62;
	[tilespmem:s0+$0x5000] =	vst v54;
	v62 =	vmax.f32 v4, v37;
	v4 =	vadd.f32 v6, v1;
	v6 =	vld [tilespmem:$0x1FF90]  }
0x107: {  	[tilespmem:s0+$0x4800] =	vst v59;
	v54 =	vsub.f32 v55, v62;
	v55 =	vmul.f32 v5, v10;
	v10 =	vld [tilespmem:$0x1FFB0]  }
0x108: {  	[tilespmem:s0+$0x5800] =	vst v52;
	v51 =	vsub.f32 v51, v62;
	v8 =	vsub.f32 v8, v62;
	(erf) = vrcp.f32 v4  }
0x109: {  	[tilespmem:s0+$0x6000] =	vst v53;
	v59 =	vmov v15;
	v2 =	vsub.f32 v2, v62;
	v3 =	vsub.f32 v3, v62  }
0x10a: {  	v53 =	vmovc v19;
	[tilespmem:s0+$0x6800] =	vst v56;
	v4 =	vsub.f32 v7, v62;
	v7 =	vsub.f32 v9, v62;
	v19 =	vmul.f32 $1.442695020e+00, v51  }
0x10b: {  	v9 =	vmovc v18;
	[tilespmem:s0+$0x7000] =	vst v60;
	v18 =	vsub.f32 v0, v62;
	v0 =	vmul.f32 $1.442695020e+00, v8;
	v6 =	vmul.f32 v5, v6  }
0x10c: {  	v15 =	vsub.f32 v63, v62;
	[tilespmem:$0x1FF50] =	vst v9;
	v3 =	vmul.f32 $1.442695020e+00, v3;
	v10 =	vmul.f32 v5, v10;
	v5 =	vpop (erf)  }
0x10d: {  	v52 =	vmovc v25;
	v4 =	vmul.f32 $1.442695020e+00, v4;
	[tilespmem:s0+$0x7800] =	vst v6;
	v6 =	vsub.f32 v43, v62;
	v9 =	vmul.f32 v5, v47  }
0x10e: {  	v25 =	vsub.f32 v31, v62;
	[tilespmem:s0+$0x8000] =	vst v55;
	v47 =	vmul.f32 $1.442695020e+00, v54;
	v54 =	vmovc v22;
	v22 =	vmul.f32 $1.442695020e+00, v2;
	v2 =	vmovc v11  }
0x10f: {  	v7 =	vmul.f32 $1.442695020e+00, v7;
	v11 =	vmul.f32 $1.442695020e+00, v15;
	[tilespmem:s0+$0x8800] =	vst v10  }
0x110: {  	s13 =	sadd.s32 $0x8, s13;
	s8 =	sadd.s32 $0x80, s8;
	v39 =	vsub.f32 v39, v62;
	v15 =	vmul.f32 $1.442695020e+00, v18;
	v18 =	vmul.f32 $1.442695020e+00, v25;
	[tilespmem:$0x1FF70] =	vst v2;
	v10 =	vmovc v13;
	v13 =	vmovc v16  }
0x111: {  	s16 =	sand.u32 $0x400, s8;
	s30 =	sand.u32 $0x380, s13;
	[tilespmem:s1+$0x9000] =	vst v9;
	v16 =	vmul.f32 $1.442695020e+00, v6;
	v6 =	vmov v26;
	v2 =	vpop (erf);
	(erf) = vpow2.f32 v19  }
0x112: {  	s31 =	sand.u32 $0x70, s14;
	s16 =	sor.u32 s30, s16;
	s0 =	smov.u32 s1;
	[tilespmem:$0x1FFB0] =	vst v6;
	v6 =	vsub.f32 v30, v62;
	v2 =	vmul.f32 $1.500000000e+01, v2;
	(erf) = vpow2.f32 v7  }
0x113: {  	s1 =	smov.u32 s6;
	s6 =	smov.u32 s9;
	s9 =	sor.u32 s31, s16;
	[tilespmem:$0x1FF80] =	vst v13;
	v13 =	vmul.f32 $1.442695020e+00, v39;
	(erf) = vpow2.f32 v4  }
0x114: {  	v21 =	vmov v21;
	v31 =	vld [tilespmem:s9+$0x0];
	v19 =	vmul.f32 $1.442695020e+00, v6;
	v6 =	vmul.f32 v2, v32  }
0x115: {  	[tilespmem:$0x1FF90] =	vst v21;
	v9 =	vmov v28;
	v30 =	vld [tilespmem:s9+$0x800];
	v7 =	vmul.f32 v2, v35;
	v4 =	vmul.f32 v2, v38  }
0x116: {  	[tilespmem:$0x1FF60] =	vst v9;
	v9 =	vsub.f32 v33, v62;
	v33 =	vld [tilespmem:s9+$0x1000];
	v21 =	vmul.f32 v2, v40;
	(erf) = vpow2.f32 v3  }
0x117: {  	v6 =	vtrunc.f32 v6;
	v7 =	vtrunc.f32 v7  }
0x118: {  	v6 =	vcvt.f32.s32 v6;
	v7 =	vcvt.f32.s32 v7  }
0x119: {  	v8 =	vmov v23;
	v26 =	vmul.f32 v2, v42;
	v4 =	vtrunc.f32 v4  }
0x11a: {  	[tilespmem:$0x1FFA0] =	vst v8;
	v8 =	vmax.f32 v31, v30;
	v4 =	vcvt.f32.s32 v4;
	v3 =	vadd.s32 $0x10, v7  }
0x11b: {  	v7 =	vmax.f32 v8, v33;
	v8 =	vtrunc.f32 v21;
	v21 =	vmul.f32 v2, v41  }
0x11c: {  	v56 =	vmovc v27;
	(erf) = vpow2.f32 v22;
	v4 =	vadd.s32 $0x20, v4;
	v27 =	vcvt.f32.s32 v8  }
0x11d: {  	v24 =	vmul.f32 v2, v24;
	v22 =	vpop (erf);
	v21 =	vtrunc.f32 v21  }
0x11e: {  	v25 =	vpop (erf);
	(erf) = vpow2.f32 v15;
	v15 =	vadd.s32 $0x30, v27;
	v21 =	vcvt.f32.s32 v21;
	v8 =	vld.idx.msk [tilespmem:v6+s15+$0x0], $0xffff  }
0x11f: {  	v6 =	vld.idx.msk [tilespmem:v3+s15+$0x0], $0xffff;
	v3 =	vtrunc.f32 v26;
	v26 =	vmul.f32 v2, v29  }
0x120: {  	v23 =	vpop (erf);
	(erf) = vpow2.f32 v18;
	v18 =	vadd.s32 $0x40, v21;
	v21 =	vcvt.f32.s32 v3  }
0x121: {  	(erf) = vpow2.f32 v19;
	v3 =	vsub.f32 v57, v62;
	v57 =	vld.idx.msk [tilespmem:v4+s15+$0x0], $0xffff;
	v4 =	vtrunc.f32 v26  }
0x122: {  	v9 =	vmul.f32 $1.442695020e+00, v9;
	v19 =	vadd.s32 $0x50, v21;
	v21 =	vcvt.f32.s32 v4  }
0x123: {  	v27 =	vmul.f32 v2, v20;
	v4 =	vld.idx.msk [tilespmem:v15+s15+$0x0], $0xffff;
	v15 =	vtrunc.f32 v24  }
0x124: {  	v20 =	vpop (erf);
	(erf) = vpow2.f32 v9;
	v9 =	vadd.s32 $0x60, v21;
	v21 =	vcvt.f32.s32 v15  }
0x125: {  	v24 =	vpop (erf);
	v15 =	vld.idx.msk [tilespmem:v18+s15+$0x0], $0xffff;
	v18 =	vtrunc.f32 v27;
	v27 =	vmul.f32 v2, v17;
	v28 =	vadd.f32 v6, v8  }
0x126: {  	(erf) = vpow2.f32 v13;
	v17 =	vmovc v23;
	v13 =	vadd.s32 $0x70, v21;
	v21 =	vcvt.f32.s32 v18  }
0x127: {  	v23 =	vmul.f32 v2, v14;
	v14 =	vmovc v25;
	v18 =	vld.idx.msk [tilespmem:v19+s15+$0x0], $0xffff;
	v19 =	vtrunc.f32 v27;
	v27 =	vadd.f32 v57, v28  }
0x128: {  	v29 =	vpop (erf);
	(erf) = vpow2.f32 v16;
	v16 =	vadd.s32 $0x80, v21;
	v21 =	vcvt.f32.s32 v19  }
0x129: {  	v32 =	vpop (erf);
	v19 =	vld.idx.msk [tilespmem:v9+s15+$0x0], $0xffff;
	v9 =	vtrunc.f32 v23;
	v23 =	vmul.f32 v2, v12;
	v25 =	vadd.f32 v4, v27  }
0x12a: {  	(erf) = vpow2.f32 v11;
	v35 =	vpop (erf);
	v11 =	vadd.s32 $0x90, v21;
	v9 =	vcvt.f32.s32 v9  }
0x12b: {  	v12 =	vmovc v22;
	v21 =	vmul.f32 v2, v44;
	v22 =	vld.idx.msk [tilespmem:v13+s15+$0x0], $0xffff;
	v13 =	vtrunc.f32 v23;
	v23 =	vadd.f32 v15, v25  }
0x12c: {  	v27 =	vadd.f32 v35, v32;
	v9 =	vadd.s32 $0xA0, v9;
	v13 =	vcvt.f32.s32 v13  }
0x12d: {  	v38 =	vpop (erf);
	v25 =	vld.idx.msk [tilespmem:v16+s15+$0x0], $0xffff;
	v16 =	vtrunc.f32 v21;
	v21 =	vmul.f32 v2, v45;
	v23 =	vadd.f32 v18, v23  }
0x12e: {  	v28 =	vadd.f32 v27, v38;
	v13 =	vadd.s32 $0xB0, v13;
	v16 =	vcvt.f32.s32 v16  }
0x12f: {  	v40 =	vpop (erf);
	v27 =	vld.idx.msk [tilespmem:v11+s15+$0x0], $0xffff;
	v11 =	vtrunc.f32 v21;
	v21 =	vmul.f32 v2, v46;
	v23 =	vadd.f32 v19, v23  }
0x130: {  	v55 =	vadd.f32 v28, v40;
	v16 =	vadd.s32 $0xC0, v16;
	v11 =	vcvt.f32.s32 v11  }
0x131: {  	v28 =	vld.idx.msk [tilespmem:v9+s15+$0x0], $0xffff;
	v9 =	vtrunc.f32 v21;
	v21 =	vmul.f32 v2, v48;
	v23 =	vadd.f32 v22, v23  }
0x132: {  	v60 =	vmov v61;
	v1 =	vmul.f32 v2, v1;
	v48 =	vadd.s32 $0xD0, v11  }
0x133: {  	v41 =	vpop (erf);
	v9 =	vcvt.f32.s32 v9;
	v11 =	vtrunc.f32 v21;
	v21 =	vadd.f32 v25, v23  }
0x134: {  	v26 =	vsub.f32 v58, v62;
	v58 =	vadd.f32 v55, v41;
	v61 =	vld.idx.msk [tilespmem:v13+s15+$0x0], $0xffff;
	v13 =	vmul.f32 v2, v49  }
0x135: {  	v43 =	vld [tilespmem:s9+$0x2000];
	v42 =	vpop (erf);
	v9 =	vadd.s32 $0xE0, v9;
	v49 =	vcvt.f32.s32 v11;
	v21 =	vadd.f32 v27, v21  }
0x136: {  	v23 =	vadd.f32 v58, v42;
	v11 =	vld.idx.msk [tilespmem:v16+s15+$0x0], $0xffff;
	v13 =	vtrunc.f32 v13;
	v16 =	vmul.f32 v2, v50  }
0x137: {  	v39 =	vld [tilespmem:s9+$0x1800];
	v44 =	vadd.s32 $0xF0, v49;
	v50 =	vcvt.f32.s32 v13;
	v2 =	vadd.f32 v28, v21  }
0x138: {  	v1 =	vtrunc.f32 v1;
	v23 =	vadd.f32 v23, v29;
	v13 =	vld.idx.msk [tilespmem:v48+s15+$0x0], $0xffff;
	v16 =	vtrunc.f32 v16  }
0x139: {  	v63 =	vld [tilespmem:s9+$0x2800];
	v51 =	vadd.s32 $0x100, v50;
	v21 =	vcvt.f32.s32 v16;
	v2 =	vadd.f32 v61, v2  }
0x13a: {  	v1 =	vcvt.f32.s32 v1;
	(erf) = vpow2.f32 v0;
	v23 =	vadd.f32 v23, v24;
	v16 =	vld.idx.msk [tilespmem:v9+s15+$0x0], $0xffff  }
0x13b: {  	v0 =	vld [tilespmem:s9+$0x3000];
	v9 =	vmul.f32 $1.442695020e+00, v26;
	v26 =	vadd.s32 $0x110, v21;
	v55 =	vadd.f32 v11, v2  }
0x13c: {  	v1 =	vadd.s32 $0x120, v1;
	(erf) = vpow2.f32 v47;
	v23 =	vadd.f32 v23, v20;
	v21 =	vld.idx.msk [tilespmem:v44+s15+$0x0], $0xffff  }
0x13d: {  	v7 =	vmax.f32 v7, v39;
	v2 =	vld [tilespmem:s9+$0x3800];
	(erf) = vpow2.f32 v9;
	v9 =	vadd.f32 v13, v55  }
0x13e: {  	v34 =	vsub.f32 v34, v62;
	v7 =	vmax.f32 v7, v43;
	v48 =	vadd.f32 v23, v17;
	v23 =	vld.idx.msk [tilespmem:v51+s15+$0x0], $0xffff  }
0x13f: {  	v58 =	vmul.f32 $1.442695020e+00, v3;
	v3 =	vld [tilespmem:s9+$0x4000];
	v50 =	vsub.f32 v36, v62;
	v9 =	vadd.f32 v16, v9  }
0x140: {  	v37 =	vsub.f32 v37, v62;
	v34 =	vmul.f32 $1.442695020e+00, v34;
	v49 =	vmax.f32 v7, v63;
	v26 =	vld.idx.msk [tilespmem:v26+s15+$0x0], $0xffff  }
0x141: {  	v47 =	vld.idx.msk [tilespmem:v1+s15+$0x0], $0xffff;
	v36 =	vmul.f32 $1.442695020e+00, v50;
	v51 =	vadd.f32 v48, v14;
	v1 =	vadd.f32 v21, v9  }
0x142: {  	v50 =	vmul.f32 $1.442695020e+00, v37;
	v37 =	vld [tilespmem:$0x1FFE0];
	(erf) = vpow2.f32 v58;
	v55 =	vmax.f32 v49, v0  }
0x143: {  	v58 =	vadd.f32 v51, v12;
	v51 =	vld [tilespmem:$0x1FFC0];
	v62 =	vmax.f32 v55, v2;
	v1 =	vadd.f32 v23, v1  }
0x144: {  	v44 =	vpop (erf);
	(erf) = vpow2.f32 v34;
	v34 =	vmax.f32 v62, v3;
	v62 =	vld [tilespmem:$0x1FFD0]  }
0x145: {  	v53 =	vmul.f32 v5, v53;
	v7 =	vld [tilespmem:s9+$0x4800];
	(erf) = vpow2.f32 v36;
	v1 =	vadd.f32 v26, v1  }
0x146: {  	v45 =	vpop (erf);
	(erf) = vpow2.f32 v50;
	v50 =	vmov v6;
	v6 =	vmov v57;
	v57 =	vld [tilespmem:$0x1FFF0]  }
0x147: {  	v49 =	vmul.f32 v5, v37;
	v37 =	vmul.f32 v5, v59;
	v59 =	vld [tilespmem:$0x1FF50];
	[tilespmem:s0+$0x3000] =	vst v53  }
0x148: {  	v55 =	vmov v8;
	v8 =	vld [tilespmem:s9+$0x6000];
	[tilespmem:$0x1FFE0] =	vst v6;
	v58 =	vadd.f32 v58, v44;
	v46 =	vmul.f32 v5, v51  }
0x149: {  	v9 =	vld [tilespmem:s9+$0x5000];
	v36 =	vmul.f32 v5, v62;
	v62 =	vadd.f32 v47, v1;
	v1 =	vmovc v4;
	v4 =	vmul.f32 v5, v54  }
0x14a: {  	[tilespmem:$0x1FFC0] =	vst v55;
	v51 =	vld [tilespmem:s9+$0x5800]  }
0x14b: {  	v48 =	vadd.f32 v58, v45;
	[tilespmem:s0+$0x3800] =	vst v4;
	v4 =	vld [tilespmem:$0x1FF60]  }
0x14c: {  	v55 =	vld [tilespmem:s9+$0x6800];
	[tilespmem:$0x1FFD0] =	vst v50  }
0x14d: {  	v6 =	vmax.f32 v34, v7;
	v34 =	vld [tilespmem:s9+$0x8000];
	[tilespmem:s0+$0x0] =	vst v46;
	v46 =	vpop (erf)  }
0x14e: {  	[tilespmem:s0+$0x1000] =	vst v49;
	v58 =	vld [tilespmem:s9+$0x7000];
	v50 =	vadd.f32 v48, v46  }
0x14f: {  	v59 =	vmul.f32 v5, v59;
	v6 =	vmax.f32 v6, v9;
	[tilespmem:s0+$0x800] =	vst v36;
	v36 =	vmul.f32 v5, v57;
	v57 =	vld [tilespmem:s9+$0x7800];
	v48 =	vpop (erf)  }
0x150: {  	p0 =	sne.s32 s14, $0x7F0;
	[tilespmem:s0+$0x2000] =	vst v37;
	v6 =	vmax.f32 v6, v51;
	v50 =	vadd.f32 v50, v48;
	v54 =	vmul.f32 v5, v4;
	v4 =	vld [tilespmem:$0x1FF70]  }
.Ltmp0:
0x151: {  	[tilespmem:s0+$0x2800] =	vst v59;
	(erf) = vrcp.f32 v62;
	v62 =	vmul.f32 v5, v52;
	v6 =	vmax.f32 v6, v8;
	(pc) =	sbr.rel @p0 .LBB2_3-.Ltmp0, $4  }
0x152: {  	[tilespmem:$0x1FFF0] =	vst v1;
	v49 =	vpop (erf);
	v1 =	vmax.f32 v6, v55  }
0x153: {  	[tilespmem:s0+$0x1800] =	vst v36;
	v1 =	vmax.f32 v1, v58;
	v6 =	vadd.f32 v50, v49  }
0x154: {  	v37 =	vld [tilespmem:s9+$0x9000];
	v59 =	vmul.f32 v5, v56;
	v52 =	vmul.f32 v5, v60;
	[tilespmem:s0+$0x4000] =	vst v62;
	v1 =	vmax.f32 v1, v57;
	v50 =	vpop (erf)  }
0x155: {  	s14 =	sadd.s32 $0x10, s14;
	v36 =	vld [tilespmem:s9+$0x8800];
	v62 =	vmovc v10;
	v1 =	vmax.f32 v1, v34;
	v6 =	vadd.f32 v6, v50;
	v53 =	vmul.f32 v5, v4  }
0x156: {  	_ =	sdelay $0x3  }
0x157: {  	v10 =	vpop (erf);
	v1 =	vmax.f32 v1, v36  }
0x158: {  	v4 =	vmax.f32 v1, v37;
	v1 =	vadd.f32 v6, v10;
	_ =	sdelay $0x1  }
0x159: {  	v6 =	vsub.f32 v51, v4;
	(erf) = vrcp.f32 v1  }
0x15a: {  	v3 =	vsub.f32 v3, v4;
	v1 =	vsub.f32 v9, v4  }
0x15b: {  	v7 =	vsub.f32 v7, v4;
	v6 =	vmul.f32 $1.442695020e+00, v6  }
0x15c: {  	v0 =	vsub.f32 v0, v4;
	v3 =	vmul.f32 $1.442695020e+00, v3;
	v1 =	vmul.f32 $1.442695020e+00, v1  }
0x15d: {  	v2 =	vsub.f32 v2, v4;
	(erf) = vpow2.f32 v6;
	v6 =	vmul.f32 $1.442695020e+00, v7  }
0x15e: {  	v0 =	vmul.f32 $1.442695020e+00, v0;
	(erf) = vpow2.f32 v1  }
0x15f: {  	v2 =	vmul.f32 $1.442695020e+00, v2;
	(erf) = vpow2.f32 v6  }
0x160: {  	(erf) = vpow2.f32 v3  }
0x161: {  	v51 =	vpop (erf);
	(erf) = vpow2.f32 v2  }
0x162: {  	(erf) = vpow2.f32 v0;
	v0 =	vpop (erf)  }
0x163: {  	v0 =	vmul.f32 $1.500000000e+01, v0;
	_ =	sdelay $0x1  }
0x164: {  	v7 =	vsub.f32 v31, v4;
	v31 =	vmul.f32 v0, v32;
	_ =	sdelay $0x1  }
0x165: {  	v31 =	vtrunc.f32 v31  }
0x166: {  	v31 =	vcvt.f32.s32 v31  }
0x167: {  	v6 =	vsub.f32 v63, v4;
	v63 =	vmul.f32 v0, v35;
	_ =	sdelay $0x1  }
0x168: {  	v32 =	vtrunc.f32 v63  }
0x169: {  	v7 =	vmul.f32 $1.442695020e+00, v7;
	v32 =	vcvt.f32.s32 v32  }
0x16a: {  	v30 =	vsub.f32 v30, v4;
	v3 =	vsub.f32 v8, v4  }
0x16b: {  	(erf) = vpow2.f32 v7;
	v7 =	vadd.s32 $0x10, v32;
	v32 =	vmul.f32 v0, v20;
	v20 =	vld.idx.msk [tilespmem:v31+s15+$0x0], $0xffff  }
0x16c: {  	v2 =	vsub.f32 v43, v4;
	v9 =	vmul.f32 $1.442695020e+00, v6;
	v6 =	vsub.f32 v33, v4  }
0x16d: {  	v8 =	vmul.f32 $1.442695020e+00, v3;
	v3 =	vsub.f32 v39, v4;
	v39 =	vmul.f32 v0, v38  }
0x16e: {  	v30 =	vmul.f32 $1.442695020e+00, v30;
	v2 =	vmul.f32 $1.442695020e+00, v2  }
0x16f: {  	v6 =	vmul.f32 $1.442695020e+00, v6;
	v33 =	vtrunc.f32 v39  }
0x170: {  	v3 =	vmul.f32 $1.442695020e+00, v3;
	v33 =	vcvt.f32.s32 v33;
	[tilespmem:$0x1FE50] =	vst v20  }
0x171: {  	v1 =	vsub.f32 v55, v4;
	v55 =	vmul.f32 v0, v42;
	v31 =	vmul.f32 v0, v17;
	v17 =	vld.idx.msk [tilespmem:v7+s15+$0x0], $0xffff  }
0x172: {  	(erf) = vpow2.f32 v30;
	v40 =	vmul.f32 v0, v40;
	v30 =	vadd.s32 $0x20, v33  }
0x173: {  	(erf) = vpow2.f32 v6;
	v39 =	vtrunc.f32 v55  }
0x174: {  	v24 =	vmul.f32 v0, v24;
	v35 =	vtrunc.f32 v40  }
0x175: {  	v60 =	vpop (erf);
	(erf) = vpow2.f32 v3;
	v35 =	vcvt.f32.s32 v35  }
0x176: {  	v56 =	vcvt.f32.s32 v39;
	v39 =	vpop (erf);
	(erf) = vpow2.f32 v2;
	[tilespmem:$0x1FE60] =	vst v17  }
0x177: {  	v24 =	vtrunc.f32 v24;
	v6 =	vpop (erf);
	(erf) = vpow2.f32 v9;
	v9 =	vld.idx.msk [tilespmem:v30+s15+$0x0], $0xffff  }
0x178: {  	v43 =	vmul.f32 v0, v41;
	v33 =	vcvt.f32.s32 v24;
	v24 =	vadd.s32 $0x30, v35;
	_ =	sdelay $0x1  }
0x179: {  	v38 =	vtrunc.f32 v43  }
0x17a: {  	v38 =	vcvt.f32.s32 v38  }
0x17b: {  	[tilespmem:$0x1FE70] =	vst v9  }
0x17c: {  	v2 =	vadd.s32 $0x40, v38;
	v38 =	vmul.f32 v0, v12;
	v12 =	vld.idx.msk [tilespmem:v24+s15+$0x0], $0xffff;
	_ =	sdelay $0x4  }
0x17d: {  	[tilespmem:$0x1FE80] =	vst v12  }
0x17e: {  	v29 =	vmul.f32 v0, v29;
	v63 =	vmul.f32 v0, v14;
	v14 =	vld.idx.msk [tilespmem:v2+s15+$0x0], $0xffff  }
0x17f: {  	v41 =	vmul.f32 v0, v44;
	v42 =	vmul.f32 v0, v45;
	v30 =	vadd.s32 $0x50, v56  }
0x180: {  	v44 =	vmul.f32 v0, v46;
	v45 =	vmul.f32 v0, v48  }
0x181: {  	v48 =	vmul.f32 v0, v49;
	v49 =	vmul.f32 v0, v50  }
0x182: {  	v10 =	vmul.f32 v0, v10;
	v29 =	vtrunc.f32 v29;
	v0 =	vadd.f32 v17, v20  }
0x183: {  	v29 =	vcvt.f32.s32 v29;
	[tilespmem:$0x1FE90] =	vst v14  }
0x184: {  	v0 =	vadd.f32 v9, v0;
	v9 =	vld.idx.msk [tilespmem:v30+s15+$0x0], $0xffff  }
0x185: {  	v56 =	vadd.s32 $0x60, v29;
	_ =	sdelay $0x3  }
0x186: {  	[tilespmem:$0x1FEA0] =	vst v9  }
0x187: {  	v0 =	vadd.f32 v12, v0;
	v12 =	vld.idx.msk [tilespmem:v56+s15+$0x0], $0xffff  }
0x188: {  	v55 =	vsub.f32 v58, v4;
	v58 =	vadd.s32 $0x70, v33;
	v7 =	vpop (erf)  }
0x189: {  	v1 =	vmul.f32 $1.442695020e+00, v1;
	v40 =	vpop (erf)  }
0x18a: {  	v3 =	vpop (erf);
	(erf) = vpow2.f32 v8;
	v2 =	vtrunc.f32 v32  }
0x18b: {  	(erf) = vpow2.f32 v1;
	v1 =	vcvt.f32.s32 v2  }
0x18c: {  	v30 =	vtrunc.f32 v31;
	v31 =	vmul.f32 $1.442695020e+00, v55;
	[tilespmem:$0x1FEB0] =	vst v12  }
0x18d: {  	v8 =	vpop (erf);
	v0 =	vadd.f32 v14, v0;
	v14 =	vld.idx.msk [tilespmem:v58+s15+$0x0], $0xffff  }
0x18e: {  	v50 =	vpop (erf);
	v1 =	vadd.s32 $0x80, v1;
	(erf) = vpow2.f32 v31;
	v31 =	vcvt.f32.s32 v30  }
0x18f: {  	v63 =	vtrunc.f32 v63;
	v2 =	vadd.f32 v50, v8  }
0x190: {  	v33 =	vcvt.f32.s32 v63;
	v43 =	vpop (erf);
	v55 =	vadd.s32 $0x90, v31  }
0x191: {  	v42 =	vtrunc.f32 v42;
	v2 =	vadd.f32 v2, v43;
	v58 =	vtrunc.f32 v38  }
0x192: {  	v33 =	vadd.s32 $0xA0, v33;
	v46 =	vpop (erf);
	v0 =	vadd.f32 v9, v0;
	v38 =	vcvt.f32.s32 v58;
	[tilespmem:$0x1FEC0] =	vst v14  }
0x193: {  	v44 =	vtrunc.f32 v44;
	v2 =	vadd.f32 v2, v46;
	v32 =	vld.idx.msk [tilespmem:v1+s15+$0x0], $0xffff;
	v1 =	vtrunc.f32 v41  }
0x194: {  	v63 =	vadd.f32 v12, v0;
	v38 =	vadd.s32 $0xB0, v38;
	v1 =	vcvt.f32.s32 v1  }
0x195: {  	v36 =	vsub.f32 v36, v4;
	v45 =	vtrunc.f32 v45;
	v42 =	vcvt.f32.s32 v42;
	v56 =	vpop (erf);
	v31 =	vld.idx.msk [tilespmem:v55+s15+$0x0], $0xffff  }
0x196: {  	v2 =	vadd.f32 v2, v56;
	v41 =	vadd.f32 v14, v63;
	v58 =	vadd.s32 $0xC0, v1  }
0x197: {  	v49 =	vtrunc.f32 v49;
	v44 =	vcvt.f32.s32 v44;
	v35 =	vsub.f32 v57, v4;
	v57 =	vpop (erf);
	v30 =	vld.idx.msk [tilespmem:v33+s15+$0x0], $0xffff  }
0x198: {  	v42 =	vadd.s32 $0xD0, v42;
	v2 =	vadd.f32 v2, v57;
	v41 =	vadd.f32 v32, v41  }
0x199: {  	v10 =	vtrunc.f32 v10;
	v63 =	vsub.f32 v34, v4;
	v4 =	vsub.f32 v37, v4;
	v33 =	vld.idx.msk [tilespmem:v38+s15+$0x0], $0xffff  }
0x19a: {  	v37 =	vadd.s32 $0xE0, v44;
	v38 =	vcvt.f32.s32 v45;
	v41 =	vadd.f32 v31, v41  }
0x19b: {  	v35 =	vmul.f32 $1.442695020e+00, v35;
	v2 =	vadd.f32 v2, v3;
	v34 =	vld.idx.msk [tilespmem:v58+s15+$0x0], $0xffff;
	v58 =	vtrunc.f32 v48  }
0x19c: {  	v38 =	vadd.s32 $0xF0, v38;
	v48 =	vcvt.f32.s32 v58;
	v41 =	vadd.f32 v30, v41  }
0x19d: {  	(erf) = vpow2.f32 v35;
	v2 =	vadd.f32 v2, v40;
	v35 =	vld.idx.msk [tilespmem:v42+s15+$0x0], $0xffff;
	v42 =	vcvt.f32.s32 v49  }
0x19e: {  	v63 =	vmul.f32 $1.442695020e+00, v63;
	v45 =	vadd.s32 $0x100, v48;
	v41 =	vadd.f32 v33, v41  }
0x19f: {  	v36 =	vmul.f32 $1.442695020e+00, v36;
	v10 =	vcvt.f32.s32 v10;
	v2 =	vadd.f32 v2, v7;
	v29 =	vld.idx.msk [tilespmem:v37+s15+$0x0], $0xffff  }
0x1a0: {  	v42 =	vadd.s32 $0x110, v42;
	(erf) = vpow2.f32 v63;
	v41 =	vadd.f32 v34, v41  }
0x1a1: {  	v2 =	vadd.f32 v2, v6;
	(erf) = vpow2.f32 v36;
	v36 =	vld.idx.msk [tilespmem:v38+s15+$0x0], $0xffff  }
0x1a2: {  	v10 =	vadd.s32 $0x120, v10;
	v41 =	vadd.f32 v35, v41  }
0x1a3: {  	v55 =	vadd.f32 v2, v39;
	v37 =	vld.idx.msk [tilespmem:v45+s15+$0x0], $0xffff  }
0x1a4: {  	v0 =	vld [tilespmem:$0x1FF80];
	v41 =	vadd.f32 v29, v41  }
0x1a5: {  	v58 =	vadd.f32 v55, v60;
	v38 =	vld.idx.msk [tilespmem:v42+s15+$0x0], $0xffff  }
0x1a6: {  	v44 =	vpop (erf);
	v63 =	vadd.f32 v36, v41  }
0x1a7: {  	v20 =	vmov v60;
	v4 =	vmul.f32 $1.442695020e+00, v4;
	v60 =	vadd.f32 v58, v44;
	v41 =	vld.idx.msk [tilespmem:v10+s15+$0x0], $0xffff  }
0x1a8: {  	v48 =	vpop (erf);
	v10 =	vadd.f32 v37, v63  }
0x1a9: {  	(erf) = vpow2.f32 v4;
	v4 =	vadd.f32 v60, v48  }
0x1aa: {  	v60 =	vmul.f32 v5, v0;
	v0 =	vld [tilespmem:$0x1FF90];
	v45 =	vpop (erf);
	v10 =	vadd.f32 v38, v10  }
0x1ab: {  	v4 =	vadd.f32 v4, v45  }
0x1ac: {  	v49 =	vpop (erf);
	v10 =	vadd.f32 v41, v10  }
0x1ad: {  	v4 =	vadd.f32 v4, v49  }
0x1ae: {  	v55 =	vpop (erf);
	(erf) = vrcp.f32 v10  }
0x1af: {  	v4 =	vadd.f32 v4, v55;
	v10 =	vmul.f32 v5, v62;
	v62 =	vmul.f32 v5, v0;
	v0 =	vld [tilespmem:$0x1FFA0]  }
0x1b0: {  	v58 =	vpop (erf)  }
0x1b1: {  	v4 =	vadd.f32 v4, v58  }
0x1b2: {  	v42 =	vpop (erf)  }
0x1b3: {  	v4 =	vadd.f32 v4, v42  }
0x1b4: {  	v63 =	vmul.f32 v5, v0;
	v0 =	vld [tilespmem:$0x1FFB0]  }
0x1b5: {  	(erf) = vrcp.f32 v4;
	_ =	sdelay $0x3  }
0x1b6: {  	v1 =	vmul.f32 v5, v0;
	v0 =	vld [tilespmem:$0x1FFC0];
	_ =	sdelay $0x3  }
0x1b7: {  	v4 =	vpop (erf)  }
0x1b8: {  	v47 =	vmul.f32 v51, v47;
	v5 =	vpop (erf);
	v2 =	vmul.f32 v51, v0;
	v0 =	vld [tilespmem:$0x1FFD0]  }
0x1b9: {  	v27 =	vmul.f32 v51, v27;
	v5 =	vmul.f32 $1.500000000e+01, v5  }
0x1ba: {  	v28 =	vmul.f32 v51, v28;
	v17 =	vmul.f32 v51, v15  }
0x1bb: {  	v8 =	vmul.f32 v5, v8;
	v15 =	vmul.f32 v5, v50  }
0x1bc: {  	v50 =	vmul.f32 v51, v18;
	v18 =	vmul.f32 v5, v43  }
0x1bd: {  	v43 =	vmul.f32 v5, v46;
	v9 =	vmul.f32 v51, v0;
	v0 =	vld [tilespmem:$0x1FFE0]  }
0x1be: {  	v46 =	vmul.f32 v51, v19;
	v15 =	vtrunc.f32 v15  }
0x1bf: {  	v8 =	vtrunc.f32 v8;
	v15 =	vcvt.f32.s32 v15  }
0x1c0: {  	v18 =	vtrunc.f32 v18;
	v19 =	vtrunc.f32 v43  }
0x1c1: {  	v8 =	vcvt.f32.s32 v8;
	v18 =	vcvt.f32.s32 v18;
	v15 =	vadd.s32 $0x10, v15  }
0x1c2: {  	v43 =	vmul.f32 v5, v56;
	v12 =	vmul.f32 v51, v0;
	v0 =	vld [tilespmem:$0x1FFF0];
	[tilespmem:s0+$0x4800] =	vst v59  }
0x1c3: {  	v56 =	vmul.f32 v51, v22;
	v19 =	vcvt.f32.s32 v19;
	v18 =	vadd.s32 $0x20, v18;
	[tilespmem:s0+$0x5000] =	vst v54  }
0x1c4: {  	v22 =	vtrunc.f32 v43;
	v43 =	vmul.f32 v5, v57;
	[tilespmem:s0+$0x5800] =	vst v52  }
0x1c5: {  	v61 =	vmul.f32 v51, v61;
	v11 =	vmul.f32 v51, v11;
	[tilespmem:s0+$0x6000] =	vst v53  }
0x1c6: {  	v19 =	vadd.s32 $0x30, v19;
	v24 =	vld.idx.msk [tilespmem:v15+s15+$0x0], $0xffff;
	v15 =	vtrunc.f32 v43;
	v43 =	vmul.f32 v5, v3;
	[tilespmem:s0+$0x6800] =	vst v10  }
0x1c7: {  	v57 =	vmul.f32 v51, v25;
	v22 =	vcvt.f32.s32 v22;
	v25 =	vld.idx.msk [tilespmem:v8+s15+$0x0], $0xffff;
	[tilespmem:s0+$0x7000] =	vst v60  }
0x1c8: {  	v8 =	vld.idx.msk [tilespmem:v18+s15+$0x0], $0xffff;
	v15 =	vcvt.f32.s32 v15;
	v18 =	vtrunc.f32 v43;
	[tilespmem:s0+$0x7800] =	vst v62  }
0x1c9: {  	v40 =	vmul.f32 v5, v40;
	[tilespmem:s1+$0x9000] =	vst v47;
	v18 =	vcvt.f32.s32 v18  }
0x1ca: {  	v13 =	vmul.f32 v51, v13;
	v22 =	vadd.s32 $0x40, v22;
	[tilespmem:s0+$0x8000] =	vst v63;
	v43 =	vadd.s32 $0x50, v15  }
0x1cb: {  	[tilespmem:s0+$0x8800] =	vst v1;
	v15 =	vld.idx.msk [tilespmem:v19+s15+$0x0], $0xffff;
	v19 =	vtrunc.f32 v40;
	v40 =	vmul.f32 v5, v7;
	v18 =	vadd.s32 $0x60, v18  }
0x1cc: {  	v16 =	vmul.f32 v51, v16;
	v39 =	vmul.f32 v5, v39;
	[tilespmem:s1+$0x0] =	vst v2  }
0x1cd: {  	v59 =	vmul.f32 v5, v44;
	[tilespmem:s1+$0x800] =	vst v9;
	v3 =	vtrunc.f32 v40  }
0x1ce: {  	[tilespmem:s1+$0x2000] =	vst v17;
	v19 =	vcvt.f32.s32 v19;
	v3 =	vcvt.f32.s32 v3  }
0x1cf: {  	v7 =	vld.idx.msk [tilespmem:v22+s15+$0x0], $0xffff;
	v22 =	vmul.f32 v5, v6;
	v14 =	vmul.f32 v51, v0;
	v0 =	vadd.f32 v24, v25  }
0x1d0: {  	[tilespmem:s1+$0x2800] =	vst v50;
	v19 =	vadd.s32 $0x70, v19;
	v40 =	vadd.s32 $0x80, v3;
	v3 =	vld.idx.msk [tilespmem:v18+s15+$0x0], $0xffff;
	v18 =	vtrunc.f32 v39  }
0x1d1: {  	[tilespmem:s1+$0x3000] =	vst v46;
	v0 =	vadd.f32 v8, v0;
	v39 =	vtrunc.f32 v59;
	v59 =	vmul.f32 v5, v55  }
0x1d2: {  	v52 =	vmul.f32 v5, v20;
	[tilespmem:s1+$0x3800] =	vst v56;
	v22 =	vtrunc.f32 v22;
	v6 =	vld.idx.msk [tilespmem:v43+s15+$0x0], $0xffff  }
0x1d3: {  	[tilespmem:s1+$0x4000] =	vst v57;
	v22 =	vcvt.f32.s32 v22;
	v0 =	vadd.f32 v15, v0;
	v17 =	vtrunc.f32 v59  }
0x1d4: {  	[tilespmem:s1+$0x4800] =	vst v27;
	v10 =	vtrunc.f32 v52;
	v17 =	vcvt.f32.s32 v17  }
0x1d5: {  	[tilespmem:s1+$0x5000] =	vst v28;
	v22 =	vadd.s32 $0x90, v22;
	v54 =	vcvt.f32.s32 v18;
	v0 =	vadd.f32 v7, v0  }
0x1d6: {  	v62 =	vmul.f32 v5, v48;
	[tilespmem:s1+$0x5800] =	vst v61;
	v10 =	vcvt.f32.s32 v10;
	v18 =	vld.idx.msk [tilespmem:v19+s15+$0x0], $0xffff;
	v17 =	vadd.s32 $0x100, v17  }
0x1d7: {  	[tilespmem:s1+$0x6000] =	vst v11;
	v39 =	vcvt.f32.s32 v39;
	v43 =	vadd.s32 $0xA0, v54;
	v0 =	vadd.f32 v6, v0  }
0x1d8: {  	v63 =	vmul.f32 v5, v45;
	v53 =	vmul.f32 v5, v49;
	[tilespmem:s1+$0x6800] =	vst v13;
	v10 =	vadd.s32 $0xB0, v10;
	v19 =	vld.idx.msk [tilespmem:v40+s15+$0x0], $0xffff  }
0x1d9: {  	v13 =	vmul.f32 v4, v41;
	[tilespmem:s1+$0x7000] =	vst v16;
	v1 =	vadd.s32 $0xC0, v39;
	v0 =	vadd.f32 v3, v0  }
0x1da: {  	v52 =	vtrunc.f32 v63;
	[tilespmem:s1+$0x1000] =	vst v12;
	v22 =	vld.idx.msk [tilespmem:v22+s15+$0x0], $0xffff;
	v40 =	vtrunc.f32 v62  }
0x1db: {  	[tilespmem:s6+$0x9000] =	vst v13;
	v48 =	vcvt.f32.s32 v40;
	v0 =	vadd.f32 v18, v0;
	v11 =	vld.idx.msk [tilespmem:v17+s15+$0x0], $0xffff;
	v17 =	vmul.f32 v51, v21  }
0x1dc: {  	[tilespmem:s1+$0x1800] =	vst v14;
	v54 =	vcvt.f32.s32 v52;
	v2 =	vld.idx.msk [tilespmem:v43+s15+$0x0], $0xffff;
	v21 =	vmul.f32 v51, v23  }
0x1dd: {  	v10 =	vld.idx.msk [tilespmem:v10+s15+$0x0], $0xffff;
	v9 =	vadd.s32 $0xD0, v48;
	v0 =	vadd.f32 v19, v0;
	[tilespmem:s1+$0x7800] =	vst v17;
	v17 =	vmul.f32 v51, v26  }
0x1de: {  	v12 =	vtrunc.f32 v53;
	v1 =	vld.idx.msk [tilespmem:v1+s15+$0x0], $0xffff;
	[tilespmem:s1+$0x8000] =	vst v21  }
0x1df: {  	v12 =	vcvt.f32.s32 v12;
	v14 =	vadd.s32 $0xE0, v54;
	v0 =	vadd.f32 v22, v0;
	v13 =	vld [tilespmem:$0x1FE50];
	[tilespmem:s1+$0x8800] =	vst v17  }
0x1e0: {  	v60 =	vmul.f32 v5, v58;
	v17 =	vld [tilespmem:$0x1FE60]  }
0x1e1: {  	v12 =	vadd.s32 $0xF0, v12;
	v5 =	vmul.f32 v5, v42;
	v0 =	vadd.f32 v2, v0  }
0x1e2: {  	v39 =	vtrunc.f32 v60;
	v9 =	vld.idx.msk [tilespmem:v9+s15+$0x0], $0xffff  }
0x1e3: {  	v5 =	vtrunc.f32 v5;
	v39 =	vcvt.f32.s32 v39;
	v0 =	vadd.f32 v10, v0  }
0x1e4: {  	v5 =	vcvt.f32.s32 v5;
	v14 =	vld.idx.msk [tilespmem:v14+s15+$0x0], $0xffff;
	v13 =	vmul.f32 v4, v13  }
0x1e5: {  	v27 =	vadd.s32 $0x110, v39;
	v0 =	vadd.f32 v1, v0;
	v17 =	vmul.f32 v4, v17  }
0x1e6: {  	v12 =	vld.idx.msk [tilespmem:v12+s15+$0x0], $0xffff;
	[tilespmem:s6+$0x0] =	vst v13  }
0x1e7: {  	v5 =	vadd.s32 $0x120, v5;
	v0 =	vadd.f32 v9, v0;
	v13 =	vld [tilespmem:$0x1FE70];
	[tilespmem:s6+$0x800] =	vst v17  }
0x1e8: {  	v17 =	vld [tilespmem:$0x1FE80]  }
0x1e9: {  	v0 =	vadd.f32 v14, v0  }
0x1ea: {  	v16 =	vld.idx.msk [tilespmem:v27+s15+$0x0], $0xffff  }
0x1eb: {  	v0 =	vadd.f32 v12, v0  }
0x1ec: {  	v5 =	vld.idx.msk [tilespmem:v5+s15+$0x0], $0xffff;
	v13 =	vmul.f32 v4, v13  }
0x1ed: {  	v0 =	vadd.f32 v11, v0;
	v17 =	vmul.f32 v4, v17  }
0x1ee: {  	v21 =	vld [tilespmem:$0x1FE90];
	[tilespmem:s6+$0x1000] =	vst v13  }
0x1ef: {  	v0 =	vadd.f32 v16, v0;
	[tilespmem:s6+$0x1800] =	vst v17  }
0x1f0: {  	v13 =	vld [tilespmem:$0x1FEA0]  }
0x1f1: {  	v0 =	vadd.f32 v5, v0;
	v17 =	vld [tilespmem:$0x1FEB0];
	_ =	sdelay $0x1  }
0x1f2: {  	(erf) = vrcp.f32 v0  }
0x1f3: {  	v21 =	vmul.f32 v4, v21  }
0x1f4: {  	v13 =	vmul.f32 v4, v13  }
0x1f5: {  	[tilespmem:s6+$0x2000] =	vst v21;
	v17 =	vmul.f32 v4, v17  }
0x1f6: {  	[tilespmem:s6+$0x2800] =	vst v13;
	v13 =	vmul.f32 v4, v32  }
0x1f7: {  	v0 =	vld [tilespmem:$0x1FEC0];
	[tilespmem:s6+$0x3000] =	vst v17;
	v17 =	vmul.f32 v4, v31  }
0x1f8: {  	[tilespmem:s6+$0x4000] =	vst v13;
	v13 =	vmul.f32 v4, v33  }
0x1f9: {  	[tilespmem:s6+$0x4800] =	vst v17;
	v17 =	vmul.f32 v4, v34  }
0x1fa: {  	[tilespmem:s6+$0x5800] =	vst v13;
	v13 =	vmul.f32 v4, v29  }
0x1fb: {  	v21 =	vpop (erf);
	[tilespmem:s6+$0x6000] =	vst v17;
	v17 =	vmul.f32 v4, v36  }
0x1fc: {  	v3 =	vmul.f32 v21, v3;
	[tilespmem:s6+$0x7000] =	vst v13  }
0x1fd: {  	v0 =	vmul.f32 v4, v0;
	[tilespmem:s6+$0x7800] =	vst v17  }
0x1fe: {  	v1 =	vmul.f32 v21, v1;
	[tilespmem:s9+$0x3000] =	vst v3  }
0x1ff: {  	[tilespmem:s6+$0x3800] =	vst v0;
	v0 =	vmul.f32 v4, v30  }
0x200: {  	v3 =	vmul.f32 v21, v22;
	[tilespmem:s9+$0x6000] =	vst v1  }
0x201: {  	[tilespmem:s6+$0x5000] =	vst v0;
	v0 =	vmul.f32 v4, v35  }
0x202: {  	v1 =	vmul.f32 v21, v12;
	[tilespmem:s9+$0x4800] =	vst v3  }
0x203: {  	[tilespmem:s6+$0x6800] =	vst v0;
	v0 =	vmul.f32 v21, v5  }
0x204: {  	[tilespmem:s9+$0x7800] =	vst v1;
	v5 =	vmul.f32 v4, v37  }
0x205: {  	v4 =	vmul.f32 v4, v38;
	[tilespmem:s9+$0x9000] =	vst v0  }
0x206: {  	[tilespmem:s6+$0x8000] =	vst v5;
	v0 =	vmul.f32 v21, v25  }
0x207: {  	[tilespmem:s6+$0x8800] =	vst v4;
	v4 =	vmul.f32 v21, v24  }
0x208: {  	[tilespmem:s9+$0x0] =	vst v0;
	v0 =	vmul.f32 v21, v8  }
0x209: {  	v5 =	vmul.f32 v21, v7;
	[tilespmem:s9+$0x800] =	vst v4  }
0x20a: {  	[tilespmem:s9+$0x1000] =	vst v0;
	v0 =	vmul.f32 v21, v6  }
0x20b: {  	v4 =	vmul.f32 v21, v15;
	[tilespmem:s9+$0x2000] =	vst v5  }
0x20c: {  	[tilespmem:s9+$0x2800] =	vst v0;
	v0 =	vmul.f32 v21, v18  }
0x20d: {  	s26 =	smul.u32 $0xC, s29;
	[tilespmem:s9+$0x1800] =	vst v4;
	v4 =	vmul.f32 v21, v19  }
0x20e: {  	[tilespmem:s9+$0x3800] =	vst v0;
	v0 =	vmul.f32 v21, v2  }
0x20f: {  	s30 =	sand.u32 $0x78, s26;
	[tilespmem:s9+$0x4000] =	vst v4;
	v2 =	vmul.f32 v21, v10  }
0x210: {  	s0 =	sadd.s32 s7, s30;
	[tilespmem:s9+$0x5000] =	vst v0;
	v0 =	vmul.f32 v21, v9  }
0x211: {  	s28 =	sshll.u32 s29, $0xB;
	s0 =	sshll.u32 s0, $0x9;
	[tilespmem:s9+$0x5800] =	vst v2;
	v2 =	vmul.f32 v21, v14  }
0x212: {  	s31 =	sand.u32 $0x800, s28;
	s0 =	sadd.s32 s5, s0;
	[tilespmem:s9+$0x6800] =	vst v0;
	v0 =	vmul.f32 v21, v11  }
0x213: {  	s0 =	sor.u32 s31, s0;
	[tilespmem:s9+$0x7000] =	vst v2;
	v2 =	vmul.f32 v21, v16  }
0x214: {  	s0 =	sshrl.u32 s0, $0x3;
	[tilespmem:s9+$0x8000] =	vst v0  }
0x215: {  	p0 =	seq.s32 s29, $0x0;
	s0 =	sadd.s32 s3, s0;
	[tilespmem:s9+$0x8800] =	vst v2  }
0x216: {  	[hbm4b:s0+s17] =	stream.strided.scatter [tilespmem:s4], [sflag:$0x4], $0x9800, s18, s17, $0x38;
	[tilespmem:$0x1C980] =	vst v63  }
0x217: {  	s0 =	sadd.s32 @!p0 s30, s10  }
0x218: {  	s0 =	sshll.u32 @!p0 s0, $0x9  }
0x219: {  	s0 =	sadd.s32 @!p0 s5, s0  }
0x21a: {  	s1 =	simm.s32 @!p0 $0x6;
	s0 =	sor.u32 @!p0 s31, s0  }
0x21b: {  	_ =	swait.ge @!p0 [sflag:s1], $0x9800;
	s0 =	sshrl.u32 @!p0 s0, $0x3  }
0x21c: {  	[sflag:s1] =	ssyncset.done @!p0 $0x0;
	s0 =	smov.u32 @p0 s11  }
0x21d: {  	s4 =	simm.s32 $0x0;
	[sflag:s1] =	ssyncadd.s32 @!p0 $0xFFFF6800;
	s0 =	sadd.s32 s2, s0  }
0x21e: {  	[tilespmem:s21], [sflag:$0x3] =	stream.strided.gather [hbm4b:s0+s17], $0x9800, s18, s17, $0x38;
	[tilespmem:$0x1C980] =	vst v63  }
0x21f: {  	s6 =	sand.u32 $0x400, s4;
	s8 =	sand.u32 $0x380, s4;
	_ =	swait.ge [sflag:s22], $0x9800  }
0x220: {  	s1 =	sor.u32 s8, s6;
	s0 =	sand.u32 $0x70, s4;
	[sflag:s22] =	ssyncset.done $0x0  }
0x221: {  	s0 =	sor.u32 s0, s1;
	[sflag:s22] =	ssyncadd.s32 $0xFFFF6800  }
0x222: {  	v0 =	vld [tilespmem:s0+$0x9800]  }
0x223: {  	v1 =	vld [tilespmem:s0+$0xA000]  }
0x224: {  	v2 =	vld [tilespmem:s0+$0xA800]  }
0x225: {  	v3 =	vld [tilespmem:s0+$0xB000]  }
0x226: {  	v4 =	vld [tilespmem:s0+$0xB800]  }
0x227: {  	v5 =	vld [tilespmem:s0+$0xC000]  }
0x228: {  	v7 =	vld [tilespmem:s0+$0xC800];
	v6 =	vmax.f32 v0, v1  }
0x229: {  	v8 =	vld [tilespmem:s0+$0xD000];
	v6 =	vmax.f32 v6, v2  }
0x22a: {  	v9 =	vld [tilespmem:s0+$0xD800];
	v6 =	vmax.f32 v6, v3  }
0x22b: {  	v10 =	vld [tilespmem:s0+$0xE000];
	v6 =	vmax.f32 v6, v4  }
0x22c: {  	v11 =	vld [tilespmem:s0+$0xE800];
	v6 =	vmax.f32 v6, v5  }
0x22d: {  	v12 =	vld [tilespmem:s0+$0xF000];
	v6 =	vmax.f32 v6, v7  }
0x22e: {  	v13 =	vld [tilespmem:s0+$0xF800];
	v6 =	vmax.f32 v6, v8  }
0x22f: {  	v14 =	vld [tilespmem:s0+$0x10000];
	v6 =	vmax.f32 v6, v9  }
0x230: {  	v16 =	vld [tilespmem:s0+$0x10800];
	v6 =	vmax.f32 v6, v10  }
0x231: {  	v17 =	vld [tilespmem:s0+$0x11000];
	v6 =	vmax.f32 v6, v11  }
0x232: {  	v18 =	vld [tilespmem:s0+$0x11800];
	v6 =	vmax.f32 v6, v12  }
0x233: {  	v19 =	vld [tilespmem:s0+$0x12000];
	v6 =	vmax.f32 v6, v13  }
0x234: {  	v20 =	vld [tilespmem:s0+$0x12800];
	v6 =	vmax.f32 v6, v14  }
0x235: {  	v6 =	vmax.f32 v6, v16  }
0x236: {  	v6 =	vmax.f32 v6, v17  }
0x237: {  	v6 =	vmax.f32 v6, v18  }
0x238: {  	v6 =	vmax.f32 v6, v19  }
0x239: {  	v21 =	vmax.f32 v6, v20  }
0x23a: {  	v6 =	vsub.f32 v12, v21  }
0x23b: {  	v11 =	vsub.f32 v11, v21  }
0x23c: {  	v10 =	vsub.f32 v10, v21;
	v6 =	vmul.f32 $1.442695020e+00, v6  }
0x23d: {  	v9 =	vsub.f32 v9, v21;
	v11 =	vmul.f32 $1.442695020e+00, v11  }
0x23e: {  	v8 =	vsub.f32 v8, v21;
	v10 =	vmul.f32 $1.442695020e+00, v10;
	(erf) = vpow2.f32 v6  }
0x23f: {  	v6 =	vsub.f32 v7, v21;
	v7 =	vmul.f32 $1.442695020e+00, v9;
	(erf) = vpow2.f32 v11  }
0x240: {  	v0 =	vsub.f32 v0, v21;
	v8 =	vmul.f32 $1.442695020e+00, v8;
	(erf) = vpow2.f32 v10  }
0x241: {  	v1 =	vsub.f32 v1, v21;
	v6 =	vmul.f32 $1.442695020e+00, v6;
	(erf) = vpow2.f32 v7  }
0x242: {  	v0 =	vmul.f32 $1.442695020e+00, v0;
	(erf) = vpow2.f32 v8  }
0x243: {  	v1 =	vmul.f32 $1.442695020e+00, v1;
	(erf) = vpow2.f32 v6  }
0x244: {  	v2 =	vsub.f32 v2, v21;
	(erf) = vpow2.f32 v0;
	v0 =	vsub.f32 v3, v21  }
0x245: {  	(erf) = vpow2.f32 v1  }
0x246: {  	v2 =	vmul.f32 $1.442695020e+00, v2;
	v0 =	vmul.f32 $1.442695020e+00, v0  }
0x247: {  	v1 =	vsub.f32 v4, v21;
	v3 =	vpop (erf)  }
0x248: {  	(erf) = vpow2.f32 v2;
	v4 =	vpop (erf)  }
0x249: {  	v8 =	vpop (erf)  }
0x24a: {  	v2 =	vsub.f32 v5, v21;
	v5 =	vmul.f32 $1.442695020e+00, v1;
	(erf) = vpow2.f32 v0;
	v0 =	vpop (erf)  }
0x24b: {  	v1 =	vpop (erf)  }
0x24c: {  	v2 =	vmul.f32 $1.442695020e+00, v2;
	(erf) = vpow2.f32 v5;
	v9 =	vpop (erf)  }
0x24d: {  	v15 =	vpop (erf)  }
0x24e: {  	(erf) = vpow2.f32 v2;
	v5 =	vpop (erf)  }
0x24f: {  	v6 =	vadd.f32 v5, v15;
	_ =	sdelay $0x1  }
0x250: {  	v2 =	vpop (erf)  }
0x251: {  	v7 =	vadd.f32 v6, v2  }
0x252: {  	v6 =	vpop (erf)  }
0x253: {  	v7 =	vadd.f32 v7, v6  }
0x254: {  	v12 =	vpop (erf)  }
0x255: {  	v7 =	vadd.f32 v7, v12  }
0x256: {  	s13 =	simm.s32 $0x80;
	s9 =	simm.s32 $0x8;
	v10 =	vpop (erf)  }
0x257: {  	s8 =	simm.s32 $0x10;
	s6 =	sand.u32 $0x400, s13;
	s1 =	sand.u32 $0x380, s9;
	v11 =	vsub.f32 v13, v21;
	v7 =	vadd.f32 v7, v10  }
0x258: {  	s8 =	sand.u32 $0x70, s8;
	s1 =	sor.u32 s1, s6  }
0x259: {  	s1 =	sor.u32 s8, s1;
	v13 =	vsub.f32 v14, v21;
	v11 =	vmul.f32 $1.442695020e+00, v11;
	v7 =	vadd.f32 v7, v9  }
0x25a: {  	v26 =	vld [tilespmem:s1+$0x9800];
	v14 =	vsub.f32 v16, v21  }
0x25b: {  	v27 =	vld [tilespmem:s1+$0xA000];
	v13 =	vmul.f32 $1.442695020e+00, v13;
	(erf) = vpow2.f32 v11;
	v7 =	vadd.f32 v7, v1  }
0x25c: {  	v28 =	vld [tilespmem:s1+$0xA800];
	v16 =	vsub.f32 v17, v21  }
0x25d: {  	v29 =	vld [tilespmem:s1+$0xB000];
	v14 =	vmul.f32 $1.442695020e+00, v14;
	(erf) = vpow2.f32 v13;
	v7 =	vadd.f32 v7, v0  }
0x25e: {  	v24 =	vld [tilespmem:s1+$0xB800];
	v17 =	vsub.f32 v18, v21  }
0x25f: {  	v13 =	vmul.f32 $1.442695020e+00, v16;
	v16 =	vld [tilespmem:s1+$0xC000];
	(erf) = vpow2.f32 v14;
	v7 =	vadd.f32 v7, v8  }
0x260: {  	v30 =	vld [tilespmem:s1+$0xC800];
	v17 =	vmul.f32 $1.442695020e+00, v17;
	v11 =	vmax.f32 v26, v27  }
0x261: {  	v31 =	vld [tilespmem:s1+$0xD000];
	v11 =	vmax.f32 v11, v28;
	(erf) = vpow2.f32 v13;
	v7 =	vadd.f32 v7, v4  }
0x262: {  	v62 =	vld [tilespmem:s1+$0xD800];
	v11 =	vmax.f32 v11, v29;
	v14 =	vsub.f32 v19, v21  }
0x263: {  	v11 =	vmax.f32 v11, v24;
	(erf) = vpow2.f32 v17;
	v17 =	vld [tilespmem:s1+$0xE000];
	v7 =	vadd.f32 v7, v3  }
0x264: {  	v63 =	vld [tilespmem:s1+$0xE800];
	v13 =	vmul.f32 $1.442695020e+00, v14;
	v14 =	vsub.f32 v20, v21;
	v19 =	vpop (erf);
	v11 =	vmax.f32 v11, v16  }
0x265: {  	v42 =	vld [tilespmem:s1+$0xF000];
	v11 =	vmax.f32 v11, v30;
	v7 =	vadd.f32 v7, v19  }
0x266: {  	v43 =	vld [tilespmem:s1+$0xF800];
	v14 =	vmul.f32 $1.442695020e+00, v14;
	(erf) = vpow2.f32 v13;
	v11 =	vmax.f32 v11, v31;
	v22 =	vpop (erf)  }
0x267: {  	v44 =	vld [tilespmem:s1+$0x10000];
	v11 =	vmax.f32 v11, v62;
	v7 =	vadd.f32 v7, v22  }
0x268: {  	v45 =	vld [tilespmem:s1+$0x10800];
	(erf) = vpow2.f32 v14;
	v11 =	vmax.f32 v11, v17;
	v25 =	vpop (erf)  }
0x269: {  	v46 =	vld [tilespmem:s1+$0x11000];
	v11 =	vmax.f32 v11, v63;
	v7 =	vadd.f32 v7, v25  }
0x26a: {  	v13 =	vld [tilespmem:s1+$0x11800];
	v23 =	vpop (erf);
	v14 =	vmax.f32 v11, v42  }
0x26b: {  	v11 =	vld [tilespmem:s1+$0x12000];
	v14 =	vmax.f32 v14, v43;
	v18 =	vadd.f32 v7, v23  }
0x26c: {  	v21 =	vpop (erf);
	v14 =	vmax.f32 v14, v44;
	v7 =	vld [tilespmem:s1+$0x12800]  }
0x26d: {  	v14 =	vmax.f32 v14, v45;
	v18 =	vadd.f32 v18, v21  }
0x26e: {  	v14 =	vmax.f32 v14, v46  }
0x26f: {  	v20 =	vpop (erf);
	v14 =	vmax.f32 v14, v13  }
0x270: {  	v14 =	vmax.f32 v14, v11;
	v47 =	vadd.f32 v18, v20  }
0x271: {  	v14 =	vmax.f32 v14, v7;
	v18 =	vpop (erf)  }
0x272: {  	v36 =	vsub.f32 v44, v14;
	v39 =	vadd.f32 v47, v18  }
0x273: {  	v34 =	vsub.f32 v42, v14;
	v35 =	vsub.f32 v43, v14  }
0x274: {  	v48 =	vsub.f32 v17, v14;
	v33 =	vsub.f32 v63, v14;
	(erf) = vrcp.f32 v39  }
0x275: {  	v31 =	vsub.f32 v31, v14;
	v32 =	vsub.f32 v62, v14  }
0x276: {  	v16 =	vsub.f32 v16, v14;
	v30 =	vsub.f32 v30, v14;
	v17 =	vmul.f32 $1.442695020e+00, v36  }
0x277: {  	v49 =	vsub.f32 v24, v14;
	v34 =	vmul.f32 $1.442695020e+00, v34;
	v24 =	vmul.f32 $1.442695020e+00, v35  }
0x278: {  	v29 =	vsub.f32 v29, v14;
	v50 =	vmul.f32 $1.442695020e+00, v48;
	v33 =	vmul.f32 $1.442695020e+00, v33  }
0x279: {  	v26 =	vsub.f32 v26, v14;
	v31 =	vmul.f32 $1.442695020e+00, v31;
	v32 =	vmul.f32 $1.442695020e+00, v32  }
0x27a: {  	v16 =	vmul.f32 $1.442695020e+00, v16;
	v30 =	vmul.f32 $1.442695020e+00, v30  }
0x27b: {  	v28 =	vsub.f32 v28, v14;
	v29 =	vmul.f32 $1.442695020e+00, v29;
	v51 =	vmul.f32 $1.442695020e+00, v49  }
0x27c: {  	v53 =	vmul.f32 $1.442695020e+00, v26;
	(erf) = vpow2.f32 v34  }
0x27d: {  	v27 =	vsub.f32 v27, v14;
	v28 =	vmul.f32 $1.442695020e+00, v28;
	v26 =	vpop (erf);
	(erf) = vpow2.f32 v33  }
0x27e: {  	v26 =	vmul.f32 $1.500000000e+01, v26;
	(erf) = vpow2.f32 v50  }
0x27f: {  	v27 =	vmul.f32 $1.442695020e+00, v27;
	(erf) = vpow2.f32 v32  }
0x280: {  	v15 =	vmul.f32 v26, v15;
	v54 =	vmul.f32 v26, v5  }
0x281: {  	v55 =	vmul.f32 v26, v2;
	v57 =	vmul.f32 v26, v6  }
0x282: {  	v59 =	vmul.f32 v26, v12;
	(erf) = vpow2.f32 v31  }
0x283: {  	v10 =	vmul.f32 v26, v10;
	v9 =	vmul.f32 v26, v9  }
0x284: {  	v1 =	vmul.f32 v26, v1;
	v52 =	vmul.f32 v26, v4  }
0x285: {  	v3 =	vmul.f32 v26, v3;
	v25 =	vmul.f32 v26, v25  }
0x286: {  	v23 =	vmul.f32 v26, v23;
	v21 =	vmul.f32 v26, v21  }
0x287: {  	v18 =	vmul.f32 v26, v18;
	(erf) = vpow2.f32 v30  }
0x288: {  	v2 =	vtrunc.f32 v15;
	v15 =	vtrunc.f32 v54  }
0x289: {  	v56 =	vcvt.f32.s32 v2;
	v15 =	vcvt.f32.s32 v15  }
0x28a: {  	s14 =	simm.s32 $0x10;
	s16 =	simm.s32 $0x100;
	v34 =	vtrunc.f32 v55;
	v35 =	vtrunc.f32 v57  }
0x28b: {  	s26 =	simm.s32 $0x20;
	s6 =	sand.u32 $0x380, s14;
	s8 =	sand.u32 $0x400, s16;
	v10 =	vtrunc.f32 v10;
	(erf) = vpow2.f32 v53;
	v15 =	vadd.s32 $0x10, v15  }
0x28c: {  	s9 =	sand.u32 $0x70, s26;
	s6 =	sor.u32 s6, s8;
	v9 =	vtrunc.f32 v9;
	v1 =	vtrunc.f32 v1  }
0x28d: {  	s6 =	sor.u32 s9, s6;
	v3 =	vtrunc.f32 v3;
	v58 =	vcvt.f32.s32 v34  }
0x28e: {  	v5 =	vld [tilespmem:s6+$0x9800];
	v23 =	vtrunc.f32 v23;
	v34 =	vtrunc.f32 v59  }
0x28f: {  	v31 =	vcvt.f32.s32 v35;
	v61 =	vcvt.f32.s32 v34;
	v30 =	vadd.s32 $0x20, v58;
	v34 =	vld.idx.msk [tilespmem:v56+s15+$0x0], $0xffff  }
0x290: {  	v21 =	vtrunc.f32 v21;
	(erf) = vpow2.f32 v27;
	v36 =	vld.idx.msk [tilespmem:v15+s15+$0x0], $0xffff  }
0x291: {  	v2 =	vld [tilespmem:s6+$0xA000];
	v31 =	vadd.s32 $0x30, v31;
	v15 =	vcvt.f32.s32 v9;
	v9 =	vmul.f32 v26, v0  }
0x292: {  	v38 =	vsub.f32 v45, v14;
	v6 =	vld [tilespmem:s6+$0xA800];
	v18 =	vtrunc.f32 v18;
	v62 =	vcvt.f32.s32 v10;
	v10 =	vpop (erf)  }
0x293: {  	v32 =	vsub.f32 v46, v14;
	v3 =	vcvt.f32.s32 v3;
	(erf) = vpow2.f32 v28;
	v0 =	vpop (erf)  }
0x294: {  	v27 =	vadd.s32 $0x40, v61;
	v37 =	vld.idx.msk [tilespmem:v30+s15+$0x0], $0xffff;
	v30 =	vcvt.f32.s32 v1;
	v1 =	vpop (erf);
	(erf) = vpow2.f32 v29  }
0x295: {  	v63 =	vtrunc.f32 v9;
	v47 =	vadd.s32 $0x60, v15;
	v9 =	vpop (erf);
	v15 =	vadd.f32 v36, v34  }
0x296: {  	v23 =	vcvt.f32.s32 v23;
	v60 =	vmax.f32 v5, v2;
	v46 =	vld.idx.msk [tilespmem:v31+s15+$0x0], $0xffff;
	v31 =	vmul.f32 v26, v8;
	v8 =	vpop (erf)  }
0x297: {  	v28 =	vadd.s32 $0x50, v62;
	v35 =	vmax.f32 v60, v6;
	v4 =	vpop (erf);
	(erf) = vpow2.f32 v51  }
0x298: {  	v60 =	vmul.f32 v26, v19;
	v30 =	vadd.s32 $0x70, v30;
	v29 =	vcvt.f32.s32 v63  }
0x299: {  	v40 =	vld [tilespmem:s6+$0xC000];
	v31 =	vtrunc.f32 v31;
	v53 =	vadd.f32 v37, v15;
	v15 =	vpop (erf);
	(erf) = vpow2.f32 v16  }
0x29a: {  	v48 =	vld.idx.msk [tilespmem:v27+s15+$0x0], $0xffff;
	v31 =	vcvt.f32.s32 v31;
	v54 =	vadd.s32 $0x80, v29;
	v29 =	vtrunc.f32 v52;
	v16 =	vpop (erf)  }
0x29b: {  	v12 =	vld [tilespmem:s6+$0xB000];
	v21 =	vcvt.f32.s32 v21;
	v61 =	vcvt.f32.s32 v29;
	v62 =	vadd.f32 v16, v15  }
0x29c: {  	v18 =	vcvt.f32.s32 v18;
	v49 =	vld.idx.msk [tilespmem:v28+s15+$0x0], $0xffff;
	v27 =	vadd.s32 $0x90, v31;
	v31 =	vtrunc.f32 v60;
	v19 =	vpop (erf)  }
0x29d: {  	v58 =	vld [tilespmem:s6+$0xD800];
	v28 =	vadd.s32 $0xA0, v61;
	v55 =	vadd.f32 v46, v53;
	v43 =	vadd.f32 v62, v19  }
0x29e: {  	v3 =	vadd.s32 $0xB0, v3;
	v63 =	vmul.f32 v26, v22;
	v31 =	vcvt.f32.s32 v31;
	v59 =	vld.idx.msk [tilespmem:v47+s15+$0x0], $0xffff;
	v22 =	vpop (erf)  }
0x29f: {  	v21 =	vadd.s32 $0x100, v21;
	v50 =	vld.idx.msk [tilespmem:v30+s15+$0x0], $0xffff;
	v33 =	vadd.f32 v48, v55;
	v45 =	vadd.f32 v43, v22  }
0x2a0: {  	v18 =	vadd.s32 $0x120, v18;
	v30 =	vadd.s32 $0xC0, v31;
	v31 =	vtrunc.f32 v25;
	v53 =	vld.idx.msk [tilespmem:v54+s15+$0x0], $0xffff;
	v25 =	vpop (erf)  }
0x2a1: {  	v41 =	vtrunc.f32 v63;
	v52 =	vld.idx.msk [tilespmem:v27+s15+$0x0], $0xffff;
	v33 =	vadd.f32 v49, v33;
	v27 =	vadd.f32 v45, v25  }
0x2a2: {  	v23 =	vadd.s32 $0xF0, v23;
	v41 =	vcvt.f32.s32 v41;
	v54 =	vld.idx.msk [tilespmem:v28+s15+$0x0], $0xffff;
	v28 =	vpop (erf)  }
0x2a3: {  	v56 =	vld.idx.msk [tilespmem:v3+s15+$0x0], $0xffff;
	v31 =	vcvt.f32.s32 v31;
	v3 =	vadd.f32 v27, v28;
	v27 =	vadd.f32 v59, v33  }
0x2a4: {  	v20 =	vmul.f32 v26, v20;
	v57 =	vld.idx.msk [tilespmem:v21+s15+$0x0], $0xffff;
	v47 =	vadd.s32 $0xD0, v41  }
0x2a5: {  	v44 =	vld.idx.msk [tilespmem:v18+s15+$0x0], $0xffff;
	v31 =	vadd.s32 $0xE0, v31;
	v26 =	vadd.f32 v50, v27  }
0x2a6: {  	v20 =	vtrunc.f32 v20;
	v29 =	vld [tilespmem:s6+$0xB800];
	v3 =	vadd.f32 v3, v4  }
0x2a7: {  	v20 =	vcvt.f32.s32 v20;
	(erf) = vpow2.f32 v24;
	v55 =	vld.idx.msk [tilespmem:v23+s15+$0x0], $0xffff;
	v24 =	vadd.f32 v53, v26  }
0x2a8: {  	v13 =	vsub.f32 v13, v14;
	v60 =	vld.idx.msk [tilespmem:v30+s15+$0x0], $0xffff;
	v3 =	vadd.f32 v3, v8  }
0x2a9: {  	v20 =	vadd.s32 $0x110, v20;
	(erf) = vpow2.f32 v17;
	v62 =	vld.idx.msk [tilespmem:v47+s15+$0x0], $0xffff;
	v17 =	vadd.f32 v52, v24  }
0x2aa: {  	v11 =	vsub.f32 v11, v14;
	v51 =	vld.idx.msk [tilespmem:v31+s15+$0x0], $0xffff;
	v26 =	vmul.f32 $1.442695020e+00, v38;
	v3 =	vadd.f32 v3, v9  }
0x2ab: {  	v7 =	vsub.f32 v7, v14;
	v13 =	vmul.f32 $1.442695020e+00, v13;
	v31 =	vld [tilespmem:s6+$0xC800];
	v17 =	vadd.f32 v54, v17  }
0x2ac: {  	v23 =	vmul.f32 $1.442695020e+00, v32;
	v24 =	vld [tilespmem:s6+$0xD000];
	(erf) = vpow2.f32 v26;
	v3 =	vadd.f32 v3, v1  }
0x2ad: {  	v11 =	vmul.f32 $1.442695020e+00, v11;
	v35 =	vmax.f32 v35, v12;
	v63 =	vld [tilespmem:s6+$0xE000];
	v17 =	vadd.f32 v56, v17  }
0x2ae: {  	v61 =	vld.idx.msk [tilespmem:v20+s15+$0x0], $0xffff;
	v21 =	vmax.f32 v35, v29;
	(erf) = vpow2.f32 v23;
	v3 =	vadd.f32 v3, v0  }
0x2af: {  	v20 =	vmax.f32 v21, v40;
	(erf) = vpow2.f32 v13;
	v13 =	vadd.f32 v60, v17;
	v17 =	vld [tilespmem:s6+$0xE800]  }
0x2b0: {  	v7 =	vmul.f32 $1.442695020e+00, v7;
	v18 =	vld [tilespmem:s6+$0xF000];
	v14 =	vmax.f32 v20, v31;
	v3 =	vadd.f32 v3, v10  }
0x2b1: {  	v30 =	vpop (erf);
	(erf) = vpow2.f32 v11;
	v11 =	vadd.f32 v62, v13;
	v13 =	vmax.f32 v14, v24;
	v14 =	vld [tilespmem:s6+$0xF800]  }
0x2b2: {  	v20 =	vld [tilespmem:s6+$0x10000];
	v3 =	vadd.f32 v3, v30;
	[tilespmem:$0x1FED0] =	vst v51;
	v13 =	vmax.f32 v13, v58  }
0x2b3: {  	v27 =	vpop (erf);
	(erf) = vpow2.f32 v7;
	v38 =	vld [tilespmem:s6+$0x10800];
	v7 =	vadd.f32 v51, v11;
	v11 =	vmax.f32 v13, v63  }
0x2b4: {  	v41 =	vld [tilespmem:s6+$0x11000];
	[tilespmem:$0x1FEE0] =	vst v55;
	v3 =	vadd.f32 v3, v27;
	v11 =	vmax.f32 v11, v17  }
0x2b5: {  	v21 =	vld [tilespmem:s6+$0x11800];
	v13 =	vpop (erf);
	v11 =	vmax.f32 v11, v18  }
0x2b6: {  	v26 =	vadd.f32 v55, v7;
	v3 =	vadd.f32 v3, v13;
	v11 =	vmax.f32 v11, v14  }
0x2b7: {  	v23 =	vld [tilespmem:s6+$0x12000];
	[tilespmem:$0x1FEF0] =	vst v57;
	v7 =	vpop (erf);
	v55 =	vmax.f32 v11, v20  }
0x2b8: {  	v26 =	vadd.f32 v57, v26;
	v51 =	vadd.f32 v3, v7;
	v3 =	vld [tilespmem:s6+$0x12800];
	v39 =	vmax.f32 v55, v38  }
0x2b9: {  	v11 =	vpop (erf);
	v39 =	vmax.f32 v39, v41  }
0x2ba: {  	v26 =	vadd.f32 v61, v26;
	v57 =	vadd.f32 v51, v11;
	v39 =	vmax.f32 v39, v21  }
0x2bb: {  	v33 =	vpop (erf)  }
0x2bc: {  	v43 =	vadd.f32 v44, v26;
	v26 =	vmax.f32 v39, v23;
	v42 =	vadd.f32 v57, v33  }
0x2bd: {  	v39 =	vpop (erf);
	v26 =	vmax.f32 v26, v3  }
0x2be: {  	v42 =	vadd.f32 v42, v39;
	v20 =	vsub.f32 v20, v26  }
0x2bf: {  	v18 =	vsub.f32 v18, v26;
	v14 =	vsub.f32 v14, v26  }
0x2c0: {  	v35 =	vsub.f32 v63, v26;
	v17 =	vsub.f32 v17, v26  }
0x2c1: {  	(erf) = vrcp.f32 v43;
	v24 =	vsub.f32 v24, v26;
	v32 =	vsub.f32 v58, v26  }
0x2c2: {  	v40 =	vsub.f32 v40, v26;
	(erf) = vrcp.f32 v42;
	v43 =	vmul.f32 $1.442695020e+00, v20  }
0x2c3: {  	v31 =	vsub.f32 v31, v26;
	v18 =	vmul.f32 $1.442695020e+00, v18;
	v45 =	vmul.f32 $1.442695020e+00, v14  }
0x2c4: {  	v12 =	vsub.f32 v12, v26;
	v14 =	vmul.f32 $1.442695020e+00, v35;
	v17 =	vmul.f32 $1.442695020e+00, v17  }
0x2c5: {  	v20 =	vsub.f32 v29, v26;
	v24 =	vmul.f32 $1.442695020e+00, v24;
	v29 =	vmul.f32 $1.442695020e+00, v32  }
0x2c6: {  	v58 =	vsub.f32 v5, v26;
	v35 =	vmul.f32 $1.442695020e+00, v40;
	v31 =	vmul.f32 $1.442695020e+00, v31  }
0x2c7: {  	v6 =	vsub.f32 v6, v26;
	v40 =	vmul.f32 $1.442695020e+00, v12;
	(erf) = vpow2.f32 v18  }
0x2c8: {  	v2 =	vsub.f32 v2, v26;
	v12 =	vmul.f32 $1.442695020e+00, v58;
	(erf) = vpow2.f32 v17  }
0x2c9: {  	v6 =	vmul.f32 $1.442695020e+00, v6;
	(erf) = vpow2.f32 v14  }
0x2ca: {  	v2 =	vmul.f32 $1.442695020e+00, v2;
	(erf) = vpow2.f32 v29;
	v5 =	vpop (erf)  }
0x2cb: {  	[tilespmem:$0x1FF00] =	vst v61;
	v57 =	vsub.f32 v41, v26;
	v61 =	vmul.f32 $1.442695020e+00, v20;
	(erf) = vpow2.f32 v24;
	v20 =	vpop (erf)  }
0x2cc: {  	(erf) = vpow2.f32 v31;
	v63 =	vmul.f32 $1.500000000e+01, v20  }
0x2cd: {  	v55 =	vmul.f32 $1.442695020e+00, v57;
	(erf) = vpow2.f32 v12  }
0x2ce: {  	(erf) = vpow2.f32 v2;
	v15 =	vmul.f32 v63, v15  }
0x2cf: {  	v16 =	vmul.f32 v63, v16;
	v14 =	vmul.f32 v63, v19  }
0x2d0: {  	v17 =	vmul.f32 v63, v22;
	v18 =	vmul.f32 v63, v25  }
0x2d1: {  	v15 =	vtrunc.f32 v15;
	v16 =	vtrunc.f32 v16  }
0x2d2: {  	v15 =	vcvt.f32.s32 v15;
	v16 =	vcvt.f32.s32 v16  }
0x2d3: {  	v19 =	vmul.f32 v63, v28;
	v14 =	vtrunc.f32 v14  }
0x2d4: {  	v4 =	vmul.f32 v63, v4;
	v14 =	vcvt.f32.s32 v14;
	v16 =	vadd.s32 $0x10, v16  }
0x2d5: {  	v8 =	vmul.f32 v63, v8;
	v17 =	vtrunc.f32 v17  }
0x2d6: {  	v9 =	vmul.f32 v63, v9;
	v17 =	vcvt.f32.s32 v17;
	v14 =	vadd.s32 $0x20, v14  }
0x2d7: {  	v18 =	vtrunc.f32 v18;
	v19 =	vtrunc.f32 v19  }
0x2d8: {  	v18 =	vcvt.f32.s32 v18;
	v12 =	vcvt.f32.s32 v19;
	v20 =	vld.idx.msk [tilespmem:v15+s15+$0x0], $0xffff;
	v15 =	vadd.s32 $0x30, v17  }
0x2d9: {  	v3 =	vsub.f32 v3, v26;
	v1 =	vmul.f32 v63, v1;
	v0 =	vmul.f32 v63, v0;
	v19 =	vld.idx.msk [tilespmem:v16+s15+$0x0], $0xffff  }
0x2da: {  	v7 =	vmul.f32 v63, v7;
	v4 =	vtrunc.f32 v4;
	v16 =	vadd.s32 $0x40, v18  }
0x2db: {  	v58 =	vsub.f32 v38, v26;
	v47 =	vmul.f32 v63, v39;
	v2 =	vcvt.f32.s32 v4;
	v18 =	vld.idx.msk [tilespmem:v14+s15+$0x0], $0xffff  }
0x2dc: {  	v8 =	vtrunc.f32 v8;
	v4 =	vadd.s32 $0x50, v12;
	v12 =	vpop (erf);
	(erf) = vpow2.f32 v6  }
0x2dd: {  	v1 =	vtrunc.f32 v1;
	v2 =	vadd.s32 $0x60, v2;
	v6 =	vcvt.f32.s32 v8;
	v14 =	vpop (erf);
	v22 =	vld.idx.msk [tilespmem:v15+s15+$0x0], $0xffff;
	[tilespmem:$0x1FF10] =	vst v20  }
0x2de: {  	v8 =	vtrunc.f32 v9;
	v17 =	vpop (erf);
	(erf) = vpow2.f32 v40;
	[tilespmem:$0x1FF20] =	vst v19;
	v9 =	vadd.f32 v19, v20  }
0x2df: {  	v0 =	vtrunc.f32 v0;
	v8 =	vcvt.f32.s32 v8;
	v6 =	vadd.s32 $0x70, v6;
	v20 =	vpop (erf);
	v15 =	vld.idx.msk [tilespmem:v16+s15+$0x0], $0xffff  }
0x2e0: {  	v1 =	vcvt.f32.s32 v1;
	v24 =	vpop (erf);
	[tilespmem:$0x1FF30] =	vst v18;
	(erf) = vpow2.f32 v61;
	v9 =	vadd.f32 v18, v9  }
0x2e1: {  	s14 =	simm.s32 $0x18;
	s8 =	simm.s32 $0x180;
	v0 =	vcvt.f32.s32 v0;
	v29 =	vpop (erf);
	v18 =	vld.idx.msk [tilespmem:v4+s15+$0x0], $0xffff;
	v4 =	vadd.s32 $0x80, v8;
	v8 =	vmul.f32 v63, v10  }
0x2e2: {  	s28 =	simm.s32 $0x30;
	s16 =	sand.u32 $0x380, s14;
	s13 =	sand.u32 $0x400, s8;
	v1 =	vadd.s32 $0x90, v1;
	v32 =	vpop (erf);
	(erf) = vpow2.f32 v35;
	[tilespmem:$0x1FF40] =	vst v22;
	v9 =	vadd.f32 v22, v9  }
0x2e3: {  	s9 =	sand.u32 $0x70, s28;
	s13 =	sor.u32 s16, s13;
	v0 =	vadd.s32 $0xA0, v0;
	v35 =	vpop (erf);
	v19 =	vld.idx.msk [tilespmem:v2+s15+$0x0], $0xffff;
	v2 =	vtrunc.f32 v8;
	v8 =	vmul.f32 v63, v30  }
0x2e4: {  	s9 =	sor.u32 s9, s13;
	v10 =	vadd.f32 v35, v32;
	v22 =	vld.idx.msk [tilespmem:v6+s15+$0x0], $0xffff;
	v9 =	vadd.f32 v15, v9;
	v2 =	vcvt.f32.s32 v2  }
0x2e5: {  	v57 =	vsub.f32 v21, v26;
	v38 =	vpop (erf);
	v31 =	vld [tilespmem:s9+$0x9800];
	v6 =	vtrunc.f32 v8;
	v8 =	vmul.f32 v63, v27  }
0x2e6: {  	v7 =	vtrunc.f32 v7;
	v30 =	vld [tilespmem:s9+$0xA000];
	v10 =	vadd.f32 v10, v38;
	v9 =	vadd.f32 v18, v9  }
0x2e7: {  	v40 =	vpop (erf);
	v25 =	vld.idx.msk [tilespmem:v4+s15+$0x0], $0xffff;
	v6 =	vcvt.f32.s32 v6;
	v2 =	vadd.s32 $0xB0, v2;
	v4 =	vtrunc.f32 v8  }
0x2e8: {  	v28 =	vld.idx.msk [tilespmem:v0+s15+$0x0], $0xffff;
	v8 =	vmul.f32 v63, v13;
	v10 =	vadd.f32 v10, v40;
	v9 =	vadd.f32 v19, v9  }
0x2e9: {  	(erf) = vpow2.f32 v45;
	v27 =	vld.idx.msk [tilespmem:v1+s15+$0x0], $0xffff;
	v4 =	vcvt.f32.s32 v4;
	v1 =	vadd.s32 $0xC0, v6;
	v41 =	vpop (erf)  }
0x2ea: {  	v39 =	vld [tilespmem:s9+$0xB000];
	v6 =	vtrunc.f32 v8;
	v8 =	vadd.f32 v22, v9;
	v9 =	vadd.f32 v10, v41  }
0x2eb: {  	(erf) = vpow2.f32 v43;
	v43 =	vld [tilespmem:s9+$0xB800];
	v6 =	vcvt.f32.s32 v6;
	v0 =	vadd.s32 $0xD0, v4;
	v42 =	vpop (erf)  }
0x2ec: {  	v4 =	vmul.f32 v63, v11;
	v61 =	vld.idx.msk [tilespmem:v2+s15+$0x0], $0xffff;
	v8 =	vadd.f32 v25, v8;
	v2 =	vadd.f32 v9, v42  }
0x2ed: {  	v7 =	vcvt.f32.s32 v7;
	v51 =	vld [tilespmem:s9+$0xF000];
	v13 =	vmul.f32 v63, v33;
	v6 =	vadd.s32 $0xE0, v6  }
0x2ee: {  	v4 =	vtrunc.f32 v4;
	v11 =	vld.idx.msk [tilespmem:v1+s15+$0x0], $0xffff;
	v8 =	vadd.f32 v27, v8;
	v1 =	vadd.f32 v2, v29  }
0x2ef: {  	v33 =	vld [tilespmem:s9+$0xA800];
	v2 =	vcvt.f32.s32 v4;
	v4 =	vadd.s32 $0xF0, v7;
	v7 =	vtrunc.f32 v13  }
0x2f0: {  	v13 =	vld.idx.msk [tilespmem:v0+s15+$0x0], $0xffff;
	v0 =	vcvt.f32.s32 v7;
	v7 =	vmul.f32 $1.442695020e+00, v58;
	v8 =	vadd.f32 v28, v8  }
0x2f1: {  	v63 =	vld [tilespmem:s9+$0xC000];
	v9 =	vadd.s32 $0x100, v2;
	v1 =	vadd.f32 v1, v24;
	v2 =	vtrunc.f32 v47  }
0x2f2: {  	v16 =	vld.idx.msk [tilespmem:v6+s15+$0x0], $0xffff;
	(erf) = vpow2.f32 v7;
	v6 =	vadd.f32 v61, v8;
	v8 =	vadd.s32 $0x110, v0  }
0x2f3: {  	v2 =	vcvt.f32.s32 v2;
	v7 =	vsub.f32 v23, v26;
	v0 =	vld [tilespmem:s9+$0xC800];
	v1 =	vadd.f32 v1, v20  }
0x2f4: {  	(erf) = vpow2.f32 v55;
	v21 =	vld.idx.msk [tilespmem:v4+s15+$0x0], $0xffff;
	v4 =	vmul.f32 $1.442695020e+00, v57;
	v6 =	vadd.f32 v11, v6  }
0x2f5: {  	v58 =	vadd.s32 $0x120, v2;
	v2 =	vld [tilespmem:s9+$0xD000];
	v7 =	vmul.f32 $1.442695020e+00, v7;
	v1 =	vadd.f32 v1, v17  }
0x2f6: {  	v23 =	vld.idx.msk [tilespmem:v9+s15+$0x0], $0xffff;
	(erf) = vpow2.f32 v4;
	v4 =	vmax.f32 v31, v30;
	v6 =	vadd.f32 v13, v6  }
0x2f7: {  	v4 =	vmax.f32 v4, v33;
	v1 =	vadd.f32 v1, v14;
	v26 =	vld.idx.msk [tilespmem:v8+s15+$0x0], $0xffff;
	v8 =	vmul.f32 $1.442695020e+00, v3  }
0x2f8: {  	(erf) = vpow2.f32 v7;
	v3 =	vld [tilespmem:s9+$0xD800];
	v4 =	vmax.f32 v4, v39;
	v6 =	vadd.f32 v16, v6  }
0x2f9: {  	v7 =	vld [tilespmem:s9+$0xE000];
	v4 =	vmax.f32 v4, v43;
	v1 =	vadd.f32 v1, v12;
	(erf) = vpow2.f32 v8  }
0x2fa: {  	v9 =	vld [tilespmem:s9+$0xE800];
	v8 =	vmul.f32 v5, v44;
	v4 =	vmax.f32 v4, v63;
	v6 =	vadd.f32 v21, v6  }
0x2fb: {  	v34 =	vmul.f32 v5, v34;
	v47 =	vld.idx.msk [tilespmem:v58+s15+$0x0], $0xffff;
	v44 =	vpop (erf);
	v4 =	vmax.f32 v4, v0  }
0x2fc: {  	v1 =	vadd.f32 v1, v44;
	[tilespmem:s0+$0x12800] =	vst v8;
	v4 =	vmax.f32 v4, v2;
	v8 =	vld [tilespmem:s9+$0xF800];
	v6 =	vadd.f32 v23, v6  }
0x2fd: {  	v36 =	vmul.f32 v5, v36;
	v59 =	vmul.f32 v5, v59;
	v45 =	vpop (erf);
	v4 =	vmax.f32 v4, v3  }
0x2fe: {  	[tilespmem:s0+$0x9800] =	vst v34;
	v55 =	vld [tilespmem:s9+$0x10000];
	v1 =	vadd.f32 v1, v45;
	v4 =	vmax.f32 v4, v7;
	v6 =	vadd.f32 v26, v6  }
0x2ff: {  	v34 =	vmul.f32 v5, v37;
	[tilespmem:s0+$0xA000] =	vst v36;
	v36 =	vmul.f32 v5, v46;
	v58 =	vld [tilespmem:s9+$0x10800];
	v46 =	vpop (erf);
	v4 =	vmax.f32 v4, v9  }
0x300: {  	[tilespmem:s0+$0xC800] =	vst v59;
	v57 =	vld [tilespmem:s9+$0x11000];
	v1 =	vadd.f32 v1, v46;
	v4 =	vmax.f32 v4, v51;
	v6 =	vadd.f32 v47, v6  }
0x301: {  	v37 =	vmul.f32 v5, v48;
	[tilespmem:s0+$0xA800] =	vst v34;
	v34 =	vld [tilespmem:s9+$0x11800];
	v48 =	vpop (erf);
	v4 =	vmax.f32 v4, v8  }
0x302: {  	[tilespmem:s0+$0xB000] =	vst v36;
	v1 =	vadd.f32 v1, v48;
	(erf) = vrcp.f32 v6;
	v6 =	vmul.f32 v5, v49  }
0x303: {  	v54 =	vmul.f32 v5, v54;
	[tilespmem:s0+$0xB800] =	vst v37;
	v37 =	vmul.f32 v5, v53;
	v4 =	vmax.f32 v4, v55;
	v49 =	vpop (erf)  }
0x304: {  	v4 =	vmax.f32 v4, v58;
	v53 =	vadd.f32 v1, v49;
	[tilespmem:s0+$0xC000] =	vst v6;
	v6 =	vmul.f32 v5, v50  }
0x305: {  	v59 =	vmul.f32 v5, v52;
	v52 =	vmul.f32 v5, v56;
	v36 =	vld [tilespmem:s9+$0x12000];
	[tilespmem:s0+$0xD800] =	vst v37;
	v1 =	vmax.f32 v4, v57;
	v50 =	vpop (erf)  }
0x306: {  	s16 =	simm.s32 $0x40;
	s13 =	smul.u32 $0x3, s29;
	v37 =	vld [tilespmem:s9+$0x12800];
	v1 =	vmax.f32 v1, v34;
	[tilespmem:s0+$0xD000] =	vst v6;
	v6 =	vadd.f32 v53, v50;
	v53 =	vmul.f32 v5, v60  }
.LBB2_5:
0x307: {  	v10 =	vld [tilespmem:$0x1FED0];
	_ =	sdelay $0x4  }
0x308: {  	v60 =	vmul.f32 v5, v10;
	v10 =	vld [tilespmem:$0x1FEF0];
	_ =	sdelay $0x2  }
0x309: {  	v4 =	vmax.f32 v1, v36;
	v1 =	vpop (erf)  }
0x30a: {  	v56 =	vmul.f32 v5, v62;
	[tilespmem:s0+$0xE800] =	vst v54;
	v62 =	vmax.f32 v4, v37;
	v4 =	vadd.f32 v6, v1;
	v6 =	vld [tilespmem:$0x1FEE0]  }
0x30b: {  	[tilespmem:s0+$0xE000] =	vst v59;
	v54 =	vsub.f32 v55, v62;
	v55 =	vmul.f32 v5, v10;
	v10 =	vld [tilespmem:$0x1FF00]  }
0x30c: {  	[tilespmem:s0+$0xF000] =	vst v52;
	v51 =	vsub.f32 v51, v62;
	v8 =	vsub.f32 v8, v62;
	(erf) = vrcp.f32 v4  }
0x30d: {  	[tilespmem:s0+$0xF800] =	vst v53;
	v59 =	vmov v15;
	v2 =	vsub.f32 v2, v62;
	v3 =	vsub.f32 v3, v62  }
0x30e: {  	v53 =	vmovc v19;
	[tilespmem:s0+$0x10000] =	vst v56;
	v4 =	vsub.f32 v7, v62;
	v7 =	vsub.f32 v9, v62;
	v19 =	vmul.f32 $1.442695020e+00, v51  }
0x30f: {  	v9 =	vmovc v18;
	[tilespmem:s0+$0x10800] =	vst v60;
	v18 =	vsub.f32 v0, v62;
	v0 =	vmul.f32 $1.442695020e+00, v8;
	v6 =	vmul.f32 v5, v6  }
0x310: {  	v15 =	vsub.f32 v63, v62;
	[tilespmem:$0x1FE20] =	vst v9;
	v3 =	vmul.f32 $1.442695020e+00, v3;
	v10 =	vmul.f32 v5, v10;
	v5 =	vpop (erf)  }
0x311: {  	v52 =	vmovc v25;
	v4 =	vmul.f32 $1.442695020e+00, v4;
	[tilespmem:s0+$0x11000] =	vst v6;
	v6 =	vsub.f32 v43, v62;
	v9 =	vmul.f32 v5, v47  }
0x312: {  	v25 =	vsub.f32 v31, v62;
	[tilespmem:s0+$0x11800] =	vst v55;
	v47 =	vmul.f32 $1.442695020e+00, v54;
	v54 =	vmovc v22;
	v22 =	vmul.f32 $1.442695020e+00, v2;
	v2 =	vmovc v11  }
0x313: {  	v7 =	vmul.f32 $1.442695020e+00, v7;
	v11 =	vmul.f32 $1.442695020e+00, v15;
	[tilespmem:s0+$0x12000] =	vst v10  }
0x314: {  	s14 =	sadd.s32 $0x8, s14;
	s8 =	sadd.s32 $0x80, s8;
	v39 =	vsub.f32 v39, v62;
	v15 =	vmul.f32 $1.442695020e+00, v18;
	v18 =	vmul.f32 $1.442695020e+00, v25;
	[tilespmem:$0x1FE40] =	vst v2;
	v10 =	vmovc v13;
	v13 =	vmovc v16  }
0x315: {  	s26 =	sand.u32 $0x400, s8;
	s28 =	sand.u32 $0x380, s14;
	[tilespmem:s1+$0x12800] =	vst v9;
	v16 =	vmul.f32 $1.442695020e+00, v6;
	v6 =	vmov v26;
	v2 =	vpop (erf);
	(erf) = vpow2.f32 v19  }
0x316: {  	s4 =	sand.u32 $0x70, s16;
	s26 =	sor.u32 s28, s26;
	s0 =	smov.u32 s1;
	[tilespmem:$0x1FF00] =	vst v6;
	v6 =	vsub.f32 v30, v62;
	v2 =	vmul.f32 $1.500000000e+01, v2;
	(erf) = vpow2.f32 v7  }
0x317: {  	s1 =	smov.u32 s6;
	s6 =	smov.u32 s9;
	s9 =	sor.u32 s4, s26;
	[tilespmem:$0x1FED0] =	vst v13;
	v13 =	vmul.f32 $1.442695020e+00, v39;
	(erf) = vpow2.f32 v4  }
0x318: {  	v21 =	vmov v21;
	v31 =	vld [tilespmem:s9+$0x9800];
	v19 =	vmul.f32 $1.442695020e+00, v6;
	v6 =	vmul.f32 v2, v32  }
0x319: {  	[tilespmem:$0x1FEE0] =	vst v21;
	v9 =	vmov v28;
	v30 =	vld [tilespmem:s9+$0xA000];
	v7 =	vmul.f32 v2, v35;
	v4 =	vmul.f32 v2, v38  }
0x31a: {  	[tilespmem:$0x1FE30] =	vst v9;
	v9 =	vsub.f32 v33, v62;
	v33 =	vld [tilespmem:s9+$0xA800];
	v21 =	vmul.f32 v2, v40;
	(erf) = vpow2.f32 v3  }
0x31b: {  	v6 =	vtrunc.f32 v6;
	v7 =	vtrunc.f32 v7  }
0x31c: {  	v6 =	vcvt.f32.s32 v6;
	v7 =	vcvt.f32.s32 v7  }
0x31d: {  	v8 =	vmov v23;
	v26 =	vmul.f32 v2, v42;
	v4 =	vtrunc.f32 v4  }
0x31e: {  	[tilespmem:$0x1FEF0] =	vst v8;
	v8 =	vmax.f32 v31, v30;
	v4 =	vcvt.f32.s32 v4;
	v3 =	vadd.s32 $0x10, v7  }
0x31f: {  	v7 =	vmax.f32 v8, v33;
	v8 =	vtrunc.f32 v21;
	v21 =	vmul.f32 v2, v41  }
0x320: {  	v56 =	vmovc v27;
	(erf) = vpow2.f32 v22;
	v4 =	vadd.s32 $0x20, v4;
	v27 =	vcvt.f32.s32 v8  }
0x321: {  	v24 =	vmul.f32 v2, v24;
	v22 =	vpop (erf);
	v21 =	vtrunc.f32 v21  }
0x322: {  	v25 =	vpop (erf);
	(erf) = vpow2.f32 v15;
	v15 =	vadd.s32 $0x30, v27;
	v21 =	vcvt.f32.s32 v21;
	v8 =	vld.idx.msk [tilespmem:v6+s15+$0x0], $0xffff  }
0x323: {  	v6 =	vld.idx.msk [tilespmem:v3+s15+$0x0], $0xffff;
	v3 =	vtrunc.f32 v26;
	v26 =	vmul.f32 v2, v29  }
0x324: {  	v23 =	vpop (erf);
	(erf) = vpow2.f32 v18;
	v18 =	vadd.s32 $0x40, v21;
	v21 =	vcvt.f32.s32 v3  }
0x325: {  	(erf) = vpow2.f32 v19;
	v3 =	vsub.f32 v57, v62;
	v57 =	vld.idx.msk [tilespmem:v4+s15+$0x0], $0xffff;
	v4 =	vtrunc.f32 v26  }
0x326: {  	v9 =	vmul.f32 $1.442695020e+00, v9;
	v19 =	vadd.s32 $0x50, v21;
	v21 =	vcvt.f32.s32 v4  }
0x327: {  	v27 =	vmul.f32 v2, v20;
	v4 =	vld.idx.msk [tilespmem:v15+s15+$0x0], $0xffff;
	v15 =	vtrunc.f32 v24  }
0x328: {  	v20 =	vpop (erf);
	(erf) = vpow2.f32 v9;
	v9 =	vadd.s32 $0x60, v21;
	v21 =	vcvt.f32.s32 v15  }
0x329: {  	v24 =	vpop (erf);
	v15 =	vld.idx.msk [tilespmem:v18+s15+$0x0], $0xffff;
	v18 =	vtrunc.f32 v27;
	v27 =	vmul.f32 v2, v17;
	v28 =	vadd.f32 v6, v8  }
0x32a: {  	(erf) = vpow2.f32 v13;
	v17 =	vmovc v23;
	v13 =	vadd.s32 $0x70, v21;
	v21 =	vcvt.f32.s32 v18  }
0x32b: {  	v23 =	vmul.f32 v2, v14;
	v14 =	vmovc v25;
	v18 =	vld.idx.msk [tilespmem:v19+s15+$0x0], $0xffff;
	v19 =	vtrunc.f32 v27;
	v27 =	vadd.f32 v57, v28  }
0x32c: {  	v29 =	vpop (erf);
	(erf) = vpow2.f32 v16;
	v16 =	vadd.s32 $0x80, v21;
	v21 =	vcvt.f32.s32 v19  }
0x32d: {  	v32 =	vpop (erf);
	v19 =	vld.idx.msk [tilespmem:v9+s15+$0x0], $0xffff;
	v9 =	vtrunc.f32 v23;
	v23 =	vmul.f32 v2, v12;
	v25 =	vadd.f32 v4, v27  }
0x32e: {  	(erf) = vpow2.f32 v11;
	v35 =	vpop (erf);
	v11 =	vadd.s32 $0x90, v21;
	v9 =	vcvt.f32.s32 v9  }
0x32f: {  	v12 =	vmovc v22;
	v21 =	vmul.f32 v2, v44;
	v22 =	vld.idx.msk [tilespmem:v13+s15+$0x0], $0xffff;
	v13 =	vtrunc.f32 v23;
	v23 =	vadd.f32 v15, v25  }
0x330: {  	v27 =	vadd.f32 v35, v32;
	v9 =	vadd.s32 $0xA0, v9;
	v13 =	vcvt.f32.s32 v13  }
0x331: {  	v38 =	vpop (erf);
	v25 =	vld.idx.msk [tilespmem:v16+s15+$0x0], $0xffff;
	v16 =	vtrunc.f32 v21;
	v21 =	vmul.f32 v2, v45;
	v23 =	vadd.f32 v18, v23  }
0x332: {  	v28 =	vadd.f32 v27, v38;
	v13 =	vadd.s32 $0xB0, v13;
	v16 =	vcvt.f32.s32 v16  }
0x333: {  	v40 =	vpop (erf);
	v27 =	vld.idx.msk [tilespmem:v11+s15+$0x0], $0xffff;
	v11 =	vtrunc.f32 v21;
	v21 =	vmul.f32 v2, v46;
	v23 =	vadd.f32 v19, v23  }
0x334: {  	v55 =	vadd.f32 v28, v40;
	v16 =	vadd.s32 $0xC0, v16;
	v11 =	vcvt.f32.s32 v11  }
0x335: {  	v28 =	vld.idx.msk [tilespmem:v9+s15+$0x0], $0xffff;
	v9 =	vtrunc.f32 v21;
	v21 =	vmul.f32 v2, v48;
	v23 =	vadd.f32 v22, v23  }
0x336: {  	v60 =	vmov v61;
	v1 =	vmul.f32 v2, v1;
	v48 =	vadd.s32 $0xD0, v11  }
0x337: {  	v41 =	vpop (erf);
	v9 =	vcvt.f32.s32 v9;
	v11 =	vtrunc.f32 v21;
	v21 =	vadd.f32 v25, v23  }
0x338: {  	v26 =	vsub.f32 v58, v62;
	v58 =	vadd.f32 v55, v41;
	v61 =	vld.idx.msk [tilespmem:v13+s15+$0x0], $0xffff;
	v13 =	vmul.f32 v2, v49  }
0x339: {  	v43 =	vld [tilespmem:s9+$0xB800];
	v42 =	vpop (erf);
	v9 =	vadd.s32 $0xE0, v9;
	v49 =	vcvt.f32.s32 v11;
	v21 =	vadd.f32 v27, v21  }
0x33a: {  	v23 =	vadd.f32 v58, v42;
	v11 =	vld.idx.msk [tilespmem:v16+s15+$0x0], $0xffff;
	v13 =	vtrunc.f32 v13;
	v16 =	vmul.f32 v2, v50  }
0x33b: {  	v39 =	vld [tilespmem:s9+$0xB000];
	v44 =	vadd.s32 $0xF0, v49;
	v50 =	vcvt.f32.s32 v13;
	v2 =	vadd.f32 v28, v21  }
0x33c: {  	v1 =	vtrunc.f32 v1;
	v23 =	vadd.f32 v23, v29;
	v13 =	vld.idx.msk [tilespmem:v48+s15+$0x0], $0xffff;
	v16 =	vtrunc.f32 v16  }
0x33d: {  	v63 =	vld [tilespmem:s9+$0xC000];
	v51 =	vadd.s32 $0x100, v50;
	v21 =	vcvt.f32.s32 v16;
	v2 =	vadd.f32 v61, v2  }
0x33e: {  	v1 =	vcvt.f32.s32 v1;
	(erf) = vpow2.f32 v0;
	v23 =	vadd.f32 v23, v24;
	v16 =	vld.idx.msk [tilespmem:v9+s15+$0x0], $0xffff  }
0x33f: {  	v0 =	vld [tilespmem:s9+$0xC800];
	v9 =	vmul.f32 $1.442695020e+00, v26;
	v26 =	vadd.s32 $0x110, v21;
	v55 =	vadd.f32 v11, v2  }
0x340: {  	v1 =	vadd.s32 $0x120, v1;
	(erf) = vpow2.f32 v47;
	v23 =	vadd.f32 v23, v20;
	v21 =	vld.idx.msk [tilespmem:v44+s15+$0x0], $0xffff  }
0x341: {  	v7 =	vmax.f32 v7, v39;
	v2 =	vld [tilespmem:s9+$0xD000];
	(erf) = vpow2.f32 v9;
	v9 =	vadd.f32 v13, v55  }
0x342: {  	v34 =	vsub.f32 v34, v62;
	v7 =	vmax.f32 v7, v43;
	v48 =	vadd.f32 v23, v17;
	v23 =	vld.idx.msk [tilespmem:v51+s15+$0x0], $0xffff  }
0x343: {  	v58 =	vmul.f32 $1.442695020e+00, v3;
	v3 =	vld [tilespmem:s9+$0xD800];
	v50 =	vsub.f32 v36, v62;
	v9 =	vadd.f32 v16, v9  }
0x344: {  	v37 =	vsub.f32 v37, v62;
	v34 =	vmul.f32 $1.442695020e+00, v34;
	v49 =	vmax.f32 v7, v63;
	v26 =	vld.idx.msk [tilespmem:v26+s15+$0x0], $0xffff  }
0x345: {  	v47 =	vld.idx.msk [tilespmem:v1+s15+$0x0], $0xffff;
	v36 =	vmul.f32 $1.442695020e+00, v50;
	v51 =	vadd.f32 v48, v14;
	v1 =	vadd.f32 v21, v9  }
0x346: {  	v50 =	vmul.f32 $1.442695020e+00, v37;
	v37 =	vld [tilespmem:$0x1FF30];
	(erf) = vpow2.f32 v58;
	v55 =	vmax.f32 v49, v0  }
0x347: {  	v58 =	vadd.f32 v51, v12;
	v51 =	vld [tilespmem:$0x1FF10];
	v62 =	vmax.f32 v55, v2;
	v1 =	vadd.f32 v23, v1  }
0x348: {  	v44 =	vpop (erf);
	(erf) = vpow2.f32 v34;
	v34 =	vmax.f32 v62, v3;
	v62 =	vld [tilespmem:$0x1FF20]  }
0x349: {  	v53 =	vmul.f32 v5, v53;
	v7 =	vld [tilespmem:s9+$0xE000];
	(erf) = vpow2.f32 v36;
	v1 =	vadd.f32 v26, v1  }
0x34a: {  	v45 =	vpop (erf);
	(erf) = vpow2.f32 v50;
	v50 =	vmov v6;
	v6 =	vmov v57;
	v57 =	vld [tilespmem:$0x1FF40]  }
0x34b: {  	v49 =	vmul.f32 v5, v37;
	v37 =	vmul.f32 v5, v59;
	v59 =	vld [tilespmem:$0x1FE20];
	[tilespmem:s0+$0xC800] =	vst v53  }
0x34c: {  	v55 =	vmov v8;
	v8 =	vld [tilespmem:s9+$0xF800];
	[tilespmem:$0x1FF30] =	vst v6;
	v58 =	vadd.f32 v58, v44;
	v46 =	vmul.f32 v5, v51  }
0x34d: {  	v9 =	vld [tilespmem:s9+$0xE800];
	v36 =	vmul.f32 v5, v62;
	v62 =	vadd.f32 v47, v1;
	v1 =	vmovc v4;
	v4 =	vmul.f32 v5, v54  }
0x34e: {  	[tilespmem:$0x1FF10] =	vst v55;
	v51 =	vld [tilespmem:s9+$0xF000]  }
0x34f: {  	v48 =	vadd.f32 v58, v45;
	[tilespmem:s0+$0xD000] =	vst v4;
	v4 =	vld [tilespmem:$0x1FE30]  }
0x350: {  	v55 =	vld [tilespmem:s9+$0x10000];
	[tilespmem:$0x1FF20] =	vst v50  }
0x351: {  	v6 =	vmax.f32 v34, v7;
	v34 =	vld [tilespmem:s9+$0x11800];
	[tilespmem:s0+$0x9800] =	vst v46;
	v46 =	vpop (erf)  }
0x352: {  	[tilespmem:s0+$0xA800] =	vst v49;
	v58 =	vld [tilespmem:s9+$0x10800];
	v50 =	vadd.f32 v48, v46  }
0x353: {  	v59 =	vmul.f32 v5, v59;
	v6 =	vmax.f32 v6, v9;
	[tilespmem:s0+$0xA000] =	vst v36;
	v36 =	vmul.f32 v5, v57;
	v57 =	vld [tilespmem:s9+$0x11000];
	v48 =	vpop (erf)  }
0x354: {  	p0 =	sne.s32 s16, $0x7F0;
	[tilespmem:s0+$0xB800] =	vst v37;
	v6 =	vmax.f32 v6, v51;
	v50 =	vadd.f32 v50, v48;
	v54 =	vmul.f32 v5, v4;
	v4 =	vld [tilespmem:$0x1FE40]  }
.Ltmp1:
0x355: {  	[tilespmem:s0+$0xC000] =	vst v59;
	(erf) = vrcp.f32 v62;
	v62 =	vmul.f32 v5, v52;
	v6 =	vmax.f32 v6, v8;
	(pc) =	sbr.rel @p0 .LBB2_5-.Ltmp1, $4  }
0x356: {  	[tilespmem:$0x1FF40] =	vst v1;
	v49 =	vpop (erf);
	v1 =	vmax.f32 v6, v55  }
0x357: {  	[tilespmem:s0+$0xB000] =	vst v36;
	v1 =	vmax.f32 v1, v58;
	v6 =	vadd.f32 v50, v49  }
0x358: {  	v37 =	vld [tilespmem:s9+$0x12800];
	v59 =	vmul.f32 v5, v56;
	v52 =	vmul.f32 v5, v60;
	[tilespmem:s0+$0xD800] =	vst v62;
	v1 =	vmax.f32 v1, v57;
	v50 =	vpop (erf)  }
0x359: {  	s16 =	sadd.s32 $0x10, s16;
	v36 =	vld [tilespmem:s9+$0x12000];
	v62 =	vmovc v10;
	v1 =	vmax.f32 v1, v34;
	v6 =	vadd.f32 v6, v50;
	v53 =	vmul.f32 v5, v4  }
0x35a: {  	_ =	sdelay $0x3  }
0x35b: {  	v10 =	vpop (erf);
	v1 =	vmax.f32 v1, v36  }
0x35c: {  	v4 =	vmax.f32 v1, v37;
	v1 =	vadd.f32 v6, v10;
	_ =	sdelay $0x1  }
0x35d: {  	v6 =	vsub.f32 v51, v4;
	(erf) = vrcp.f32 v1  }
0x35e: {  	v3 =	vsub.f32 v3, v4;
	v1 =	vsub.f32 v9, v4  }
0x35f: {  	v7 =	vsub.f32 v7, v4;
	v6 =	vmul.f32 $1.442695020e+00, v6  }
0x360: {  	v0 =	vsub.f32 v0, v4;
	v3 =	vmul.f32 $1.442695020e+00, v3;
	v1 =	vmul.f32 $1.442695020e+00, v1  }
0x361: {  	v2 =	vsub.f32 v2, v4;
	(erf) = vpow2.f32 v6;
	v6 =	vmul.f32 $1.442695020e+00, v7  }
0x362: {  	v0 =	vmul.f32 $1.442695020e+00, v0;
	(erf) = vpow2.f32 v1  }
0x363: {  	v2 =	vmul.f32 $1.442695020e+00, v2;
	(erf) = vpow2.f32 v6  }
0x364: {  	(erf) = vpow2.f32 v3  }
0x365: {  	v51 =	vpop (erf);
	(erf) = vpow2.f32 v2  }
0x366: {  	(erf) = vpow2.f32 v0;
	v0 =	vpop (erf)  }
0x367: {  	v0 =	vmul.f32 $1.500000000e+01, v0;
	_ =	sdelay $0x1  }
0x368: {  	v7 =	vsub.f32 v31, v4;
	v31 =	vmul.f32 v0, v32;
	_ =	sdelay $0x1  }
0x369: {  	v31 =	vtrunc.f32 v31  }
0x36a: {  	v31 =	vcvt.f32.s32 v31  }
0x36b: {  	v6 =	vsub.f32 v63, v4;
	v63 =	vmul.f32 v0, v35;
	_ =	sdelay $0x1  }
0x36c: {  	v32 =	vtrunc.f32 v63  }
0x36d: {  	v7 =	vmul.f32 $1.442695020e+00, v7;
	v32 =	vcvt.f32.s32 v32  }
0x36e: {  	v30 =	vsub.f32 v30, v4;
	v3 =	vsub.f32 v8, v4  }
0x36f: {  	(erf) = vpow2.f32 v7;
	v7 =	vadd.s32 $0x10, v32;
	v32 =	vmul.f32 v0, v20;
	v20 =	vld.idx.msk [tilespmem:v31+s15+$0x0], $0xffff  }
0x370: {  	v2 =	vsub.f32 v43, v4;
	v9 =	vmul.f32 $1.442695020e+00, v6;
	v6 =	vsub.f32 v33, v4  }
0x371: {  	v8 =	vmul.f32 $1.442695020e+00, v3;
	v3 =	vsub.f32 v39, v4;
	v39 =	vmul.f32 v0, v38  }
0x372: {  	v30 =	vmul.f32 $1.442695020e+00, v30;
	v2 =	vmul.f32 $1.442695020e+00, v2  }
0x373: {  	v6 =	vmul.f32 $1.442695020e+00, v6;
	v33 =	vtrunc.f32 v39  }
0x374: {  	v3 =	vmul.f32 $1.442695020e+00, v3;
	v33 =	vcvt.f32.s32 v33;
	[tilespmem:$0x1FD20] =	vst v20  }
0x375: {  	v1 =	vsub.f32 v55, v4;
	v55 =	vmul.f32 v0, v42;
	v31 =	vmul.f32 v0, v17;
	v17 =	vld.idx.msk [tilespmem:v7+s15+$0x0], $0xffff  }
0x376: {  	(erf) = vpow2.f32 v30;
	v40 =	vmul.f32 v0, v40;
	v30 =	vadd.s32 $0x20, v33  }
0x377: {  	(erf) = vpow2.f32 v6;
	v39 =	vtrunc.f32 v55  }
0x378: {  	v24 =	vmul.f32 v0, v24;
	v35 =	vtrunc.f32 v40  }
0x379: {  	v60 =	vpop (erf);
	(erf) = vpow2.f32 v3;
	v35 =	vcvt.f32.s32 v35  }
0x37a: {  	v56 =	vcvt.f32.s32 v39;
	v39 =	vpop (erf);
	(erf) = vpow2.f32 v2;
	[tilespmem:$0x1FD30] =	vst v17  }
0x37b: {  	v24 =	vtrunc.f32 v24;
	v6 =	vpop (erf);
	(erf) = vpow2.f32 v9;
	v9 =	vld.idx.msk [tilespmem:v30+s15+$0x0], $0xffff  }
0x37c: {  	v43 =	vmul.f32 v0, v41;
	v33 =	vcvt.f32.s32 v24;
	v24 =	vadd.s32 $0x30, v35;
	_ =	sdelay $0x1  }
0x37d: {  	v38 =	vtrunc.f32 v43  }
0x37e: {  	v38 =	vcvt.f32.s32 v38  }
0x37f: {  	[tilespmem:$0x1FD40] =	vst v9  }
0x380: {  	v2 =	vadd.s32 $0x40, v38;
	v38 =	vmul.f32 v0, v12;
	v12 =	vld.idx.msk [tilespmem:v24+s15+$0x0], $0xffff;
	_ =	sdelay $0x4  }
0x381: {  	[tilespmem:$0x1FD50] =	vst v12  }
0x382: {  	v29 =	vmul.f32 v0, v29;
	v63 =	vmul.f32 v0, v14;
	v14 =	vld.idx.msk [tilespmem:v2+s15+$0x0], $0xffff  }
0x383: {  	v41 =	vmul.f32 v0, v44;
	v42 =	vmul.f32 v0, v45;
	v30 =	vadd.s32 $0x50, v56  }
0x384: {  	v44 =	vmul.f32 v0, v46;
	v45 =	vmul.f32 v0, v48  }
0x385: {  	v48 =	vmul.f32 v0, v49;
	v49 =	vmul.f32 v0, v50  }
0x386: {  	v10 =	vmul.f32 v0, v10;
	v29 =	vtrunc.f32 v29;
	v0 =	vadd.f32 v17, v20  }
0x387: {  	v29 =	vcvt.f32.s32 v29;
	[tilespmem:$0x1FD60] =	vst v14  }
0x388: {  	v0 =	vadd.f32 v9, v0;
	v9 =	vld.idx.msk [tilespmem:v30+s15+$0x0], $0xffff  }
0x389: {  	v56 =	vadd.s32 $0x60, v29;
	_ =	sdelay $0x3  }
0x38a: {  	[tilespmem:$0x1FD70] =	vst v9  }
0x38b: {  	v0 =	vadd.f32 v12, v0;
	v12 =	vld.idx.msk [tilespmem:v56+s15+$0x0], $0xffff  }
0x38c: {  	v55 =	vsub.f32 v58, v4;
	v58 =	vadd.s32 $0x70, v33;
	v7 =	vpop (erf)  }
0x38d: {  	v1 =	vmul.f32 $1.442695020e+00, v1;
	v40 =	vpop (erf)  }
0x38e: {  	v3 =	vpop (erf);
	(erf) = vpow2.f32 v8;
	v2 =	vtrunc.f32 v32  }
0x38f: {  	v8 =	vpop (erf);
	(erf) = vpow2.f32 v1;
	v1 =	vcvt.f32.s32 v2  }
0x390: {  	v50 =	vpop (erf);
	v30 =	vtrunc.f32 v31;
	v31 =	vmul.f32 $1.442695020e+00, v55;
	[tilespmem:$0x1FD80] =	vst v12  }
0x391: {  	v2 =	vadd.f32 v50, v8;
	v0 =	vadd.f32 v14, v0;
	v14 =	vld.idx.msk [tilespmem:v58+s15+$0x0], $0xffff  }
0x392: {  	v43 =	vpop (erf);
	v1 =	vadd.s32 $0x80, v1;
	(erf) = vpow2.f32 v31;
	v31 =	vcvt.f32.s32 v30  }
0x393: {  	v63 =	vtrunc.f32 v63;
	v2 =	vadd.f32 v2, v43  }
0x394: {  	v42 =	vtrunc.f32 v42;
	v33 =	vcvt.f32.s32 v63;
	v46 =	vpop (erf);
	v55 =	vadd.s32 $0x90, v31  }
0x395: {  	v35 =	vsub.f32 v57, v4;
	v2 =	vadd.f32 v2, v46;
	v58 =	vtrunc.f32 v38  }
0x396: {  	v33 =	vadd.s32 $0xA0, v33;
	v63 =	vadd.f32 v9, v0;
	v56 =	vpop (erf);
	v32 =	vcvt.f32.s32 v58;
	[tilespmem:$0x1FD90] =	vst v14  }
0x397: {  	v35 =	vmul.f32 $1.442695020e+00, v35;
	v2 =	vadd.f32 v2, v56;
	v31 =	vld.idx.msk [tilespmem:v1+s15+$0x0], $0xffff;
	v1 =	vtrunc.f32 v41  }
0x398: {  	v57 =	vpop (erf);
	v38 =	vadd.f32 v12, v63;
	v58 =	vadd.s32 $0xB0, v32;
	v41 =	vcvt.f32.s32 v1  }
0x399: {  	v36 =	vsub.f32 v36, v4;
	v42 =	vcvt.f32.s32 v42;
	v2 =	vadd.f32 v2, v57;
	v30 =	vld.idx.msk [tilespmem:v55+s15+$0x0], $0xffff  }
0x39a: {  	(erf) = vpow2.f32 v35;
	v38 =	vadd.f32 v14, v38;
	v35 =	vadd.s32 $0xC0, v41  }
0x39b: {  	v42 =	vadd.s32 $0xD0, v42;
	v2 =	vadd.f32 v2, v3;
	v63 =	vtrunc.f32 v44;
	v32 =	vld.idx.msk [tilespmem:v33+s15+$0x0], $0xffff  }
0x39c: {  	v44 =	vsub.f32 v34, v4;
	v41 =	vcvt.f32.s32 v63;
	v38 =	vadd.f32 v31, v38  }
0x39d: {  	v4 =	vsub.f32 v37, v4;
	v2 =	vadd.f32 v2, v40;
	v55 =	vtrunc.f32 v45;
	v33 =	vld.idx.msk [tilespmem:v58+s15+$0x0], $0xffff  }
0x39e: {  	v58 =	vcvt.f32.s32 v55;
	v37 =	vadd.s32 $0xE0, v41;
	v38 =	vadd.f32 v30, v38  }
0x39f: {  	v49 =	vtrunc.f32 v49;
	v2 =	vadd.f32 v2, v7;
	v63 =	vtrunc.f32 v48;
	v34 =	vld.idx.msk [tilespmem:v35+s15+$0x0], $0xffff  }
0x3a0: {  	v48 =	vcvt.f32.s32 v63;
	v41 =	vadd.s32 $0xF0, v58;
	v38 =	vadd.f32 v32, v38  }
0x3a1: {  	v10 =	vtrunc.f32 v10;
	v44 =	vmul.f32 $1.442695020e+00, v44;
	v2 =	vadd.f32 v2, v6;
	v35 =	vld.idx.msk [tilespmem:v42+s15+$0x0], $0xffff  }
0x3a2: {  	v45 =	vadd.s32 $0x100, v48;
	v42 =	vcvt.f32.s32 v49;
	v38 =	vadd.f32 v33, v38  }
0x3a3: {  	v36 =	vmul.f32 $1.442695020e+00, v36;
	v10 =	vcvt.f32.s32 v10;
	v55 =	vadd.f32 v2, v39;
	v29 =	vld.idx.msk [tilespmem:v37+s15+$0x0], $0xffff  }
0x3a4: {  	(erf) = vpow2.f32 v44;
	v42 =	vadd.s32 $0x110, v42;
	v38 =	vadd.f32 v34, v38  }
0x3a5: {  	(erf) = vpow2.f32 v36;
	v58 =	vadd.f32 v55, v60;
	v36 =	vld.idx.msk [tilespmem:v41+s15+$0x0], $0xffff  }
0x3a6: {  	v10 =	vadd.s32 $0x120, v10;
	v44 =	vpop (erf);
	v38 =	vadd.f32 v35, v38  }
0x3a7: {  	v4 =	vmul.f32 $1.442695020e+00, v4;
	v63 =	vadd.f32 v58, v44;
	v37 =	vld.idx.msk [tilespmem:v45+s15+$0x0], $0xffff  }
0x3a8: {  	v0 =	vld [tilespmem:$0x1FED0];
	v48 =	vpop (erf);
	v55 =	vadd.f32 v29, v38  }
0x3a9: {  	(erf) = vpow2.f32 v4;
	v4 =	vadd.f32 v63, v48;
	v38 =	vld.idx.msk [tilespmem:v42+s15+$0x0], $0xffff  }
0x3aa: {  	v45 =	vpop (erf);
	v58 =	vadd.f32 v36, v55  }
0x3ab: {  	v41 =	vld.idx.msk [tilespmem:v10+s15+$0x0], $0xffff;
	v4 =	vadd.f32 v4, v45  }
0x3ac: {  	v49 =	vpop (erf);
	v10 =	vadd.f32 v37, v58  }
0x3ad: {  	v4 =	vadd.f32 v4, v49  }
0x3ae: {  	v20 =	vmov v60;
	v60 =	vmul.f32 v5, v0;
	v0 =	vld [tilespmem:$0x1FEE0];
	v55 =	vpop (erf);
	v10 =	vadd.f32 v38, v10  }
0x3af: {  	v4 =	vadd.f32 v4, v55  }
0x3b0: {  	v58 =	vpop (erf);
	v10 =	vadd.f32 v41, v10  }
0x3b1: {  	v4 =	vadd.f32 v4, v58  }
0x3b2: {  	v42 =	vpop (erf);
	(erf) = vrcp.f32 v10  }
0x3b3: {  	v4 =	vadd.f32 v4, v42;
	v10 =	vmul.f32 v5, v62;
	v62 =	vmul.f32 v5, v0;
	v0 =	vld [tilespmem:$0x1FEF0];
	_ =	sdelay $0x1  }
0x3b4: {  	(erf) = vrcp.f32 v4;
	_ =	sdelay $0x2  }
0x3b5: {  	v63 =	vmul.f32 v5, v0;
	v0 =	vld [tilespmem:$0x1FF00];
	_ =	sdelay $0x4  }
0x3b6: {  	v4 =	vpop (erf);
	v1 =	vmul.f32 v5, v0;
	v0 =	vld [tilespmem:$0x1FF10]  }
0x3b7: {  	v5 =	vpop (erf)  }
0x3b8: {  	v47 =	vmul.f32 v51, v47;
	v5 =	vmul.f32 $1.500000000e+01, v5  }
0x3b9: {  	v27 =	vmul.f32 v51, v27;
	v28 =	vmul.f32 v51, v28  }
0x3ba: {  	v17 =	vmul.f32 v51, v15;
	v8 =	vmul.f32 v5, v8  }
0x3bb: {  	v15 =	vmul.f32 v5, v50;
	v2 =	vmul.f32 v51, v0;
	v0 =	vld [tilespmem:$0x1FF20]  }
0x3bc: {  	v50 =	vmul.f32 v51, v18;
	v18 =	vmul.f32 v5, v43  }
0x3bd: {  	v43 =	vmul.f32 v5, v46;
	v46 =	vmul.f32 v51, v19  }
0x3be: {  	v8 =	vtrunc.f32 v8;
	v15 =	vtrunc.f32 v15  }
0x3bf: {  	v18 =	vtrunc.f32 v18;
	v15 =	vcvt.f32.s32 v15  }
0x3c0: {  	v19 =	vtrunc.f32 v43;
	v9 =	vmul.f32 v51, v0;
	v0 =	vld [tilespmem:$0x1FF30]  }
0x3c1: {  	v8 =	vcvt.f32.s32 v8;
	v18 =	vcvt.f32.s32 v18;
	v15 =	vadd.s32 $0x10, v15  }
0x3c2: {  	v43 =	vmul.f32 v5, v56;
	v19 =	vcvt.f32.s32 v19  }
0x3c3: {  	v11 =	vmul.f32 v51, v11;
	v56 =	vmul.f32 v51, v22;
	v18 =	vadd.s32 $0x20, v18  }
0x3c4: {  	v22 =	vtrunc.f32 v43;
	v43 =	vmul.f32 v5, v57;
	v19 =	vadd.s32 $0x30, v19  }
0x3c5: {  	v40 =	vmul.f32 v5, v40;
	v12 =	vmul.f32 v51, v0;
	v0 =	vld [tilespmem:$0x1FF40];
	[tilespmem:s0+$0xE000] =	vst v59  }
0x3c6: {  	v24 =	vld.idx.msk [tilespmem:v15+s15+$0x0], $0xffff;
	v15 =	vtrunc.f32 v43;
	v43 =	vmul.f32 v5, v3;
	[tilespmem:s0+$0xE800] =	vst v54  }
0x3c7: {  	v57 =	vmul.f32 v51, v25;
	v25 =	vld.idx.msk [tilespmem:v8+s15+$0x0], $0xffff;
	v15 =	vcvt.f32.s32 v15;
	[tilespmem:s0+$0xF000] =	vst v52  }
0x3c8: {  	v22 =	vcvt.f32.s32 v22;
	v8 =	vld.idx.msk [tilespmem:v18+s15+$0x0], $0xffff;
	v18 =	vtrunc.f32 v43;
	[tilespmem:s0+$0xF800] =	vst v53  }
0x3c9: {  	[tilespmem:s0+$0x10000] =	vst v10;
	v43 =	vadd.s32 $0x50, v15;
	v15 =	vld.idx.msk [tilespmem:v19+s15+$0x0], $0xffff;
	v19 =	vtrunc.f32 v40;
	v40 =	vmul.f32 v5, v7  }
0x3ca: {  	v13 =	vmul.f32 v51, v13;
	v22 =	vadd.s32 $0x40, v22;
	[tilespmem:s0+$0x10800] =	vst v60;
	v18 =	vcvt.f32.s32 v18  }
0x3cb: {  	[tilespmem:s0+$0x11000] =	vst v62;
	v19 =	vcvt.f32.s32 v19;
	v3 =	vtrunc.f32 v40  }
0x3cc: {  	v16 =	vmul.f32 v51, v16;
	[tilespmem:s1+$0x12800] =	vst v47;
	v18 =	vadd.s32 $0x60, v18;
	v3 =	vcvt.f32.s32 v3  }
0x3cd: {  	v39 =	vmul.f32 v5, v39;
	v52 =	vmul.f32 v5, v20;
	[tilespmem:s0+$0x11800] =	vst v63;
	v19 =	vadd.s32 $0x70, v19  }
0x3ce: {  	[tilespmem:s0+$0x12000] =	vst v1;
	v14 =	vmul.f32 v51, v0;
	v0 =	vadd.f32 v24, v25;
	v59 =	vadd.s32 $0x80, v3  }
0x3cf: {  	v54 =	vmul.f32 v5, v44;
	[tilespmem:s1+$0x9800] =	vst v2;
	v7 =	vld.idx.msk [tilespmem:v22+s15+$0x0], $0xffff;
	v22 =	vmul.f32 v5, v6  }
0x3d0: {  	v60 =	vmul.f32 v5, v45;
	[tilespmem:s1+$0xA000] =	vst v9;
	v10 =	vtrunc.f32 v52;
	v6 =	vld.idx.msk [tilespmem:v43+s15+$0x0], $0xffff;
	v0 =	vadd.f32 v8, v0  }
0x3d1: {  	[tilespmem:s1+$0xB800] =	vst v17;
	v22 =	vtrunc.f32 v22;
	v3 =	vld.idx.msk [tilespmem:v18+s15+$0x0], $0xffff;
	v18 =	vtrunc.f32 v39  }
0x3d2: {  	[tilespmem:s1+$0xC000] =	vst v50;
	v22 =	vcvt.f32.s32 v22;
	v0 =	vadd.f32 v15, v0;
	v53 =	vcvt.f32.s32 v18;
	v18 =	vld.idx.msk [tilespmem:v19+s15+$0x0], $0xffff  }
0x3d3: {  	[tilespmem:s1+$0xC800] =	vst v46;
	v19 =	vld.idx.msk [tilespmem:v59+s15+$0x0], $0xffff;
	v59 =	vmul.f32 v5, v48;
	v48 =	vmul.f32 v5, v55  }
0x3d4: {  	[tilespmem:s1+$0xD000] =	vst v56;
	v10 =	vcvt.f32.s32 v10;
	v22 =	vadd.s32 $0x90, v22;
	v0 =	vadd.f32 v7, v0  }
0x3d5: {  	[tilespmem:s1+$0xD800] =	vst v57;
	v39 =	vtrunc.f32 v54;
	v17 =	vtrunc.f32 v48  }
0x3d6: {  	[tilespmem:s1+$0xE000] =	vst v27;
	v43 =	vadd.s32 $0xA0, v53;
	v0 =	vadd.f32 v6, v0;
	v17 =	vcvt.f32.s32 v17  }
0x3d7: {  	v45 =	vmul.f32 v5, v49;
	[tilespmem:s1+$0xE800] =	vst v28;
	v10 =	vadd.s32 $0xB0, v10;
	v39 =	vcvt.f32.s32 v39  }
0x3d8: {  	[tilespmem:s1+$0xF800] =	vst v11;
	v40 =	vtrunc.f32 v59;
	v0 =	vadd.f32 v3, v0;
	v17 =	vadd.s32 $0x100, v17  }
0x3d9: {  	v49 =	vmul.f32 v5, v58;
	[tilespmem:s1+$0x10000] =	vst v13;
	v22 =	vld.idx.msk [tilespmem:v22+s15+$0x0], $0xffff;
	v62 =	vcvt.f32.s32 v40  }
0x3da: {  	v50 =	vmul.f32 v51, v61;
	[tilespmem:s1+$0x10800] =	vst v16;
	v1 =	vadd.s32 $0xC0, v39;
	v0 =	vadd.f32 v18, v0  }
0x3db: {  	v13 =	vmul.f32 v4, v41;
	v63 =	vtrunc.f32 v60;
	[tilespmem:s1+$0xA800] =	vst v12;
	v2 =	vld.idx.msk [tilespmem:v43+s15+$0x0], $0xffff;
	v9 =	vadd.s32 $0xD0, v62  }
0x3dc: {  	v12 =	vtrunc.f32 v45;
	[tilespmem:s1+$0xF000] =	vst v50;
	v47 =	vcvt.f32.s32 v63;
	v10 =	vld.idx.msk [tilespmem:v10+s15+$0x0], $0xffff;
	v0 =	vadd.f32 v19, v0  }
0x3dd: {  	[tilespmem:s6+$0x12800] =	vst v13;
	v12 =	vcvt.f32.s32 v12;
	v11 =	vld.idx.msk [tilespmem:v17+s15+$0x0], $0xffff;
	v17 =	vmul.f32 v51, v21  }
0x3de: {  	[tilespmem:s1+$0xB000] =	vst v14;
	v14 =	vadd.s32 $0xE0, v47;
	v0 =	vadd.f32 v22, v0;
	v21 =	vmul.f32 v51, v23  }
0x3df: {  	v1 =	vld.idx.msk [tilespmem:v1+s15+$0x0], $0xffff;
	[tilespmem:s1+$0x11000] =	vst v17;
	v17 =	vmul.f32 v51, v26  }
0x3e0: {  	v12 =	vadd.s32 $0xF0, v12;
	v39 =	vtrunc.f32 v49;
	v9 =	vld.idx.msk [tilespmem:v9+s15+$0x0], $0xffff;
	v0 =	vadd.f32 v2, v0;
	[tilespmem:s1+$0x11800] =	vst v21  }
0x3e1: {  	v5 =	vmul.f32 v5, v42;
	v39 =	vcvt.f32.s32 v39;
	v13 =	vld [tilespmem:$0x1FD20];
	[tilespmem:s1+$0x12000] =	vst v17  }
0x3e2: {  	v0 =	vadd.f32 v10, v0;
	v17 =	vld [tilespmem:$0x1FD30]  }
0x3e3: {  	v14 =	vld.idx.msk [tilespmem:v14+s15+$0x0], $0xffff;
	v5 =	vtrunc.f32 v5;
	v27 =	vadd.s32 $0x110, v39  }
0x3e4: {  	v5 =	vcvt.f32.s32 v5;
	v0 =	vadd.f32 v1, v0  }
0x3e5: {  	v12 =	vld.idx.msk [tilespmem:v12+s15+$0x0], $0xffff  }
0x3e6: {  	v5 =	vadd.s32 $0x120, v5;
	v0 =	vadd.f32 v9, v0;
	v13 =	vmul.f32 v4, v13  }
0x3e7: {  	v17 =	vmul.f32 v4, v17  }
0x3e8: {  	v16 =	vld.idx.msk [tilespmem:v27+s15+$0x0], $0xffff;
	v0 =	vadd.f32 v14, v0;
	[tilespmem:s6+$0x9800] =	vst v13  }
0x3e9: {  	v13 =	vld [tilespmem:$0x1FD40];
	[tilespmem:s6+$0xA000] =	vst v17  }
0x3ea: {  	v0 =	vadd.f32 v12, v0;
	v17 =	vld [tilespmem:$0x1FD50]  }
0x3eb: {  	v5 =	vld.idx.msk [tilespmem:v5+s15+$0x0], $0xffff  }
0x3ec: {  	v0 =	vadd.f32 v11, v0;
	_ =	sdelay $0x1  }
0x3ed: {  	v13 =	vmul.f32 v4, v13;
	v0 =	vadd.f32 v16, v0  }
0x3ee: {  	v17 =	vmul.f32 v4, v17  }
0x3ef: {  	v21 =	vld [tilespmem:$0x1FD60];
	v0 =	vadd.f32 v5, v0;
	[tilespmem:s6+$0xA800] =	vst v13  }
0x3f0: {  	[tilespmem:s6+$0xB000] =	vst v17  }
0x3f1: {  	(erf) = vrcp.f32 v0;
	v13 =	vld [tilespmem:$0x1FD70]  }
0x3f2: {  	v17 =	vld [tilespmem:$0x1FD80];
	_ =	sdelay $0x2  }
0x3f3: {  	v21 =	vmul.f32 v4, v21  }
0x3f4: {  	v13 =	vmul.f32 v4, v13  }
0x3f5: {  	[tilespmem:s6+$0xB800] =	vst v21;
	v17 =	vmul.f32 v4, v17  }
0x3f6: {  	[tilespmem:s6+$0xC000] =	vst v13;
	v13 =	vmul.f32 v4, v31  }
0x3f7: {  	v0 =	vld [tilespmem:$0x1FD90];
	[tilespmem:s6+$0xC800] =	vst v17;
	v17 =	vmul.f32 v4, v30  }
0x3f8: {  	v21 =	vpop (erf);
	[tilespmem:s6+$0xD800] =	vst v13;
	v13 =	vmul.f32 v4, v33  }
0x3f9: {  	v3 =	vmul.f32 v21, v3;
	[tilespmem:s6+$0xE000] =	vst v17  }
0x3fa: {  	v1 =	vmul.f32 v21, v1;
	[tilespmem:s6+$0xF000] =	vst v13  }
0x3fb: {  	v17 =	vmul.f32 v4, v34;
	[tilespmem:s9+$0xC800] =	vst v3  }
0x3fc: {  	v13 =	vmul.f32 v4, v29;
	[tilespmem:s9+$0xF800] =	vst v1  }
0x3fd: {  	[tilespmem:s6+$0xF800] =	vst v17;
	v0 =	vmul.f32 v4, v0  }
0x3fe: {  	v3 =	vmul.f32 v21, v22;
	[tilespmem:s6+$0x10800] =	vst v13  }
0x3ff: {  	[tilespmem:s6+$0xD000] =	vst v0;
	v0 =	vmul.f32 v4, v32  }
0x400: {  	v1 =	vmul.f32 v21, v12;
	[tilespmem:s9+$0xE000] =	vst v3  }
0x401: {  	[tilespmem:s6+$0xE800] =	vst v0;
	v0 =	vmul.f32 v4, v35  }
0x402: {  	v17 =	vmul.f32 v4, v36;
	[tilespmem:s9+$0x11000] =	vst v1  }
0x403: {  	[tilespmem:s6+$0x10000] =	vst v0;
	v0 =	vmul.f32 v21, v5  }
0x404: {  	[tilespmem:s6+$0x11000] =	vst v17;
	v5 =	vmul.f32 v4, v37  }
0x405: {  	v4 =	vmul.f32 v4, v38;
	[tilespmem:s9+$0x12800] =	vst v0  }
0x406: {  	[tilespmem:s6+$0x11800] =	vst v5;
	v0 =	vmul.f32 v21, v25  }
0x407: {  	[tilespmem:s6+$0x12000] =	vst v4;
	v4 =	vmul.f32 v21, v24  }
0x408: {  	[tilespmem:s9+$0x9800] =	vst v0;
	v0 =	vmul.f32 v21, v8  }
0x409: {  	v5 =	vmul.f32 v21, v7;
	[tilespmem:s9+$0xA000] =	vst v4  }
0x40a: {  	[tilespmem:s9+$0xA800] =	vst v0;
	v0 =	vmul.f32 v21, v6  }
0x40b: {  	v4 =	vmul.f32 v21, v15;
	[tilespmem:s9+$0xB800] =	vst v5  }
0x40c: {  	[tilespmem:s9+$0xC000] =	vst v0;
	v0 =	vmul.f32 v21, v18  }
0x40d: {  	s8 =	sadd.s32 $0x1, s13;
	[tilespmem:s9+$0xB000] =	vst v4;
	v4 =	vmul.f32 v21, v19  }
0x40e: {  	s14 =	sshll.u32 s8, $0x2;
	[tilespmem:s9+$0xD000] =	vst v0;
	v0 =	vmul.f32 v21, v2  }
0x40f: {  	s1 =	sand.u32 $0xF8, s14;
	[tilespmem:s9+$0xD800] =	vst v4;
	v2 =	vmul.f32 v21, v10  }
0x410: {  	s1 =	sadd.s32 s7, s1;
	[tilespmem:s9+$0xE800] =	vst v0;
	v0 =	vmul.f32 v21, v9  }
0x411: {  	s0 =	sshll.u32 s8, $0xB;
	s1 =	sshll.u32 s1, $0x9;
	[tilespmem:s9+$0xF000] =	vst v2;
	v2 =	vmul.f32 v21, v14  }
0x412: {  	s16 =	sadd.s32 $0x3, s13;
	s0 =	sand.u32 $0x800, s0;
	s1 =	sadd.s32 s5, s1;
	[tilespmem:s9+$0x10000] =	vst v0;
	v0 =	vmul.f32 v21, v11  }
0x413: {  	s26 =	sshll.u32 s16, $0x2;
	s0 =	sor.u32 s0, s1;
	[tilespmem:s9+$0x10800] =	vst v2;
	v2 =	vmul.f32 v21, v16  }
0x414: {  	s1 =	sand.u32 $0xF8, s26;
	s0 =	sshrl.u32 s0, $0x3;
	[tilespmem:s9+$0x11800] =	vst v0  }
0x415: {  	s1 =	sadd.s32 s7, s1;
	s0 =	sadd.s32 s3, s0;
	[tilespmem:s9+$0x12000] =	vst v2  }
0x416: {  	[hbm4b:s0+s17] =	stream.strided.scatter [tilespmem:s19], [sflag:$0x5], $0x9800, s18, s17, $0x38;
	[tilespmem:$0x1C980] =	vst v63  }
0x417: {  	s1 =	sshll.u32 s1, $0x9;
	s0 =	sshll.u32 s16, $0xB  }
0x418: {  	s1 =	sadd.s32 s5, s1;
	s0 =	sand.u32 $0x800, s0  }
0x419: {  	_ =	swait.ge [sflag:s23], $0x9800;
	s0 =	sor.u32 s0, s1  }
0x41a: {  	[sflag:s23] =	ssyncset.done $0x0;
	s0 =	sshrl.u32 s0, $0x3  }
0x41b: {  	s28 =	simm.s32 $0x0;
	[sflag:s23] =	ssyncadd.s32 $0xFFFF6800;
	s0 =	sadd.s32 s2, s0  }
0x41c: {  	[tilespmem:s28], [sflag:$0x1] =	stream.strided.gather [hbm4b:s0+s17], $0x9800, s18, s17, $0x38;
	[tilespmem:$0x1C980] =	vst v63  }
0x41d: {  	s4 =	sand.u32 $0x380, s28;
	s6 =	sand.u32 $0x400, s28;
	_ =	swait.ge [sflag:s24], $0x9800  }
0x41e: {  	s1 =	sand.u32 $0x70, s28;
	s0 =	sor.u32 s4, s6;
	[sflag:s24] =	ssyncset.done $0x0  }
0x41f: {  	s0 =	sor.u32 s1, s0;
	[sflag:s24] =	ssyncadd.s32 $0xFFFF6800  }
0x420: {  	v0 =	vld [tilespmem:s0+$0x13000]  }
0x421: {  	v1 =	vld [tilespmem:s0+$0x13800]  }
0x422: {  	v2 =	vld [tilespmem:s0+$0x14000]  }
0x423: {  	v3 =	vld [tilespmem:s0+$0x14800]  }
0x424: {  	v4 =	vld [tilespmem:s0+$0x15000]  }
0x425: {  	v5 =	vld [tilespmem:s0+$0x15800]  }
0x426: {  	v7 =	vld [tilespmem:s0+$0x16000];
	v6 =	vmax.f32 v0, v1  }
0x427: {  	v8 =	vld [tilespmem:s0+$0x16800];
	v6 =	vmax.f32 v6, v2  }
0x428: {  	v9 =	vld [tilespmem:s0+$0x17000];
	v6 =	vmax.f32 v6, v3  }
0x429: {  	v10 =	vld [tilespmem:s0+$0x17800];
	v6 =	vmax.f32 v6, v4  }
0x42a: {  	v11 =	vld [tilespmem:s0+$0x18000];
	v6 =	vmax.f32 v6, v5  }
0x42b: {  	v12 =	vld [tilespmem:s0+$0x18800];
	v6 =	vmax.f32 v6, v7  }
0x42c: {  	v13 =	vld [tilespmem:s0+$0x19000];
	v6 =	vmax.f32 v6, v8  }
0x42d: {  	v14 =	vld [tilespmem:s0+$0x19800];
	v6 =	vmax.f32 v6, v9  }
0x42e: {  	v16 =	vld [tilespmem:s0+$0x1A000];
	v6 =	vmax.f32 v6, v10  }
0x42f: {  	v17 =	vld [tilespmem:s0+$0x1A800];
	v6 =	vmax.f32 v6, v11  }
0x430: {  	v18 =	vld [tilespmem:s0+$0x1B000];
	v6 =	vmax.f32 v6, v12  }
0x431: {  	v19 =	vld [tilespmem:s0+$0x1B800];
	v6 =	vmax.f32 v6, v13  }
0x432: {  	v20 =	vld [tilespmem:s0+$0x1C000];
	v6 =	vmax.f32 v6, v14  }
0x433: {  	v6 =	vmax.f32 v6, v16  }
0x434: {  	v6 =	vmax.f32 v6, v17  }
0x435: {  	v6 =	vmax.f32 v6, v18  }
0x436: {  	v6 =	vmax.f32 v6, v19  }
0x437: {  	v21 =	vmax.f32 v6, v20  }
0x438: {  	v6 =	vsub.f32 v12, v21  }
0x439: {  	v11 =	vsub.f32 v11, v21  }
0x43a: {  	v10 =	vsub.f32 v10, v21;
	v6 =	vmul.f32 $1.442695020e+00, v6  }
0x43b: {  	v9 =	vsub.f32 v9, v21;
	v11 =	vmul.f32 $1.442695020e+00, v11  }
0x43c: {  	v8 =	vsub.f32 v8, v21;
	v10 =	vmul.f32 $1.442695020e+00, v10;
	(erf) = vpow2.f32 v6  }
0x43d: {  	v6 =	vsub.f32 v7, v21;
	v7 =	vmul.f32 $1.442695020e+00, v9;
	(erf) = vpow2.f32 v11  }
0x43e: {  	v0 =	vsub.f32 v0, v21;
	v8 =	vmul.f32 $1.442695020e+00, v8;
	(erf) = vpow2.f32 v10  }
0x43f: {  	v1 =	vsub.f32 v1, v21;
	v6 =	vmul.f32 $1.442695020e+00, v6;
	(erf) = vpow2.f32 v7  }
0x440: {  	v0 =	vmul.f32 $1.442695020e+00, v0;
	(erf) = vpow2.f32 v8  }
0x441: {  	v1 =	vmul.f32 $1.442695020e+00, v1;
	(erf) = vpow2.f32 v6  }
0x442: {  	v2 =	vsub.f32 v2, v21;
	(erf) = vpow2.f32 v0;
	v0 =	vsub.f32 v3, v21  }
0x443: {  	(erf) = vpow2.f32 v1  }
0x444: {  	v2 =	vmul.f32 $1.442695020e+00, v2;
	v0 =	vmul.f32 $1.442695020e+00, v0  }
0x445: {  	v1 =	vsub.f32 v4, v21;
	v3 =	vpop (erf)  }
0x446: {  	(erf) = vpow2.f32 v2;
	v4 =	vpop (erf)  }
0x447: {  	v7 =	vpop (erf)  }
0x448: {  	v2 =	vsub.f32 v5, v21;
	v5 =	vmul.f32 $1.442695020e+00, v1;
	(erf) = vpow2.f32 v0;
	v0 =	vpop (erf)  }
0x449: {  	v1 =	vpop (erf)  }
0x44a: {  	v2 =	vmul.f32 $1.442695020e+00, v2;
	(erf) = vpow2.f32 v5;
	v9 =	vpop (erf)  }
0x44b: {  	v15 =	vpop (erf)  }
0x44c: {  	(erf) = vpow2.f32 v2;
	v5 =	vpop (erf)  }
0x44d: {  	v6 =	vadd.f32 v5, v15;
	_ =	sdelay $0x1  }
0x44e: {  	v2 =	vpop (erf)  }
0x44f: {  	v8 =	vadd.f32 v6, v2  }
0x450: {  	v6 =	vpop (erf)  }
0x451: {  	v8 =	vadd.f32 v8, v6  }
0x452: {  	v11 =	vpop (erf)  }
0x453: {  	v8 =	vadd.f32 v8, v11  }
0x454: {  	s8 =	simm.s32 $0x8;
	s9 =	simm.s32 $0x80;
	v12 =	vpop (erf)  }
0x455: {  	s13 =	simm.s32 $0x10;
	s4 =	sand.u32 $0x400, s9;
	s1 =	sand.u32 $0x380, s8;
	v10 =	vsub.f32 v13, v21;
	v8 =	vadd.f32 v8, v12  }
0x456: {  	s6 =	sand.u32 $0x70, s13;
	s1 =	sor.u32 s1, s4  }
0x457: {  	s1 =	sor.u32 s6, s1;
	v13 =	vsub.f32 v14, v21;
	v10 =	vmul.f32 $1.442695020e+00, v10;
	v8 =	vadd.f32 v8, v9  }
0x458: {  	v26 =	vld [tilespmem:s1+$0x13000];
	v14 =	vsub.f32 v16, v21  }
0x459: {  	v27 =	vld [tilespmem:s1+$0x13800];
	v13 =	vmul.f32 $1.442695020e+00, v13;
	(erf) = vpow2.f32 v10;
	v8 =	vadd.f32 v8, v1  }
0x45a: {  	v28 =	vld [tilespmem:s1+$0x14000];
	v16 =	vsub.f32 v17, v21  }
0x45b: {  	v29 =	vld [tilespmem:s1+$0x14800];
	v14 =	vmul.f32 $1.442695020e+00, v14;
	(erf) = vpow2.f32 v13;
	v8 =	vadd.f32 v8, v0  }
0x45c: {  	v24 =	vld [tilespmem:s1+$0x15000];
	v17 =	vsub.f32 v18, v21  }
0x45d: {  	v13 =	vmul.f32 $1.442695020e+00, v16;
	v16 =	vld [tilespmem:s1+$0x15800];
	(erf) = vpow2.f32 v14;
	v8 =	vadd.f32 v8, v7  }
0x45e: {  	v30 =	vld [tilespmem:s1+$0x16000];
	v17 =	vmul.f32 $1.442695020e+00, v17;
	v10 =	vmax.f32 v26, v27  }
0x45f: {  	v31 =	vld [tilespmem:s1+$0x16800];
	v10 =	vmax.f32 v10, v28;
	(erf) = vpow2.f32 v13;
	v8 =	vadd.f32 v8, v4  }
0x460: {  	v52 =	vld [tilespmem:s1+$0x17000];
	v10 =	vmax.f32 v10, v29;
	v14 =	vsub.f32 v19, v21  }
0x461: {  	v10 =	vmax.f32 v10, v24;
	(erf) = vpow2.f32 v17;
	v17 =	vld [tilespmem:s1+$0x17800];
	v8 =	vadd.f32 v8, v3  }
0x462: {  	v53 =	vld [tilespmem:s1+$0x18000];
	v13 =	vmul.f32 $1.442695020e+00, v14;
	v14 =	vsub.f32 v20, v21;
	v19 =	vpop (erf);
	v10 =	vmax.f32 v10, v16  }
0x463: {  	v54 =	vld [tilespmem:s1+$0x18800];
	v10 =	vmax.f32 v10, v30;
	v8 =	vadd.f32 v8, v19  }
0x464: {  	v55 =	vld [tilespmem:s1+$0x19000];
	v14 =	vmul.f32 $1.442695020e+00, v14;
	(erf) = vpow2.f32 v13;
	v10 =	vmax.f32 v10, v31;
	v21 =	vpop (erf)  }
0x465: {  	v56 =	vld [tilespmem:s1+$0x19800];
	v10 =	vmax.f32 v10, v52;
	v8 =	vadd.f32 v8, v21  }
0x466: {  	v57 =	vld [tilespmem:s1+$0x1A000];
	(erf) = vpow2.f32 v14;
	v10 =	vmax.f32 v10, v17;
	v25 =	vpop (erf)  }
0x467: {  	v58 =	vld [tilespmem:s1+$0x1A800];
	v10 =	vmax.f32 v10, v53;
	v8 =	vadd.f32 v8, v25  }
0x468: {  	v13 =	vld [tilespmem:s1+$0x1B000];
	v23 =	vpop (erf);
	v14 =	vmax.f32 v10, v54  }
0x469: {  	v10 =	vld [tilespmem:s1+$0x1B800];
	v14 =	vmax.f32 v14, v55;
	v18 =	vadd.f32 v8, v23  }
0x46a: {  	v22 =	vpop (erf);
	v14 =	vmax.f32 v14, v56;
	v8 =	vld [tilespmem:s1+$0x1C000]  }
0x46b: {  	v14 =	vmax.f32 v14, v57;
	v18 =	vadd.f32 v18, v22  }
0x46c: {  	v14 =	vmax.f32 v14, v58  }
0x46d: {  	v20 =	vpop (erf);
	v14 =	vmax.f32 v14, v13  }
0x46e: {  	v14 =	vmax.f32 v14, v10;
	v59 =	vadd.f32 v18, v20  }
0x46f: {  	v14 =	vmax.f32 v14, v8;
	v18 =	vpop (erf)  }
0x470: {  	v36 =	vsub.f32 v56, v14;
	v39 =	vadd.f32 v59, v18  }
0x471: {  	v34 =	vsub.f32 v54, v14;
	v35 =	vsub.f32 v55, v14  }
0x472: {  	v60 =	vsub.f32 v17, v14;
	v33 =	vsub.f32 v53, v14;
	(erf) = vrcp.f32 v39  }
0x473: {  	v31 =	vsub.f32 v31, v14;
	v32 =	vsub.f32 v52, v14  }
0x474: {  	v16 =	vsub.f32 v16, v14;
	v30 =	vsub.f32 v30, v14  }
0x475: {  	v61 =	vsub.f32 v24, v14;
	v17 =	vmul.f32 $1.442695020e+00, v36;
	v34 =	vmul.f32 $1.442695020e+00, v34  }
0x476: {  	v29 =	vsub.f32 v29, v14;
	v24 =	vmul.f32 $1.442695020e+00, v35;
	v62 =	vmul.f32 $1.442695020e+00, v60  }
0x477: {  	v26 =	vsub.f32 v26, v14;
	v33 =	vmul.f32 $1.442695020e+00, v33;
	v31 =	vmul.f32 $1.442695020e+00, v31  }
0x478: {  	v32 =	vmul.f32 $1.442695020e+00, v32;
	v16 =	vmul.f32 $1.442695020e+00, v16  }
0x479: {  	v28 =	vsub.f32 v28, v14;
	v30 =	vmul.f32 $1.442695020e+00, v30;
	v29 =	vmul.f32 $1.442695020e+00, v29  }
0x47a: {  	v63 =	vmul.f32 $1.442695020e+00, v61;
	v43 =	vmul.f32 $1.442695020e+00, v26  }
0x47b: {  	v27 =	vsub.f32 v27, v14;
	v28 =	vmul.f32 $1.442695020e+00, v28;
	(erf) = vpow2.f32 v34;
	v26 =	vpop (erf)  }
0x47c: {  	(erf) = vpow2.f32 v33;
	v26 =	vmul.f32 $1.500000000e+01, v26  }
0x47d: {  	v27 =	vmul.f32 $1.442695020e+00, v27;
	(erf) = vpow2.f32 v62  }
0x47e: {  	(erf) = vpow2.f32 v32;
	v15 =	vmul.f32 v26, v15  }
0x47f: {  	v44 =	vmul.f32 v26, v5;
	v45 =	vmul.f32 v26, v2  }
0x480: {  	v47 =	vmul.f32 v26, v6;
	v49 =	vmul.f32 v26, v11  }
0x481: {  	(erf) = vpow2.f32 v31;
	v12 =	vmul.f32 v26, v12  }
0x482: {  	v9 =	vmul.f32 v26, v9;
	v1 =	vmul.f32 v26, v1  }
0x483: {  	v56 =	vmul.f32 v26, v4;
	v3 =	vmul.f32 v26, v3  }
0x484: {  	v60 =	vmul.f32 v26, v19;
	v25 =	vmul.f32 v26, v25  }
0x485: {  	v22 =	vmul.f32 v26, v22;
	v20 =	vmul.f32 v26, v20  }
0x486: {  	(erf) = vpow2.f32 v30;
	v2 =	vtrunc.f32 v15  }
0x487: {  	v15 =	vtrunc.f32 v44;
	v34 =	vtrunc.f32 v45  }
0x488: {  	v46 =	vcvt.f32.s32 v2;
	v15 =	vcvt.f32.s32 v15  }
0x489: {  	v35 =	vtrunc.f32 v47;
	v12 =	vtrunc.f32 v12  }
0x48a: {  	(erf) = vpow2.f32 v43;
	v9 =	vtrunc.f32 v9;
	v15 =	vadd.s32 $0x10, v15  }
0x48b: {  	v1 =	vtrunc.f32 v1;
	v3 =	vtrunc.f32 v3  }
0x48c: {  	v25 =	vtrunc.f32 v25;
	v48 =	vcvt.f32.s32 v34  }
0x48d: {  	v22 =	vtrunc.f32 v22;
	v20 =	vtrunc.f32 v20  }
0x48e: {  	v31 =	vcvt.f32.s32 v35;
	v34 =	vtrunc.f32 v49;
	v30 =	vadd.s32 $0x20, v48;
	v33 =	vld.idx.msk [tilespmem:v46+s15+$0x0], $0xffff  }
0x48f: {  	v53 =	vcvt.f32.s32 v12;
	(erf) = vpow2.f32 v27;
	v36 =	vld.idx.msk [tilespmem:v15+s15+$0x0], $0xffff  }
0x490: {  	v31 =	vadd.s32 $0x30, v31;
	v15 =	vcvt.f32.s32 v9;
	v9 =	vmul.f32 v26, v0  }
0x491: {  	v3 =	vcvt.f32.s32 v3;
	v51 =	vcvt.f32.s32 v34;
	v12 =	vpop (erf)  }
0x492: {  	s14 =	simm.s32 $0x10;
	s16 =	simm.s32 $0x100;
	v38 =	vsub.f32 v57, v14;
	v25 =	vcvt.f32.s32 v25;
	(erf) = vpow2.f32 v28;
	v0 =	vpop (erf)  }
0x493: {  	s8 =	simm.s32 $0x20;
	s4 =	sand.u32 $0x380, s14;
	s6 =	sand.u32 $0x400, s16;
	v27 =	vadd.s32 $0x40, v51;
	v37 =	vld.idx.msk [tilespmem:v30+s15+$0x0], $0xffff;
	v30 =	vcvt.f32.s32 v1;
	v1 =	vpop (erf);
	(erf) = vpow2.f32 v29  }
0x494: {  	s8 =	sand.u32 $0x70, s8;
	s4 =	sor.u32 s4, s6;
	v54 =	vtrunc.f32 v9;
	v55 =	vadd.s32 $0x60, v15;
	v9 =	vpop (erf);
	v15 =	vadd.f32 v36, v33  }
0x495: {  	s6 =	sor.u32 s8, s4;
	v32 =	vsub.f32 v58, v14;
	v22 =	vcvt.f32.s32 v22;
	v47 =	vld.idx.msk [tilespmem:v31+s15+$0x0], $0xffff;
	v31 =	vmul.f32 v26, v7;
	v7 =	vpop (erf)  }
0x496: {  	v5 =	vld [tilespmem:s6+$0x13000];
	v20 =	vcvt.f32.s32 v20;
	v28 =	vadd.s32 $0x50, v53;
	v4 =	vpop (erf);
	(erf) = vpow2.f32 v63  }
0x497: {  	v6 =	vld [tilespmem:s6+$0x14000];
	v22 =	vadd.s32 $0x100, v22;
	v31 =	vtrunc.f32 v31;
	v29 =	vcvt.f32.s32 v54  }
0x498: {  	v2 =	vld [tilespmem:s6+$0x13800];
	v31 =	vcvt.f32.s32 v31;
	v57 =	vadd.f32 v37, v15;
	v15 =	vpop (erf);
	(erf) = vpow2.f32 v16  }
0x499: {  	v48 =	vld.idx.msk [tilespmem:v27+s15+$0x0], $0xffff;
	v30 =	vadd.s32 $0x70, v30;
	v58 =	vadd.s32 $0x80, v29;
	v29 =	vtrunc.f32 v56;
	v16 =	vpop (erf)  }
0x49a: {  	v11 =	vld [tilespmem:s6+$0x14800];
	v27 =	vadd.s32 $0x90, v31;
	v61 =	vcvt.f32.s32 v29;
	v62 =	vadd.f32 v16, v15  }
0x49b: {  	v3 =	vadd.s32 $0xB0, v3;
	v20 =	vadd.s32 $0x110, v20;
	v49 =	vld.idx.msk [tilespmem:v28+s15+$0x0], $0xffff;
	v31 =	vtrunc.f32 v60;
	v19 =	vpop (erf)  }
0x49c: {  	v53 =	vld.idx.msk [tilespmem:v22+s15+$0x0], $0xffff;
	v28 =	vadd.s32 $0xA0, v61;
	v59 =	vadd.f32 v47, v57;
	v43 =	vadd.f32 v62, v19  }
0x49d: {  	v50 =	vmax.f32 v5, v2;
	v63 =	vmul.f32 v26, v21;
	v31 =	vcvt.f32.s32 v31;
	v51 =	vld.idx.msk [tilespmem:v55+s15+$0x0], $0xffff;
	v21 =	vpop (erf)  }
0x49e: {  	v52 =	vmax.f32 v50, v6;
	v50 =	vld.idx.msk [tilespmem:v30+s15+$0x0], $0xffff;
	v35 =	vadd.f32 v48, v59;
	v45 =	vadd.f32 v43, v21  }
0x49f: {  	v34 =	vmax.f32 v52, v11;
	v30 =	vadd.s32 $0xC0, v31;
	v31 =	vmul.f32 v26, v23;
	v52 =	vld.idx.msk [tilespmem:v27+s15+$0x0], $0xffff;
	v23 =	vpop (erf)  }
0x4a0: {  	v25 =	vadd.s32 $0xE0, v25;
	v59 =	vld.idx.msk [tilespmem:v58+s15+$0x0], $0xffff;
	v35 =	vadd.f32 v49, v35;
	v27 =	vadd.f32 v45, v23  }
0x4a1: {  	v54 =	vld.idx.msk [tilespmem:v28+s15+$0x0], $0xffff;
	v28 =	vpop (erf)  }
0x4a2: {  	v56 =	vld.idx.msk [tilespmem:v3+s15+$0x0], $0xffff;
	v41 =	vtrunc.f32 v63;
	v3 =	vadd.f32 v27, v28;
	v27 =	vadd.f32 v51, v35  }
0x4a3: {  	v29 =	vld [tilespmem:s6+$0x15000];
	v41 =	vcvt.f32.s32 v41;
	v31 =	vtrunc.f32 v31  }
0x4a4: {  	v18 =	vmul.f32 v26, v18;
	v55 =	vld.idx.msk [tilespmem:v20+s15+$0x0], $0xffff;
	v31 =	vcvt.f32.s32 v31;
	v26 =	vadd.f32 v50, v27  }
0x4a5: {  	v61 =	vld.idx.msk [tilespmem:v25+s15+$0x0], $0xffff;
	v46 =	vadd.s32 $0xD0, v41;
	v3 =	vadd.f32 v3, v4  }
0x4a6: {  	(erf) = vpow2.f32 v24;
	v60 =	vld.idx.msk [tilespmem:v30+s15+$0x0], $0xffff;
	v30 =	vadd.s32 $0xF0, v31;
	v24 =	vadd.f32 v59, v26  }
0x4a7: {  	v25 =	vld [tilespmem:s6+$0x16000];
	v3 =	vadd.f32 v3, v7  }
0x4a8: {  	v13 =	vsub.f32 v13, v14;
	v57 =	vld [tilespmem:s6+$0x19000];
	(erf) = vpow2.f32 v17;
	v17 =	vadd.f32 v52, v24  }
0x4a9: {  	v10 =	vsub.f32 v10, v14;
	v31 =	vld [tilespmem:s6+$0x15800];
	v26 =	vmul.f32 $1.442695020e+00, v38;
	v3 =	vadd.f32 v3, v9  }
0x4aa: {  	v8 =	vsub.f32 v8, v14;
	v18 =	vtrunc.f32 v18;
	v62 =	vld.idx.msk [tilespmem:v46+s15+$0x0], $0xffff;
	v17 =	vadd.f32 v54, v17  }
0x4ab: {  	v18 =	vcvt.f32.s32 v18;
	v63 =	vld.idx.msk [tilespmem:v30+s15+$0x0], $0xffff;
	(erf) = vpow2.f32 v26;
	v3 =	vadd.f32 v3, v1  }
0x4ac: {  	v13 =	vmul.f32 $1.442695020e+00, v13;
	v27 =	vmul.f32 $1.442695020e+00, v32;
	v24 =	vld [tilespmem:s6+$0x16800];
	v17 =	vadd.f32 v56, v17  }
0x4ad: {  	v10 =	vmul.f32 $1.442695020e+00, v10;
	v18 =	vadd.s32 $0x120, v18;
	v30 =	vld [tilespmem:s6+$0x17000];
	v3 =	vadd.f32 v3, v0  }
0x4ae: {  	v22 =	vmax.f32 v34, v29;
	v32 =	vld [tilespmem:s6+$0x17800];
	(erf) = vpow2.f32 v27;
	v14 =	vadd.f32 v60, v17  }
0x4af: {  	v34 =	vld [tilespmem:s6+$0x18000];
	v20 =	vmax.f32 v22, v31;
	(erf) = vpow2.f32 v13;
	v3 =	vadd.f32 v3, v12  }
0x4b0: {  	v8 =	vmul.f32 $1.442695020e+00, v8;
	v35 =	vld [tilespmem:s6+$0x18800];
	v13 =	vpop (erf);
	(erf) = vpow2.f32 v10;
	v17 =	vmax.f32 v20, v25  }
0x4b1: {  	v58 =	vld [tilespmem:s6+$0x19800];
	v17 =	vmax.f32 v17, v24;
	v3 =	vadd.f32 v3, v13;
	v10 =	vadd.f32 v62, v14  }
0x4b2: {  	v45 =	vld.idx.msk [tilespmem:v18+s15+$0x0], $0xffff;
	[tilespmem:$0x1FDA0] =	vst v61;
	(erf) = vpow2.f32 v8;
	v17 =	vmax.f32 v17, v30;
	v14 =	vpop (erf)  }
0x4b3: {  	v17 =	vmax.f32 v17, v32;
	v8 =	vadd.f32 v61, v10;
	v10 =	vld [tilespmem:s6+$0x1A000];
	v3 =	vadd.f32 v3, v14  }
0x4b4: {  	v61 =	vld [tilespmem:s6+$0x1A800];
	v17 =	vmax.f32 v17, v34;
	[tilespmem:$0x1FDB0] =	vst v63;
	v20 =	vpop (erf)  }
0x4b5: {  	v22 =	vmax.f32 v17, v35;
	v8 =	vadd.f32 v63, v8;
	v18 =	vadd.f32 v3, v20;
	v3 =	vld [tilespmem:s6+$0x1B000]  }
0x4b6: {  	v26 =	vld [tilespmem:s6+$0x1B800];
	v22 =	vmax.f32 v22, v57;
	[tilespmem:$0x1FDC0] =	vst v53  }
0x4b7: {  	v17 =	vpop (erf);
	v22 =	vmax.f32 v22, v58;
	v8 =	vadd.f32 v53, v8;
	v27 =	vld [tilespmem:s6+$0x1C000]  }
0x4b8: {  	v63 =	vadd.f32 v18, v17;
	v22 =	vmax.f32 v22, v10  }
0x4b9: {  	v8 =	vadd.f32 v55, v8;
	v46 =	vmax.f32 v22, v61;
	v18 =	vpop (erf)  }
0x4ba: {  	v40 =	vadd.f32 v63, v18;
	v42 =	vmax.f32 v46, v3  }
0x4bb: {  	v8 =	vadd.f32 v45, v8;
	v42 =	vmax.f32 v42, v26  }
0x4bc: {  	v22 =	vpop (erf);
	v44 =	vmax.f32 v42, v27  }
0x4bd: {  	v53 =	vadd.f32 v40, v22;
	(erf) = vrcp.f32 v8;
	v8 =	vsub.f32 v58, v44  }
0x4be: {  	v35 =	vsub.f32 v35, v44;
	v38 =	vsub.f32 v57, v44;
	v40 =	vpop (erf)  }
0x4bf: {  	[tilespmem:$0x1FDD0] =	vst v55;
	v32 =	vsub.f32 v32, v44;
	v55 =	vadd.f32 v53, v40  }
0x4c0: {  	v34 =	vsub.f32 v34, v44;
	v24 =	vsub.f32 v24, v44  }
0x4c1: {  	v57 =	vsub.f32 v25, v44;
	v25 =	vmul.f32 $1.442695020e+00, v8;
	(erf) = vrcp.f32 v55  }
0x4c2: {  	v30 =	vsub.f32 v30, v44;
	v35 =	vmul.f32 $1.442695020e+00, v35;
	v58 =	vmul.f32 $1.442695020e+00, v38  }
0x4c3: {  	v31 =	vsub.f32 v31, v44;
	v32 =	vmul.f32 $1.442695020e+00, v32;
	v34 =	vmul.f32 $1.442695020e+00, v34  }
0x4c4: {  	v24 =	vmul.f32 $1.442695020e+00, v24;
	v30 =	vmul.f32 $1.442695020e+00, v30  }
0x4c5: {  	v11 =	vsub.f32 v11, v44;
	v31 =	vmul.f32 $1.442695020e+00, v31;
	(erf) = vpow2.f32 v35  }
0x4c6: {  	v29 =	vsub.f32 v29, v44;
	v46 =	vmul.f32 $1.442695020e+00, v57;
	(erf) = vpow2.f32 v34  }
0x4c7: {  	v5 =	vsub.f32 v5, v44;
	v11 =	vmul.f32 $1.442695020e+00, v11;
	(erf) = vpow2.f32 v32  }
0x4c8: {  	v2 =	vsub.f32 v2, v44;
	v29 =	vmul.f32 $1.442695020e+00, v29;
	(erf) = vpow2.f32 v30  }
0x4c9: {  	v5 =	vmul.f32 $1.442695020e+00, v5;
	v8 =	vpop (erf);
	(erf) = vpow2.f32 v24  }
0x4ca: {  	v6 =	vsub.f32 v6, v44;
	v2 =	vmul.f32 $1.442695020e+00, v2;
	(erf) = vpow2.f32 v46;
	v53 =	vpop (erf)  }
0x4cb: {  	(erf) = vpow2.f32 v5;
	v55 =	vmul.f32 $1.500000000e+01, v53  }
0x4cc: {  	v6 =	vmul.f32 $1.442695020e+00, v6;
	(erf) = vpow2.f32 v2  }
0x4cd: {  	v15 =	vmul.f32 v55, v15;
	v16 =	vmul.f32 v55, v16  }
0x4ce: {  	v19 =	vmul.f32 v55, v19;
	v21 =	vmul.f32 v55, v21  }
0x4cf: {  	v15 =	vtrunc.f32 v15;
	v16 =	vtrunc.f32 v16  }
0x4d0: {  	v15 =	vcvt.f32.s32 v15;
	v16 =	vcvt.f32.s32 v16  }
0x4d1: {  	v23 =	vmul.f32 v55, v23;
	v19 =	vtrunc.f32 v19  }
0x4d2: {  	v24 =	vmul.f32 v55, v28;
	v19 =	vcvt.f32.s32 v19;
	v16 =	vadd.s32 $0x10, v16  }
0x4d3: {  	v4 =	vmul.f32 v55, v4;
	v21 =	vtrunc.f32 v21  }
0x4d4: {  	v7 =	vmul.f32 v55, v7;
	v21 =	vcvt.f32.s32 v21;
	v19 =	vadd.s32 $0x20, v19  }
0x4d5: {  	v1 =	vmul.f32 v55, v1;
	v23 =	vtrunc.f32 v23  }
0x4d6: {  	v24 =	vtrunc.f32 v24;
	v23 =	vcvt.f32.s32 v23;
	v28 =	vld.idx.msk [tilespmem:v15+s15+$0x0], $0xffff;
	v15 =	vadd.s32 $0x30, v21  }
0x4d7: {  	v0 =	vmul.f32 v55, v0;
	v5 =	vcvt.f32.s32 v24;
	v24 =	vld.idx.msk [tilespmem:v16+s15+$0x0], $0xffff  }
0x4d8: {  	v4 =	vtrunc.f32 v4;
	v1 =	vtrunc.f32 v1;
	v16 =	vadd.s32 $0x40, v23  }
0x4d9: {  	v2 =	vcvt.f32.s32 v4;
	v4 =	vadd.s32 $0x50, v5;
	v5 =	vtrunc.f32 v7;
	v30 =	vld.idx.msk [tilespmem:v19+s15+$0x0], $0xffff  }
0x4da: {  	v3 =	vsub.f32 v3, v44;
	v7 =	vmul.f32 v55, v9;
	v19 =	vpop (erf);
	(erf) = vpow2.f32 v6  }
0x4db: {  	v9 =	vsub.f32 v10, v44;
	v2 =	vadd.s32 $0x60, v2;
	v5 =	vcvt.f32.s32 v5;
	v21 =	vpop (erf);
	v10 =	vld.idx.msk [tilespmem:v15+s15+$0x0], $0xffff;
	[tilespmem:$0x1FDE0] =	vst v28  }
0x4dc: {  	v6 =	vtrunc.f32 v7;
	v23 =	vpop (erf);
	(erf) = vpow2.f32 v11;
	[tilespmem:$0x1FDF0] =	vst v24;
	v7 =	vadd.f32 v24, v28  }
0x4dd: {  	v46 =	vsub.f32 v61, v44;
	v0 =	vtrunc.f32 v0;
	v6 =	vcvt.f32.s32 v6;
	v24 =	vpop (erf);
	v61 =	vld.idx.msk [tilespmem:v16+s15+$0x0], $0xffff  }
0x4de: {  	v5 =	vadd.s32 $0x70, v5;
	v28 =	vpop (erf);
	[tilespmem:$0x1FE00] =	vst v30;
	(erf) = vpow2.f32 v29;
	v7 =	vadd.f32 v30, v7  }
0x4df: {  	v1 =	vcvt.f32.s32 v1;
	v29 =	vpop (erf);
	v11 =	vld.idx.msk [tilespmem:v4+s15+$0x0], $0xffff;
	v4 =	vadd.s32 $0x80, v6;
	v6 =	vmul.f32 v55, v12  }
0x4e0: {  	v0 =	vcvt.f32.s32 v0;
	v32 =	vpop (erf);
	(erf) = vpow2.f32 v31;
	[tilespmem:$0x1FE10] =	vst v10;
	v7 =	vadd.f32 v10, v7  }
0x4e1: {  	v1 =	vadd.s32 $0x90, v1;
	v35 =	vpop (erf);
	v12 =	vld.idx.msk [tilespmem:v2+s15+$0x0], $0xffff;
	v2 =	vtrunc.f32 v6;
	v6 =	vmul.f32 v55, v13  }
0x4e2: {  	s13 =	simm.s32 $0x180;
	s8 =	simm.s32 $0x18;
	v15 =	vadd.f32 v35, v32;
	v7 =	vadd.f32 v61, v7;
	v2 =	vcvt.f32.s32 v2  }
0x4e3: {  	s26 =	simm.s32 $0x30;
	s28 =	sand.u32 $0x400, s13;
	s14 =	sand.u32 $0x380, s8;
	v0 =	vadd.s32 $0xA0, v0;
	v13 =	vld.idx.msk [tilespmem:v5+s15+$0x0], $0xffff;
	v38 =	vpop (erf);
	v5 =	vtrunc.f32 v6;
	v6 =	vmul.f32 v55, v14  }
0x4e4: {  	s4 =	sand.u32 $0x70, s26;
	s9 =	sor.u32 s14, s28;
	v15 =	vadd.f32 v15, v38;
	v7 =	vadd.f32 v11, v7;
	v5 =	vcvt.f32.s32 v5  }
0x4e5: {  	s9 =	sor.u32 s4, s9;
	v39 =	vpop (erf);
	v14 =	vld.idx.msk [tilespmem:v4+s15+$0x0], $0xffff;
	v2 =	vadd.s32 $0xB0, v2;
	v4 =	vtrunc.f32 v6;
	v6 =	vmul.f32 v55, v20  }
0x4e6: {  	v22 =	vmul.f32 v55, v22;
	v31 =	vld [tilespmem:s9+$0x13000];
	v16 =	vadd.f32 v15, v39;
	v7 =	vadd.f32 v12, v7  }
0x4e7: {  	v15 =	vld.idx.msk [tilespmem:v1+s15+$0x0], $0xffff;
	v4 =	vcvt.f32.s32 v4;
	v1 =	vadd.s32 $0xC0, v5;
	v41 =	vpop (erf);
	v5 =	vtrunc.f32 v6  }
0x4e8: {  	v30 =	vld [tilespmem:s9+$0x13800];
	v6 =	vmul.f32 v55, v17;
	v20 =	vadd.f32 v16, v41;
	v7 =	vadd.f32 v13, v7  }
0x4e9: {  	v16 =	vld.idx.msk [tilespmem:v0+s15+$0x0], $0xffff;
	v5 =	vcvt.f32.s32 v5;
	v0 =	vadd.s32 $0xD0, v4;
	v4 =	vmul.f32 v55, v18;
	v42 =	vpop (erf)  }
0x4ea: {  	(erf) = vpow2.f32 v58;
	v6 =	vtrunc.f32 v6;
	v17 =	vld.idx.msk [tilespmem:v2+s15+$0x0], $0xffff;
	v2 =	vadd.f32 v20, v42  }
0x4eb: {  	v34 =	vld [tilespmem:s9+$0x14000];
	v7 =	vadd.f32 v14, v7;
	v5 =	vadd.s32 $0xE0, v5;
	v4 =	vtrunc.f32 v4  }
0x4ec: {  	v6 =	vcvt.f32.s32 v6;
	v18 =	vld.idx.msk [tilespmem:v1+s15+$0x0], $0xffff;
	v1 =	vadd.f32 v2, v29;
	v2 =	vcvt.f32.s32 v4  }
0x4ed: {  	v57 =	vmul.f32 v55, v40;
	v40 =	vld [tilespmem:s9+$0x14800];
	(erf) = vpow2.f32 v25;
	v7 =	vadd.f32 v15, v7  }
0x4ee: {  	v43 =	vld [tilespmem:s9+$0x15000];
	v4 =	vadd.s32 $0xF0, v6;
	v6 =	vtrunc.f32 v22;
	v58 =	vadd.s32 $0x100, v2  }
0x4ef: {  	v20 =	vld.idx.msk [tilespmem:v0+s15+$0x0], $0xffff;
	v0 =	vcvt.f32.s32 v6;
	v6 =	vmul.f32 $1.442695020e+00, v9;
	v7 =	vadd.f32 v16, v7  }
0x4f0: {  	v63 =	vld [tilespmem:s9+$0x15800];
	v1 =	vadd.f32 v1, v28;
	v2 =	vtrunc.f32 v57;
	v9 =	vmul.f32 $1.442695020e+00, v46  }
0x4f1: {  	v2 =	vcvt.f32.s32 v2;
	v22 =	vld.idx.msk [tilespmem:v5+s15+$0x0], $0xffff;
	(erf) = vpow2.f32 v6;
	v5 =	vadd.f32 v17, v7  }
0x4f2: {  	v1 =	vadd.f32 v1, v24;
	v6 =	vsub.f32 v26, v44;
	v7 =	vadd.s32 $0x110, v0;
	v0 =	vld [tilespmem:s9+$0x16000]  }
0x4f3: {  	v3 =	vmul.f32 $1.442695020e+00, v3;
	(erf) = vpow2.f32 v9;
	v25 =	vld.idx.msk [tilespmem:v4+s15+$0x0], $0xffff;
	v5 =	vadd.f32 v18, v5  }
0x4f4: {  	v4 =	vadd.s32 $0x120, v2;
	v2 =	vld [tilespmem:s9+$0x16800];
	v1 =	vadd.f32 v1, v23;
	v6 =	vmul.f32 $1.442695020e+00, v6  }
0x4f5: {  	v9 =	vsub.f32 v27, v44;
	(erf) = vpow2.f32 v3;
	v26 =	vld.idx.msk [tilespmem:v58+s15+$0x0], $0xffff;
	v5 =	vadd.f32 v20, v5  }
0x4f6: {  	v3 =	vmax.f32 v31, v30;
	v1 =	vadd.f32 v1, v21;
	(erf) = vpow2.f32 v6;
	v6 =	vld [tilespmem:s9+$0x17800]  }
0x4f7: {  	v33 =	vmul.f32 v8, v33;
	v27 =	vld.idx.msk [tilespmem:v7+s15+$0x0], $0xffff;
	v7 =	vmax.f32 v3, v34;
	v5 =	vadd.f32 v22, v5  }
0x4f8: {  	v9 =	vmul.f32 $1.442695020e+00, v9;
	v3 =	vld [tilespmem:s9+$0x17000];
	v1 =	vadd.f32 v1, v19;
	v7 =	vmax.f32 v7, v40  }
0x4f9: {  	v44 =	vld.idx.msk [tilespmem:v4+s15+$0x0], $0xffff;
	v4 =	vmul.f32 v8, v45;
	v45 =	vpop (erf);
	v7 =	vmax.f32 v7, v43;
	v5 =	vadd.f32 v25, v5  }
0x4fa: {  	(erf) = vpow2.f32 v9;
	v9 =	vld [tilespmem:s9+$0x18000];
	v1 =	vadd.f32 v1, v45;
	v7 =	vmax.f32 v7, v63  }
0x4fb: {  	v36 =	vmul.f32 v8, v36;
	v53 =	vld [tilespmem:s9+$0x18800];
	[tilespmem:s0+$0x13000] =	vst v33;
	v46 =	vpop (erf);
	v7 =	vmax.f32 v7, v0;
	v5 =	vadd.f32 v26, v5  }
0x4fc: {  	v33 =	vmul.f32 v8, v37;
	[tilespmem:s0+$0x1C000] =	vst v4;
	v1 =	vadd.f32 v1, v46;
	v4 =	vmax.f32 v7, v2;
	v7 =	vld [tilespmem:s9+$0x19000]  }
0x4fd: {  	[tilespmem:s0+$0x13800] =	vst v36;
	v36 =	vmul.f32 v8, v47;
	v55 =	vld [tilespmem:s9+$0x19800];
	v47 =	vpop (erf);
	v4 =	vmax.f32 v4, v3;
	v5 =	vadd.f32 v27, v5  }
0x4fe: {  	v57 =	vld [tilespmem:s9+$0x1A000];
	v1 =	vadd.f32 v1, v47;
	v4 =	vmax.f32 v4, v6  }
0x4ff: {  	v37 =	vmul.f32 v8, v48;
	[tilespmem:s0+$0x14000] =	vst v33;
	v58 =	vld [tilespmem:s9+$0x1A800];
	v48 =	vpop (erf);
	v4 =	vmax.f32 v4, v9;
	v5 =	vadd.f32 v44, v5  }
0x500: {  	[tilespmem:s0+$0x14800] =	vst v36;
	v33 =	vld [tilespmem:s9+$0x1B000];
	v36 =	vmul.f32 v8, v51;
	v1 =	vadd.f32 v1, v48;
	v4 =	vmax.f32 v4, v53  }
0x501: {  	[tilespmem:s0+$0x15000] =	vst v37;
	v4 =	vmax.f32 v4, v7;
	(erf) = vrcp.f32 v5;
	v5 =	vmul.f32 v8, v49  }
0x502: {  	v54 =	vmul.f32 v8, v54;
	v37 =	vmul.f32 v8, v59;
	[tilespmem:s0+$0x16000] =	vst v36;
	v4 =	vmax.f32 v4, v55;
	v49 =	vpop (erf)  }
0x503: {  	v4 =	vmax.f32 v4, v57;
	v10 =	vadd.f32 v1, v49;
	[tilespmem:s0+$0x15800] =	vst v5;
	v5 =	vmul.f32 v8, v50  }
0x504: {  	v59 =	vmul.f32 v8, v52;
	v51 =	vmul.f32 v8, v56;
	v36 =	vld [tilespmem:s9+$0x1B800];
	[tilespmem:s0+$0x17000] =	vst v37;
	v1 =	vmax.f32 v4, v58;
	v50 =	vpop (erf)  }
0x505: {  	s14 =	simm.s32 $0x40;
	v52 =	vmul.f32 v8, v60;
	v37 =	vld [tilespmem:s9+$0x1C000];
	v1 =	vmax.f32 v1, v33;
	v4 =	vadd.f32 v10, v50;
	[tilespmem:s0+$0x16800] =	vst v5  }
.LBB2_7:
0x506: {  	v10 =	vld [tilespmem:$0x1FDA0];
	_ =	sdelay $0x4  }
0x507: {  	v60 =	vmul.f32 v8, v10;
	v10 =	vld [tilespmem:$0x1FDC0]  }
0x508: {  	v5 =	vmax.f32 v1, v36  }
0x509: {  	v56 =	vmul.f32 v8, v62;
	[tilespmem:s0+$0x17800] =	vst v59;
	v62 =	vmax.f32 v5, v37;
	v5 =	vld [tilespmem:$0x1FDB0]  }
0x50a: {  	[tilespmem:s0+$0x18000] =	vst v54;
	v1 =	vpop (erf)  }
0x50b: {  	[tilespmem:s0+$0x18800] =	vst v51;
	v4 =	vadd.f32 v4, v1;
	v54 =	vsub.f32 v55, v62  }
0x50c: {  	[tilespmem:s0+$0x19000] =	vst v52;
	v51 =	vsub.f32 v53, v62;
	v7 =	vsub.f32 v7, v62;
	v55 =	vmul.f32 v8, v10;
	v10 =	vld [tilespmem:$0x1FDD0]  }
0x50d: {  	[tilespmem:s0+$0x19800] =	vst v56;
	v2 =	vsub.f32 v2, v62;
	v3 =	vsub.f32 v3, v62;
	(erf) = vrcp.f32 v4  }
0x50e: {  	v4 =	vsub.f32 v6, v62;
	v6 =	vsub.f32 v9, v62;
	v9 =	vmovc v11;
	v5 =	vmul.f32 v8, v5  }
0x50f: {  	v52 =	vmovc v12;
	v53 =	vsub.f32 v0, v62;
	v40 =	vsub.f32 v40, v62;
	[tilespmem:s0+$0x1A000] =	vst v60;
	v12 =	vmul.f32 $1.442695020e+00, v51  }
0x510: {  	v0 =	vmul.f32 $1.442695020e+00, v7;
	v3 =	vmul.f32 $1.442695020e+00, v3;
	[tilespmem:s0+$0x1A800] =	vst v5;
	v5 =	vsub.f32 v43, v62  }
0x511: {  	[tilespmem:$0x1FCF0] =	vst v9;
	v4 =	vmul.f32 $1.442695020e+00, v4;
	v9 =	vmov v16;
	v10 =	vmul.f32 v8, v10;
	v8 =	vpop (erf)  }
0x512: {  	v11 =	vsub.f32 v63, v62;
	v6 =	vmul.f32 $1.442695020e+00, v6;
	[tilespmem:$0x1FD00] =	vst v9;
	v56 =	vmul.f32 v8, v44  }
0x513: {  	v9 =	vsub.f32 v34, v62;
	[tilespmem:s0+$0x1B000] =	vst v55;
	v44 =	vmul.f32 $1.442695020e+00, v54;
	v54 =	vmovc v13;
	v13 =	vmul.f32 $1.442695020e+00, v2;
	v2 =	vmovc v18  }
0x514: {  	v51 =	vmovc v14;
	v14 =	vmul.f32 $1.442695020e+00, v11;
	v16 =	vmul.f32 $1.442695020e+00, v5;
	v18 =	vsub.f32 v31, v62;
	v5 =	vmovc v27;
	[tilespmem:s0+$0x1B800] =	vst v10  }
0x515: {  	v11 =	vmul.f32 $1.442695020e+00, v53;
	v9 =	vmul.f32 $1.442695020e+00, v9;
	[tilespmem:$0x1FDD0] =	vst v5;
	v5 =	vsub.f32 v30, v62  }
0x516: {  	s8 =	sadd.s32 $0x8, s8;
	s13 =	sadd.s32 $0x80, s13;
	v60 =	vmov v17;
	[tilespmem:$0x1FD10] =	vst v2;
	v17 =	vmul.f32 $1.442695020e+00, v18;
	v2 =	vpop (erf);
	(erf) = vpow2.f32 v12  }
0x517: {  	s4 =	sand.u32 $0x400, s13;
	s16 =	sand.u32 $0x380, s8;
	[tilespmem:s1+$0x1C000] =	vst v56;
	v12 =	vmul.f32 $1.442695020e+00, v5;
	v56 =	vmovc v15;
	v15 =	vmov v22;
	v2 =	vmul.f32 $1.500000000e+01, v2  }
0x518: {  	s26 =	sand.u32 $0x70, s14;
	s4 =	sor.u32 s16, s4;
	s0 =	smov.u32 s1;
	(erf) = vpow2.f32 v6;
	[tilespmem:$0x1FDA0] =	vst v15;
	v15 =	vmul.f32 $1.442695020e+00, v40  }
0x519: {  	s1 =	smov.u32 s6;
	s6 =	smov.u32 s9;
	s9 =	sor.u32 s26, s4;
	(erf) = vpow2.f32 v4;
	v5 =	vmul.f32 v2, v32  }
0x51a: {  	v31 =	vld [tilespmem:s9+$0x13000];
	v6 =	vmul.f32 v2, v35;
	v4 =	vmul.f32 v2, v38  }
0x51b: {  	v30 =	vld [tilespmem:s9+$0x13800];
	v18 =	vmul.f32 v2, v39;
	(erf) = vpow2.f32 v3  }
0x51c: {  	v10 =	vmovc v20;
	v20 =	vmov v25;
	v34 =	vld [tilespmem:s9+$0x14000];
	v25 =	vmul.f32 v2, v42;
	v63 =	vmul.f32 v2, v48  }
0x51d: {  	v5 =	vtrunc.f32 v5;
	v6 =	vtrunc.f32 v6  }
0x51e: {  	v5 =	vcvt.f32.s32 v5;
	v6 =	vcvt.f32.s32 v6  }
0x51f: {  	v7 =	vmov v26;
	v48 =	vmul.f32 v2, v49;
	v4 =	vtrunc.f32 v4  }
0x520: {  	[tilespmem:$0x1FDC0] =	vst v7;
	v7 =	vmax.f32 v31, v30;
	v4 =	vcvt.f32.s32 v4;
	v3 =	vadd.s32 $0x10, v6  }
0x521: {  	v6 =	vmax.f32 v7, v34;
	v7 =	vtrunc.f32 v18;
	v18 =	vmul.f32 v2, v41  }
0x522: {  	(erf) = vpow2.f32 v13;
	v4 =	vadd.s32 $0x20, v4;
	v13 =	vpop (erf);
	v26 =	vcvt.f32.s32 v7  }
0x523: {  	v22 =	vpop (erf);
	v18 =	vtrunc.f32 v18;
	(erf) = vpow2.f32 v11  }
0x524: {  	[tilespmem:$0x1FDB0] =	vst v20;
	v11 =	vadd.s32 $0x30, v26;
	v18 =	vcvt.f32.s32 v18;
	v20 =	vpop (erf);
	(erf) = vpow2.f32 v17;
	v7 =	vld.idx.msk [tilespmem:v5+s15+$0x0], $0xffff  }
0x525: {  	v5 =	vld.idx.msk [tilespmem:v3+s15+$0x0], $0xffff;
	v3 =	vtrunc.f32 v25;
	v25 =	vmul.f32 v2, v29  }
0x526: {  	v1 =	vmul.f32 v2, v1;
	v17 =	vadd.s32 $0x40, v18;
	v18 =	vcvt.f32.s32 v3  }
0x527: {  	v3 =	vsub.f32 v58, v62;
	v58 =	vld.idx.msk [tilespmem:v4+s15+$0x0], $0xffff;
	v4 =	vtrunc.f32 v25;
	v25 =	vmul.f32 v2, v28  }
0x528: {  	(erf) = vpow2.f32 v12;
	v12 =	vadd.s32 $0x50, v18;
	v18 =	vcvt.f32.s32 v4  }
0x529: {  	v4 =	vld.idx.msk [tilespmem:v11+s15+$0x0], $0xffff;
	v11 =	vtrunc.f32 v25;
	v25 =	vmul.f32 v2, v24  }
0x52a: {  	v24 =	vpop (erf);
	(erf) = vpow2.f32 v9;
	v11 =	vcvt.f32.s32 v11  }
0x52b: {  	v9 =	vadd.s32 $0x60, v18;
	v28 =	vpop (erf);
	v18 =	vmul.f32 v2, v23;
	(erf) = vpow2.f32 v15  }
0x52c: {  	v59 =	vmov v61;
	v61 =	vld.idx.msk [tilespmem:v17+s15+$0x0], $0xffff;
	v17 =	vtrunc.f32 v25;
	v29 =	vpop (erf);
	(erf) = vpow2.f32 v16  }
0x52d: {  	v25 =	vadd.f32 v5, v7;
	v17 =	vcvt.f32.s32 v17;
	v32 =	vpop (erf);
	(erf) = vpow2.f32 v14  }
0x52e: {  	v15 =	vadd.s32 $0x70, v11;
	v11 =	vld.idx.msk [tilespmem:v12+s15+$0x0], $0xffff;
	v12 =	vtrunc.f32 v18;
	v18 =	vmul.f32 v2, v21  }
0x52f: {  	v23 =	vmovc v20;
	v20 =	vadd.f32 v58, v25;
	v16 =	vadd.s32 $0x80, v17;
	v17 =	vcvt.f32.s32 v12  }
0x530: {  	v12 =	vld.idx.msk [tilespmem:v9+s15+$0x0], $0xffff;
	v9 =	vtrunc.f32 v18;
	v18 =	vmul.f32 v2, v19  }
0x531: {  	v53 =	vmul.f32 v2, v50;
	v1 =	vtrunc.f32 v1;
	v21 =	vmovc v22;
	v20 =	vadd.f32 v4, v20  }
0x532: {  	v35 =	vpop (erf);
	v17 =	vadd.s32 $0x90, v17;
	v9 =	vcvt.f32.s32 v9;
	v14 =	vtrunc.f32 v18  }
0x533: {  	v19 =	vmovc v13;
	v13 =	vld.idx.msk [tilespmem:v15+s15+$0x0], $0xffff;
	v15 =	vmul.f32 v2, v45;
	v18 =	vadd.f32 v61, v20;
	v22 =	vcvt.f32.s32 v14  }
0x534: {  	v1 =	vcvt.f32.s32 v1;
	v20 =	vadd.f32 v35, v32;
	v9 =	vadd.s32 $0xA0, v9  }
0x535: {  	v43 =	vld [tilespmem:s9+$0x15000];
	v38 =	vpop (erf);
	v15 =	vtrunc.f32 v15;
	v18 =	vadd.f32 v11, v18;
	v22 =	vadd.s32 $0xB0, v22  }
0x536: {  	v1 =	vadd.s32 $0x120, v1;
	v14 =	vld.idx.msk [tilespmem:v16+s15+$0x0], $0xffff;
	v16 =	vmul.f32 v2, v46;
	v39 =	vpop (erf);
	v25 =	vcvt.f32.s32 v15  }
0x537: {  	v20 =	vadd.f32 v20, v38;
	v41 =	vpop (erf);
	v15 =	vld.idx.msk [tilespmem:v17+s15+$0x0], $0xffff;
	v17 =	vmul.f32 v2, v47;
	v18 =	vadd.f32 v12, v18  }
0x538: {  	v40 =	vld [tilespmem:s9+$0x14800];
	v16 =	vtrunc.f32 v16;
	v42 =	vpop (erf);
	(erf) = vpow2.f32 v0;
	v25 =	vadd.s32 $0xC0, v25  }
0x539: {  	v27 =	vcvt.f32.s32 v16;
	v16 =	vld.idx.msk [tilespmem:v9+s15+$0x0], $0xffff;
	v9 =	vtrunc.f32 v17;
	v18 =	vadd.f32 v13, v18  }
0x53a: {  	v20 =	vadd.f32 v20, v39;
	v9 =	vcvt.f32.s32 v9;
	v17 =	vld.idx.msk [tilespmem:v22+s15+$0x0], $0xffff;
	v22 =	vtrunc.f32 v63  }
0x53b: {  	v0 =	vld [tilespmem:s9+$0x16000];
	v27 =	vadd.s32 $0xD0, v27;
	v49 =	vadd.f32 v14, v18;
	v22 =	vcvt.f32.s32 v22  }
0x53c: {  	(erf) = vpow2.f32 v44;
	v44 =	vld.idx.msk [tilespmem:v1+s15+$0x0], $0xffff;
	v20 =	vadd.f32 v20, v41;
	v9 =	vadd.s32 $0xE0, v9  }
0x53d: {  	v26 =	vsub.f32 v57, v62;
	v63 =	vld [tilespmem:s9+$0x15800];
	v46 =	vadd.f32 v15, v49;
	v57 =	vadd.s32 $0xF0, v22  }
0x53e: {  	v20 =	vadd.f32 v20, v42;
	v18 =	vld.idx.msk [tilespmem:v25+s15+$0x0], $0xffff;
	v25 =	vtrunc.f32 v48;
	v48 =	vmul.f32 $1.442695020e+00, v3  }
0x53f: {  	v3 =	vld [tilespmem:s9+$0x17000];
	v22 =	vcvt.f32.s32 v25;
	v25 =	vtrunc.f32 v53;
	v2 =	vadd.f32 v16, v46  }
0x540: {  	v55 =	vadd.f32 v20, v29;
	v20 =	vld.idx.msk [tilespmem:v27+s15+$0x0], $0xffff;
	v25 =	vcvt.f32.s32 v25  }
0x541: {  	v27 =	vadd.s32 $0x100, v22;
	v22 =	vld.idx.msk [tilespmem:v9+s15+$0x0], $0xffff;
	v2 =	vadd.f32 v17, v2  }
0x542: {  	v6 =	vmax.f32 v6, v40;
	v53 =	vadd.f32 v55, v28;
	v55 =	vadd.s32 $0x110, v25;
	v25 =	vld.idx.msk [tilespmem:v57+s15+$0x0], $0xffff  }
0x543: {  	v33 =	vsub.f32 v33, v62;
	v6 =	vmax.f32 v6, v43;
	v57 =	vadd.f32 v18, v2;
	v2 =	vld [tilespmem:s9+$0x16800]  }
0x544: {  	v50 =	vmax.f32 v6, v63;
	v6 =	vld [tilespmem:s9+$0x17800];
	v9 =	vmul.f32 $1.442695020e+00, v26;
	v26 =	vadd.f32 v53, v24  }
0x545: {  	v37 =	vsub.f32 v37, v62;
	v53 =	vsub.f32 v36, v62;
	v62 =	vld [tilespmem:$0x1FDE0]  }
0x546: {  	v49 =	vadd.f32 v26, v23;
	(erf) = vpow2.f32 v9;
	v26 =	vld.idx.msk [tilespmem:v27+s15+$0x0], $0xffff;
	v9 =	vadd.f32 v20, v57  }
0x547: {  	v33 =	vmul.f32 $1.442695020e+00, v33;
	v27 =	vld.idx.msk [tilespmem:v55+s15+$0x0], $0xffff;
	v55 =	vmax.f32 v50, v0  }
0x548: {  	(erf) = vpow2.f32 v48;
	v9 =	vadd.f32 v22, v9;
	v57 =	vmax.f32 v55, v2;
	v55 =	vld [tilespmem:$0x1FDF0]  }
0x549: {  	v45 =	vpop (erf);
	v47 =	vadd.f32 v49, v21;
	(erf) = vpow2.f32 v33;
	v33 =	vmax.f32 v57, v3;
	v57 =	vld [tilespmem:$0x1FE00]  }
0x54a: {  	v36 =	vmul.f32 $1.442695020e+00, v53;
	v53 =	vmov v7;
	v7 =	vld [tilespmem:s9+$0x19000];
	v1 =	vadd.f32 v25, v9  }
0x54b: {  	v47 =	vadd.f32 v47, v19;
	v9 =	vld [tilespmem:s9+$0x18000]  }
0x54c: {  	v50 =	vmul.f32 $1.442695020e+00, v37;
	v37 =	vmul.f32 v8, v62;
	[tilespmem:$0x1FDE0] =	vst v53;
	v53 =	vld [tilespmem:s9+$0x18800];
	v1 =	vadd.f32 v26, v1  }
0x54d: {  	v46 =	vpop (erf);
	(erf) = vpow2.f32 v36;
	v62 =	vadd.f32 v47, v45;
	v36 =	vmul.f32 v8, v55;
	v55 =	vld [tilespmem:s9+$0x19800]  }
0x54e: {  	[tilespmem:s0+$0x13000] =	vst v37;
	v1 =	vadd.f32 v27, v1;
	v48 =	vmul.f32 v8, v57;
	v57 =	vmovc v5;
	v5 =	vmov v58;
	v58 =	vld [tilespmem:$0x1FE10]  }
0x54f: {  	v37 =	vmul.f32 v8, v59;
	v59 =	vld [tilespmem:$0x1FCF0];
	v62 =	vadd.f32 v62, v46;
	[tilespmem:$0x1FE00] =	vst v5;
	v5 =	vmax.f32 v33, v6  }
0x550: {  	v52 =	vmul.f32 v8, v52;
	v47 =	vpop (erf);
	[tilespmem:$0x1FDF0] =	vst v57;
	v5 =	vmax.f32 v5, v9  }
0x551: {  	v49 =	vadd.f32 v62, v47;
	v57 =	vld [tilespmem:s9+$0x1A000];
	[tilespmem:s0+$0x13800] =	vst v36;
	v62 =	vadd.f32 v44, v1;
	v5 =	vmax.f32 v5, v53  }
0x552: {  	v33 =	vld [tilespmem:s9+$0x1B000];
	[tilespmem:s0+$0x14000] =	vst v48;
	v1 =	vmov v4;
	v4 =	vmul.f32 v8, v54;
	v5 =	vmax.f32 v5, v7  }
0x553: {  	v48 =	vpop (erf);
	[tilespmem:$0x1FE10] =	vst v1;
	v36 =	vmul.f32 v8, v58;
	v58 =	vld [tilespmem:s9+$0x1A800];
	v1 =	vmax.f32 v5, v55;
	v5 =	vmul.f32 v8, v51  }
0x554: {  	(erf) = vpow2.f32 v50;
	v50 =	vmul.f32 v8, v59;
	v59 =	vadd.f32 v49, v48;
	[tilespmem:s0+$0x16800] =	vst v4;
	v4 =	vld [tilespmem:$0x1FD00]  }
0x555: {  	p0 =	sne.s32 s14, $0x7F0;
	v49 =	vpop (erf);
	[tilespmem:s0+$0x17000] =	vst v5;
	v5 =	vld [tilespmem:$0x1FD10]  }
.Ltmp2:
0x556: {  	[tilespmem:s0+$0x16000] =	vst v52;
	(erf) = vrcp.f32 v62;
	v62 =	vadd.f32 v59, v49;
	(pc) =	sbr.rel @p0 .LBB2_7-.Ltmp2, $4  }
0x557: {  	[tilespmem:s0+$0x15000] =	vst v37  }
0x558: {  	[tilespmem:s0+$0x15800] =	vst v50;
	v51 =	vmul.f32 v8, v60;
	v1 =	vmax.f32 v1, v57  }
0x559: {  	v37 =	vld [tilespmem:s9+$0x1C000];
	v50 =	vpop (erf);
	[tilespmem:s0+$0x14800] =	vst v36;
	v59 =	vmul.f32 v8, v56;
	v1 =	vmax.f32 v1, v58;
	v54 =	vmul.f32 v8, v4  }
0x55a: {  	s14 =	sadd.s32 $0x10, s14;
	v36 =	vld [tilespmem:s9+$0x1B800];
	v4 =	vadd.f32 v62, v50;
	v1 =	vmax.f32 v1, v33;
	v62 =	vmovc v10;
	v52 =	vmul.f32 v8, v5  }
0x55b: {  	_ =	sdelay $0x2  }
0x55c: {  	v10 =	vpop (erf)  }
0x55d: {  	v4 =	vadd.f32 v4, v10;
	v1 =	vmax.f32 v1, v36  }
0x55e: {  	v56 =	vmax.f32 v1, v37  }
0x55f: {  	(erf) = vrcp.f32 v4;
	v1 =	vsub.f32 v53, v56  }
0x560: {  	v5 =	vsub.f32 v9, v56  }
0x561: {  	v6 =	vsub.f32 v6, v56;
	v1 =	vmul.f32 $1.442695020e+00, v1  }
0x562: {  	v53 =	vmul.f32 $1.442695020e+00, v5  }
0x563: {  	v3 =	vsub.f32 v3, v56;
	v60 =	vmul.f32 $1.442695020e+00, v6;
	(erf) = vpow2.f32 v1  }
0x564: {  	v6 =	vsub.f32 v2, v56;
	(erf) = vpow2.f32 v53;
	v53 =	vsub.f32 v7, v56  }
0x565: {  	v9 =	vsub.f32 v55, v56;
	v0 =	vsub.f32 v0, v56;
	v3 =	vmul.f32 $1.442695020e+00, v3  }
0x566: {  	v55 =	vsub.f32 v63, v56;
	v1 =	vmul.f32 $1.442695020e+00, v6;
	(erf) = vpow2.f32 v60  }
0x567: {  	v63 =	vsub.f32 v40, v56;
	v40 =	vpop (erf);
	v0 =	vmul.f32 $1.442695020e+00, v0;
	(erf) = vpow2.f32 v3  }
0x568: {  	(erf) = vpow2.f32 v1;
	v1 =	vmul.f32 $1.442695020e+00, v53;
	v53 =	vpop (erf)  }
0x569: {  	v60 =	vsub.f32 v43, v56;
	(erf) = vpow2.f32 v0;
	v0 =	vmul.f32 $1.500000000e+01, v53;
	_ =	sdelay $0x1  }
0x56a: {  	v7 =	vmul.f32 $1.442695020e+00, v60;
	v60 =	vmul.f32 v0, v32  }
0x56b: {  	v2 =	vmul.f32 $1.442695020e+00, v9  }
0x56c: {  	v9 =	vmul.f32 $1.442695020e+00, v55;
	v55 =	vsub.f32 v30, v56;
	v30 =	vtrunc.f32 v60  }
0x56d: {  	v30 =	vcvt.f32.s32 v30;
	_ =	sdelay $0x1  }
0x56e: {  	v6 =	vmul.f32 $1.442695020e+00, v63;
	v63 =	vmul.f32 v0, v35;
	_ =	sdelay $0x1  }
0x56f: {  	v43 =	vsub.f32 v31, v56;
	v31 =	vtrunc.f32 v63  }
0x570: {  	v5 =	vmul.f32 $1.442695020e+00, v55;
	v31 =	vcvt.f32.s32 v31  }
0x571: {  	v55 =	vmul.f32 v0, v42;
	v42 =	vmul.f32 v0, v23;
	v23 =	vld.idx.msk [tilespmem:v30+s15+$0x0], $0xffff  }
0x572: {  	v63 =	vadd.s32 $0x10, v31  }
0x573: {  	v38 =	vmul.f32 v0, v38;
	_ =	sdelay $0x1  }
0x574: {  	v53 =	vmul.f32 v0, v41;
	v32 =	vtrunc.f32 v38  }
0x575: {  	v32 =	vcvt.f32.s32 v32;
	[tilespmem:$0x1FCB0] =	vst v23  }
0x576: {  	v34 =	vsub.f32 v34, v56;
	v35 =	vtrunc.f32 v53;
	v53 =	vld.idx.msk [tilespmem:v63+s15+$0x0], $0xffff  }
0x577: {  	v4 =	vmul.f32 $1.442695020e+00, v43;
	v43 =	vmul.f32 v0, v39;
	v39 =	vadd.s32 $0x20, v32;
	_ =	sdelay $0x1  }
0x578: {  	v3 =	vmul.f32 $1.442695020e+00, v34  }
0x579: {  	v34 =	vtrunc.f32 v43;
	v60 =	vmul.f32 v0, v28  }
0x57a: {  	(erf) = vpow2.f32 v4;
	v34 =	vcvt.f32.s32 v34;
	[tilespmem:$0x1FCC0] =	vst v53  }
0x57b: {  	(erf) = vpow2.f32 v5;
	v4 =	vtrunc.f32 v60;
	v60 =	vld.idx.msk [tilespmem:v39+s15+$0x0], $0xffff  }
0x57c: {  	v29 =	vmul.f32 v0, v29;
	v32 =	vmul.f32 v0, v24;
	v24 =	vadd.s32 $0x30, v34  }
0x57d: {  	(erf) = vpow2.f32 v3;
	v38 =	vtrunc.f32 v55  }
0x57e: {  	v29 =	vtrunc.f32 v29;
	v43 =	vmul.f32 v0, v46  }
0x57f: {  	v46 =	vmul.f32 v0, v49;
	v35 =	vcvt.f32.s32 v35  }
0x580: {  	v38 =	vcvt.f32.s32 v38;
	v3 =	vcvt.f32.s32 v4;
	v4 =	vpop (erf);
	[tilespmem:$0x1FCD0] =	vst v60  }
0x581: {  	v29 =	vcvt.f32.s32 v29;
	(erf) = vpow2.f32 v6;
	v5 =	vpop (erf);
	v24 =	vld.idx.msk [tilespmem:v24+s15+$0x0], $0xffff  }
0x582: {  	v34 =	vmul.f32 v0, v19;
	v55 =	vadd.s32 $0x40, v35;
	(erf) = vpow2.f32 v7;
	v7 =	vpop (erf)  }
0x583: {  	v35 =	vmul.f32 v0, v45;
	(erf) = vpow2.f32 v9;
	v9 =	vpop (erf)  }
0x584: {  	v45 =	vmul.f32 v0, v47;
	v31 =	vadd.s32 $0x60, v29;
	v63 =	vadd.s32 $0x50, v38;
	v39 =	vpop (erf)  }
0x585: {  	v47 =	vmul.f32 v0, v50;
	v6 =	vmul.f32 v0, v21;
	v23 =	vadd.f32 v53, v23;
	v41 =	vpop (erf)  }
0x586: {  	v3 =	vadd.s32 $0x70, v3;
	v38 =	vmul.f32 v0, v48;
	v53 =	vsub.f32 v57, v56;
	v48 =	vpop (erf);
	[tilespmem:$0x1FCE0] =	vst v24  }
0x587: {  	(erf) = vpow2.f32 v1;
	v49 =	vpop (erf);
	v1 =	vadd.f32 v60, v23;
	v28 =	vld.idx.msk [tilespmem:v55+s15+$0x0], $0xffff;
	v55 =	vtrunc.f32 v32  }
0x588: {  	(erf) = vpow2.f32 v2;
	v57 =	vadd.f32 v49, v48;
	v2 =	vcvt.f32.s32 v55  }
0x589: {  	v6 =	vtrunc.f32 v6;
	v60 =	vtrunc.f32 v42;
	v42 =	vpop (erf);
	v1 =	vadd.f32 v24, v1;
	v29 =	vld.idx.msk [tilespmem:v63+s15+$0x0], $0xffff  }
0x58a: {  	v32 =	vadd.f32 v57, v42;
	v63 =	vcvt.f32.s32 v60;
	v2 =	vadd.s32 $0x80, v2  }
0x58b: {  	v21 =	vtrunc.f32 v34;
	v19 =	vcvt.f32.s32 v6;
	v50 =	vpop (erf);
	v30 =	vld.idx.msk [tilespmem:v31+s15+$0x0], $0xffff  }
0x58c: {  	v32 =	vadd.f32 v32, v50;
	v55 =	vadd.s32 $0x90, v63;
	v1 =	vadd.f32 v28, v1  }
0x58d: {  	v10 =	vmul.f32 v0, v10;
	v31 =	vld.idx.msk [tilespmem:v3+s15+$0x0], $0xffff;
	v57 =	vpop (erf);
	v3 =	vcvt.f32.s32 v21  }
0x58e: {  	v23 =	vadd.f32 v32, v57;
	v32 =	vadd.s32 $0xA0, v19;
	v1 =	vadd.f32 v29, v1  }
0x58f: {  	v0 =	vmul.f32 $1.442695020e+00, v53;
	v53 =	vsub.f32 v58, v56;
	v60 =	vtrunc.f32 v35;
	v24 =	vld.idx.msk [tilespmem:v2+s15+$0x0], $0xffff  }
0x590: {  	v58 =	vpop (erf);
	v3 =	vadd.s32 $0xB0, v3;
	v2 =	vcvt.f32.s32 v60;
	v63 =	vadd.f32 v30, v1  }
0x591: {  	v19 =	vtrunc.f32 v43;
	v6 =	vadd.f32 v23, v58;
	v23 =	vld.idx.msk [tilespmem:v55+s15+$0x0], $0xffff  }
0x592: {  	v35 =	vcvt.f32.s32 v19;
	v2 =	vadd.s32 $0xC0, v2;
	v34 =	vadd.f32 v31, v63  }
0x593: {  	v37 =	vsub.f32 v37, v56;
	v10 =	vtrunc.f32 v10;
	v6 =	vadd.f32 v6, v41;
	v32 =	vld.idx.msk [tilespmem:v32+s15+$0x0], $0xffff  }
0x594: {  	v53 =	vmul.f32 $1.442695020e+00, v53;
	v35 =	vadd.s32 $0xD0, v35;
	v34 =	vadd.f32 v24, v34  }
0x595: {  	v60 =	vtrunc.f32 v45;
	v6 =	vadd.f32 v6, v39;
	v63 =	vsub.f32 v33, v56;
	v33 =	vld.idx.msk [tilespmem:v3+s15+$0x0], $0xffff  }
0x596: {  	(erf) = vpow2.f32 v0;
	v43 =	vcvt.f32.s32 v60;
	v55 =	vadd.f32 v23, v34  }
0x597: {  	v21 =	vtrunc.f32 v38;
	(erf) = vpow2.f32 v53;
	v6 =	vadd.f32 v6, v9;
	v34 =	vld.idx.msk [tilespmem:v2+s15+$0x0], $0xffff  }
0x598: {  	v53 =	vadd.s32 $0xE0, v43;
	v3 =	vcvt.f32.s32 v21;
	v43 =	vadd.f32 v32, v55  }
0x599: {  	v19 =	vsub.f32 v36, v56;
	v56 =	vtrunc.f32 v46;
	v21 =	vld.idx.msk [tilespmem:v35+s15+$0x0], $0xffff;
	v6 =	vadd.f32 v6, v7  }
0x59a: {  	v46 =	vcvt.f32.s32 v56;
	v3 =	vadd.s32 $0xF0, v3;
	v43 =	vadd.f32 v33, v43  }
0x59b: {  	v60 =	vtrunc.f32 v47;
	v45 =	vmul.f32 $1.442695020e+00, v63;
	v6 =	vadd.f32 v6, v5  }
0x59c: {  	v63 =	vadd.s32 $0x100, v46;
	v2 =	vcvt.f32.s32 v60;
	v43 =	vadd.f32 v34, v43  }
0x59d: {  	v36 =	vmul.f32 $1.442695020e+00, v19;
	(erf) = vpow2.f32 v45;
	v35 =	vld.idx.msk [tilespmem:v53+s15+$0x0], $0xffff;
	v6 =	vadd.f32 v6, v4  }
0x59e: {  	v10 =	vcvt.f32.s32 v10;
	v46 =	vpop (erf);
	v19 =	vadd.s32 $0x110, v2;
	v43 =	vadd.f32 v21, v43  }
0x59f: {  	(erf) = vpow2.f32 v36;
	v53 =	vmul.f32 $1.442695020e+00, v37;
	v36 =	vld.idx.msk [tilespmem:v3+s15+$0x0], $0xffff;
	v6 =	vadd.f32 v6, v46  }
0x5a0: {  	v10 =	vadd.s32 $0x120, v10;
	v47 =	vpop (erf)  }
0x5a1: {  	(erf) = vpow2.f32 v53;
	v37 =	vld.idx.msk [tilespmem:v63+s15+$0x0], $0xffff;
	v55 =	vadd.f32 v6, v47  }
0x5a2: {  	v56 =	vadd.f32 v35, v43;
	v43 =	vpop (erf)  }
0x5a3: {  	v38 =	vld.idx.msk [tilespmem:v19+s15+$0x0], $0xffff;
	v3 =	vadd.f32 v55, v43  }
0x5a4: {  	v60 =	vadd.f32 v36, v56;
	v53 =	vpop (erf)  }
0x5a5: {  	v19 =	vld.idx.msk [tilespmem:v10+s15+$0x0], $0xffff;
	v3 =	vadd.f32 v3, v53  }
0x5a6: {  	v63 =	vadd.f32 v37, v60;
	v45 =	vpop (erf)  }
0x5a7: {  	v3 =	vadd.f32 v3, v45  }
0x5a8: {  	v55 =	vpop (erf);
	v10 =	vadd.f32 v38, v63  }
0x5a9: {  	v3 =	vadd.f32 v3, v55  }
0x5aa: {  	v56 =	vpop (erf);
	v10 =	vadd.f32 v19, v10  }
0x5ab: {  	v3 =	vadd.f32 v3, v56  }
0x5ac: {  	(erf) = vrcp.f32 v10  }
0x5ad: {  	(erf) = vrcp.f32 v3;
	_ =	sdelay $0x5  }
0x5ae: {  	v60 =	vmul.f32 v8, v62;
	v62 =	vld [tilespmem:$0x1FDA0]  }
0x5af: {  	v63 =	vld [tilespmem:$0x1FDB0]  }
0x5b0: {  	v3 =	vpop (erf)  }
0x5b1: {  	v6 =	vpop (erf)  }
0x5b2: {  	v10 =	vmul.f32 $1.500000000e+01, v6  }
0x5b3: {  	v44 =	vmul.f32 v40, v44;
	v62 =	vmul.f32 v8, v62;
	v6 =	vld [tilespmem:$0x1FDC0]  }
0x5b4: {  	v63 =	vmul.f32 v8, v63;
	v48 =	vmul.f32 v10, v48  }
0x5b5: {  	v0 =	vmul.f32 v10, v49;
	v42 =	vmul.f32 v10, v42  }
0x5b6: {  	v1 =	vmul.f32 v10, v50;
	v41 =	vmul.f32 v10, v41  }
0x5b7: {  	v39 =	vmul.f32 v10, v39;
	v7 =	vmul.f32 v10, v7  }
0x5b8: {  	v5 =	vmul.f32 v10, v5;
	v2 =	vmul.f32 v8, v6;
	v6 =	vld [tilespmem:$0x1FDD0]  }
0x5b9: {  	v4 =	vmul.f32 v10, v4;
	v47 =	vmul.f32 v10, v47  }
0x5ba: {  	v43 =	vmul.f32 v10, v43;
	v53 =	vmul.f32 v10, v53  }
0x5bb: {  	v45 =	vmul.f32 v10, v45;
	v48 =	vtrunc.f32 v48  }
0x5bc: {  	v55 =	vmul.f32 v10, v55;
	v48 =	vcvt.f32.s32 v48  }
0x5bd: {  	v6 =	vmul.f32 v8, v6;
	v8 =	vtrunc.f32 v0  }
0x5be: {  	v42 =	vtrunc.f32 v42;
	v8 =	vcvt.f32.s32 v8  }
0x5bf: {  	v49 =	vtrunc.f32 v1;
	v1 =	vmul.f32 v10, v58  }
0x5c0: {  	v42 =	vcvt.f32.s32 v42;
	v49 =	vcvt.f32.s32 v49;
	v8 =	vadd.s32 $0x10, v8  }
0x5c1: {  	v0 =	vmul.f32 v10, v57;
	v57 =	vtrunc.f32 v1  }
0x5c2: {  	v56 =	vmul.f32 v10, v56;
	v42 =	vadd.s32 $0x20, v42;
	v57 =	vcvt.f32.s32 v57;
	v48 =	vld.idx.msk [tilespmem:v48+s15+$0x0], $0xffff  }
0x5c3: {  	v58 =	vmul.f32 v10, v9;
	v9 =	vadd.s32 $0x30, v49;
	v50 =	vtrunc.f32 v0;
	v0 =	vld [tilespmem:$0x1FDF0]  }
0x5c4: {  	v49 =	vmul.f32 v10, v46;
	v50 =	vcvt.f32.s32 v50;
	v10 =	vadd.s32 $0x50, v57;
	v57 =	vld [tilespmem:$0x1FDE0]  }
0x5c5: {  	v13 =	vmul.f32 v40, v13;
	v58 =	vtrunc.f32 v58;
	[tilespmem:s0+$0x17800] =	vst v59;
	v46 =	vld.idx.msk [tilespmem:v8+s15+$0x0], $0xffff  }
0x5c6: {  	v15 =	vmul.f32 v40, v15;
	v58 =	vcvt.f32.s32 v58;
	v59 =	vld [tilespmem:$0x1FE00];
	[tilespmem:s0+$0x18000] =	vst v54;
	v50 =	vadd.s32 $0x40, v50  }
0x5c7: {  	v41 =	vtrunc.f32 v41;
	v7 =	vtrunc.f32 v7;
	v42 =	vld.idx.msk [tilespmem:v42+s15+$0x0], $0xffff;
	[tilespmem:s0+$0x18800] =	vst v51  }
0x5c8: {  	v5 =	vtrunc.f32 v5;
	v41 =	vcvt.f32.s32 v41;
	v54 =	vadd.s32 $0x80, v58;
	v58 =	vld [tilespmem:$0x1FE10];
	[tilespmem:s0+$0x19000] =	vst v52  }
0x5c9: {  	v4 =	vtrunc.f32 v4;
	v1 =	vtrunc.f32 v39;
	[tilespmem:s0+$0x19800] =	vst v60;
	v8 =	vld.idx.msk [tilespmem:v9+s15+$0x0], $0xffff  }
0x5ca: {  	v41 =	vadd.s32 $0x60, v41;
	v39 =	vcvt.f32.s32 v1;
	[tilespmem:s0+$0x1A000] =	vst v62;
	v9 =	vadd.f32 v46, v48  }
0x5cb: {  	v43 =	vtrunc.f32 v43;
	v7 =	vcvt.f32.s32 v7;
	[tilespmem:s0+$0x1A800] =	vst v63;
	v50 =	vld.idx.msk [tilespmem:v50+s15+$0x0], $0xffff  }
0x5cc: {  	v5 =	vcvt.f32.s32 v5;
	v39 =	vadd.s32 $0x70, v39;
	[tilespmem:s1+$0x1C000] =	vst v44;
	v9 =	vadd.f32 v42, v9  }
0x5cd: {  	[tilespmem:s0+$0x1B000] =	vst v2;
	v1 =	vmul.f32 v40, v0;
	v0 =	vmul.f32 v40, v59;
	v59 =	vld.idx.msk [tilespmem:v10+s15+$0x0], $0xffff  }
0x5ce: {  	v4 =	vcvt.f32.s32 v4;
	v49 =	vtrunc.f32 v49;
	[tilespmem:s0+$0x1B800] =	vst v6;
	v9 =	vadd.f32 v8, v9  }
0x5cf: {  	v7 =	vadd.s32 $0x90, v7;
	v41 =	vld.idx.msk [tilespmem:v41+s15+$0x0], $0xffff;
	v52 =	vmul.f32 v40, v61;
	v63 =	vcvt.f32.s32 v49;
	[tilespmem:s1+$0x16800] =	vst v13  }
0x5d0: {  	v2 =	vmul.f32 v40, v12;
	v49 =	vtrunc.f32 v47;
	[tilespmem:s1+$0x17800] =	vst v15;
	v9 =	vadd.f32 v50, v9  }
0x5d1: {  	v5 =	vadd.s32 $0xA0, v5;
	v61 =	vmul.f32 v40, v14;
	v62 =	vtrunc.f32 v53;
	[tilespmem:s1+$0x15000] =	vst v52;
	v10 =	vld.idx.msk [tilespmem:v39+s15+$0x0], $0xffff  }
0x5d2: {  	v47 =	vmul.f32 v40, v16;
	v53 =	vtrunc.f32 v56;
	[tilespmem:s1+$0x16000] =	vst v2;
	v9 =	vadd.f32 v59, v9  }
0x5d3: {  	v4 =	vadd.s32 $0xB0, v4;
	v56 =	vmul.f32 v40, v18;
	[tilespmem:s1+$0x17000] =	vst v61;
	v39 =	vmul.f32 v40, v11;
	v11 =	vld.idx.msk [tilespmem:v54+s15+$0x0], $0xffff  }
0x5d4: {  	v14 =	vcvt.f32.s32 v62;
	v62 =	vmul.f32 v40, v26;
	[tilespmem:s1+$0x18000] =	vst v47;
	v9 =	vadd.f32 v41, v9  }
0x5d5: {  	v12 =	vld.idx.msk [tilespmem:v7+s15+$0x0], $0xffff;
	v60 =	vcvt.f32.s32 v43;
	v7 =	vcvt.f32.s32 v49;
	[tilespmem:s1+$0x19000] =	vst v56  }
0x5d6: {  	v52 =	vmul.f32 v40, v17;
	[tilespmem:s1+$0x1B000] =	vst v62;
	v54 =	vadd.s32 $0xC0, v63;
	v9 =	vadd.f32 v10, v9  }
0x5d7: {  	v5 =	vld.idx.msk [tilespmem:v5+s15+$0x0], $0xffff;
	v61 =	vmul.f32 v3, v19;
	v57 =	vmul.f32 v40, v57;
	[tilespmem:s1+$0x13800] =	vst v1  }
0x5d8: {  	[tilespmem:s1+$0x18800] =	vst v52;
	v51 =	vmul.f32 v40, v58;
	v58 =	vadd.s32 $0xD0, v7;
	v9 =	vadd.f32 v11, v9  }
0x5d9: {  	v4 =	vld.idx.msk [tilespmem:v4+s15+$0x0], $0xffff;
	[tilespmem:s6+$0x1C000] =	vst v61  }
0x5da: {  	[tilespmem:s1+$0x13000] =	vst v57;
	v7 =	vadd.s32 $0xE0, v60;
	v9 =	vadd.f32 v12, v9  }
0x5db: {  	v49 =	vtrunc.f32 v55;
	v14 =	vadd.s32 $0xF0, v14;
	v63 =	vtrunc.f32 v45;
	[tilespmem:s1+$0x14000] =	vst v0;
	v6 =	vld.idx.msk [tilespmem:v54+s15+$0x0], $0xffff  }
0x5dc: {  	v45 =	vcvt.f32.s32 v63;
	v57 =	vmul.f32 v40, v20;
	[tilespmem:s1+$0x15800] =	vst v39;
	v9 =	vadd.f32 v5, v9  }
0x5dd: {  	v16 =	vcvt.f32.s32 v49;
	v60 =	vmul.f32 v40, v25;
	[tilespmem:s1+$0x14800] =	vst v51;
	v1 =	vld.idx.msk [tilespmem:v58+s15+$0x0], $0xffff  }
0x5de: {  	v51 =	vadd.s32 $0x100, v45;
	[tilespmem:s1+$0x19800] =	vst v57;
	v58 =	vmul.f32 v40, v22;
	v9 =	vadd.f32 v4, v9  }
0x5df: {  	v63 =	vmul.f32 v40, v27;
	[tilespmem:s1+$0x1A800] =	vst v60;
	v7 =	vld.idx.msk [tilespmem:v7+s15+$0x0], $0xffff  }
0x5e0: {  	v55 =	vcvt.f32.s32 v53;
	v14 =	vld.idx.msk [tilespmem:v14+s15+$0x0], $0xffff;
	v54 =	vadd.s32 $0x110, v16;
	[tilespmem:s1+$0x1A000] =	vst v58;
	v9 =	vadd.f32 v6, v9  }
0x5e1: {  	v0 =	vld [tilespmem:$0x1FCB0];
	[tilespmem:s1+$0x1B800] =	vst v63  }
0x5e2: {  	v16 =	vadd.s32 $0x120, v55;
	v22 =	vld [tilespmem:$0x1FCC0];
	v9 =	vadd.f32 v1, v9  }
0x5e3: {  	v13 =	vld.idx.msk [tilespmem:v51+s15+$0x0], $0xffff  }
0x5e4: {  	v9 =	vadd.f32 v7, v9  }
0x5e5: {  	v15 =	vld.idx.msk [tilespmem:v54+s15+$0x0], $0xffff  }
0x5e6: {  	v0 =	vmul.f32 v3, v0;
	v9 =	vadd.f32 v14, v9  }
0x5e7: {  	v20 =	vld.idx.msk [tilespmem:v16+s15+$0x0], $0xffff;
	v16 =	vmul.f32 v3, v22  }
0x5e8: {  	v25 =	vmul.f32 v3, v28;
	[tilespmem:s6+$0x13000] =	vst v0;
	v9 =	vadd.f32 v13, v9  }
0x5e9: {  	v26 =	vmul.f32 v3, v29;
	v0 =	vld [tilespmem:$0x1FCD0];
	[tilespmem:s6+$0x13800] =	vst v16  }
0x5ea: {  	v27 =	vmul.f32 v3, v30;
	v16 =	vld [tilespmem:$0x1FCE0];
	[tilespmem:s6+$0x15000] =	vst v25;
	v9 =	vadd.f32 v15, v9  }
0x5eb: {  	v28 =	vmul.f32 v3, v31;
	[tilespmem:s6+$0x15800] =	vst v26  }
0x5ec: {  	v29 =	vmul.f32 v3, v24;
	[tilespmem:s6+$0x16000] =	vst v27;
	v9 =	vadd.f32 v20, v9  }
0x5ed: {  	v30 =	vmul.f32 v3, v23;
	[tilespmem:s6+$0x16800] =	vst v28  }
0x5ee: {  	v31 =	vmul.f32 v3, v32;
	[tilespmem:s6+$0x17000] =	vst v29;
	(erf) = vrcp.f32 v9  }
0x5ef: {  	v32 =	vmul.f32 v3, v33;
	[tilespmem:s6+$0x17800] =	vst v30  }
0x5f0: {  	v33 =	vmul.f32 v3, v34;
	[tilespmem:s6+$0x18000] =	vst v31  }
0x5f1: {  	v34 =	vmul.f32 v3, v21;
	[tilespmem:s6+$0x18800] =	vst v32  }
0x5f2: {  	v35 =	vmul.f32 v3, v35;
	[tilespmem:s6+$0x19000] =	vst v33  }
0x5f3: {  	v39 =	vmul.f32 v3, v36;
	[tilespmem:s6+$0x19800] =	vst v34  }
0x5f4: {  	v44 =	vmul.f32 v3, v37;
	[tilespmem:s6+$0x1A000] =	vst v35  }
0x5f5: {  	[tilespmem:s6+$0x1A800] =	vst v39;
	v0 =	vmul.f32 v3, v0  }
0x5f6: {  	[tilespmem:s6+$0x1B000] =	vst v44;
	v16 =	vmul.f32 v3, v16  }
0x5f7: {  	v3 =	vmul.f32 v3, v38;
	[tilespmem:s6+$0x14000] =	vst v0;
	v40 =	vpop (erf)  }
0x5f8: {  	[tilespmem:s6+$0x14800] =	vst v16;
	v43 =	vmul.f32 v40, v20  }
0x5f9: {  	[tilespmem:s6+$0x1B800] =	vst v3;
	v45 =	vmul.f32 v40, v48  }
0x5fa: {  	v47 =	vmul.f32 v40, v46;
	[tilespmem:s9+$0x1C000] =	vst v43  }
0x5fb: {  	v48 =	vmul.f32 v40, v42;
	[tilespmem:s9+$0x13000] =	vst v45  }
0x5fc: {  	v49 =	vmul.f32 v40, v8;
	[tilespmem:s9+$0x13800] =	vst v47  }
0x5fd: {  	v51 =	vmul.f32 v40, v50;
	[tilespmem:s9+$0x14000] =	vst v48  }
0x5fe: {  	v52 =	vmul.f32 v40, v59;
	[tilespmem:s9+$0x14800] =	vst v49  }
0x5ff: {  	v53 =	vmul.f32 v40, v41;
	[tilespmem:s9+$0x15000] =	vst v51  }
0x600: {  	v54 =	vmul.f32 v40, v10;
	[tilespmem:s9+$0x15800] =	vst v52  }
0x601: {  	v55 =	vmul.f32 v40, v11;
	[tilespmem:s9+$0x16000] =	vst v53  }
0x602: {  	v56 =	vmul.f32 v40, v12;
	[tilespmem:s9+$0x16800] =	vst v54  }
0x603: {  	v57 =	vmul.f32 v40, v5;
	[tilespmem:s9+$0x17000] =	vst v55  }
0x604: {  	v58 =	vmul.f32 v40, v4;
	[tilespmem:s9+$0x17800] =	vst v56  }
0x605: {  	v59 =	vmul.f32 v40, v6;
	[tilespmem:s9+$0x18000] =	vst v57  }
0x606: {  	v1 =	vmul.f32 v40, v1;
	[tilespmem:s9+$0x18800] =	vst v58  }
0x607: {  	s28 =	sadd.s32 s30, s10;
	v60 =	vmul.f32 v40, v7;
	[tilespmem:s9+$0x19000] =	vst v59  }
0x608: {  	p0 =	seq.s32 s29, $0x4;
	s0 =	sshll.u32 s28, $0x9;
	v61 =	vmul.f32 v40, v14;
	[tilespmem:s9+$0x19800] =	vst v1  }
.Ltmp3:
0x609: {  	s0 =	sadd.s32 s5, s0;
	v62 =	vmul.f32 v40, v13;
	[tilespmem:s9+$0x1A000] =	vst v60;
	(pc) =	sbr.rel @p0 .LBB2_10-.Ltmp3, $4  }
0x60a: {  	s0 =	sor.u32 s31, s0;
	v63 =	vmul.f32 v40, v15;
	[tilespmem:s9+$0x1A800] =	vst v61  }
0x60b: {  	s0 =	sshrl.u32 s0, $0x3;
	[tilespmem:s9+$0x1B000] =	vst v62  }
0x60c: {  	s0 =	sadd.s32 s3, s0;
	[tilespmem:s9+$0x1B800] =	vst v63  }
0x60d: {  	[hbm4b:s0+s17] =	stream.strided.scatter [tilespmem:s21], [sflag:$0x6], $0x9800, s18, s17, $0x38;
	[tilespmem:$0x1C980] =	vst v63  }
0x60e: {  	s0 =	sadd.s32 s30, s12  }
0x60f: {  	s0 =	sshll.u32 s0, $0x9  }
.Ltmp4:
0x610: {  	s0 =	sadd.s32 s5, s0;
	(pc) =	sbr.rel .LBB2_2-.Ltmp4, $4  }
0x611: {  	_ =	swait.ge [sflag:s25], $0x9800;
	s0 =	sor.u32 s31, s0  }
0x612: {  	s29 =	sadd.s32 $0x1, s29;
	[sflag:s25] =	ssyncset.done $0x0;
	s0 =	sshrl.u32 s0, $0x3  }
0x613: {  	s4 =	simm.s32 $0x0;
	[sflag:s25] =	ssyncadd.s32 $0xFFFF6800;
	s0 =	sadd.s32 s2, s0  }
0x614: {  	[tilespmem:s19], [sflag:$0x2] =	stream.strided.gather [hbm4b:s0+s17], $0x9800, s18, s17, $0x38;
	[tilespmem:$0x1C980] =	vst v63  }
.LBB2_10:
0x615: {  	s0 =	simm.s32 $0x0  }
0x616: {  	_ =	swait.ge [sflag:s20], $0x9800;
	s1 =	sand.u32 $0x400, s0;
	s4 =	sand.u32 $0x380, s0  }
0x617: {  	[sflag:s20] =	ssyncset.done $0x0;
	s0 =	sand.u32 $0x70, s0;
	s1 =	sor.u32 s4, s1  }
0x618: {  	[sflag:s20] =	ssyncadd.s32 $0xFFFF6800;
	s0 =	sor.u32 s0, s1  }
0x619: {  	v0 =	vld [tilespmem:s0+$0x0]  }
0x61a: {  	v1 =	vld [tilespmem:s0+$0x800]  }
0x61b: {  	v2 =	vld [tilespmem:s0+$0x1000]  }
0x61c: {  	v3 =	vld [tilespmem:s0+$0x1800]  }
0x61d: {  	v4 =	vld [tilespmem:s0+$0x2000]  }
0x61e: {  	v5 =	vld [tilespmem:s0+$0x2800]  }
0x61f: {  	v7 =	vld [tilespmem:s0+$0x3000];
	v6 =	vmax.f32 v0, v1  }
0x620: {  	v8 =	vld [tilespmem:s0+$0x3800];
	v6 =	vmax.f32 v6, v2  }
0x621: {  	v9 =	vld [tilespmem:s0+$0x4000];
	v6 =	vmax.f32 v6, v3  }
0x622: {  	v10 =	vld [tilespmem:s0+$0x4800];
	v6 =	vmax.f32 v6, v4  }
0x623: {  	v11 =	vld [tilespmem:s0+$0x5000];
	v6 =	vmax.f32 v6, v5  }
0x624: {  	v12 =	vld [tilespmem:s0+$0x5800];
	v6 =	vmax.f32 v6, v7  }
0x625: {  	v13 =	vld [tilespmem:s0+$0x6000];
	v6 =	vmax.f32 v6, v8  }
0x626: {  	v14 =	vld [tilespmem:s0+$0x6800];
	v6 =	vmax.f32 v6, v9  }
0x627: {  	v16 =	vld [tilespmem:s0+$0x7000];
	v6 =	vmax.f32 v6, v10  }
0x628: {  	v17 =	vld [tilespmem:s0+$0x7800];
	v6 =	vmax.f32 v6, v11  }
0x629: {  	v18 =	vld [tilespmem:s0+$0x8000];
	v6 =	vmax.f32 v6, v12  }
0x62a: {  	v19 =	vld [tilespmem:s0+$0x8800];
	v6 =	vmax.f32 v6, v13  }
0x62b: {  	v20 =	vld [tilespmem:s0+$0x9000];
	v6 =	vmax.f32 v6, v14  }
0x62c: {  	v6 =	vmax.f32 v6, v16  }
0x62d: {  	v6 =	vmax.f32 v6, v17  }
0x62e: {  	v6 =	vmax.f32 v6, v18  }
0x62f: {  	v6 =	vmax.f32 v6, v19  }
0x630: {  	v21 =	vmax.f32 v6, v20  }
0x631: {  	v6 =	vsub.f32 v12, v21  }
0x632: {  	v11 =	vsub.f32 v11, v21  }
0x633: {  	v10 =	vsub.f32 v10, v21;
	v6 =	vmul.f32 $1.442695020e+00, v6  }
0x634: {  	v9 =	vsub.f32 v9, v21;
	v11 =	vmul.f32 $1.442695020e+00, v11  }
0x635: {  	v8 =	vsub.f32 v8, v21;
	v10 =	vmul.f32 $1.442695020e+00, v10;
	(erf) = vpow2.f32 v6  }
0x636: {  	v6 =	vsub.f32 v7, v21;
	v7 =	vmul.f32 $1.442695020e+00, v9;
	(erf) = vpow2.f32 v11  }
0x637: {  	v0 =	vsub.f32 v0, v21;
	v8 =	vmul.f32 $1.442695020e+00, v8;
	(erf) = vpow2.f32 v10  }
0x638: {  	v1 =	vsub.f32 v1, v21;
	v6 =	vmul.f32 $1.442695020e+00, v6;
	(erf) = vpow2.f32 v7  }
0x639: {  	v0 =	vmul.f32 $1.442695020e+00, v0;
	(erf) = vpow2.f32 v8  }
0x63a: {  	v1 =	vmul.f32 $1.442695020e+00, v1;
	(erf) = vpow2.f32 v6  }
0x63b: {  	v2 =	vsub.f32 v2, v21;
	(erf) = vpow2.f32 v0;
	v0 =	vsub.f32 v3, v21  }
0x63c: {  	(erf) = vpow2.f32 v1  }
0x63d: {  	v2 =	vmul.f32 $1.442695020e+00, v2;
	v0 =	vmul.f32 $1.442695020e+00, v0  }
0x63e: {  	v1 =	vsub.f32 v4, v21;
	v3 =	vpop (erf)  }
0x63f: {  	(erf) = vpow2.f32 v2;
	v4 =	vpop (erf)  }
0x640: {  	v7 =	vpop (erf)  }
0x641: {  	v2 =	vsub.f32 v5, v21;
	v5 =	vmul.f32 $1.442695020e+00, v1;
	(erf) = vpow2.f32 v0;
	v0 =	vpop (erf)  }
0x642: {  	v1 =	vpop (erf)  }
0x643: {  	v2 =	vmul.f32 $1.442695020e+00, v2;
	(erf) = vpow2.f32 v5;
	v9 =	vpop (erf)  }
0x644: {  	v15 =	vpop (erf)  }
0x645: {  	(erf) = vpow2.f32 v2;
	v5 =	vpop (erf)  }
0x646: {  	v6 =	vadd.f32 v5, v15;
	_ =	sdelay $0x1  }
0x647: {  	v2 =	vpop (erf)  }
0x648: {  	v8 =	vadd.f32 v6, v2  }
0x649: {  	v6 =	vpop (erf)  }
0x64a: {  	v8 =	vadd.f32 v8, v6  }
0x64b: {  	v11 =	vpop (erf)  }
0x64c: {  	v8 =	vadd.f32 v8, v11  }
0x64d: {  	s26 =	simm.s32 $0x8;
	s28 =	simm.s32 $0x80;
	v12 =	vpop (erf)  }
0x64e: {  	s6 =	simm.s32 $0x10;
	s4 =	sand.u32 $0x400, s28;
	s1 =	sand.u32 $0x380, s26;
	v10 =	vsub.f32 v13, v21;
	v8 =	vadd.f32 v8, v12  }
0x64f: {  	s6 =	sand.u32 $0x70, s6;
	s1 =	sor.u32 s1, s4  }
0x650: {  	s1 =	sor.u32 s6, s1;
	v13 =	vsub.f32 v14, v21;
	v10 =	vmul.f32 $1.442695020e+00, v10;
	v8 =	vadd.f32 v8, v9  }
0x651: {  	v26 =	vld [tilespmem:s1+$0x0];
	v14 =	vsub.f32 v16, v21  }
0x652: {  	v27 =	vld [tilespmem:s1+$0x800];
	v13 =	vmul.f32 $1.442695020e+00, v13;
	(erf) = vpow2.f32 v10;
	v8 =	vadd.f32 v8, v1  }
0x653: {  	v28 =	vld [tilespmem:s1+$0x1000];
	v16 =	vsub.f32 v17, v21  }
0x654: {  	v29 =	vld [tilespmem:s1+$0x1800];
	v14 =	vmul.f32 $1.442695020e+00, v14;
	(erf) = vpow2.f32 v13;
	v8 =	vadd.f32 v8, v0  }
0x655: {  	v24 =	vld [tilespmem:s1+$0x2000];
	v17 =	vsub.f32 v18, v21  }
0x656: {  	v13 =	vmul.f32 $1.442695020e+00, v16;
	v16 =	vld [tilespmem:s1+$0x2800];
	(erf) = vpow2.f32 v14;
	v8 =	vadd.f32 v8, v7  }
0x657: {  	v30 =	vld [tilespmem:s1+$0x3000];
	v17 =	vmul.f32 $1.442695020e+00, v17;
	v10 =	vmax.f32 v26, v27  }
0x658: {  	v31 =	vld [tilespmem:s1+$0x3800];
	v10 =	vmax.f32 v10, v28;
	(erf) = vpow2.f32 v13;
	v8 =	vadd.f32 v8, v4  }
0x659: {  	v32 =	vld [tilespmem:s1+$0x4000];
	v10 =	vmax.f32 v10, v29;
	v14 =	vsub.f32 v19, v21  }
0x65a: {  	v10 =	vmax.f32 v10, v24;
	(erf) = vpow2.f32 v17;
	v17 =	vld [tilespmem:s1+$0x4800];
	v8 =	vadd.f32 v8, v3  }
0x65b: {  	v33 =	vld [tilespmem:s1+$0x5000];
	v13 =	vmul.f32 $1.442695020e+00, v14;
	v14 =	vsub.f32 v20, v21;
	v19 =	vpop (erf);
	v10 =	vmax.f32 v10, v16  }
0x65c: {  	v34 =	vld [tilespmem:s1+$0x5800];
	v10 =	vmax.f32 v10, v30;
	v8 =	vadd.f32 v8, v19  }
0x65d: {  	v35 =	vld [tilespmem:s1+$0x6000];
	v14 =	vmul.f32 $1.442695020e+00, v14;
	(erf) = vpow2.f32 v13;
	v10 =	vmax.f32 v10, v31;
	v21 =	vpop (erf)  }
0x65e: {  	v36 =	vld [tilespmem:s1+$0x6800];
	v10 =	vmax.f32 v10, v32;
	v8 =	vadd.f32 v8, v21  }
0x65f: {  	v38 =	vld [tilespmem:s1+$0x7000];
	(erf) = vpow2.f32 v14;
	v10 =	vmax.f32 v10, v17;
	v25 =	vpop (erf)  }
0x660: {  	v37 =	vld [tilespmem:s1+$0x7800];
	v10 =	vmax.f32 v10, v33;
	v8 =	vadd.f32 v8, v25  }
0x661: {  	v13 =	vld [tilespmem:s1+$0x8000];
	v23 =	vpop (erf);
	v14 =	vmax.f32 v10, v34  }
0x662: {  	v10 =	vld [tilespmem:s1+$0x8800];
	v14 =	vmax.f32 v14, v35;
	v18 =	vadd.f32 v8, v23  }
0x663: {  	v22 =	vpop (erf);
	v14 =	vmax.f32 v14, v36;
	v8 =	vld [tilespmem:s1+$0x9000]  }
0x664: {  	v14 =	vmax.f32 v14, v38;
	v18 =	vadd.f32 v18, v22  }
0x665: {  	v14 =	vmax.f32 v14, v37  }
0x666: {  	v20 =	vpop (erf);
	v14 =	vmax.f32 v14, v13  }
0x667: {  	v14 =	vmax.f32 v14, v10;
	v39 =	vadd.f32 v18, v20  }
0x668: {  	v14 =	vmax.f32 v14, v8;
	v18 =	vpop (erf)  }
0x669: {  	v36 =	vsub.f32 v36, v14;
	v39 =	vadd.f32 v39, v18  }
0x66a: {  	v34 =	vsub.f32 v34, v14;
	v35 =	vsub.f32 v35, v14  }
0x66b: {  	v60 =	vsub.f32 v17, v14;
	v33 =	vsub.f32 v33, v14;
	(erf) = vrcp.f32 v39  }
0x66c: {  	v31 =	vsub.f32 v31, v14;
	v32 =	vsub.f32 v32, v14  }
0x66d: {  	v16 =	vsub.f32 v16, v14;
	v30 =	vsub.f32 v30, v14;
	v17 =	vmul.f32 $1.442695020e+00, v36  }
0x66e: {  	v61 =	vsub.f32 v24, v14;
	v34 =	vmul.f32 $1.442695020e+00, v34;
	v24 =	vmul.f32 $1.442695020e+00, v35  }
0x66f: {  	v29 =	vsub.f32 v29, v14;
	v62 =	vmul.f32 $1.442695020e+00, v60;
	v33 =	vmul.f32 $1.442695020e+00, v33  }
0x670: {  	v26 =	vsub.f32 v26, v14;
	v31 =	vmul.f32 $1.442695020e+00, v31;
	v32 =	vmul.f32 $1.442695020e+00, v32  }
0x671: {  	v16 =	vmul.f32 $1.442695020e+00, v16;
	v30 =	vmul.f32 $1.442695020e+00, v30  }
0x672: {  	v28 =	vsub.f32 v28, v14;
	v29 =	vmul.f32 $1.442695020e+00, v29;
	v63 =	vmul.f32 $1.442695020e+00, v61  }
0x673: {  	v47 =	vmul.f32 $1.442695020e+00, v26;
	(erf) = vpow2.f32 v34  }
0x674: {  	v27 =	vsub.f32 v27, v14;
	v28 =	vmul.f32 $1.442695020e+00, v28;
	v26 =	vpop (erf);
	(erf) = vpow2.f32 v33  }
0x675: {  	v26 =	vmul.f32 $1.500000000e+01, v26;
	(erf) = vpow2.f32 v62  }
0x676: {  	v27 =	vmul.f32 $1.442695020e+00, v27;
	(erf) = vpow2.f32 v32  }
0x677: {  	v15 =	vmul.f32 v26, v15;
	v48 =	vmul.f32 v26, v5  }
0x678: {  	v49 =	vmul.f32 v26, v2;
	v51 =	vmul.f32 v26, v6  }
0x679: {  	v53 =	vmul.f32 v26, v11;
	(erf) = vpow2.f32 v31  }
0x67a: {  	v12 =	vmul.f32 v26, v12;
	v9 =	vmul.f32 v26, v9  }
0x67b: {  	v1 =	vmul.f32 v26, v1;
	v59 =	vmul.f32 v26, v4  }
0x67c: {  	v3 =	vmul.f32 v26, v3;
	v62 =	vmul.f32 v26, v19  }
0x67d: {  	v25 =	vmul.f32 v26, v25;
	v22 =	vmul.f32 v26, v22  }
0x67e: {  	v2 =	vtrunc.f32 v15;
	v15 =	vtrunc.f32 v48  }
0x67f: {  	v50 =	vcvt.f32.s32 v2;
	v15 =	vcvt.f32.s32 v15  }
0x680: {  	v20 =	vmul.f32 v26, v20;
	(erf) = vpow2.f32 v30  }
0x681: {  	v34 =	vtrunc.f32 v49;
	v35 =	vtrunc.f32 v51;
	v15 =	vadd.s32 $0x10, v15  }
0x682: {  	v12 =	vtrunc.f32 v12;
	(erf) = vpow2.f32 v47  }
0x683: {  	v9 =	vtrunc.f32 v9;
	v52 =	vcvt.f32.s32 v34  }
0x684: {  	v1 =	vtrunc.f32 v1;
	v3 =	vtrunc.f32 v3  }
0x685: {  	v25 =	vtrunc.f32 v25;
	v31 =	vcvt.f32.s32 v35;
	v30 =	vadd.s32 $0x20, v52;
	v33 =	vld.idx.msk [tilespmem:v50+s15+$0x0], $0xffff  }
0x686: {  	v34 =	vtrunc.f32 v53;
	(erf) = vpow2.f32 v27;
	v36 =	vld.idx.msk [tilespmem:v15+s15+$0x0], $0xffff  }
0x687: {  	v31 =	vadd.s32 $0x30, v31;
	v15 =	vcvt.f32.s32 v9;
	v9 =	vmul.f32 v26, v0  }
0x688: {  	v57 =	vcvt.f32.s32 v12;
	v55 =	vcvt.f32.s32 v34;
	v12 =	vpop (erf)  }
0x689: {  	s29 =	simm.s32 $0x10;
	s30 =	simm.s32 $0x100;
	v32 =	vsub.f32 v37, v14;
	v22 =	vtrunc.f32 v22;
	(erf) = vpow2.f32 v28;
	v0 =	vpop (erf)  }
0x68a: {  	s8 =	simm.s32 $0x20;
	s4 =	sand.u32 $0x380, s29;
	s6 =	sand.u32 $0x400, s30;
	v27 =	vadd.s32 $0x40, v55;
	v37 =	vld.idx.msk [tilespmem:v30+s15+$0x0], $0xffff;
	v30 =	vcvt.f32.s32 v1;
	v1 =	vpop (erf);
	(erf) = vpow2.f32 v29  }
0x68b: {  	s8 =	sand.u32 $0x70, s8;
	s4 =	sor.u32 s4, s6;
	v58 =	vtrunc.f32 v9;
	v40 =	vadd.s32 $0x60, v15;
	v9 =	vpop (erf);
	v15 =	vadd.f32 v36, v33  }
0x68c: {  	s6 =	sor.u32 s8, s4;
	v20 =	vtrunc.f32 v20;
	v47 =	vld.idx.msk [tilespmem:v31+s15+$0x0], $0xffff;
	v31 =	vmul.f32 v26, v7;
	v7 =	vpop (erf)  }
0x68d: {  	v5 =	vld [tilespmem:s6+$0x0];
	v3 =	vcvt.f32.s32 v3;
	v28 =	vadd.s32 $0x50, v57;
	v4 =	vpop (erf);
	(erf) = vpow2.f32 v63  }
0x68e: {  	v6 =	vld [tilespmem:s6+$0x1000];
	v25 =	vcvt.f32.s32 v25;
	v30 =	vadd.s32 $0x70, v30;
	v29 =	vcvt.f32.s32 v58  }
0x68f: {  	v11 =	vld [tilespmem:s6+$0x1800];
	v31 =	vtrunc.f32 v31;
	v41 =	vadd.f32 v37, v15;
	v15 =	vpop (erf);
	(erf) = vpow2.f32 v16  }
0x690: {  	v48 =	vld.idx.msk [tilespmem:v27+s15+$0x0], $0xffff;
	v31 =	vcvt.f32.s32 v31;
	v60 =	vadd.s32 $0x80, v29;
	v29 =	vtrunc.f32 v59;
	v16 =	vpop (erf)  }
0x691: {  	v2 =	vld [tilespmem:s6+$0x800];
	v20 =	vcvt.f32.s32 v20;
	v42 =	vcvt.f32.s32 v29;
	v43 =	vadd.f32 v16, v15  }
0x692: {  	v3 =	vadd.s32 $0xB0, v3;
	v49 =	vld.idx.msk [tilespmem:v28+s15+$0x0], $0xffff;
	v27 =	vadd.s32 $0x90, v31;
	v31 =	vtrunc.f32 v62;
	v19 =	vpop (erf)  }
0x693: {  	v53 =	vld [tilespmem:s6+$0x5800];
	v28 =	vadd.s32 $0xA0, v42;
	v61 =	vadd.f32 v47, v41;
	v43 =	vadd.f32 v43, v19  }
0x694: {  	v25 =	vadd.s32 $0xE0, v25;
	v63 =	vmul.f32 v26, v21;
	v31 =	vcvt.f32.s32 v31;
	v51 =	vld.idx.msk [tilespmem:v40+s15+$0x0], $0xffff;
	v21 =	vpop (erf)  }
0x695: {  	v20 =	vadd.s32 $0x110, v20;
	v50 =	vld.idx.msk [tilespmem:v30+s15+$0x0], $0xffff;
	v35 =	vadd.f32 v48, v61;
	v45 =	vadd.f32 v43, v21  }
0x696: {  	v54 =	vmax.f32 v5, v2;
	v30 =	vadd.s32 $0xC0, v31;
	v31 =	vmul.f32 v26, v23;
	v59 =	vld.idx.msk [tilespmem:v60+s15+$0x0], $0xffff;
	v23 =	vpop (erf)  }
0x697: {  	v56 =	vmax.f32 v54, v6;
	v52 =	vld.idx.msk [tilespmem:v27+s15+$0x0], $0xffff;
	v35 =	vadd.f32 v49, v35;
	v27 =	vadd.f32 v45, v23  }
0x698: {  	v22 =	vcvt.f32.s32 v22;
	v34 =	vmax.f32 v56, v11;
	v54 =	vld.idx.msk [tilespmem:v28+s15+$0x0], $0xffff;
	v28 =	vpop (erf)  }
0x699: {  	v56 =	vld.idx.msk [tilespmem:v3+s15+$0x0], $0xffff;
	v41 =	vtrunc.f32 v63;
	v3 =	vadd.f32 v27, v28;
	v27 =	vadd.f32 v51, v35  }
0x69a: {  	v22 =	vadd.s32 $0x100, v22;
	v44 =	vld.idx.msk [tilespmem:v20+s15+$0x0], $0xffff;
	v41 =	vcvt.f32.s32 v41;
	v31 =	vtrunc.f32 v31  }
0x69b: {  	v18 =	vmul.f32 v26, v18;
	v58 =	vld.idx.msk [tilespmem:v25+s15+$0x0], $0xffff;
	v31 =	vcvt.f32.s32 v31;
	v26 =	vadd.f32 v50, v27  }
0x69c: {  	v25 =	vld [tilespmem:s6+$0x3000];
	v46 =	vadd.s32 $0xD0, v41;
	v3 =	vadd.f32 v3, v4  }
0x69d: {  	(erf) = vpow2.f32 v24;
	v60 =	vld.idx.msk [tilespmem:v30+s15+$0x0], $0xffff;
	v30 =	vadd.s32 $0xF0, v31;
	v24 =	vadd.f32 v59, v26  }
0x69e: {  	v38 =	vsub.f32 v38, v14;
	v29 =	vld [tilespmem:s6+$0x2000];
	v3 =	vadd.f32 v3, v7  }
0x69f: {  	v13 =	vsub.f32 v13, v14;
	v63 =	vld.idx.msk [tilespmem:v22+s15+$0x0], $0xffff;
	(erf) = vpow2.f32 v17;
	v17 =	vadd.f32 v52, v24  }
0x6a0: {  	v10 =	vsub.f32 v10, v14;
	v31 =	vld [tilespmem:s6+$0x2800];
	v26 =	vmul.f32 $1.442695020e+00, v38;
	v3 =	vadd.f32 v3, v9  }
0x6a1: {  	v8 =	vsub.f32 v8, v14;
	v18 =	vtrunc.f32 v18;
	v62 =	vld.idx.msk [tilespmem:v46+s15+$0x0], $0xffff;
	v17 =	vadd.f32 v54, v17  }
0x6a2: {  	v18 =	vcvt.f32.s32 v18;
	v61 =	vld.idx.msk [tilespmem:v30+s15+$0x0], $0xffff;
	(erf) = vpow2.f32 v26;
	v3 =	vadd.f32 v3, v1  }
0x6a3: {  	v13 =	vmul.f32 $1.442695020e+00, v13;
	v27 =	vmul.f32 $1.442695020e+00, v32;
	v24 =	vld [tilespmem:s6+$0x3800];
	v17 =	vadd.f32 v56, v17  }
0x6a4: {  	v10 =	vmul.f32 $1.442695020e+00, v10;
	v18 =	vadd.s32 $0x120, v18;
	v30 =	vld [tilespmem:s6+$0x4000];
	v3 =	vadd.f32 v3, v0  }
0x6a5: {  	v22 =	vmax.f32 v34, v29;
	v32 =	vld [tilespmem:s6+$0x4800];
	(erf) = vpow2.f32 v27;
	v14 =	vadd.f32 v60, v17  }
0x6a6: {  	v34 =	vld [tilespmem:s6+$0x5000];
	v20 =	vmax.f32 v22, v31;
	(erf) = vpow2.f32 v13;
	v3 =	vadd.f32 v3, v12  }
0x6a7: {  	v8 =	vmul.f32 $1.442695020e+00, v8;
	v57 =	vld [tilespmem:s6+$0x6800];
	v13 =	vpop (erf);
	(erf) = vpow2.f32 v10;
	v17 =	vmax.f32 v20, v25  }
0x6a8: {  	v55 =	vld [tilespmem:s6+$0x6000];
	v17 =	vmax.f32 v17, v24;
	v3 =	vadd.f32 v3, v13;
	v10 =	vadd.f32 v62, v14  }
0x6a9: {  	v45 =	vld.idx.msk [tilespmem:v18+s15+$0x0], $0xffff;
	[tilespmem:$0x1FC30] =	vst v58;
	(erf) = vpow2.f32 v8;
	v17 =	vmax.f32 v17, v30;
	v14 =	vpop (erf)  }
0x6aa: {  	v17 =	vmax.f32 v17, v32;
	v8 =	vadd.f32 v58, v10;
	v10 =	vld [tilespmem:s6+$0x7000];
	v3 =	vadd.f32 v3, v14  }
0x6ab: {  	v41 =	vld [tilespmem:s6+$0x7800];
	v17 =	vmax.f32 v17, v34;
	[tilespmem:$0x1FC40] =	vst v61;
	v20 =	vpop (erf)  }
0x6ac: {  	v22 =	vmax.f32 v17, v53;
	v8 =	vadd.f32 v61, v8;
	v18 =	vadd.f32 v3, v20;
	v3 =	vld [tilespmem:s6+$0x8000]  }
0x6ad: {  	v26 =	vld [tilespmem:s6+$0x8800];
	v22 =	vmax.f32 v22, v55;
	[tilespmem:$0x1FC50] =	vst v63  }
0x6ae: {  	v17 =	vpop (erf);
	v22 =	vmax.f32 v22, v57;
	v8 =	vadd.f32 v63, v8;
	v27 =	vld [tilespmem:s6+$0x9000]  }
0x6af: {  	v58 =	vadd.f32 v18, v17;
	v22 =	vmax.f32 v22, v10  }
0x6b0: {  	v8 =	vadd.f32 v44, v8;
	v61 =	vmax.f32 v22, v41;
	v18 =	vpop (erf)  }
0x6b1: {  	v40 =	vadd.f32 v58, v18;
	v42 =	vmax.f32 v61, v3  }
0x6b2: {  	v8 =	vadd.f32 v45, v8;
	v42 =	vmax.f32 v42, v26  }
0x6b3: {  	[tilespmem:$0x1FC60] =	vst v44;
	v22 =	vpop (erf);
	v44 =	vmax.f32 v42, v27  }
0x6b4: {  	v63 =	vadd.f32 v40, v22;
	(erf) = vrcp.f32 v8;
	v8 =	vsub.f32 v57, v44  }
0x6b5: {  	v35 =	vsub.f32 v53, v44;
	v38 =	vsub.f32 v55, v44;
	v40 =	vpop (erf)  }
0x6b6: {  	v32 =	vsub.f32 v32, v44;
	v46 =	vadd.f32 v63, v40  }
0x6b7: {  	v34 =	vsub.f32 v34, v44;
	v24 =	vsub.f32 v24, v44  }
0x6b8: {  	v53 =	vsub.f32 v25, v44;
	v25 =	vmul.f32 $1.442695020e+00, v8;
	(erf) = vrcp.f32 v46  }
0x6b9: {  	v30 =	vsub.f32 v30, v44;
	v35 =	vmul.f32 $1.442695020e+00, v35;
	v43 =	vmul.f32 $1.442695020e+00, v38  }
0x6ba: {  	v31 =	vsub.f32 v31, v44;
	v32 =	vmul.f32 $1.442695020e+00, v32;
	v34 =	vmul.f32 $1.442695020e+00, v34  }
0x6bb: {  	v24 =	vmul.f32 $1.442695020e+00, v24;
	v30 =	vmul.f32 $1.442695020e+00, v30  }
0x6bc: {  	v11 =	vsub.f32 v11, v44;
	v31 =	vmul.f32 $1.442695020e+00, v31;
	(erf) = vpow2.f32 v35  }
0x6bd: {  	v29 =	vsub.f32 v29, v44;
	v55 =	vmul.f32 $1.442695020e+00, v53;
	(erf) = vpow2.f32 v34  }
0x6be: {  	v5 =	vsub.f32 v5, v44;
	v11 =	vmul.f32 $1.442695020e+00, v11;
	(erf) = vpow2.f32 v32  }
0x6bf: {  	v2 =	vsub.f32 v2, v44;
	v29 =	vmul.f32 $1.442695020e+00, v29;
	(erf) = vpow2.f32 v30  }
0x6c0: {  	v5 =	vmul.f32 $1.442695020e+00, v5;
	v8 =	vpop (erf);
	(erf) = vpow2.f32 v24  }
0x6c1: {  	v6 =	vsub.f32 v6, v44;
	v2 =	vmul.f32 $1.442695020e+00, v2;
	(erf) = vpow2.f32 v55;
	v57 =	vpop (erf)  }
0x6c2: {  	(erf) = vpow2.f32 v5;
	v58 =	vmul.f32 $1.500000000e+01, v57  }
0x6c3: {  	v6 =	vmul.f32 $1.442695020e+00, v6;
	(erf) = vpow2.f32 v2  }
0x6c4: {  	v15 =	vmul.f32 v58, v15;
	v16 =	vmul.f32 v58, v16  }
0x6c5: {  	v19 =	vmul.f32 v58, v19;
	v21 =	vmul.f32 v58, v21  }
0x6c6: {  	v15 =	vtrunc.f32 v15;
	v16 =	vtrunc.f32 v16  }
0x6c7: {  	v15 =	vcvt.f32.s32 v15;
	v16 =	vcvt.f32.s32 v16  }
0x6c8: {  	v23 =	vmul.f32 v58, v23;
	v19 =	vtrunc.f32 v19  }
0x6c9: {  	v24 =	vmul.f32 v58, v28;
	v19 =	vcvt.f32.s32 v19;
	v16 =	vadd.s32 $0x10, v16  }
0x6ca: {  	v4 =	vmul.f32 v58, v4;
	v21 =	vtrunc.f32 v21  }
0x6cb: {  	v7 =	vmul.f32 v58, v7;
	v21 =	vcvt.f32.s32 v21;
	v19 =	vadd.s32 $0x20, v19  }
0x6cc: {  	v1 =	vmul.f32 v58, v1;
	v23 =	vtrunc.f32 v23  }
0x6cd: {  	v24 =	vtrunc.f32 v24;
	v23 =	vcvt.f32.s32 v23;
	v28 =	vld.idx.msk [tilespmem:v15+s15+$0x0], $0xffff;
	v15 =	vadd.s32 $0x30, v21  }
0x6ce: {  	v0 =	vmul.f32 v58, v0;
	v5 =	vcvt.f32.s32 v24;
	v24 =	vld.idx.msk [tilespmem:v16+s15+$0x0], $0xffff  }
0x6cf: {  	v4 =	vtrunc.f32 v4;
	v1 =	vtrunc.f32 v1;
	v16 =	vadd.s32 $0x40, v23  }
0x6d0: {  	v2 =	vcvt.f32.s32 v4;
	v4 =	vadd.s32 $0x50, v5;
	v5 =	vtrunc.f32 v7;
	v30 =	vld.idx.msk [tilespmem:v19+s15+$0x0], $0xffff  }
0x6d1: {  	v3 =	vsub.f32 v3, v44;
	v7 =	vmul.f32 v58, v9;
	v19 =	vpop (erf);
	(erf) = vpow2.f32 v6  }
0x6d2: {  	v9 =	vsub.f32 v10, v44;
	v2 =	vadd.s32 $0x60, v2;
	v5 =	vcvt.f32.s32 v5;
	v21 =	vpop (erf);
	v10 =	vld.idx.msk [tilespmem:v15+s15+$0x0], $0xffff;
	[tilespmem:$0x1FC70] =	vst v28  }
0x6d3: {  	v6 =	vtrunc.f32 v7;
	v23 =	vpop (erf);
	(erf) = vpow2.f32 v11;
	[tilespmem:$0x1FC80] =	vst v24;
	v7 =	vadd.f32 v24, v28  }
0x6d4: {  	v46 =	vsub.f32 v41, v44;
	v0 =	vtrunc.f32 v0;
	v6 =	vcvt.f32.s32 v6;
	v24 =	vpop (erf);
	v61 =	vld.idx.msk [tilespmem:v16+s15+$0x0], $0xffff  }
0x6d5: {  	v5 =	vadd.s32 $0x70, v5;
	v28 =	vpop (erf);
	[tilespmem:$0x1FC90] =	vst v30;
	(erf) = vpow2.f32 v29;
	v7 =	vadd.f32 v30, v7  }
0x6d6: {  	v1 =	vcvt.f32.s32 v1;
	v29 =	vpop (erf);
	v11 =	vld.idx.msk [tilespmem:v4+s15+$0x0], $0xffff;
	v4 =	vadd.s32 $0x80, v6;
	v6 =	vmul.f32 v58, v12  }
0x6d7: {  	v0 =	vcvt.f32.s32 v0;
	v32 =	vpop (erf);
	(erf) = vpow2.f32 v31;
	[tilespmem:$0x1FCA0] =	vst v10;
	v7 =	vadd.f32 v10, v7  }
0x6d8: {  	v1 =	vadd.s32 $0x90, v1;
	v35 =	vpop (erf);
	v12 =	vld.idx.msk [tilespmem:v2+s15+$0x0], $0xffff;
	v2 =	vtrunc.f32 v6;
	v6 =	vmul.f32 v58, v13  }
0x6d9: {  	s13 =	simm.s32 $0x180;
	s8 =	simm.s32 $0x18;
	v15 =	vadd.f32 v35, v32;
	v7 =	vadd.f32 v61, v7;
	v2 =	vcvt.f32.s32 v2  }
0x6da: {  	s31 =	simm.s32 $0x30;
	s9 =	sand.u32 $0x400, s13;
	s14 =	sand.u32 $0x380, s8;
	v0 =	vadd.s32 $0xA0, v0;
	v13 =	vld.idx.msk [tilespmem:v5+s15+$0x0], $0xffff;
	v38 =	vpop (erf);
	v5 =	vtrunc.f32 v6;
	v6 =	vmul.f32 v58, v14  }
0x6db: {  	s4 =	sand.u32 $0x70, s31;
	s9 =	sor.u32 s14, s9;
	v15 =	vadd.f32 v15, v38;
	v7 =	vadd.f32 v11, v7;
	v5 =	vcvt.f32.s32 v5  }
0x6dc: {  	s9 =	sor.u32 s4, s9;
	v39 =	vpop (erf);
	v14 =	vld.idx.msk [tilespmem:v4+s15+$0x0], $0xffff;
	v2 =	vadd.s32 $0xB0, v2;
	v4 =	vtrunc.f32 v6;
	v6 =	vmul.f32 v58, v20  }
0x6dd: {  	v22 =	vmul.f32 v58, v22;
	v31 =	vld [tilespmem:s9+$0x0];
	v16 =	vadd.f32 v15, v39;
	v7 =	vadd.f32 v12, v7  }
0x6de: {  	v15 =	vld.idx.msk [tilespmem:v1+s15+$0x0], $0xffff;
	v4 =	vcvt.f32.s32 v4;
	v1 =	vadd.s32 $0xC0, v5;
	v41 =	vpop (erf);
	v5 =	vtrunc.f32 v6  }
0x6df: {  	v30 =	vld [tilespmem:s9+$0x800];
	v6 =	vmul.f32 v58, v17;
	v20 =	vadd.f32 v16, v41;
	v7 =	vadd.f32 v13, v7  }
0x6e0: {  	v16 =	vld.idx.msk [tilespmem:v0+s15+$0x0], $0xffff;
	v5 =	vcvt.f32.s32 v5;
	v0 =	vadd.s32 $0xD0, v4;
	v4 =	vmul.f32 v58, v18;
	v42 =	vpop (erf)  }
0x6e1: {  	(erf) = vpow2.f32 v43;
	v6 =	vtrunc.f32 v6;
	v17 =	vld.idx.msk [tilespmem:v2+s15+$0x0], $0xffff;
	v2 =	vadd.f32 v20, v42  }
0x6e2: {  	v34 =	vld [tilespmem:s9+$0x1000];
	v7 =	vadd.f32 v14, v7;
	v5 =	vadd.s32 $0xE0, v5;
	v4 =	vtrunc.f32 v4  }
0x6e3: {  	v6 =	vcvt.f32.s32 v6;
	v18 =	vld.idx.msk [tilespmem:v1+s15+$0x0], $0xffff;
	v1 =	vadd.f32 v2, v29;
	v2 =	vcvt.f32.s32 v4  }
0x6e4: {  	v53 =	vmul.f32 v58, v40;
	v40 =	vld [tilespmem:s9+$0x1800];
	(erf) = vpow2.f32 v25;
	v7 =	vadd.f32 v15, v7  }
0x6e5: {  	v43 =	vld [tilespmem:s9+$0x2000];
	v4 =	vadd.s32 $0xF0, v6;
	v6 =	vtrunc.f32 v22;
	v55 =	vadd.s32 $0x100, v2  }
0x6e6: {  	v20 =	vld.idx.msk [tilespmem:v0+s15+$0x0], $0xffff;
	v0 =	vcvt.f32.s32 v6;
	v6 =	vmul.f32 $1.442695020e+00, v9;
	v7 =	vadd.f32 v16, v7  }
0x6e7: {  	v63 =	vld [tilespmem:s9+$0x2800];
	v1 =	vadd.f32 v1, v28;
	v2 =	vtrunc.f32 v53;
	v9 =	vmul.f32 $1.442695020e+00, v46  }
0x6e8: {  	v2 =	vcvt.f32.s32 v2;
	v22 =	vld.idx.msk [tilespmem:v5+s15+$0x0], $0xffff;
	(erf) = vpow2.f32 v6;
	v5 =	vadd.f32 v17, v7  }
0x6e9: {  	v1 =	vadd.f32 v1, v24;
	v6 =	vsub.f32 v26, v44;
	v7 =	vadd.s32 $0x110, v0;
	v0 =	vld [tilespmem:s9+$0x3000]  }
0x6ea: {  	v3 =	vmul.f32 $1.442695020e+00, v3;
	(erf) = vpow2.f32 v9;
	v25 =	vld.idx.msk [tilespmem:v4+s15+$0x0], $0xffff;
	v5 =	vadd.f32 v18, v5  }
0x6eb: {  	v4 =	vadd.s32 $0x120, v2;
	v2 =	vld [tilespmem:s9+$0x3800];
	v1 =	vadd.f32 v1, v23;
	v6 =	vmul.f32 $1.442695020e+00, v6  }
0x6ec: {  	v9 =	vsub.f32 v27, v44;
	(erf) = vpow2.f32 v3;
	v26 =	vld.idx.msk [tilespmem:v55+s15+$0x0], $0xffff;
	v5 =	vadd.f32 v20, v5  }
0x6ed: {  	v3 =	vmax.f32 v31, v30;
	v1 =	vadd.f32 v1, v21;
	(erf) = vpow2.f32 v6;
	v6 =	vld [tilespmem:s9+$0x4800]  }
0x6ee: {  	v33 =	vmul.f32 v8, v33;
	v27 =	vld.idx.msk [tilespmem:v7+s15+$0x0], $0xffff;
	v7 =	vmax.f32 v3, v34;
	v5 =	vadd.f32 v22, v5  }
0x6ef: {  	v9 =	vmul.f32 $1.442695020e+00, v9;
	v3 =	vld [tilespmem:s9+$0x4000];
	v1 =	vadd.f32 v1, v19;
	v7 =	vmax.f32 v7, v40  }
0x6f0: {  	v44 =	vld.idx.msk [tilespmem:v4+s15+$0x0], $0xffff;
	v4 =	vmul.f32 v8, v45;
	v45 =	vpop (erf);
	v7 =	vmax.f32 v7, v43;
	v5 =	vadd.f32 v25, v5  }
0x6f1: {  	(erf) = vpow2.f32 v9;
	v9 =	vld [tilespmem:s9+$0x5000];
	v1 =	vadd.f32 v1, v45;
	v7 =	vmax.f32 v7, v63  }
0x6f2: {  	v36 =	vmul.f32 v8, v36;
	[tilespmem:s0+$0x0] =	vst v33;
	v53 =	vld [tilespmem:s9+$0x5800];
	v46 =	vpop (erf);
	v7 =	vmax.f32 v7, v0;
	v5 =	vadd.f32 v26, v5  }
0x6f3: {  	v33 =	vmul.f32 v8, v37;
	[tilespmem:s0+$0x9000] =	vst v4;
	v1 =	vadd.f32 v1, v46;
	v4 =	vmax.f32 v7, v2;
	v7 =	vld [tilespmem:s9+$0x6000]  }
0x6f4: {  	[tilespmem:s0+$0x800] =	vst v36;
	v36 =	vmul.f32 v8, v47;
	v55 =	vld [tilespmem:s9+$0x6800];
	v47 =	vpop (erf);
	v4 =	vmax.f32 v4, v3;
	v5 =	vadd.f32 v27, v5  }
0x6f5: {  	v57 =	vld [tilespmem:s9+$0x7000];
	v1 =	vadd.f32 v1, v47;
	v4 =	vmax.f32 v4, v6  }
0x6f6: {  	v37 =	vmul.f32 v8, v48;
	[tilespmem:s0+$0x1000] =	vst v33;
	v58 =	vld [tilespmem:s9+$0x7800];
	v48 =	vpop (erf);
	v4 =	vmax.f32 v4, v9;
	v5 =	vadd.f32 v44, v5  }
0x6f7: {  	[tilespmem:s0+$0x1800] =	vst v36;
	v33 =	vld [tilespmem:s9+$0x8000];
	v36 =	vmul.f32 v8, v51;
	v1 =	vadd.f32 v1, v48;
	v4 =	vmax.f32 v4, v53  }
0x6f8: {  	[tilespmem:s0+$0x2000] =	vst v37;
	v4 =	vmax.f32 v4, v7;
	(erf) = vrcp.f32 v5;
	v5 =	vmul.f32 v8, v49  }
0x6f9: {  	v54 =	vmul.f32 v8, v54;
	v37 =	vmul.f32 v8, v59;
	[tilespmem:s0+$0x3000] =	vst v36;
	v4 =	vmax.f32 v4, v55;
	v49 =	vpop (erf)  }
0x6fa: {  	v4 =	vmax.f32 v4, v57;
	v10 =	vadd.f32 v1, v49;
	[tilespmem:s0+$0x2800] =	vst v5;
	v5 =	vmul.f32 v8, v50  }
0x6fb: {  	v59 =	vmul.f32 v8, v52;
	v51 =	vmul.f32 v8, v56;
	v36 =	vld [tilespmem:s9+$0x8800];
	[tilespmem:s0+$0x4000] =	vst v37;
	v1 =	vmax.f32 v4, v58;
	v50 =	vpop (erf)  }
0x6fc: {  	s14 =	simm.s32 $0x40;
	v52 =	vmul.f32 v8, v60;
	v37 =	vld [tilespmem:s9+$0x9000];
	v1 =	vmax.f32 v1, v33;
	v4 =	vadd.f32 v10, v50;
	[tilespmem:s0+$0x3800] =	vst v5  }
.LBB2_11:
0x6fd: {  	v10 =	vld [tilespmem:$0x1FC30];
	_ =	sdelay $0x4  }
0x6fe: {  	v60 =	vmul.f32 v8, v10;
	v10 =	vld [tilespmem:$0x1FC50]  }
0x6ff: {  	v5 =	vmax.f32 v1, v36  }
0x700: {  	v56 =	vmul.f32 v8, v62;
	[tilespmem:s0+$0x4800] =	vst v59;
	v62 =	vmax.f32 v5, v37;
	v5 =	vld [tilespmem:$0x1FC40]  }
0x701: {  	[tilespmem:s0+$0x5000] =	vst v54;
	v1 =	vpop (erf)  }
0x702: {  	[tilespmem:s0+$0x5800] =	vst v51;
	v4 =	vadd.f32 v4, v1;
	v54 =	vsub.f32 v55, v62  }
0x703: {  	[tilespmem:s0+$0x6000] =	vst v52;
	v51 =	vsub.f32 v53, v62;
	v7 =	vsub.f32 v7, v62;
	v55 =	vmul.f32 v8, v10;
	v10 =	vld [tilespmem:$0x1FC60]  }
0x704: {  	[tilespmem:s0+$0x6800] =	vst v56;
	v2 =	vsub.f32 v2, v62;
	v3 =	vsub.f32 v3, v62;
	(erf) = vrcp.f32 v4  }
0x705: {  	v4 =	vsub.f32 v6, v62;
	v6 =	vsub.f32 v9, v62;
	v9 =	vmovc v11;
	v5 =	vmul.f32 v8, v5  }
0x706: {  	v52 =	vmovc v12;
	v53 =	vsub.f32 v0, v62;
	v40 =	vsub.f32 v40, v62;
	[tilespmem:s0+$0x7000] =	vst v60;
	v12 =	vmul.f32 $1.442695020e+00, v51  }
0x707: {  	v0 =	vmul.f32 $1.442695020e+00, v7;
	v3 =	vmul.f32 $1.442695020e+00, v3;
	[tilespmem:s0+$0x7800] =	vst v5;
	v5 =	vsub.f32 v43, v62  }
0x708: {  	[tilespmem:$0x1FC00] =	vst v9;
	v4 =	vmul.f32 $1.442695020e+00, v4;
	v9 =	vmov v16;
	v10 =	vmul.f32 v8, v10;
	v8 =	vpop (erf)  }
0x709: {  	v11 =	vsub.f32 v63, v62;
	v6 =	vmul.f32 $1.442695020e+00, v6;
	[tilespmem:$0x1FC10] =	vst v9;
	v56 =	vmul.f32 v8, v44  }
0x70a: {  	v9 =	vsub.f32 v34, v62;
	[tilespmem:s0+$0x8000] =	vst v55;
	v44 =	vmul.f32 $1.442695020e+00, v54;
	v54 =	vmovc v13;
	v13 =	vmul.f32 $1.442695020e+00, v2;
	v2 =	vmovc v18  }
0x70b: {  	v51 =	vmovc v14;
	v14 =	vmul.f32 $1.442695020e+00, v11;
	v16 =	vmul.f32 $1.442695020e+00, v5;
	v18 =	vsub.f32 v31, v62;
	v5 =	vmovc v27;
	[tilespmem:s0+$0x8800] =	vst v10  }
0x70c: {  	v11 =	vmul.f32 $1.442695020e+00, v53;
	v9 =	vmul.f32 $1.442695020e+00, v9;
	[tilespmem:$0x1FC60] =	vst v5;
	v5 =	vsub.f32 v30, v62  }
0x70d: {  	s8 =	sadd.s32 $0x8, s8;
	s13 =	sadd.s32 $0x80, s13;
	v60 =	vmov v17;
	[tilespmem:$0x1FC20] =	vst v2;
	v17 =	vmul.f32 $1.442695020e+00, v18;
	v2 =	vpop (erf);
	(erf) = vpow2.f32 v12  }
0x70e: {  	s4 =	sand.u32 $0x400, s13;
	s16 =	sand.u32 $0x380, s8;
	[tilespmem:s1+$0x9000] =	vst v56;
	v12 =	vmul.f32 $1.442695020e+00, v5;
	v56 =	vmovc v15;
	v15 =	vmov v22;
	v2 =	vmul.f32 $1.500000000e+01, v2  }
0x70f: {  	s26 =	sand.u32 $0x70, s14;
	s4 =	sor.u32 s16, s4;
	s0 =	smov.u32 s1;
	(erf) = vpow2.f32 v6;
	[tilespmem:$0x1FC30] =	vst v15;
	v15 =	vmul.f32 $1.442695020e+00, v40  }
0x710: {  	s1 =	smov.u32 s6;
	s6 =	smov.u32 s9;
	s9 =	sor.u32 s26, s4;
	(erf) = vpow2.f32 v4;
	v5 =	vmul.f32 v2, v32  }
0x711: {  	v31 =	vld [tilespmem:s9+$0x0];
	v6 =	vmul.f32 v2, v35;
	v4 =	vmul.f32 v2, v38  }
0x712: {  	v30 =	vld [tilespmem:s9+$0x800];
	v18 =	vmul.f32 v2, v39;
	(erf) = vpow2.f32 v3  }
0x713: {  	v10 =	vmovc v20;
	v20 =	vmov v25;
	v34 =	vld [tilespmem:s9+$0x1000];
	v25 =	vmul.f32 v2, v42;
	v63 =	vmul.f32 v2, v48  }
0x714: {  	v5 =	vtrunc.f32 v5;
	v6 =	vtrunc.f32 v6  }
0x715: {  	v5 =	vcvt.f32.s32 v5;
	v6 =	vcvt.f32.s32 v6  }
0x716: {  	v7 =	vmov v26;
	v48 =	vmul.f32 v2, v49;
	v4 =	vtrunc.f32 v4  }
0x717: {  	[tilespmem:$0x1FC50] =	vst v7;
	v7 =	vmax.f32 v31, v30;
	v4 =	vcvt.f32.s32 v4;
	v3 =	vadd.s32 $0x10, v6  }
0x718: {  	v6 =	vmax.f32 v7, v34;
	v7 =	vtrunc.f32 v18;
	v18 =	vmul.f32 v2, v41  }
0x719: {  	(erf) = vpow2.f32 v13;
	v4 =	vadd.s32 $0x20, v4;
	v13 =	vpop (erf);
	v26 =	vcvt.f32.s32 v7  }
0x71a: {  	v22 =	vpop (erf);
	v18 =	vtrunc.f32 v18;
	(erf) = vpow2.f32 v11  }
0x71b: {  	[tilespmem:$0x1FC40] =	vst v20;
	v11 =	vadd.s32 $0x30, v26;
	v18 =	vcvt.f32.s32 v18;
	v20 =	vpop (erf);
	(erf) = vpow2.f32 v17;
	v7 =	vld.idx.msk [tilespmem:v5+s15+$0x0], $0xffff  }
0x71c: {  	v5 =	vld.idx.msk [tilespmem:v3+s15+$0x0], $0xffff;
	v3 =	vtrunc.f32 v25;
	v25 =	vmul.f32 v2, v29  }
0x71d: {  	v1 =	vmul.f32 v2, v1;
	v17 =	vadd.s32 $0x40, v18;
	v18 =	vcvt.f32.s32 v3  }
0x71e: {  	v3 =	vsub.f32 v58, v62;
	v58 =	vld.idx.msk [tilespmem:v4+s15+$0x0], $0xffff;
	v4 =	vtrunc.f32 v25;
	v25 =	vmul.f32 v2, v28  }
0x71f: {  	(erf) = vpow2.f32 v12;
	v12 =	vadd.s32 $0x50, v18;
	v18 =	vcvt.f32.s32 v4  }
0x720: {  	v4 =	vld.idx.msk [tilespmem:v11+s15+$0x0], $0xffff;
	v11 =	vtrunc.f32 v25;
	v25 =	vmul.f32 v2, v24  }
0x721: {  	v24 =	vpop (erf);
	(erf) = vpow2.f32 v9;
	v11 =	vcvt.f32.s32 v11  }
0x722: {  	v9 =	vadd.s32 $0x60, v18;
	v28 =	vpop (erf);
	v18 =	vmul.f32 v2, v23;
	(erf) = vpow2.f32 v15  }
0x723: {  	v59 =	vmov v61;
	v61 =	vld.idx.msk [tilespmem:v17+s15+$0x0], $0xffff;
	v17 =	vtrunc.f32 v25;
	v29 =	vpop (erf);
	(erf) = vpow2.f32 v16  }
0x724: {  	v25 =	vadd.f32 v5, v7;
	v17 =	vcvt.f32.s32 v17;
	v32 =	vpop (erf);
	(erf) = vpow2.f32 v14  }
0x725: {  	v15 =	vadd.s32 $0x70, v11;
	v11 =	vld.idx.msk [tilespmem:v12+s15+$0x0], $0xffff;
	v12 =	vtrunc.f32 v18;
	v18 =	vmul.f32 v2, v21  }
0x726: {  	v23 =	vmovc v20;
	v20 =	vadd.f32 v58, v25;
	v16 =	vadd.s32 $0x80, v17;
	v17 =	vcvt.f32.s32 v12  }
0x727: {  	v12 =	vld.idx.msk [tilespmem:v9+s15+$0x0], $0xffff;
	v9 =	vtrunc.f32 v18;
	v18 =	vmul.f32 v2, v19  }
0x728: {  	v53 =	vmul.f32 v2, v50;
	v1 =	vtrunc.f32 v1;
	v21 =	vmovc v22;
	v20 =	vadd.f32 v4, v20  }
0x729: {  	v35 =	vpop (erf);
	v17 =	vadd.s32 $0x90, v17;
	v9 =	vcvt.f32.s32 v9;
	v14 =	vtrunc.f32 v18  }
0x72a: {  	v19 =	vmovc v13;
	v13 =	vld.idx.msk [tilespmem:v15+s15+$0x0], $0xffff;
	v15 =	vmul.f32 v2, v45;
	v18 =	vadd.f32 v61, v20;
	v22 =	vcvt.f32.s32 v14  }
0x72b: {  	v1 =	vcvt.f32.s32 v1;
	v20 =	vadd.f32 v35, v32;
	v9 =	vadd.s32 $0xA0, v9  }
0x72c: {  	v43 =	vld [tilespmem:s9+$0x2000];
	v38 =	vpop (erf);
	v15 =	vtrunc.f32 v15;
	v18 =	vadd.f32 v11, v18;
	v22 =	vadd.s32 $0xB0, v22  }
0x72d: {  	v1 =	vadd.s32 $0x120, v1;
	v14 =	vld.idx.msk [tilespmem:v16+s15+$0x0], $0xffff;
	v16 =	vmul.f32 v2, v46;
	v39 =	vpop (erf);
	v25 =	vcvt.f32.s32 v15  }
0x72e: {  	v20 =	vadd.f32 v20, v38;
	v41 =	vpop (erf);
	v15 =	vld.idx.msk [tilespmem:v17+s15+$0x0], $0xffff;
	v17 =	vmul.f32 v2, v47;
	v18 =	vadd.f32 v12, v18  }
0x72f: {  	v40 =	vld [tilespmem:s9+$0x1800];
	v16 =	vtrunc.f32 v16;
	v42 =	vpop (erf);
	(erf) = vpow2.f32 v0;
	v25 =	vadd.s32 $0xC0, v25  }
0x730: {  	v27 =	vcvt.f32.s32 v16;
	v16 =	vld.idx.msk [tilespmem:v9+s15+$0x0], $0xffff;
	v9 =	vtrunc.f32 v17;
	v18 =	vadd.f32 v13, v18  }
0x731: {  	v20 =	vadd.f32 v20, v39;
	v9 =	vcvt.f32.s32 v9;
	v17 =	vld.idx.msk [tilespmem:v22+s15+$0x0], $0xffff;
	v22 =	vtrunc.f32 v63  }
0x732: {  	v0 =	vld [tilespmem:s9+$0x3000];
	v27 =	vadd.s32 $0xD0, v27;
	v49 =	vadd.f32 v14, v18;
	v22 =	vcvt.f32.s32 v22  }
0x733: {  	(erf) = vpow2.f32 v44;
	v44 =	vld.idx.msk [tilespmem:v1+s15+$0x0], $0xffff;
	v20 =	vadd.f32 v20, v41;
	v9 =	vadd.s32 $0xE0, v9  }
0x734: {  	v26 =	vsub.f32 v57, v62;
	v63 =	vld [tilespmem:s9+$0x2800];
	v46 =	vadd.f32 v15, v49;
	v57 =	vadd.s32 $0xF0, v22  }
0x735: {  	v20 =	vadd.f32 v20, v42;
	v18 =	vld.idx.msk [tilespmem:v25+s15+$0x0], $0xffff;
	v25 =	vtrunc.f32 v48;
	v48 =	vmul.f32 $1.442695020e+00, v3  }
0x736: {  	v3 =	vld [tilespmem:s9+$0x4000];
	v22 =	vcvt.f32.s32 v25;
	v25 =	vtrunc.f32 v53;
	v2 =	vadd.f32 v16, v46  }
0x737: {  	v55 =	vadd.f32 v20, v29;
	v20 =	vld.idx.msk [tilespmem:v27+s15+$0x0], $0xffff;
	v25 =	vcvt.f32.s32 v25  }
0x738: {  	v27 =	vadd.s32 $0x100, v22;
	v22 =	vld.idx.msk [tilespmem:v9+s15+$0x0], $0xffff;
	v2 =	vadd.f32 v17, v2  }
0x739: {  	v6 =	vmax.f32 v6, v40;
	v53 =	vadd.f32 v55, v28;
	v55 =	vadd.s32 $0x110, v25;
	v25 =	vld.idx.msk [tilespmem:v57+s15+$0x0], $0xffff  }
0x73a: {  	v33 =	vsub.f32 v33, v62;
	v6 =	vmax.f32 v6, v43;
	v57 =	vadd.f32 v18, v2;
	v2 =	vld [tilespmem:s9+$0x3800]  }
0x73b: {  	v50 =	vmax.f32 v6, v63;
	v6 =	vld [tilespmem:s9+$0x4800];
	v9 =	vmul.f32 $1.442695020e+00, v26;
	v26 =	vadd.f32 v53, v24  }
0x73c: {  	v37 =	vsub.f32 v37, v62;
	v53 =	vsub.f32 v36, v62;
	v62 =	vld [tilespmem:$0x1FC70]  }
0x73d: {  	v49 =	vadd.f32 v26, v23;
	(erf) = vpow2.f32 v9;
	v26 =	vld.idx.msk [tilespmem:v27+s15+$0x0], $0xffff;
	v9 =	vadd.f32 v20, v57  }
0x73e: {  	v33 =	vmul.f32 $1.442695020e+00, v33;
	v27 =	vld.idx.msk [tilespmem:v55+s15+$0x0], $0xffff;
	v55 =	vmax.f32 v50, v0  }
0x73f: {  	(erf) = vpow2.f32 v48;
	v9 =	vadd.f32 v22, v9;
	v57 =	vmax.f32 v55, v2;
	v55 =	vld [tilespmem:$0x1FC80]  }
0x740: {  	v45 =	vpop (erf);
	v47 =	vadd.f32 v49, v21;
	(erf) = vpow2.f32 v33;
	v33 =	vmax.f32 v57, v3;
	v57 =	vld [tilespmem:$0x1FC90]  }
0x741: {  	v36 =	vmul.f32 $1.442695020e+00, v53;
	v53 =	vmov v7;
	v7 =	vld [tilespmem:s9+$0x6000];
	v1 =	vadd.f32 v25, v9  }
0x742: {  	v47 =	vadd.f32 v47, v19;
	v9 =	vld [tilespmem:s9+$0x5000]  }
0x743: {  	v50 =	vmul.f32 $1.442695020e+00, v37;
	v37 =	vmul.f32 v8, v62;
	[tilespmem:$0x1FC70] =	vst v53;
	v53 =	vld [tilespmem:s9+$0x5800];
	v1 =	vadd.f32 v26, v1  }
0x744: {  	v46 =	vpop (erf);
	(erf) = vpow2.f32 v36;
	v62 =	vadd.f32 v47, v45;
	v36 =	vmul.f32 v8, v55;
	v55 =	vld [tilespmem:s9+$0x6800]  }
0x745: {  	[tilespmem:s0+$0x0] =	vst v37;
	v1 =	vadd.f32 v27, v1;
	v48 =	vmul.f32 v8, v57;
	v57 =	vmovc v5;
	v5 =	vmov v58;
	v58 =	vld [tilespmem:$0x1FCA0]  }
0x746: {  	v37 =	vmul.f32 v8, v59;
	v59 =	vld [tilespmem:$0x1FC00];
	v62 =	vadd.f32 v62, v46;
	[tilespmem:$0x1FC90] =	vst v5;
	v5 =	vmax.f32 v33, v6  }
0x747: {  	v52 =	vmul.f32 v8, v52;
	v47 =	vpop (erf);
	[tilespmem:$0x1FC80] =	vst v57;
	v5 =	vmax.f32 v5, v9  }
0x748: {  	v49 =	vadd.f32 v62, v47;
	v57 =	vld [tilespmem:s9+$0x7000];
	[tilespmem:s0+$0x800] =	vst v36;
	v62 =	vadd.f32 v44, v1;
	v5 =	vmax.f32 v5, v53  }
0x749: {  	v33 =	vld [tilespmem:s9+$0x8000];
	[tilespmem:s0+$0x1000] =	vst v48;
	v1 =	vmov v4;
	v4 =	vmul.f32 v8, v54;
	v5 =	vmax.f32 v5, v7  }
0x74a: {  	v48 =	vpop (erf);
	[tilespmem:$0x1FCA0] =	vst v1;
	v36 =	vmul.f32 v8, v58;
	v58 =	vld [tilespmem:s9+$0x7800];
	v1 =	vmax.f32 v5, v55;
	v5 =	vmul.f32 v8, v51  }
0x74b: {  	(erf) = vpow2.f32 v50;
	v50 =	vmul.f32 v8, v59;
	v59 =	vadd.f32 v49, v48;
	[tilespmem:s0+$0x3800] =	vst v4;
	v4 =	vld [tilespmem:$0x1FC10]  }
0x74c: {  	p0 =	sne.s32 s14, $0x7F0;
	v49 =	vpop (erf);
	[tilespmem:s0+$0x4000] =	vst v5;
	v5 =	vld [tilespmem:$0x1FC20]  }
.Ltmp5:
0x74d: {  	[tilespmem:s0+$0x3000] =	vst v52;
	(erf) = vrcp.f32 v62;
	v62 =	vadd.f32 v59, v49;
	(pc) =	sbr.rel @p0 .LBB2_11-.Ltmp5, $4  }
0x74e: {  	[tilespmem:s0+$0x2000] =	vst v37  }
0x74f: {  	[tilespmem:s0+$0x2800] =	vst v50;
	v51 =	vmul.f32 v8, v60;
	v1 =	vmax.f32 v1, v57  }
0x750: {  	v37 =	vld [tilespmem:s9+$0x9000];
	v50 =	vpop (erf);
	[tilespmem:s0+$0x1800] =	vst v36;
	v59 =	vmul.f32 v8, v56;
	v1 =	vmax.f32 v1, v58;
	v54 =	vmul.f32 v8, v4  }
0x751: {  	s14 =	sadd.s32 $0x10, s14;
	v36 =	vld [tilespmem:s9+$0x8800];
	v4 =	vadd.f32 v62, v50;
	v1 =	vmax.f32 v1, v33;
	v62 =	vmovc v10;
	v52 =	vmul.f32 v8, v5  }
0x752: {  	_ =	sdelay $0x2  }
0x753: {  	v10 =	vpop (erf)  }
0x754: {  	v4 =	vadd.f32 v4, v10;
	v1 =	vmax.f32 v1, v36  }
0x755: {  	v56 =	vmax.f32 v1, v37  }
0x756: {  	(erf) = vrcp.f32 v4;
	v1 =	vsub.f32 v53, v56  }
0x757: {  	v5 =	vsub.f32 v9, v56  }
0x758: {  	v6 =	vsub.f32 v6, v56;
	v1 =	vmul.f32 $1.442695020e+00, v1  }
0x759: {  	v53 =	vmul.f32 $1.442695020e+00, v5  }
0x75a: {  	v3 =	vsub.f32 v3, v56;
	v60 =	vmul.f32 $1.442695020e+00, v6;
	(erf) = vpow2.f32 v1  }
0x75b: {  	v6 =	vsub.f32 v2, v56;
	(erf) = vpow2.f32 v53;
	v53 =	vsub.f32 v7, v56  }
0x75c: {  	v9 =	vsub.f32 v55, v56;
	v0 =	vsub.f32 v0, v56;
	v3 =	vmul.f32 $1.442695020e+00, v3  }
0x75d: {  	v55 =	vsub.f32 v63, v56;
	v1 =	vmul.f32 $1.442695020e+00, v6;
	(erf) = vpow2.f32 v60  }
0x75e: {  	v63 =	vsub.f32 v40, v56;
	v40 =	vpop (erf);
	v0 =	vmul.f32 $1.442695020e+00, v0;
	(erf) = vpow2.f32 v3  }
0x75f: {  	(erf) = vpow2.f32 v1;
	v1 =	vmul.f32 $1.442695020e+00, v53;
	v53 =	vpop (erf)  }
0x760: {  	v60 =	vsub.f32 v43, v56;
	(erf) = vpow2.f32 v0;
	v0 =	vmul.f32 $1.500000000e+01, v53;
	_ =	sdelay $0x1  }
0x761: {  	v7 =	vmul.f32 $1.442695020e+00, v60;
	v60 =	vmul.f32 v0, v32  }
0x762: {  	v2 =	vmul.f32 $1.442695020e+00, v9  }
0x763: {  	v9 =	vmul.f32 $1.442695020e+00, v55;
	v55 =	vsub.f32 v30, v56;
	v30 =	vtrunc.f32 v60  }
0x764: {  	v30 =	vcvt.f32.s32 v30;
	_ =	sdelay $0x1  }
0x765: {  	v6 =	vmul.f32 $1.442695020e+00, v63;
	v63 =	vmul.f32 v0, v35;
	_ =	sdelay $0x1  }
0x766: {  	v43 =	vsub.f32 v31, v56;
	v31 =	vtrunc.f32 v63  }
0x767: {  	v5 =	vmul.f32 $1.442695020e+00, v55;
	v31 =	vcvt.f32.s32 v31  }
0x768: {  	v55 =	vmul.f32 v0, v42;
	v42 =	vmul.f32 v0, v23;
	v23 =	vld.idx.msk [tilespmem:v30+s15+$0x0], $0xffff  }
0x769: {  	v63 =	vadd.s32 $0x10, v31  }
0x76a: {  	v38 =	vmul.f32 v0, v38;
	_ =	sdelay $0x1  }
0x76b: {  	v53 =	vmul.f32 v0, v41;
	v32 =	vtrunc.f32 v38  }
0x76c: {  	v32 =	vcvt.f32.s32 v32;
	[tilespmem:$0x1FBC0] =	vst v23  }
0x76d: {  	v34 =	vsub.f32 v34, v56;
	v35 =	vtrunc.f32 v53;
	v53 =	vld.idx.msk [tilespmem:v63+s15+$0x0], $0xffff  }
0x76e: {  	v4 =	vmul.f32 $1.442695020e+00, v43;
	v43 =	vmul.f32 v0, v39;
	v39 =	vadd.s32 $0x20, v32;
	_ =	sdelay $0x1  }
0x76f: {  	v3 =	vmul.f32 $1.442695020e+00, v34  }
0x770: {  	v34 =	vtrunc.f32 v43;
	v60 =	vmul.f32 v0, v28  }
0x771: {  	(erf) = vpow2.f32 v4;
	v34 =	vcvt.f32.s32 v34;
	[tilespmem:$0x1FBD0] =	vst v53  }
0x772: {  	(erf) = vpow2.f32 v5;
	v4 =	vtrunc.f32 v60;
	v60 =	vld.idx.msk [tilespmem:v39+s15+$0x0], $0xffff  }
0x773: {  	v29 =	vmul.f32 v0, v29;
	v32 =	vmul.f32 v0, v24;
	v24 =	vadd.s32 $0x30, v34  }
0x774: {  	(erf) = vpow2.f32 v3;
	v38 =	vtrunc.f32 v55  }
0x775: {  	v29 =	vtrunc.f32 v29;
	v43 =	vmul.f32 v0, v46  }
0x776: {  	v46 =	vmul.f32 v0, v49;
	v35 =	vcvt.f32.s32 v35  }
0x777: {  	v38 =	vcvt.f32.s32 v38;
	v3 =	vcvt.f32.s32 v4;
	v4 =	vpop (erf);
	[tilespmem:$0x1FBE0] =	vst v60  }
0x778: {  	v29 =	vcvt.f32.s32 v29;
	(erf) = vpow2.f32 v6;
	v5 =	vpop (erf);
	v24 =	vld.idx.msk [tilespmem:v24+s15+$0x0], $0xffff  }
0x779: {  	v34 =	vmul.f32 v0, v19;
	v55 =	vadd.s32 $0x40, v35;
	(erf) = vpow2.f32 v7;
	v7 =	vpop (erf)  }
0x77a: {  	v35 =	vmul.f32 v0, v45;
	(erf) = vpow2.f32 v9;
	v9 =	vpop (erf)  }
0x77b: {  	v45 =	vmul.f32 v0, v47;
	v31 =	vadd.s32 $0x60, v29;
	v63 =	vadd.s32 $0x50, v38;
	v39 =	vpop (erf)  }
0x77c: {  	v47 =	vmul.f32 v0, v50;
	v6 =	vmul.f32 v0, v21;
	v23 =	vadd.f32 v53, v23;
	v41 =	vpop (erf)  }
0x77d: {  	v3 =	vadd.s32 $0x70, v3;
	v38 =	vmul.f32 v0, v48;
	v53 =	vsub.f32 v57, v56;
	v48 =	vpop (erf);
	[tilespmem:$0x1FBF0] =	vst v24  }
0x77e: {  	(erf) = vpow2.f32 v1;
	v49 =	vpop (erf);
	v1 =	vadd.f32 v60, v23;
	v28 =	vld.idx.msk [tilespmem:v55+s15+$0x0], $0xffff;
	v55 =	vtrunc.f32 v32  }
0x77f: {  	(erf) = vpow2.f32 v2;
	v57 =	vadd.f32 v49, v48;
	v2 =	vcvt.f32.s32 v55  }
0x780: {  	v6 =	vtrunc.f32 v6;
	v60 =	vtrunc.f32 v42;
	v42 =	vpop (erf);
	v1 =	vadd.f32 v24, v1;
	v29 =	vld.idx.msk [tilespmem:v63+s15+$0x0], $0xffff  }
0x781: {  	v32 =	vadd.f32 v57, v42;
	v63 =	vcvt.f32.s32 v60;
	v2 =	vadd.s32 $0x80, v2  }
0x782: {  	v21 =	vtrunc.f32 v34;
	v19 =	vcvt.f32.s32 v6;
	v50 =	vpop (erf);
	v30 =	vld.idx.msk [tilespmem:v31+s15+$0x0], $0xffff  }
0x783: {  	v32 =	vadd.f32 v32, v50;
	v55 =	vadd.s32 $0x90, v63;
	v1 =	vadd.f32 v28, v1  }
0x784: {  	v10 =	vmul.f32 v0, v10;
	v31 =	vld.idx.msk [tilespmem:v3+s15+$0x0], $0xffff;
	v57 =	vpop (erf);
	v3 =	vcvt.f32.s32 v21  }
0x785: {  	v23 =	vadd.f32 v32, v57;
	v32 =	vadd.s32 $0xA0, v19;
	v1 =	vadd.f32 v29, v1  }
0x786: {  	v0 =	vmul.f32 $1.442695020e+00, v53;
	v53 =	vsub.f32 v58, v56;
	v60 =	vtrunc.f32 v35;
	v24 =	vld.idx.msk [tilespmem:v2+s15+$0x0], $0xffff  }
0x787: {  	v58 =	vpop (erf);
	v3 =	vadd.s32 $0xB0, v3;
	v2 =	vcvt.f32.s32 v60;
	v63 =	vadd.f32 v30, v1  }
0x788: {  	v19 =	vtrunc.f32 v43;
	v6 =	vadd.f32 v23, v58;
	v23 =	vld.idx.msk [tilespmem:v55+s15+$0x0], $0xffff  }
0x789: {  	v35 =	vcvt.f32.s32 v19;
	v2 =	vadd.s32 $0xC0, v2;
	v34 =	vadd.f32 v31, v63  }
0x78a: {  	v37 =	vsub.f32 v37, v56;
	v10 =	vtrunc.f32 v10;
	v6 =	vadd.f32 v6, v41;
	v32 =	vld.idx.msk [tilespmem:v32+s15+$0x0], $0xffff  }
0x78b: {  	v53 =	vmul.f32 $1.442695020e+00, v53;
	v35 =	vadd.s32 $0xD0, v35;
	v34 =	vadd.f32 v24, v34  }
0x78c: {  	v60 =	vtrunc.f32 v45;
	v6 =	vadd.f32 v6, v39;
	v63 =	vsub.f32 v33, v56;
	v33 =	vld.idx.msk [tilespmem:v3+s15+$0x0], $0xffff  }
0x78d: {  	(erf) = vpow2.f32 v0;
	v43 =	vcvt.f32.s32 v60;
	v55 =	vadd.f32 v23, v34  }
0x78e: {  	v21 =	vtrunc.f32 v38;
	(erf) = vpow2.f32 v53;
	v6 =	vadd.f32 v6, v9;
	v34 =	vld.idx.msk [tilespmem:v2+s15+$0x0], $0xffff  }
0x78f: {  	v53 =	vadd.s32 $0xE0, v43;
	v3 =	vcvt.f32.s32 v21;
	v43 =	vadd.f32 v32, v55  }
0x790: {  	v19 =	vsub.f32 v36, v56;
	v56 =	vtrunc.f32 v46;
	v21 =	vld.idx.msk [tilespmem:v35+s15+$0x0], $0xffff;
	v6 =	vadd.f32 v6, v7  }
0x791: {  	v46 =	vcvt.f32.s32 v56;
	v3 =	vadd.s32 $0xF0, v3;
	v43 =	vadd.f32 v33, v43  }
0x792: {  	v60 =	vtrunc.f32 v47;
	v45 =	vmul.f32 $1.442695020e+00, v63;
	v6 =	vadd.f32 v6, v5  }
0x793: {  	v63 =	vadd.s32 $0x100, v46;
	v2 =	vcvt.f32.s32 v60;
	v43 =	vadd.f32 v34, v43  }
0x794: {  	v36 =	vmul.f32 $1.442695020e+00, v19;
	(erf) = vpow2.f32 v45;
	v35 =	vld.idx.msk [tilespmem:v53+s15+$0x0], $0xffff;
	v6 =	vadd.f32 v6, v4  }
0x795: {  	v10 =	vcvt.f32.s32 v10;
	v46 =	vpop (erf);
	v19 =	vadd.s32 $0x110, v2;
	v43 =	vadd.f32 v21, v43  }
0x796: {  	(erf) = vpow2.f32 v36;
	v53 =	vmul.f32 $1.442695020e+00, v37;
	v36 =	vld.idx.msk [tilespmem:v3+s15+$0x0], $0xffff;
	v6 =	vadd.f32 v6, v46  }
0x797: {  	v10 =	vadd.s32 $0x120, v10;
	v47 =	vpop (erf)  }
0x798: {  	(erf) = vpow2.f32 v53;
	v37 =	vld.idx.msk [tilespmem:v63+s15+$0x0], $0xffff;
	v55 =	vadd.f32 v6, v47  }
0x799: {  	v56 =	vadd.f32 v35, v43;
	v43 =	vpop (erf)  }
0x79a: {  	v38 =	vld.idx.msk [tilespmem:v19+s15+$0x0], $0xffff;
	v3 =	vadd.f32 v55, v43  }
0x79b: {  	v60 =	vadd.f32 v36, v56;
	v53 =	vpop (erf)  }
0x79c: {  	v19 =	vld.idx.msk [tilespmem:v10+s15+$0x0], $0xffff;
	v3 =	vadd.f32 v3, v53  }
0x79d: {  	v63 =	vadd.f32 v37, v60;
	v45 =	vpop (erf)  }
0x79e: {  	v3 =	vadd.f32 v3, v45  }
0x79f: {  	v55 =	vpop (erf);
	v10 =	vadd.f32 v38, v63  }
0x7a0: {  	v3 =	vadd.f32 v3, v55  }
0x7a1: {  	v56 =	vpop (erf);
	v10 =	vadd.f32 v19, v10  }
0x7a2: {  	v3 =	vadd.f32 v3, v56  }
0x7a3: {  	(erf) = vrcp.f32 v10  }
0x7a4: {  	(erf) = vrcp.f32 v3;
	_ =	sdelay $0x5  }
0x7a5: {  	v60 =	vmul.f32 v8, v62;
	v62 =	vld [tilespmem:$0x1FC30]  }
0x7a6: {  	v63 =	vld [tilespmem:$0x1FC40]  }
0x7a7: {  	v3 =	vpop (erf)  }
0x7a8: {  	v6 =	vpop (erf)  }
0x7a9: {  	v10 =	vmul.f32 $1.500000000e+01, v6  }
0x7aa: {  	v44 =	vmul.f32 v40, v44;
	v62 =	vmul.f32 v8, v62;
	v6 =	vld [tilespmem:$0x1FC50]  }
0x7ab: {  	v63 =	vmul.f32 v8, v63;
	v48 =	vmul.f32 v10, v48  }
0x7ac: {  	v0 =	vmul.f32 v10, v49;
	v42 =	vmul.f32 v10, v42  }
0x7ad: {  	v1 =	vmul.f32 v10, v50;
	v41 =	vmul.f32 v10, v41  }
0x7ae: {  	v39 =	vmul.f32 v10, v39;
	v7 =	vmul.f32 v10, v7  }
0x7af: {  	v5 =	vmul.f32 v10, v5;
	v2 =	vmul.f32 v8, v6;
	v6 =	vld [tilespmem:$0x1FC60]  }
0x7b0: {  	v4 =	vmul.f32 v10, v4;
	v47 =	vmul.f32 v10, v47  }
0x7b1: {  	v43 =	vmul.f32 v10, v43;
	v53 =	vmul.f32 v10, v53  }
0x7b2: {  	v45 =	vmul.f32 v10, v45;
	v48 =	vtrunc.f32 v48  }
0x7b3: {  	v55 =	vmul.f32 v10, v55;
	v48 =	vcvt.f32.s32 v48  }
0x7b4: {  	v6 =	vmul.f32 v8, v6;
	v8 =	vtrunc.f32 v0  }
0x7b5: {  	v42 =	vtrunc.f32 v42;
	v8 =	vcvt.f32.s32 v8  }
0x7b6: {  	v49 =	vtrunc.f32 v1;
	v1 =	vmul.f32 v10, v58  }
0x7b7: {  	v42 =	vcvt.f32.s32 v42;
	v49 =	vcvt.f32.s32 v49;
	v8 =	vadd.s32 $0x10, v8  }
0x7b8: {  	v0 =	vmul.f32 v10, v57;
	v57 =	vtrunc.f32 v1  }
0x7b9: {  	v56 =	vmul.f32 v10, v56;
	v42 =	vadd.s32 $0x20, v42;
	v57 =	vcvt.f32.s32 v57;
	v48 =	vld.idx.msk [tilespmem:v48+s15+$0x0], $0xffff  }
0x7ba: {  	v58 =	vmul.f32 v10, v9;
	v9 =	vadd.s32 $0x30, v49;
	v50 =	vtrunc.f32 v0;
	v0 =	vld [tilespmem:$0x1FC80]  }
0x7bb: {  	v49 =	vmul.f32 v10, v46;
	v50 =	vcvt.f32.s32 v50;
	v10 =	vadd.s32 $0x50, v57;
	v57 =	vld [tilespmem:$0x1FC70]  }
0x7bc: {  	v13 =	vmul.f32 v40, v13;
	v58 =	vtrunc.f32 v58;
	[tilespmem:s0+$0x4800] =	vst v59;
	v46 =	vld.idx.msk [tilespmem:v8+s15+$0x0], $0xffff  }
0x7bd: {  	v15 =	vmul.f32 v40, v15;
	v58 =	vcvt.f32.s32 v58;
	v59 =	vld [tilespmem:$0x1FC90];
	[tilespmem:s0+$0x5000] =	vst v54;
	v50 =	vadd.s32 $0x40, v50  }
0x7be: {  	v41 =	vtrunc.f32 v41;
	v7 =	vtrunc.f32 v7;
	v42 =	vld.idx.msk [tilespmem:v42+s15+$0x0], $0xffff;
	[tilespmem:s0+$0x5800] =	vst v51  }
0x7bf: {  	v5 =	vtrunc.f32 v5;
	v41 =	vcvt.f32.s32 v41;
	v54 =	vadd.s32 $0x80, v58;
	v58 =	vld [tilespmem:$0x1FCA0];
	[tilespmem:s0+$0x6000] =	vst v52  }
0x7c0: {  	v4 =	vtrunc.f32 v4;
	v1 =	vtrunc.f32 v39;
	[tilespmem:s0+$0x6800] =	vst v60;
	v8 =	vld.idx.msk [tilespmem:v9+s15+$0x0], $0xffff  }
0x7c1: {  	v41 =	vadd.s32 $0x60, v41;
	v39 =	vcvt.f32.s32 v1;
	[tilespmem:s0+$0x7000] =	vst v62;
	v9 =	vadd.f32 v46, v48  }
0x7c2: {  	v43 =	vtrunc.f32 v43;
	v7 =	vcvt.f32.s32 v7;
	[tilespmem:s0+$0x7800] =	vst v63;
	v50 =	vld.idx.msk [tilespmem:v50+s15+$0x0], $0xffff  }
0x7c3: {  	v5 =	vcvt.f32.s32 v5;
	v39 =	vadd.s32 $0x70, v39;
	[tilespmem:s1+$0x9000] =	vst v44;
	v9 =	vadd.f32 v42, v9  }
0x7c4: {  	[tilespmem:s0+$0x8000] =	vst v2;
	v1 =	vmul.f32 v40, v0;
	v0 =	vmul.f32 v40, v59;
	v59 =	vld.idx.msk [tilespmem:v10+s15+$0x0], $0xffff  }
0x7c5: {  	v4 =	vcvt.f32.s32 v4;
	v49 =	vtrunc.f32 v49;
	[tilespmem:s0+$0x8800] =	vst v6;
	v9 =	vadd.f32 v8, v9  }
0x7c6: {  	v7 =	vadd.s32 $0x90, v7;
	v41 =	vld.idx.msk [tilespmem:v41+s15+$0x0], $0xffff;
	v52 =	vmul.f32 v40, v61;
	v63 =	vcvt.f32.s32 v49;
	[tilespmem:s1+$0x3800] =	vst v13  }
0x7c7: {  	v2 =	vmul.f32 v40, v12;
	v49 =	vtrunc.f32 v47;
	[tilespmem:s1+$0x4800] =	vst v15;
	v9 =	vadd.f32 v50, v9  }
0x7c8: {  	v5 =	vadd.s32 $0xA0, v5;
	v61 =	vmul.f32 v40, v14;
	v62 =	vtrunc.f32 v53;
	[tilespmem:s1+$0x2000] =	vst v52;
	v10 =	vld.idx.msk [tilespmem:v39+s15+$0x0], $0xffff  }
0x7c9: {  	v47 =	vmul.f32 v40, v16;
	v53 =	vtrunc.f32 v56;
	[tilespmem:s1+$0x3000] =	vst v2;
	v9 =	vadd.f32 v59, v9  }
0x7ca: {  	v4 =	vadd.s32 $0xB0, v4;
	v56 =	vmul.f32 v40, v18;
	[tilespmem:s1+$0x4000] =	vst v61;
	v39 =	vmul.f32 v40, v11;
	v11 =	vld.idx.msk [tilespmem:v54+s15+$0x0], $0xffff  }
0x7cb: {  	v14 =	vcvt.f32.s32 v62;
	v62 =	vmul.f32 v40, v26;
	[tilespmem:s1+$0x5000] =	vst v47;
	v9 =	vadd.f32 v41, v9  }
0x7cc: {  	v12 =	vld.idx.msk [tilespmem:v7+s15+$0x0], $0xffff;
	v60 =	vcvt.f32.s32 v43;
	v7 =	vcvt.f32.s32 v49;
	[tilespmem:s1+$0x6000] =	vst v56  }
0x7cd: {  	v52 =	vmul.f32 v40, v17;
	[tilespmem:s1+$0x8000] =	vst v62;
	v54 =	vadd.s32 $0xC0, v63;
	v9 =	vadd.f32 v10, v9  }
0x7ce: {  	v5 =	vld.idx.msk [tilespmem:v5+s15+$0x0], $0xffff;
	v61 =	vmul.f32 v3, v19;
	v57 =	vmul.f32 v40, v57;
	[tilespmem:s1+$0x800] =	vst v1  }
0x7cf: {  	[tilespmem:s1+$0x5800] =	vst v52;
	v51 =	vmul.f32 v40, v58;
	v58 =	vadd.s32 $0xD0, v7;
	v9 =	vadd.f32 v11, v9  }
0x7d0: {  	v4 =	vld.idx.msk [tilespmem:v4+s15+$0x0], $0xffff;
	[tilespmem:s6+$0x9000] =	vst v61  }
0x7d1: {  	[tilespmem:s1+$0x0] =	vst v57;
	v7 =	vadd.s32 $0xE0, v60;
	v9 =	vadd.f32 v12, v9  }
0x7d2: {  	v49 =	vtrunc.f32 v55;
	v14 =	vadd.s32 $0xF0, v14;
	v63 =	vtrunc.f32 v45;
	[tilespmem:s1+$0x1000] =	vst v0;
	v6 =	vld.idx.msk [tilespmem:v54+s15+$0x0], $0xffff  }
0x7d3: {  	v45 =	vcvt.f32.s32 v63;
	v57 =	vmul.f32 v40, v20;
	[tilespmem:s1+$0x2800] =	vst v39;
	v9 =	vadd.f32 v5, v9  }
0x7d4: {  	v16 =	vcvt.f32.s32 v49;
	v60 =	vmul.f32 v40, v25;
	[tilespmem:s1+$0x1800] =	vst v51;
	v1 =	vld.idx.msk [tilespmem:v58+s15+$0x0], $0xffff  }
0x7d5: {  	v51 =	vadd.s32 $0x100, v45;
	[tilespmem:s1+$0x6800] =	vst v57;
	v58 =	vmul.f32 v40, v22;
	v9 =	vadd.f32 v4, v9  }
0x7d6: {  	v63 =	vmul.f32 v40, v27;
	[tilespmem:s1+$0x7800] =	vst v60;
	v7 =	vld.idx.msk [tilespmem:v7+s15+$0x0], $0xffff  }
0x7d7: {  	v55 =	vcvt.f32.s32 v53;
	v14 =	vld.idx.msk [tilespmem:v14+s15+$0x0], $0xffff;
	v54 =	vadd.s32 $0x110, v16;
	[tilespmem:s1+$0x7000] =	vst v58;
	v9 =	vadd.f32 v6, v9  }
0x7d8: {  	v0 =	vld [tilespmem:$0x1FBC0];
	[tilespmem:s1+$0x8800] =	vst v63  }
0x7d9: {  	v16 =	vadd.s32 $0x120, v55;
	v22 =	vld [tilespmem:$0x1FBD0];
	v9 =	vadd.f32 v1, v9  }
0x7da: {  	v13 =	vld.idx.msk [tilespmem:v51+s15+$0x0], $0xffff  }
0x7db: {  	v9 =	vadd.f32 v7, v9  }
0x7dc: {  	v15 =	vld.idx.msk [tilespmem:v54+s15+$0x0], $0xffff  }
0x7dd: {  	v0 =	vmul.f32 v3, v0;
	v9 =	vadd.f32 v14, v9  }
0x7de: {  	v20 =	vld.idx.msk [tilespmem:v16+s15+$0x0], $0xffff;
	v16 =	vmul.f32 v3, v22  }
0x7df: {  	v25 =	vmul.f32 v3, v28;
	[tilespmem:s6+$0x0] =	vst v0;
	v9 =	vadd.f32 v13, v9  }
0x7e0: {  	v26 =	vmul.f32 v3, v29;
	v0 =	vld [tilespmem:$0x1FBE0];
	[tilespmem:s6+$0x800] =	vst v16  }
0x7e1: {  	v27 =	vmul.f32 v3, v30;
	v16 =	vld [tilespmem:$0x1FBF0];
	[tilespmem:s6+$0x2000] =	vst v25;
	v9 =	vadd.f32 v15, v9  }
0x7e2: {  	v28 =	vmul.f32 v3, v31;
	[tilespmem:s6+$0x2800] =	vst v26  }
0x7e3: {  	v29 =	vmul.f32 v3, v24;
	[tilespmem:s6+$0x3000] =	vst v27;
	v9 =	vadd.f32 v20, v9  }
0x7e4: {  	v30 =	vmul.f32 v3, v23;
	[tilespmem:s6+$0x3800] =	vst v28  }
0x7e5: {  	v31 =	vmul.f32 v3, v32;
	[tilespmem:s6+$0x4000] =	vst v29;
	(erf) = vrcp.f32 v9  }
0x7e6: {  	v32 =	vmul.f32 v3, v33;
	[tilespmem:s6+$0x4800] =	vst v30  }
0x7e7: {  	v33 =	vmul.f32 v3, v34;
	[tilespmem:s6+$0x5000] =	vst v31  }
0x7e8: {  	v34 =	vmul.f32 v3, v21;
	[tilespmem:s6+$0x5800] =	vst v32  }
0x7e9: {  	v35 =	vmul.f32 v3, v35;
	[tilespmem:s6+$0x6000] =	vst v33  }
0x7ea: {  	v39 =	vmul.f32 v3, v36;
	[tilespmem:s6+$0x6800] =	vst v34  }
0x7eb: {  	v44 =	vmul.f32 v3, v37;
	[tilespmem:s6+$0x7000] =	vst v35  }
0x7ec: {  	[tilespmem:s6+$0x7800] =	vst v39;
	v0 =	vmul.f32 v3, v0  }
0x7ed: {  	[tilespmem:s6+$0x8000] =	vst v44;
	v16 =	vmul.f32 v3, v16  }
0x7ee: {  	v3 =	vmul.f32 v3, v38;
	[tilespmem:s6+$0x1000] =	vst v0;
	v40 =	vpop (erf)  }
0x7ef: {  	[tilespmem:s6+$0x1800] =	vst v16;
	v43 =	vmul.f32 v40, v20  }
0x7f0: {  	[tilespmem:s6+$0x8800] =	vst v3;
	v45 =	vmul.f32 v40, v48  }
0x7f1: {  	v47 =	vmul.f32 v40, v46;
	[tilespmem:s9+$0x9000] =	vst v43  }
0x7f2: {  	v48 =	vmul.f32 v40, v42;
	[tilespmem:s9+$0x0] =	vst v45  }
0x7f3: {  	v49 =	vmul.f32 v40, v8;
	[tilespmem:s9+$0x800] =	vst v47  }
0x7f4: {  	v51 =	vmul.f32 v40, v50;
	[tilespmem:s9+$0x1000] =	vst v48  }
0x7f5: {  	v52 =	vmul.f32 v40, v59;
	[tilespmem:s9+$0x1800] =	vst v49  }
0x7f6: {  	v53 =	vmul.f32 v40, v41;
	[tilespmem:s9+$0x2000] =	vst v51  }
0x7f7: {  	v54 =	vmul.f32 v40, v10;
	[tilespmem:s9+$0x2800] =	vst v52  }
0x7f8: {  	v55 =	vmul.f32 v40, v11;
	[tilespmem:s9+$0x3000] =	vst v53  }
0x7f9: {  	v56 =	vmul.f32 v40, v12;
	[tilespmem:s9+$0x3800] =	vst v54  }
0x7fa: {  	v57 =	vmul.f32 v40, v5;
	[tilespmem:s9+$0x4000] =	vst v55  }
0x7fb: {  	v58 =	vmul.f32 v40, v4;
	[tilespmem:s9+$0x4800] =	vst v56  }
0x7fc: {  	v59 =	vmul.f32 v40, v6;
	[tilespmem:s9+$0x5000] =	vst v57  }
0x7fd: {  	v1 =	vmul.f32 v40, v1;
	[tilespmem:s9+$0x5800] =	vst v58  }
0x7fe: {  	v60 =	vmul.f32 v40, v7;
	[tilespmem:s9+$0x6000] =	vst v59  }
0x7ff: {  	v61 =	vmul.f32 v40, v14;
	[tilespmem:s9+$0x6800] =	vst v1  }
0x800: {  	v62 =	vmul.f32 v40, v13;
	[tilespmem:s9+$0x7000] =	vst v60  }
0x801: {  	v63 =	vmul.f32 v40, v15;
	[tilespmem:s9+$0x7800] =	vst v61  }
0x802: {  	[tilespmem:s9+$0x8000] =	vst v62  }
0x803: {  	[tilespmem:s9+$0x8800] =	vst v63  }
0x804: {  	s4 =	simm.s32 $0x0;
	s0 =	rddreg [dreg:$0x7]  }
0x805: {  	[hbm4b:s0+s17] =	stream.strided.scatter [tilespmem:s4], [sflag:$0x4], $0x9800, s18, s17, $0x38;
	[tilespmem:$0x1C980] =	vst v63  }
0x806: {  	_ =	swait.ge [sflag:s25], $0x9800  }
0x807: {  	[sflag:s25] =	ssyncset.done $0x0  }
0x808: {  	s29 =	simm.s32 $0x6;
	[sflag:s25] =	ssyncadd.s32 $0xFFFF6800  }
0x809: {  	_ =	swait.ge [sflag:s29], $0x9800  }
0x80a: {  	[sflag:s29] =	ssyncset.done $0x0  }
0x80b: {  	[sflag:s29] =	ssyncadd.s32 $0xFFFF6800  }
0x80c: {  	_ =	swait.ge [sflag:s23], $0x9800  }
0x80d: {  	s30 =	rddreg [dreg:$0x9]  }
0x80e: {  	s31 =	rddreg [dreg:$0x8];
	s1 =	sadd.s32 $0x1, s30  }
0x80f: {  	p0 =	sne.s32 s1, s31  }
.Ltmp6:
0x810: {  	_ = 	snop;
	(pc) =	sbr.rel @p0 .LBB2_1-.Ltmp6, $3  }
0x811: {  	_ =	sdelay $0x1  }
0x812: {  	[sflag:s23] =	ssyncset.done $0x0  }
0x813: {  	[sflag:s23] =	ssyncadd.s32 $0xFFFF6800  }
0x814: {  	_ =	sfence.sel $0x180000  }
0x815: {  	[bflag:$0x0] =	sbarrier.arrive $0xFFFF  }
0x816: {  	_ =	strace $0x90000047  }
0x817: {  	s0 =	stileid.u32;
	[bflag:$0x2] =	sbarrier.arrive $0xFFFF  }
0x818: {  	p0 =	sne.s32 s0, $0x0;
	s0 =	rddreg [dreg:$0x3]  }
0x819: {  	s0 =	sadd.s32 @!p0 $0x100000, s0  }
0x81a: {  	[sflag:s0] =	ssyncadd.tile.s32 @!p0 $0x1;
	_ =	shalt  }
.Lfunc_end2:
_tile_overlayer_lowered:
.L_overlay_start_2:
0x81b: {  	(tag) =	ssettag $0x2  }
0x81c: {  	s0 =	rddreg [dreg:$0x0];
	s2 =	stileid.u32  }
0x81d: {  	s1 =	rddreg [dreg:$0x1];
	p0 =	sne.s32 s2, $0x0  }
0x81e: {  	s3 =	rddreg [dreg:$0x2];
	[bflag:$0x3] =	sbarrier.arrive $0xFFFF;
	s2 =	simm.s32 @!p0 $0x1C07  }
0x81f: {  	[timem:s3], [sflag:s2] =	dma.local @!p0 [hbm:s0], s1  }
0x820: {  	s0 =	simm.s32 @!p0 $0x7  }
0x821: {  	_ =	swait.ge @!p0 [sflag:s0], s1  }
0x822: {  	s1 =	ssub.s32 @!p0 $0x0, s1;
	[sflag:s0] =	ssyncset.done @!p0 $0x0  }
0x823: {  	[sflag:s0] =	ssyncadd.s32 @!p0 s1  }
0x824: {  	[bflag:$0x3] =	sbarrier.arrive $0xFFFF  }
0x825: {  	_ =	shalt  }

</sc_bundles>
